<compile_context>
chip_gen: v7x
topology: tpu7x:2x2x1
jax: 0.10.2.dev20260603
libtpu: 0.0.44.dev20260713+nightly
codegen_flags: <defaults>
</compile_context>

<pallas_src>
import functools

import jax
import jax.numpy as jnp
from jax import lax
from jax.experimental import pallas as pl
from jax.experimental.pallas import tpu as pltpu
from jax.experimental.pallas import tpu_sc as plsc

N = 10000
NPAD = 10240
IN = 128
HID = 64
HEADS = 5
C = 40

NC = 2
NS = 16
NWORK = NC * NS
CHUNK = 64
TW = 128

_f32 = jnp.float32
_i32 = jnp.int32

_L1_PASSES = (
    {"heads": (0, 1), "cmap": (0, 0, 0, 0, 1, 1, 1, 1)},
    {"heads": (2, 3), "cmap": (0, 0, 0, 0, 1, 1, 1, 1)},
    {"heads": (4, 0, 1, 2, 3),
     "cmap": (0, 0, 0, 0, 1, 2, 3, ("b", 4, 0, 8))},
)
_L2_PASSES = (
    {"heads": (0, 1), "cmap": (0, 0, ("b", 0, 1, 8), 1, 1, 0, 1, 1)},
    {"heads": (2, 3), "cmap": (0, 0, ("b", 0, 1, 8), 1, 1, 0, 1, 1)},
    {"heads": (4,), "cmap": (0, 0, 0, 0, 0, 0, 0, 0)},
)
_L1_DEN = (64, 80, 96, 112, 120)



def _t1_body(x_ref, ew_ref, eb_ref, w1_ref, ab1_ref, d2_ref,
             t0_ref, t1_ref, t2_ref, pq_ref):
    h0 = jnp.dot(x_ref[...], ew_ref[...], preferred_element_type=_f32)
    h0 = h0 + eb_ref[...]
    hf = jnp.dot(h0, w1_ref[...], preferred_element_type=_f32)
    bn = hf.shape[0]
    t0_ref[...] = hf[:, 0:128]
    t1_ref[...] = hf[:, 128:256]
    t2_ref[...] = jnp.concatenate(
        [hf[:, 256:320], jnp.zeros((bn, 64), _f32)], axis=1) + d2_ref[...]
    pq = jnp.dot(hf, ab1_ref[...], preferred_element_type=_f32)
    pq_ref[...] = jnp.concatenate([pq, jnp.zeros((bn, 112), _f32)], axis=1)


def _t1(xp, emb_W, emb_br, W1, AB1p, d2row):
    bn = 1024
    return pl.pallas_call(
        _t1_body,
        grid=(NPAD // bn,),
        in_specs=[
            pl.BlockSpec((bn, IN), lambda i: (i, 0)),
            pl.BlockSpec((IN, HID), lambda i: (0, 0)),
            pl.BlockSpec((1, HID), lambda i: (0, 0)),
            pl.BlockSpec((HID, HEADS * HID), lambda i: (0, 0)),
            pl.BlockSpec((HEADS * HID, 16), lambda i: (0, 0)),
            pl.BlockSpec((1, TW), lambda i: (0, 0)),
        ],
        out_specs=[
            pl.BlockSpec((bn, TW), lambda i: (i, 0)),
            pl.BlockSpec((bn, TW), lambda i: (i, 0)),
            pl.BlockSpec((bn, TW), lambda i: (i, 0)),
            pl.BlockSpec((bn, TW), lambda i: (i, 0)),
        ],
        out_shape=[
            jax.ShapeDtypeStruct((NPAD, TW), _f32),
            jax.ShapeDtypeStruct((NPAD, TW), _f32),
            jax.ShapeDtypeStruct((NPAD, TW), _f32),
            jax.ShapeDtypeStruct((NPAD, TW), _f32),
        ],
    )(xp, emb_W, emb_br, W1, AB1p, d2row)


def _t3_body(a0_ref, a1_ref, a2_ref, b1_ref, w2_ref, ab2_ref,
             dr_ref, t0_ref, t1_ref, t2_ref, pq_ref):
    na = a0_ref[0] + a0_ref[1]
    nb = a1_ref[0] + a1_ref[1]
    ncf = a2_ref[0] + a2_ref[1]
    num = jnp.concatenate([na, nb, ncf[:, 0:64]], axis=1)
    bn = num.shape[0]
    denb = jnp.concatenate(
        [jnp.broadcast_to(ncf[:, dc:dc + 1], (bn, HID)) for dc in _L1_DEN],
        axis=1)
    g = num / (denb + 1e-16) + b1_ref[...]
    g = jnp.where(g > 0, g, jnp.exp(jnp.minimum(g, 0.0)) - 1.0)
    hf = jnp.dot(g, w2_ref[...], preferred_element_type=_f32)
    hf = hf + dr_ref[...]
    t0_ref[...] = hf[:, 0:128]
    t1_ref[...] = hf[:, 128:256]
    t2_ref[...] = hf[:, 256:384]
    pq = jnp.dot(hf, ab2_ref[...], preferred_element_type=_f32)
    pq_ref[...] = jnp.concatenate([pq, jnp.zeros((bn, 112), _f32)], axis=1)


def _t3(acc10, acc11, acc12, b1r, W2p, AB2p, drow):
    bn = 1024
    return pl.pallas_call(
        _t3_body,
        grid=(NPAD // bn,),
        in_specs=[
            pl.BlockSpec((2, bn, TW), lambda i: (0, i, 0)),
            pl.BlockSpec((2, bn, TW), lambda i: (0, i, 0)),
            pl.BlockSpec((2, bn, TW), lambda i: (0, i, 0)),
            pl.BlockSpec((1, HEADS * HID), lambda i: (0, 0)),
            pl.BlockSpec((HEADS * HID, 384), lambda i: (0, 0)),
            pl.BlockSpec((384, 16), lambda i: (0, 0)),
            pl.BlockSpec((1, 384), lambda i: (0, 0)),
        ],
        out_specs=[
            pl.BlockSpec((bn, TW), lambda i: (i, 0)),
            pl.BlockSpec((bn, TW), lambda i: (i, 0)),
            pl.BlockSpec((bn, TW), lambda i: (i, 0)),
            pl.BlockSpec((bn, TW), lambda i: (i, 0)),
        ],
        out_shape=[
            jax.ShapeDtypeStruct((NPAD, TW), _f32),
            jax.ShapeDtypeStruct((NPAD, TW), _f32),
            jax.ShapeDtypeStruct((NPAD, TW), _f32),
            jax.ShapeDtypeStruct((NPAD, TW), _f32),
        ],
    )(acc10, acc11, acc12, b1r, W2p, AB2p, drow)


def _t5_body(a0_ref, a1_ref, a2_ref, b2_ref, o_ref):
    na = a0_ref[0] + a0_ref[1]
    nb = a1_ref[0] + a1_ref[1]
    nc = a2_ref[0] + a2_ref[1]
    bn = na.shape[0]
    z = jnp.zeros((bn, C), _f32)
    for h in range(HEADS):
        srcn = (na, na, nb, nb, nc)[h]
        off = (h % 2) * 40 if h < 4 else 0
        dc = 80 if h in (0, 2, 4) else 96
        dh = jnp.broadcast_to(srcn[:, dc:dc + 1], (bn, C))
        z = z + srcn[:, off:off + C] / (dh + 1e-16)
    z = z * (1.0 / HEADS) + b2_ref[...]
    m = jnp.max(z, axis=1, keepdims=True)
    e = jnp.exp(z - m)
    s = jnp.sum(e, axis=1, keepdims=True)
    o_ref[...] = z - m - jnp.log(s)


def _t5(acc20, acc21, acc22, b2r):
    bn = 1024
    return pl.pallas_call(
        _t5_body,
        grid=(NPAD // bn,),
        in_specs=[
            pl.BlockSpec((2, bn, TW), lambda i: (0, i, 0)),
            pl.BlockSpec((2, bn, TW), lambda i: (0, i, 0)),
            pl.BlockSpec((2, bn, TW), lambda i: (0, i, 0)),
            pl.BlockSpec((1, C), lambda i: (0, 0)),
        ],
        out_specs=pl.BlockSpec((bn, C), lambda i: (i, 0)),
        out_shape=jax.ShapeDtypeStruct((NPAD, C), _f32),
    )(acc20, acc21, acc22, b2r)



def _build_sc(passes, n_edges_tot):
    ntab = len(passes)
    ch_per_w = n_edges_tot // (NWORK * CHUNK)
    rows_per_tile = NPAD // NS
    mesh = plsc.VectorSubcoreMesh(core_axis_name="c", subcore_axis_name="s")

    out_type = ([jax.ShapeDtypeStruct((NC, NPAD, TW), _f32)
                 for _ in range(ntab)]
                + [jax.ShapeDtypeStruct((n_edges_tot,), _f32)
                   for _ in range(HEADS)])

    scratch = (
        [pltpu.VMEM_SHARED((NPAD, TW), _f32)]
        + [pltpu.VMEM((CHUNK,), _i32)] * 2
        + [pltpu.VMEM((CHUNK, TW), _f32)] * 2
        + [pltpu.VMEM((CHUNK,), _f32)] * HEADS
        + [pltpu.VMEM((CHUNK, TW), _f32)]
    )

    @functools.partial(
        pl.kernel, out_type=out_type, mesh=mesh, scratch_types=scratch,
        compiler_params=pltpu.CompilerParams(needs_layout_passes=False))
    def sck(*refs):
        src_r, dst_r = refs[0], refs[1]
        tabs = refs[2:2 + ntab]
        pq_r = refs[2 + ntab]
        accs = refs[3 + ntab:3 + 2 * ntab]
        exbs = refs[3 + 2 * ntab:3 + 2 * ntab + HEADS]
        sc = refs[3 + 2 * ntab + HEADS:]
        acc_s = sc[0]
        srcv, dstv = sc[1], sc[2]
        pr, qr = sc[3], sc[4]
        exw = sc[5:5 + HEADS]
        hr = sc[5 + HEADS]

        c = lax.axis_index("c")
        s = lax.axis_index("s")
        wid = s * NC + c
        tbase = s * rows_per_tile
        zv = jnp.zeros((16,), _f32)
        maskb = (lax.iota(_i32, 16) < 8).astype(_f32)

        def zhr(r, _):
            for j in range(TW // 16):
                hr[r, 16 * j:16 * (j + 1)] = zv
            return 0
        lax.fori_loop(0, CHUNK, zhr, 0)

        def zero_acc(k, _):
            pltpu.sync_copy(hr, acc_s.at[pl.ds(tbase + k * 64, 64)])
            return 0
        nzc = rows_per_tile // 64
        lax.fori_loop(0, nzc, zero_acc, 0)
        plsc.subcore_barrier()

        for p, cfg in enumerate(passes):
            heads = cfg["heads"]
            used = sorted(set(heads))

            def chunk_body(g, _, p=p, cfg=cfg, heads=heads, used=used):
                base = (wid * ch_per_w + g) * CHUNK
                pltpu.sync_copy(src_r.at[pl.ds(base, CHUNK)], srcv)
                pltpu.sync_copy(dst_r.at[pl.ds(base, CHUNK)], dstv)
                if p == 0:
                    pltpu.sync_copy(pq_r.at[srcv], pr)
                    pltpu.sync_copy(pq_r.at[dstv], qr)

                    def exgrp(i, _):
                        rows = lax.iota(_i32, 16) + 16 * i
                        for h in range(HEADS):
                            t = (plsc.load_gather(
                                     pr, [rows, jnp.full((16,), h, _i32)])
                                 + plsc.load_gather(
                                     qr,
                                     [rows, jnp.full((16,), 8 + h, _i32)]))
                            t = jnp.where(t > 0, t, 0.2 * t)
                            exw[h][pl.ds(16 * i, 16)] = jnp.exp(t)
                        return 0
                    lax.fori_loop(0, CHUNK // 16, exgrp, 0)
                    for h in range(HEADS):
                        pltpu.sync_copy(exw[h],
                                        exbs[h].at[pl.ds(base, CHUNK)])
                else:
                    for h in used:
                        pltpu.sync_copy(exbs[h].at[pl.ds(base, CHUNK)],
                                        exw[h])

                pltpu.sync_copy(tabs[p].at[srcv], hr)

                def srow(e, _, cfg=cfg, heads=heads, used=used):
                    ev = jnp.full((16,), e, _i32)
                    sp = {h: plsc.load_gather(exw[h], [ev]) for h in used}
                    for j, ent in enumerate(cfg["cmap"]):
                        sl = pl.ds(16 * j, 16)
                        if isinstance(ent, tuple):
                            _, k1, k2, m = ent
                            w = (sp[heads[k1]] * maskb
                                 + sp[heads[k2]] * (1.0 - maskb))
                        else:
                            w = sp[heads[ent]]
                        hr[e, sl] = hr[e, sl] * w
                    return 0
                lax.fori_loop(0, CHUNK, srow, 0)
                pltpu.sync_copy(hr, acc_s.at[dstv], add=True)
                return 0

            lax.fori_loop(0, ch_per_w, chunk_body, 0)
            plsc.subcore_barrier()

            def drain(r, _, p=p):
                o = tbase + r * 64
                pltpu.sync_copy(acc_s.at[pl.ds(o, 64)],
                                accs[p].at[c, pl.ds(o, 64)])
                return 0
            lax.fori_loop(0, nzc, drain, 0)
            if p + 1 < ntab:
                lax.fori_loop(0, CHUNK, zhr, 0)
                lax.fori_loop(0, nzc, zero_acc, 0)
                plsc.subcore_barrier()

    return sck



def kernel(x, edge_index, emb_W, emb_b, W1, as1, ad1, b1, W2, as2, ad2, b2):
    num_nodes = x.shape[0]
    e_raw = edge_index.shape[1]
    e_tot = e_raw + num_nodes
    et = ((e_tot + NWORK * CHUNK - 1) // (NWORK * CHUNK)) * (NWORK * CHUNK)

    loop = jnp.arange(num_nodes, dtype=_i32)
    padi = jnp.full((et - e_tot,), num_nodes, dtype=_i32)
    src = jnp.concatenate([edge_index[0].astype(_i32), loop, padi])
    dst = jnp.concatenate([edge_index[1].astype(_i32), loop, padi])

    xp = jnp.pad(x, ((0, NPAD - num_nodes), (0, 0)))
    emb_br = emb_b.reshape(1, HID)

    AB1p = jnp.zeros((HEADS * HID, 16), _f32)
    for h in range(HEADS):
        AB1p = AB1p.at[h * HID:(h + 1) * HID, h].set(as1[h])
        AB1p = AB1p.at[h * HID:(h + 1) * HID, 8 + h].set(ad1[h])
    d2row = jnp.zeros((1, TW), _f32)
    for dc in _L1_DEN:
        d2row = d2row.at[0, dc].set(1.0)

    col_off = (0, 40, 128, 168, 256)
    W2p = jnp.zeros((HEADS * HID, 3 * TW), _f32)
    AB2p = jnp.zeros((3 * TW, 16), _f32)
    for h in range(HEADS):
        o = col_off[h]
        W2p = W2p.at[:, o:o + C].set(W2[:, h * C:(h + 1) * C])
        AB2p = AB2p.at[o:o + C, h].set(as2[h])
        AB2p = AB2p.at[o:o + C, 8 + h].set(ad2[h])
    drow2 = jnp.zeros((1, 3 * TW), _f32)
    for dc in (80, 96, 128 + 80, 128 + 96, 256 + 80):
        drow2 = drow2.at[0, dc].set(1.0)

    b1r = b1.reshape(1, HEADS * HID)
    b2r = b2.reshape(1, C)

    t10, t11, t12, pq1 = _t1(xp, emb_W, emb_br, W1, AB1p, d2row)

    s1 = _build_sc(_L1_PASSES, et)
    acc10, acc11, acc12 = s1(src, dst, t10, t11, t12, pq1)[:3]

    t20, t21, t22, pq2 = _t3(acc10, acc11, acc12, b1r, W2p, AB2p, drow2)

    s2 = _build_sc(_L2_PASSES, et)
    acc20, acc21, acc22 = s2(src, dst, t20, t21, t22, pq2)[:3]

    return _t5(acc20, acc21, acc22, b2r)[:num_nodes]

# --- scband reference (transcript-rebuilt; emitter-appended) ---
"""Pipeline reference for scband-gat-81819126988854 (READ-ONLY COPY).

The authoritative reference and input builder live on the scoring server;
editing this copy changes nothing except your own understanding.
"""

import jax, jax.numpy as jnp
import numpy as np

N = 10000
E = 320000
IN = 128
HID = 64
HEADS = 5
C = 40


def _gat_conv(x, edge_index, W, att_src, att_dst, bias, heads, out_dim, concat):
    num_nodes = x.shape[0]
    loop = jnp.arange(num_nodes, dtype=edge_index.dtype)
    src = jnp.concatenate([edge_index[0], loop])
    dst = jnp.concatenate([edge_index[1], loop])
    h = (x @ W).reshape(num_nodes, heads, out_dim)
    a_src = jnp.sum(h * att_src, axis=-1)
    a_dst = jnp.sum(h * att_dst, axis=-1)
    alpha = a_src[src] + a_dst[dst]
    alpha = jnp.where(alpha > 0, alpha, 0.2 * alpha)
    amax = jax.lax.stop_gradient(jax.ops.segment_max(alpha, dst, num_segments=num_nodes))
    amax = jnp.where(jnp.isfinite(amax), amax, 0.0)
    ex = jnp.exp(alpha - amax[dst])
    denom = jax.ops.segment_sum(ex, dst, num_segments=num_nodes)
    coef = ex / (denom[dst] + 1e-16)
    msg = h[src] * coef[:, :, None]
    out = jax.ops.segment_sum(msg, dst, num_segments=num_nodes)
    if concat:
        out = out.reshape(num_nodes, heads * out_dim)
    else:
        out = jnp.mean(out, axis=1)
    return out + bias


def setup_inputs(seed: int = 0):
    key = jax.random.key(seed)
    ks = jax.random.split(key, 12)
    x = jax.random.normal(ks[0], (N, IN), dtype=jnp.float32)
    edge_index = jax.random.randint(ks[1], (2, E), 0, N)
    s = 0.1
    emb_W = jax.random.normal(ks[2], (IN, HID), dtype=jnp.float32) * s
    emb_b = jnp.zeros((HID,), dtype=jnp.float32)
    W1 = jax.random.normal(ks[3], (HID, HEADS * HID), dtype=jnp.float32) * s
    as1 = jax.random.normal(ks[4], (HEADS, HID), dtype=jnp.float32) * s
    ad1 = jax.random.normal(ks[5], (HEADS, HID), dtype=jnp.float32) * s
    b1 = jnp.zeros((HEADS * HID,), dtype=jnp.float32)
    W2 = jax.random.normal(ks[6], (HEADS * HID, HEADS * C), dtype=jnp.float32) * s
    as2 = jax.random.normal(ks[7], (HEADS, C), dtype=jnp.float32) * s
    ad2 = jax.random.normal(ks[8], (HEADS, C), dtype=jnp.float32) * s
    b2 = jnp.zeros((C,), dtype=jnp.float32)
    return {"x": x, "edge_index": edge_index, "emb_W": emb_W, "emb_b": emb_b,
            "W1": W1, "as1": as1, "ad1": ad1, "b1": b1,
            "W2": W2, "as2": as2, "ad2": ad2, "b2": b2}


def reference(x, edge_index, emb_W, emb_b, W1, as1, ad1, b1, W2, as2, ad2, b2):
    # emb linear (dropout is identity in eval mode)
    h = x @ emb_W + emb_b
    h = _gat_conv(h, edge_index, W1, as1, ad1, b1, HEADS, HID, True)
    h = jax.nn.elu(h)
    h = _gat_conv(h, edge_index, W2, as2, ad2, b2, HEADS, C, False)
    return jax.nn.log_softmax(h, axis=1)

if __name__ == "__main__":
    import jax
    _d = setup_inputs()
    print(jax.jit(kernel)(*tuple(_d.values())))

</pallas_src>

<mosaic_0001>
#map = affine_map<(d0, d1) -> (0)>
#map1 = affine_map<(d0, d1) -> (0, 0)>
#map2 = affine_map<(d0, d1) -> (0, 0, 0)>
module attributes {stable_mosaic.version = 14 : i64} {
  func.func @sck(%arg0: i32, %arg1: i32, %arg2: memref<331776xi32, #tpu.memory_space<hbm>>, %arg3: memref<331776xi32, #tpu.memory_space<hbm>>, %arg4: memref<10240x128xf32, #tpu.memory_space<hbm>>, %arg5: memref<10240x128xf32, #tpu.memory_space<hbm>>, %arg6: memref<10240x128xf32, #tpu.memory_space<hbm>>, %arg7: memref<10240x128xf32, #tpu.memory_space<hbm>>, %arg8: memref<2x10240x128xf32, #tpu.memory_space<hbm>>, %arg9: memref<2x10240x128xf32, #tpu.memory_space<hbm>>, %arg10: memref<2x10240x128xf32, #tpu.memory_space<hbm>>, %arg11: memref<331776xf32, #tpu.memory_space<hbm>>, %arg12: memref<331776xf32, #tpu.memory_space<hbm>>, %arg13: memref<331776xf32, #tpu.memory_space<hbm>>, %arg14: memref<331776xf32, #tpu.memory_space<hbm>>, %arg15: memref<331776xf32, #tpu.memory_space<hbm>>, %arg16: memref<10240x128xf32, #tpu.memory_space<vmem_shared>>, %arg17: memref<64xi32, #tpu.memory_space<vmem>>, %arg18: memref<64xi32, #tpu.memory_space<vmem>>, %arg19: memref<64x128xf32, #tpu.memory_space<vmem>>, %arg20: memref<64x128xf32, #tpu.memory_space<vmem>>, %arg21: memref<64xf32, #tpu.memory_space<vmem>>, %arg22: memref<64xf32, #tpu.memory_space<vmem>>, %arg23: memref<64xf32, #tpu.memory_space<vmem>>, %arg24: memref<64xf32, #tpu.memory_space<vmem>>, %arg25: memref<64xf32, #tpu.memory_space<vmem>>, %arg26: memref<64x128xf32, #tpu.memory_space<vmem>>) attributes {dimension_semantics = [#tpu.dimension_semantics<core_parallel>, #tpu.dimension_semantics<subcore_parallel>], iteration_bounds = array<i64: 2, 16>, scalar_prefetch = 0 : i64, scratch_operands = 11 : i64, tpu.core_type = #tpu.core_type<sc_vector_subcore>, window_params = [{transform_indices = #map}, {transform_indices = #map}, {transform_indices = #map1}, {transform_indices = #map1}, {transform_indices = #map1}, {transform_indices = #map1}, {transform_indices = #map2}, {transform_indices = #map2}, {transform_indices = #map2}, {transform_indices = #map}, {transform_indices = #map}, {transform_indices = #map}, {transform_indices = #map}, {transform_indices = #map}]} {
    %mul3A = arith.constant 2 : i32
    %mul3A_0 = arith.muli %arg1, %mul3A : i32
    %add3A = arith.addi %mul3A_0, %arg0 : i32
    %mul3A_1 = arith.constant 640 : i32
    %mul3A_2 = arith.muli %arg1, %mul3A_1 : i32
    %broadcast_in_dim3A = arith.constant 0.000000e+00 : f32
    %broadcast_in_dim3A_3 = vector.broadcast %broadcast_in_dim3A : f32 to vector<16xf32>
    %iota3A = tpu.iota {dimensions = array<i32: 0>} : vector<16xi32>
    %lt3A = arith.constant 8 : i32
    %lt3A_4 = vector.broadcast %lt3A : i32 to vector<16xi32>
    %lt3A_5 = arith.cmpi slt, %iota3A, %lt3A_4 : vector<16xi32>
    %convert_element_type3A = arith.extui %lt3A_5 : vector<16xi1> to vector<16xi32>
    %convert_element_type3A_6 = arith.sitofp %convert_element_type3A : vector<16xi32> to vector<16xf32>
    %scan3A = arith.constant 0 : i32
    %scan3A_7 = arith.constant 0 : i32
    %scan3A_8 = arith.constant 64 : i32
    %scan3A_9 = arith.addi %scan3A_7, %scan3A_8 : i32
    %scan3A_10 = arith.constant 1 : i32
    %scan3A_11 = scf.for %scan3A_95 = %scan3A_7 to %scan3A_9 step %scan3A_10 iter_args(%scan3A_96 = %scan3A) -> (i32)  : i32 {
      %swap3A = arith.index_cast %scan3A_95 : i32 to index
      %swap3A_97 = arith.constant 0 : index
      %swap3A_98 = tpu.vector_load %arg26[%swap3A, %swap3A_97] {strides = array<i32>} : memref<64x128xf32, #tpu.memory_space<vmem>>, vector<16xf32>,
      tpu.vector_store %arg26[%swap3A, %swap3A_97], %broadcast_in_dim3A_3 {strides = array<i32>} : memref<64x128xf32, #tpu.memory_space<vmem>>, vector<16xf32>,
      %swap3A_99 = arith.index_cast %scan3A_95 : i32 to index
      %swap3A_100 = arith.constant 16 : index
      %swap3A_101 = tpu.vector_load %arg26[%swap3A_99, %swap3A_100] {strides = array<i32>} : memref<64x128xf32, #tpu.memory_space<vmem>>, vector<16xf32>,
      tpu.vector_store %arg26[%swap3A_99, %swap3A_100], %broadcast_in_dim3A_3 {strides = array<i32>} : memref<64x128xf32, #tpu.memory_space<vmem>>, vector<16xf32>,
      %swap3A_102 = arith.index_cast %scan3A_95 : i32 to index
      %swap3A_103 = arith.constant 32 : index
      %swap3A_104 = tpu.vector_load %arg26[%swap3A_102, %swap3A_103] {strides = array<i32>} : memref<64x128xf32, #tpu.memory_space<vmem>>, vector<16xf32>,
      tpu.vector_store %arg26[%swap3A_102, %swap3A_103], %broadcast_in_dim3A_3 {strides = array<i32>} : memref<64x128xf32, #tpu.memory_space<vmem>>, vector<16xf32>,
      %swap3A_105 = arith.index_cast %scan3A_95 : i32 to index
      %swap3A_106 = arith.constant 48 : index
      %swap3A_107 = tpu.vector_load %arg26[%swap3A_105, %swap3A_106] {strides = array<i32>} : memref<64x128xf32, #tpu.memory_space<vmem>>, vector<16xf32>,
      tpu.vector_store %arg26[%swap3A_105, %swap3A_106], %broadcast_in_dim3A_3 {strides = array<i32>} : memref<64x128xf32, #tpu.memory_space<vmem>>, vector<16xf32>,
      %swap3A_108 = arith.index_cast %scan3A_95 : i32 to index
      %swap3A_109 = arith.constant 64 : index
      %swap3A_110 = tpu.vector_load %arg26[%swap3A_108, %swap3A_109] {strides = array<i32>} : memref<64x128xf32, #tpu.memory_space<vmem>>, vector<16xf32>,
      tpu.vector_store %arg26[%swap3A_108, %swap3A_109], %broadcast_in_dim3A_3 {strides = array<i32>} : memref<64x128xf32, #tpu.memory_space<vmem>>, vector<16xf32>,
      %swap3A_111 = arith.index_cast %scan3A_95 : i32 to index
      %swap3A_112 = arith.constant 80 : index
      %swap3A_113 = tpu.vector_load %arg26[%swap3A_111, %swap3A_112] {strides = array<i32>} : memref<64x128xf32, #tpu.memory_space<vmem>>, vector<16xf32>,
      tpu.vector_store %arg26[%swap3A_111, %swap3A_112], %broadcast_in_dim3A_3 {strides = array<i32>} : memref<64x128xf32, #tpu.memory_space<vmem>>, vector<16xf32>,
      %swap3A_114 = arith.index_cast %scan3A_95 : i32 to index
      %swap3A_115 = arith.constant 96 : index
      %swap3A_116 = tpu.vector_load %arg26[%swap3A_114, %swap3A_115] {strides = array<i32>} : memref<64x128xf32, #tpu.memory_space<vmem>>, vector<16xf32>,
      tpu.vector_store %arg26[%swap3A_114, %swap3A_115], %broadcast_in_dim3A_3 {strides = array<i32>} : memref<64x128xf32, #tpu.memory_space<vmem>>, vector<16xf32>,
      %swap3A_117 = arith.index_cast %scan3A_95 : i32 to index
      %swap3A_118 = arith.constant 112 : index
      %swap3A_119 = tpu.vector_load %arg26[%swap3A_117, %swap3A_118] {strides = array<i32>} : memref<64x128xf32, #tpu.memory_space<vmem>>, vector<16xf32>,
      tpu.vector_store %arg26[%swap3A_117, %swap3A_118], %broadcast_in_dim3A_3 {strides = array<i32>} : memref<64x128xf32, #tpu.memory_space<vmem>>, vector<16xf32>,
      %scan3A_120 = arith.constant 0 : i32
      scf.yield %scan3A_120 : i32
    }
    %scan3A_12 = arith.constant 64 : i32
    %scan3A_13 = arith.constant 0 : i32
    %scan3A_14 = arith.constant 0 : i32
    %scan3A_15 = arith.constant 10 : i32
    %scan3A_16 = arith.addi %scan3A_14, %scan3A_15 : i32
    %scan3A_17 = arith.constant 1 : i32
    %scan3A_18 = scf.for %scan3A_95 = %scan3A_14 to %scan3A_16 step %scan3A_17 iter_args(%scan3A_96 = %scan3A_13) -> (i32)  : i32 {
      %mul3A_97 = arith.constant 64 : i32
      %mul3A_98 = arith.muli %scan3A_95, %mul3A_97 : i32
      %add3A_99 = arith.addi %mul3A_2, %mul3A_98 : i32
      "tpu.region"() ({
        %run_scoped3A = tpu.sem_alloc : memref<!tpu.dma_semaphore, #tpu.memory_space<semaphore_mem>>
        %dma_start3A = arith.constant 0 : i32
        %dma_start3A_101 = tpu.memref_slice %arg16[%add3A_99, %dma_start3A] : memref<10240x128xf32, #tpu.memory_space<vmem_shared>> -> memref<64x128xf32, #tpu.memory_space<vmem_shared>>
        %dma_start3A_102 = arith.constant 0 : i32
        %dma_start3A_103 = tpu.memref_slice %arg16[%add3A_99, %dma_start3A_102] : memref<10240x128xf32, #tpu.memory_space<vmem_shared>> -> memref<64x128xf32, #tpu.memory_space<vmem_shared>>
        tpu.enqueue_dma source(%arg26 : memref<64x128xf32, #tpu.memory_space<vmem>>) target(%dma_start3A_103 : memref<64x128xf32, #tpu.memory_space<vmem_shared>>) target_semaphore(%run_scoped3A : memref<!tpu.dma_semaphore, #tpu.memory_space<semaphore_mem>>)
        %dma_wait3A = arith.constant 0 : i32
        %dma_wait3A_104 = tpu.memref_slice %arg16[%add3A_99, %dma_wait3A] : memref<10240x128xf32, #tpu.memory_space<vmem_shared>> -> memref<64x128xf32, #tpu.memory_space<vmem_shared>>
        %dma_wait3A_105 = arith.constant 0 : i32
        %dma_wait3A_106 = tpu.memref_slice %arg16[%add3A_99, %dma_wait3A_105] : memref<10240x128xf32, #tpu.memory_space<vmem_shared>> -> memref<64x128xf32, #tpu.memory_space<vmem_shared>>
        tpu.wait_dma2 semaphore(%run_scoped3A : memref<!tpu.dma_semaphore, #tpu.memory_space<semaphore_mem>>) src(%arg26 : memref<64x128xf32, #tpu.memory_space<vmem>>) dst(%dma_wait3A_106 : memref<64x128xf32, #tpu.memory_space<vmem_shared>>)
        tpu.yield
      }) : () -> ()
      %scan3A_100 = arith.constant 0 : i32
      scf.yield %scan3A_100 : i32
    }
    %scan3A_19 = arith.constant 10 : i32
    %barrier3A = arith.constant 0 : index
    tpu.barrier barrier_id(%barrier3A)
    %scan3A_20 = arith.constant 0 : i32
    %scan3A_21 = arith.constant 0 : i32
    %scan3A_22 = arith.constant 162 : i32
    %scan3A_23 = arith.addi %scan3A_21, %scan3A_22 : i32
    %scan3A_24 = arith.constant 1 : i32
    %scan3A_25 = scf.for %scan3A_95 = %scan3A_21 to %scan3A_23 step %scan3A_24 iter_args(%scan3A_96 = %scan3A_20) -> (i32)  : i32 {
      %mul3A_97 = arith.constant 162 : i32
      %mul3A_98 = arith.muli %add3A, %mul3A_97 : i32
      %add3A_99 = arith.addi %mul3A_98, %scan3A_95 : i32
      %mul3A_100 = arith.constant 64 : i32
      %mul3A_101 = arith.muli %add3A_99, %mul3A_100 : i32
      "tpu.region"() ({
        %run_scoped3A = tpu.sem_alloc : memref<!tpu.dma_semaphore, #tpu.memory_space<semaphore_mem>>
        %dma_start3A = tpu.memref_slice %arg2[%mul3A_101] : memref<331776xi32, #tpu.memory_space<hbm>> -> memref<64xi32, #tpu.memory_space<hbm>>
        %dma_start3A_117 = tpu.memref_slice %arg2[%mul3A_101] : memref<331776xi32, #tpu.memory_space<hbm>> -> memref<64xi32, #tpu.memory_space<hbm>>
        tpu.enqueue_dma source(%dma_start3A_117 : memref<64xi32, #tpu.memory_space<hbm>>) target(%arg17 : memref<64xi32, #tpu.memory_space<vmem>>) target_semaphore(%run_scoped3A : memref<!tpu.dma_semaphore, #tpu.memory_space<semaphore_mem>>)
        %dma_wait3A = tpu.memref_slice %arg2[%mul3A_101] : memref<331776xi32, #tpu.memory_space<hbm>> -> memref<64xi32, #tpu.memory_space<hbm>>
        %dma_wait3A_118 = tpu.memref_slice %arg2[%mul3A_101] : memref<331776xi32, #tpu.memory_space<hbm>> -> memref<64xi32, #tpu.memory_space<hbm>>
        tpu.wait_dma2 semaphore(%run_scoped3A : memref<!tpu.dma_semaphore, #tpu.memory_space<semaphore_mem>>) src(%dma_wait3A_118 : memref<64xi32, #tpu.memory_space<hbm>>) dst(%arg17 : memref<64xi32, #tpu.memory_space<vmem>>)
        tpu.yield
      }) : () -> ()
      "tpu.region"() ({
        %run_scoped3A = tpu.sem_alloc : memref<!tpu.dma_semaphore, #tpu.memory_space<semaphore_mem>>
        %dma_start3A = tpu.memref_slice %arg3[%mul3A_101] : memref<331776xi32, #tpu.memory_space<hbm>> -> memref<64xi32, #tpu.memory_space<hbm>>
        %dma_start3A_117 = tpu.memref_slice %arg3[%mul3A_101] : memref<331776xi32, #tpu.memory_space<hbm>> -> memref<64xi32, #tpu.memory_space<hbm>>
        tpu.enqueue_dma source(%dma_start3A_117 : memref<64xi32, #tpu.memory_space<hbm>>) target(%arg18 : memref<64xi32, #tpu.memory_space<vmem>>) target_semaphore(%run_scoped3A : memref<!tpu.dma_semaphore, #tpu.memory_space<semaphore_mem>>)
        %dma_wait3A = tpu.memref_slice %arg3[%mul3A_101] : memref<331776xi32, #tpu.memory_space<hbm>> -> memref<64xi32, #tpu.memory_space<hbm>>
        %dma_wait3A_118 = tpu.memref_slice %arg3[%mul3A_101] : memref<331776xi32, #tpu.memory_space<hbm>> -> memref<64xi32, #tpu.memory_space<hbm>>
        tpu.wait_dma2 semaphore(%run_scoped3A : memref<!tpu.dma_semaphore, #tpu.memory_space<semaphore_mem>>) src(%dma_wait3A_118 : memref<64xi32, #tpu.memory_space<hbm>>) dst(%arg18 : memref<64xi32, #tpu.memory_space<vmem>>)
        tpu.yield
      }) : () -> ()
      "tpu.region"() ({
        %run_scoped3A = tpu.sem_alloc : memref<!tpu.dma_semaphore, #tpu.memory_space<semaphore_mem>>
        %dma_start3A = arith.constant 0 : i32
        %dma_start3A_117 = arith.constant 0 : i32
        %dma_start3A_118 = tpu.memref_slice %arg7[%dma_start3A, %dma_start3A_117] : memref<10240x128xf32, #tpu.memory_space<hbm>> -> memref<10240x128xf32, #tpu.memory_space<hbm>>
        tpu.enqueue_indirect_dma source(%dma_start3A_118 : memref<10240x128xf32, #tpu.memory_space<hbm>>) target(%arg19 : memref<64x128xf32, #tpu.memory_space<vmem>>) offsets(%arg17 : memref<64xi32, #tpu.memory_space<vmem>>) semaphore(%run_scoped3A : memref<!tpu.dma_semaphore, #tpu.memory_space<semaphore_mem>>)
        %dma_wait3A = arith.constant 0 : i32
        %dma_wait3A_119 = arith.constant 0 : i32
        %dma_wait3A_120 = tpu.memref_slice %arg7[%dma_wait3A, %dma_wait3A_119] : memref<10240x128xf32, #tpu.memory_space<hbm>> -> memref<10240x128xf32, #tpu.memory_space<hbm>>
        tpu.wait_indirect_dma semaphore(%run_scoped3A : memref<!tpu.dma_semaphore, #tpu.memory_space<semaphore_mem>>) src(%dma_wait3A_120 : memref<10240x128xf32, #tpu.memory_space<hbm>>) dst(%arg19 : memref<64x128xf32, #tpu.memory_space<vmem>>)
        tpu.yield
      }) : () -> ()
      "tpu.region"() ({
        %run_scoped3A = tpu.sem_alloc : memref<!tpu.dma_semaphore, #tpu.memory_space<semaphore_mem>>
        %dma_start3A = arith.constant 0 : i32
        %dma_start3A_117 = arith.constant 0 : i32
        %dma_start3A_118 = tpu.memref_slice %arg7[%dma_start3A, %dma_start3A_117] : memref<10240x128xf32, #tpu.memory_space<hbm>> -> memref<10240x128xf32, #tpu.memory_space<hbm>>
        tpu.enqueue_indirect_dma source(%dma_start3A_118 : memref<10240x128xf32, #tpu.memory_space<hbm>>) target(%arg20 : memref<64x128xf32, #tpu.memory_space<vmem>>) offsets(%arg18 : memref<64xi32, #tpu.memory_space<vmem>>) semaphore(%run_scoped3A : memref<!tpu.dma_semaphore, #tpu.memory_space<semaphore_mem>>)
        %dma_wait3A = arith.constant 0 : i32
        %dma_wait3A_119 = arith.constant 0 : i32
        %dma_wait3A_120 = tpu.memref_slice %arg7[%dma_wait3A, %dma_wait3A_119] : memref<10240x128xf32, #tpu.memory_space<hbm>> -> memref<10240x128xf32, #tpu.memory_space<hbm>>
        tpu.wait_indirect_dma semaphore(%run_scoped3A : memref<!tpu.dma_semaphore, #tpu.memory_space<semaphore_mem>>) src(%dma_wait3A_120 : memref<10240x128xf32, #tpu.memory_space<hbm>>) dst(%arg20 : memref<64x128xf32, #tpu.memory_space<vmem>>)
        tpu.yield
      }) : () -> ()
      %scan3A_102 = arith.constant 0 : i32
      %scan3A_103 = arith.constant 0 : i32
      %scan3A_104 = arith.constant 4 : i32
      %scan3A_105 = arith.addi %scan3A_103, %scan3A_104 : i32
      %scan3A_106 = arith.constant 1 : i32
      %scan3A_107 = scf.for %scan3A_117 = %scan3A_103 to %scan3A_105 step %scan3A_106 iter_args(%scan3A_118 = %scan3A_102) -> (i32)  : i32 {
        %iota3A_119 = tpu.iota {dimensions = array<i32: 0>} : vector<16xi32>
        %mul3A_120 = arith.constant 16 : i32
        %mul3A_121 = arith.muli %mul3A_120, %scan3A_117 : i32
        %add3A_122 = vector.broadcast %mul3A_121 : i32 to vector<16xi32>
        %add3A_123 = arith.addi %iota3A_119, %add3A_122 : vector<16xi32>
        %broadcast_in_dim3A_124 = arith.constant 0 : i32
        %broadcast_in_dim3A_125 = vector.broadcast %broadcast_in_dim3A_124 : i32 to vector<16xi32>
        %gather3A = tpu.vector_load_idx %arg19[%add3A_123, %broadcast_in_dim3A_125] : memref<64x128xf32, #tpu.memory_space<vmem>>[vector<16xi32>, vector<16xi32>], vector<16xf32>,
        %broadcast_in_dim3A_126 = arith.constant 8 : i32
        %broadcast_in_dim3A_127 = vector.broadcast %broadcast_in_dim3A_126 : i32 to vector<16xi32>
        %gather3A_128 = tpu.vector_load_idx %arg20[%add3A_123, %broadcast_in_dim3A_127] : memref<64x128xf32, #tpu.memory_space<vmem>>[vector<16xi32>, vector<16xi32>], vector<16xf32>,
        %add3A_129 = arith.addf %gather3A, %gather3A_128 : vector<16xf32>
        %gt3A = arith.constant 0.000000e+00 : f32
        %gt3A_130 = vector.broadcast %gt3A : f32 to vector<16xf32>
        %gt3A_131 = arith.cmpf ogt, %add3A_129, %gt3A_130 : vector<16xf32>
        %mul3A_132 = arith.constant 2.000000e-01 : f32
        %mul3A_133 = vector.broadcast %mul3A_132 : f32 to vector<16xf32>
        %mul3A_134 = arith.mulf %mul3A_133, %add3A_129 : vector<16xf32>
        %select_n3A = arith.select %gt3A_131, %add3A_129, %mul3A_134 : vector<16xi1>, vector<16xf32>
        %exp3A = math.exp %select_n3A : vector<16xf32>
        %mul3A_135 = arith.constant 16 : i32
        %mul3A_136 = arith.muli %mul3A_135, %scan3A_117 : i32
        %swap3A = arith.index_cast %mul3A_136 : i32 to index
        %swap3A_137 = tpu.vector_load %arg21[%swap3A] {strides = array<i32>} : memref<64xf32, #tpu.memory_space<vmem>>, vector<16xf32>,
        tpu.vector_store %arg21[%swap3A], %exp3A {strides = array<i32>} : memref<64xf32, #tpu.memory_space<vmem>>, vector<16xf32>,
        %broadcast_in_dim3A_138 = arith.constant 1 : i32
        %broadcast_in_dim3A_139 = vector.broadcast %broadcast_in_dim3A_138 : i32 to vector<16xi32>
        %gather3A_140 = tpu.vector_load_idx %arg19[%add3A_123, %broadcast_in_dim3A_139] : memref<64x128xf32, #tpu.memory_space<vmem>>[vector<16xi32>, vector<16xi32>], vector<16xf32>,
        %broadcast_in_dim3A_141 = arith.constant 9 : i32
        %broadcast_in_dim3A_142 = vector.broadcast %broadcast_in_dim3A_141 : i32 to vector<16xi32>
        %gather3A_143 = tpu.vector_load_idx %arg20[%add3A_123, %broadcast_in_dim3A_142] : memref<64x128xf32, #tpu.memory_space<vmem>>[vector<16xi32>, vector<16xi32>], vector<16xf32>,
        %add3A_144 = arith.addf %gather3A_140, %gather3A_143 : vector<16xf32>
        %gt3A_145 = arith.constant 0.000000e+00 : f32
        %gt3A_146 = vector.broadcast %gt3A_145 : f32 to vector<16xf32>
        %gt3A_147 = arith.cmpf ogt, %add3A_144, %gt3A_146 : vector<16xf32>
        %mul3A_148 = arith.constant 2.000000e-01 : f32
        %mul3A_149 = vector.broadcast %mul3A_148 : f32 to vector<16xf32>
        %mul3A_150 = arith.mulf %mul3A_149, %add3A_144 : vector<16xf32>
        %select_n3A_151 = arith.select %gt3A_147, %add3A_144, %mul3A_150 : vector<16xi1>, vector<16xf32>
        %exp3A_152 = math.exp %select_n3A_151 : vector<16xf32>
        %mul3A_153 = arith.constant 16 : i32
        %mul3A_154 = arith.muli %mul3A_153, %scan3A_117 : i32
        %swap3A_155 = arith.index_cast %mul3A_154 : i32 to index
        %swap3A_156 = tpu.vector_load %arg22[%swap3A_155] {strides = array<i32>} : memref<64xf32, #tpu.memory_space<vmem>>, vector<16xf32>,
        tpu.vector_store %arg22[%swap3A_155], %exp3A_152 {strides = array<i32>} : memref<64xf32, #tpu.memory_space<vmem>>, vector<16xf32>,
        %broadcast_in_dim3A_157 = arith.constant 2 : i32
        %broadcast_in_dim3A_158 = vector.broadcast %broadcast_in_dim3A_157 : i32 to vector<16xi32>
        %gather3A_159 = tpu.vector_load_idx %arg19[%add3A_123, %broadcast_in_dim3A_158] : memref<64x128xf32, #tpu.memory_space<vmem>>[vector<16xi32>, vector<16xi32>], vector<16xf32>,
        %broadcast_in_dim3A_160 = arith.constant 10 : i32
        %broadcast_in_dim3A_161 = vector.broadcast %broadcast_in_dim3A_160 : i32 to vector<16xi32>
        %gather3A_162 = tpu.vector_load_idx %arg20[%add3A_123, %broadcast_in_dim3A_161] : memref<64x128xf32, #tpu.memory_space<vmem>>[vector<16xi32>, vector<16xi32>], vector<16xf32>,
        %add3A_163 = arith.addf %gather3A_159, %gather3A_162 : vector<16xf32>
        %gt3A_164 = arith.constant 0.000000e+00 : f32
        %gt3A_165 = vector.broadcast %gt3A_164 : f32 to vector<16xf32>
        %gt3A_166 = arith.cmpf ogt, %add3A_163, %gt3A_165 : vector<16xf32>
        %mul3A_167 = arith.constant 2.000000e-01 : f32
        %mul3A_168 = vector.broadcast %mul3A_167 : f32 to vector<16xf32>
        %mul3A_169 = arith.mulf %mul3A_168, %add3A_163 : vector<16xf32>
        %select_n3A_170 = arith.select %gt3A_166, %add3A_163, %mul3A_169 : vector<16xi1>, vector<16xf32>
        %exp3A_171 = math.exp %select_n3A_170 : vector<16xf32>
        %mul3A_172 = arith.constant 16 : i32
        %mul3A_173 = arith.muli %mul3A_172, %scan3A_117 : i32
        %swap3A_174 = arith.index_cast %mul3A_173 : i32 to index
        %swap3A_175 = tpu.vector_load %arg23[%swap3A_174] {strides = array<i32>} : memref<64xf32, #tpu.memory_space<vmem>>, vector<16xf32>,
        tpu.vector_store %arg23[%swap3A_174], %exp3A_171 {strides = array<i32>} : memref<64xf32, #tpu.memory_space<vmem>>, vector<16xf32>,
        %broadcast_in_dim3A_176 = arith.constant 3 : i32
        %broadcast_in_dim3A_177 = vector.broadcast %broadcast_in_dim3A_176 : i32 to vector<16xi32>
        %gather3A_178 = tpu.vector_load_idx %arg19[%add3A_123, %broadcast_in_dim3A_177] : memref<64x128xf32, #tpu.memory_space<vmem>>[vector<16xi32>, vector<16xi32>], vector<16xf32>,
        %broadcast_in_dim3A_179 = arith.constant 11 : i32
        %broadcast_in_dim3A_180 = vector.broadcast %broadcast_in_dim3A_179 : i32 to vector<16xi32>
        %gather3A_181 = tpu.vector_load_idx %arg20[%add3A_123, %broadcast_in_dim3A_180] : memref<64x128xf32, #tpu.memory_space<vmem>>[vector<16xi32>, vector<16xi32>], vector<16xf32>,
        %add3A_182 = arith.addf %gather3A_178, %gather3A_181 : vector<16xf32>
        %gt3A_183 = arith.constant 0.000000e+00 : f32
        %gt3A_184 = vector.broadcast %gt3A_183 : f32 to vector<16xf32>
        %gt3A_185 = arith.cmpf ogt, %add3A_182, %gt3A_184 : vector<16xf32>
        %mul3A_186 = arith.constant 2.000000e-01 : f32
        %mul3A_187 = vector.broadcast %mul3A_186 : f32 to vector<16xf32>
        %mul3A_188 = arith.mulf %mul3A_187, %add3A_182 : vector<16xf32>
        %select_n3A_189 = arith.select %gt3A_185, %add3A_182, %mul3A_188 : vector<16xi1>, vector<16xf32>
        %exp3A_190 = math.exp %select_n3A_189 : vector<16xf32>
        %mul3A_191 = arith.constant 16 : i32
        %mul3A_192 = arith.muli %mul3A_191, %scan3A_117 : i32
        %swap3A_193 = arith.index_cast %mul3A_192 : i32 to index
        %swap3A_194 = tpu.vector_load %arg24[%swap3A_193] {strides = array<i32>} : memref<64xf32, #tpu.memory_space<vmem>>, vector<16xf32>,
        tpu.vector_store %arg24[%swap3A_193], %exp3A_190 {strides = array<i32>} : memref<64xf32, #tpu.memory_space<vmem>>, vector<16xf32>,
        %broadcast_in_dim3A_195 = arith.constant 4 : i32
        %broadcast_in_dim3A_196 = vector.broadcast %broadcast_in_dim3A_195 : i32 to vector<16xi32>
        %gather3A_197 = tpu.vector_load_idx %arg19[%add3A_123, %broadcast_in_dim3A_196] : memref<64x128xf32, #tpu.memory_space<vmem>>[vector<16xi32>, vector<16xi32>], vector<16xf32>,
        %broadcast_in_dim3A_198 = arith.constant 12 : i32
        %broadcast_in_dim3A_199 = vector.broadcast %broadcast_in_dim3A_198 : i32 to vector<16xi32>
        %gather3A_200 = tpu.vector_load_idx %arg20[%add3A_123, %broadcast_in_dim3A_199] : memref<64x128xf32, #tpu.memory_space<vmem>>[vector<16xi32>, vector<16xi32>], vector<16xf32>,
        %add3A_201 = arith.addf %gather3A_197, %gather3A_200 : vector<16xf32>
        %gt3A_202 = arith.constant 0.000000e+00 : f32
        %gt3A_203 = vector.broadcast %gt3A_202 : f32 to vector<16xf32>
        %gt3A_204 = arith.cmpf ogt, %add3A_201, %gt3A_203 : vector<16xf32>
        %mul3A_205 = arith.constant 2.000000e-01 : f32
        %mul3A_206 = vector.broadcast %mul3A_205 : f32 to vector<16xf32>
        %mul3A_207 = arith.mulf %mul3A_206, %add3A_201 : vector<16xf32>
        %select_n3A_208 = arith.select %gt3A_204, %add3A_201, %mul3A_207 : vector<16xi1>, vector<16xf32>
        %exp3A_209 = math.exp %select_n3A_208 : vector<16xf32>
        %mul3A_210 = arith.constant 16 : i32
        %mul3A_211 = arith.muli %mul3A_210, %scan3A_117 : i32
        %swap3A_212 = arith.index_cast %mul3A_211 : i32 to index
        %swap3A_213 = tpu.vector_load %arg25[%swap3A_212] {strides = array<i32>} : memref<64xf32, #tpu.memory_space<vmem>>, vector<16xf32>,
        tpu.vector_store %arg25[%swap3A_212], %exp3A_209 {strides = array<i32>} : memref<64xf32, #tpu.memory_space<vmem>>, vector<16xf32>,
        %scan3A_214 = arith.constant 0 : i32
        scf.yield %scan3A_214 : i32
      }
      %scan3A_108 = arith.constant 4 : i32
      "tpu.region"() ({
        %run_scoped3A = tpu.sem_alloc : memref<!tpu.dma_semaphore, #tpu.memory_space<semaphore_mem>>
        %dma_start3A = tpu.memref_slice %arg11[%mul3A_101] : memref<331776xf32, #tpu.memory_space<hbm>> -> memref<64xf32, #tpu.memory_space<hbm>>
        %dma_start3A_117 = tpu.memref_slice %arg11[%mul3A_101] : memref<331776xf32, #tpu.memory_space<hbm>> -> memref<64xf32, #tpu.memory_space<hbm>>
        tpu.enqueue_dma source(%arg21 : memref<64xf32, #tpu.memory_space<vmem>>) target(%dma_start3A_117 : memref<64xf32, #tpu.memory_space<hbm>>) target_semaphore(%run_scoped3A : memref<!tpu.dma_semaphore, #tpu.memory_space<semaphore_mem>>)
        %dma_wait3A = tpu.memref_slice %arg11[%mul3A_101] : memref<331776xf32, #tpu.memory_space<hbm>> -> memref<64xf32, #tpu.memory_space<hbm>>
        %dma_wait3A_118 = tpu.memref_slice %arg11[%mul3A_101] : memref<331776xf32, #tpu.memory_space<hbm>> -> memref<64xf32, #tpu.memory_space<hbm>>
        tpu.wait_dma2 semaphore(%run_scoped3A : memref<!tpu.dma_semaphore, #tpu.memory_space<semaphore_mem>>) src(%arg21 : memref<64xf32, #tpu.memory_space<vmem>>) dst(%dma_wait3A_118 : memref<64xf32, #tpu.memory_space<hbm>>)
        tpu.yield
      }) : () -> ()
      "tpu.region"() ({
        %run_scoped3A = tpu.sem_alloc : memref<!tpu.dma_semaphore, #tpu.memory_space<semaphore_mem>>
        %dma_start3A = tpu.memref_slice %arg12[%mul3A_101] : memref<331776xf32, #tpu.memory_space<hbm>> -> memref<64xf32, #tpu.memory_space<hbm>>
        %dma_start3A_117 = tpu.memref_slice %arg12[%mul3A_101] : memref<331776xf32, #tpu.memory_space<hbm>> -> memref<64xf32, #tpu.memory_space<hbm>>
        tpu.enqueue_dma source(%arg22 : memref<64xf32, #tpu.memory_space<vmem>>) target(%dma_start3A_117 : memref<64xf32, #tpu.memory_space<hbm>>) target_semaphore(%run_scoped3A : memref<!tpu.dma_semaphore, #tpu.memory_space<semaphore_mem>>)
        %dma_wait3A = tpu.memref_slice %arg12[%mul3A_101] : memref<331776xf32, #tpu.memory_space<hbm>> -> memref<64xf32, #tpu.memory_space<hbm>>
        %dma_wait3A_118 = tpu.memref_slice %arg12[%mul3A_101] : memref<331776xf32, #tpu.memory_space<hbm>> -> memref<64xf32, #tpu.memory_space<hbm>>
        tpu.wait_dma2 semaphore(%run_scoped3A : memref<!tpu.dma_semaphore, #tpu.memory_space<semaphore_mem>>) src(%arg22 : memref<64xf32, #tpu.memory_space<vmem>>) dst(%dma_wait3A_118 : memref<64xf32, #tpu.memory_space<hbm>>)
        tpu.yield
      }) : () -> ()
      "tpu.region"() ({
        %run_scoped3A = tpu.sem_alloc : memref<!tpu.dma_semaphore, #tpu.memory_space<semaphore_mem>>
        %dma_start3A = tpu.memref_slice %arg13[%mul3A_101] : memref<331776xf32, #tpu.memory_space<hbm>> -> memref<64xf32, #tpu.memory_space<hbm>>
        %dma_start3A_117 = tpu.memref_slice %arg13[%mul3A_101] : memref<331776xf32, #tpu.memory_space<hbm>> -> memref<64xf32, #tpu.memory_space<hbm>>
        tpu.enqueue_dma source(%arg23 : memref<64xf32, #tpu.memory_space<vmem>>) target(%dma_start3A_117 : memref<64xf32, #tpu.memory_space<hbm>>) target_semaphore(%run_scoped3A : memref<!tpu.dma_semaphore, #tpu.memory_space<semaphore_mem>>)
        %dma_wait3A = tpu.memref_slice %arg13[%mul3A_101] : memref<331776xf32, #tpu.memory_space<hbm>> -> memref<64xf32, #tpu.memory_space<hbm>>
        %dma_wait3A_118 = tpu.memref_slice %arg13[%mul3A_101] : memref<331776xf32, #tpu.memory_space<hbm>> -> memref<64xf32, #tpu.memory_space<hbm>>
        tpu.wait_dma2 semaphore(%run_scoped3A : memref<!tpu.dma_semaphore, #tpu.memory_space<semaphore_mem>>) src(%arg23 : memref<64xf32, #tpu.memory_space<vmem>>) dst(%dma_wait3A_118 : memref<64xf32, #tpu.memory_space<hbm>>)
        tpu.yield
      }) : () -> ()
      "tpu.region"() ({
        %run_scoped3A = tpu.sem_alloc : memref<!tpu.dma_semaphore, #tpu.memory_space<semaphore_mem>>
        %dma_start3A = tpu.memref_slice %arg14[%mul3A_101] : memref<331776xf32, #tpu.memory_space<hbm>> -> memref<64xf32, #tpu.memory_space<hbm>>
        %dma_start3A_117 = tpu.memref_slice %arg14[%mul3A_101] : memref<331776xf32, #tpu.memory_space<hbm>> -> memref<64xf32, #tpu.memory_space<hbm>>
        tpu.enqueue_dma source(%arg24 : memref<64xf32, #tpu.memory_space<vmem>>) target(%dma_start3A_117 : memref<64xf32, #tpu.memory_space<hbm>>) target_semaphore(%run_scoped3A : memref<!tpu.dma_semaphore, #tpu.memory_space<semaphore_mem>>)
        %dma_wait3A = tpu.memref_slice %arg14[%mul3A_101] : memref<331776xf32, #tpu.memory_space<hbm>> -> memref<64xf32, #tpu.memory_space<hbm>>
        %dma_wait3A_118 = tpu.memref_slice %arg14[%mul3A_101] : memref<331776xf32, #tpu.memory_space<hbm>> -> memref<64xf32, #tpu.memory_space<hbm>>
        tpu.wait_dma2 semaphore(%run_scoped3A : memref<!tpu.dma_semaphore, #tpu.memory_space<semaphore_mem>>) src(%arg24 : memref<64xf32, #tpu.memory_space<vmem>>) dst(%dma_wait3A_118 : memref<64xf32, #tpu.memory_space<hbm>>)
        tpu.yield
      }) : () -> ()
      "tpu.region"() ({
        %run_scoped3A = tpu.sem_alloc : memref<!tpu.dma_semaphore, #tpu.memory_space<semaphore_mem>>
        %dma_start3A = tpu.memref_slice %arg15[%mul3A_101] : memref<331776xf32, #tpu.memory_space<hbm>> -> memref<64xf32, #tpu.memory_space<hbm>>
        %dma_start3A_117 = tpu.memref_slice %arg15[%mul3A_101] : memref<331776xf32, #tpu.memory_space<hbm>> -> memref<64xf32, #tpu.memory_space<hbm>>
        tpu.enqueue_dma source(%arg25 : memref<64xf32, #tpu.memory_space<vmem>>) target(%dma_start3A_117 : memref<64xf32, #tpu.memory_space<hbm>>) target_semaphore(%run_scoped3A : memref<!tpu.dma_semaphore, #tpu.memory_space<semaphore_mem>>)
        %dma_wait3A = tpu.memref_slice %arg15[%mul3A_101] : memref<331776xf32, #tpu.memory_space<hbm>> -> memref<64xf32, #tpu.memory_space<hbm>>
        %dma_wait3A_118 = tpu.memref_slice %arg15[%mul3A_101] : memref<331776xf32, #tpu.memory_space<hbm>> -> memref<64xf32, #tpu.memory_space<hbm>>
        tpu.wait_dma2 semaphore(%run_scoped3A : memref<!tpu.dma_semaphore, #tpu.memory_space<semaphore_mem>>) src(%arg25 : memref<64xf32, #tpu.memory_space<vmem>>) dst(%dma_wait3A_118 : memref<64xf32, #tpu.memory_space<hbm>>)
        tpu.yield
      }) : () -> ()
      "tpu.region"() ({
        %run_scoped3A = tpu.sem_alloc : memref<!tpu.dma_semaphore, #tpu.memory_space<semaphore_mem>>
        %dma_start3A = arith.constant 0 : i32
        %dma_start3A_117 = arith.constant 0 : i32
        %dma_start3A_118 = tpu.memref_slice %arg4[%dma_start3A, %dma_start3A_117] : memref<10240x128xf32, #tpu.memory_space<hbm>> -> memref<10240x128xf32, #tpu.memory_space<hbm>>
        tpu.enqueue_indirect_dma source(%dma_start3A_118 : memref<10240x128xf32, #tpu.memory_space<hbm>>) target(%arg26 : memref<64x128xf32, #tpu.memory_space<vmem>>) offsets(%arg17 : memref<64xi32, #tpu.memory_space<vmem>>) semaphore(%run_scoped3A : memref<!tpu.dma_semaphore, #tpu.memory_space<semaphore_mem>>)
        %dma_wait3A = arith.constant 0 : i32
        %dma_wait3A_119 = arith.constant 0 : i32
        %dma_wait3A_120 = tpu.memref_slice %arg4[%dma_wait3A, %dma_wait3A_119] : memref<10240x128xf32, #tpu.memory_space<hbm>> -> memref<10240x128xf32, #tpu.memory_space<hbm>>
        tpu.wait_indirect_dma semaphore(%run_scoped3A : memref<!tpu.dma_semaphore, #tpu.memory_space<semaphore_mem>>) src(%dma_wait3A_120 : memref<10240x128xf32, #tpu.memory_space<hbm>>) dst(%arg26 : memref<64x128xf32, #tpu.memory_space<vmem>>)
        tpu.yield
      }) : () -> ()
      %scan3A_109 = arith.constant 0 : i32
      %scan3A_110 = arith.constant 0 : i32
      %scan3A_111 = arith.constant 64 : i32
      %scan3A_112 = arith.addi %scan3A_110, %scan3A_111 : i32
      %scan3A_113 = arith.constant 1 : i32
      %scan3A_114 = scf.for %scan3A_117 = %scan3A_110 to %scan3A_112 step %scan3A_113 iter_args(%scan3A_118 = %scan3A_109) -> (i32)  : i32 {
        %broadcast_in_dim3A_119 = vector.broadcast %scan3A_117 : i32 to vector<16xi32>
        %gather3A = tpu.vector_load_idx %arg21[%broadcast_in_dim3A_119] : memref<64xf32, #tpu.memory_space<vmem>>[vector<16xi32>], vector<16xf32>,
        %gather3A_120 = tpu.vector_load_idx %arg22[%broadcast_in_dim3A_119] : memref<64xf32, #tpu.memory_space<vmem>>[vector<16xi32>], vector<16xf32>,
        %get3A = arith.index_cast %scan3A_117 : i32 to index
        %get3A_121 = arith.constant 0 : index
        %get3A_122 = tpu.vector_load %arg26[%get3A, %get3A_121] {strides = array<i32>} : memref<64x128xf32, #tpu.memory_space<vmem>>, vector<16xf32>,
        %mul3A_123 = arith.mulf %get3A_122, %gather3A : vector<16xf32>
        %swap3A = arith.index_cast %scan3A_117 : i32 to index
        %swap3A_124 = arith.constant 0 : index
        %swap3A_125 = tpu.vector_load %arg26[%swap3A, %swap3A_124] {strides = array<i32>} : memref<64x128xf32, #tpu.memory_space<vmem>>, vector<16xf32>,
        tpu.vector_store %arg26[%swap3A, %swap3A_124], %mul3A_123 {strides = array<i32>} : memref<64x128xf32, #tpu.memory_space<vmem>>, vector<16xf32>,
        %get3A_126 = arith.index_cast %scan3A_117 : i32 to index
        %get3A_127 = arith.constant 16 : index
        %get3A_128 = tpu.vector_load %arg26[%get3A_126, %get3A_127] {strides = array<i32>} : memref<64x128xf32, #tpu.memory_space<vmem>>, vector<16xf32>,
        %mul3A_129 = arith.mulf %get3A_128, %gather3A : vector<16xf32>
        %swap3A_130 = arith.index_cast %scan3A_117 : i32 to index
        %swap3A_131 = arith.constant 16 : index
        %swap3A_132 = tpu.vector_load %arg26[%swap3A_130, %swap3A_131] {strides = array<i32>} : memref<64x128xf32, #tpu.memory_space<vmem>>, vector<16xf32>,
        tpu.vector_store %arg26[%swap3A_130, %swap3A_131], %mul3A_129 {strides = array<i32>} : memref<64x128xf32, #tpu.memory_space<vmem>>, vector<16xf32>,
        %mul3A_133 = arith.mulf %gather3A, %convert_element_type3A_6 : vector<16xf32>
        %sub3A = arith.constant 1.000000e+00 : f32
        %sub3A_134 = vector.broadcast %sub3A : f32 to vector<16xf32>
        %sub3A_135 = arith.subf %sub3A_134, %convert_element_type3A_6 : vector<16xf32>
        %mul3A_136 = arith.mulf %gather3A_120, %sub3A_135 : vector<16xf32>
        %add3A_137 = arith.addf %mul3A_133, %mul3A_136 : vector<16xf32>
        %get3A_138 = arith.index_cast %scan3A_117 : i32 to index
        %get3A_139 = arith.constant 32 : index
        %get3A_140 = tpu.vector_load %arg26[%get3A_138, %get3A_139] {strides = array<i32>} : memref<64x128xf32, #tpu.memory_space<vmem>>, vector<16xf32>,
        %mul3A_141 = arith.mulf %get3A_140, %add3A_137 : vector<16xf32>
        %swap3A_142 = arith.index_cast %scan3A_117 : i32 to index
        %swap3A_143 = arith.constant 32 : index
        %swap3A_144 = tpu.vector_load %arg26[%swap3A_142, %swap3A_143] {strides = array<i32>} : memref<64x128xf32, #tpu.memory_space<vmem>>, vector<16xf32>,
        tpu.vector_store %arg26[%swap3A_142, %swap3A_143], %mul3A_141 {strides = array<i32>} : memref<64x128xf32, #tpu.memory_space<vmem>>, vector<16xf32>,
        %get3A_145 = arith.index_cast %scan3A_117 : i32 to index
        %get3A_146 = arith.constant 48 : index
        %get3A_147 = tpu.vector_load %arg26[%get3A_145, %get3A_146] {strides = array<i32>} : memref<64x128xf32, #tpu.memory_space<vmem>>, vector<16xf32>,
        %mul3A_148 = arith.mulf %get3A_147, %gather3A_120 : vector<16xf32>
        %swap3A_149 = arith.index_cast %scan3A_117 : i32 to index
        %swap3A_150 = arith.constant 48 : index
        %swap3A_151 = tpu.vector_load %arg26[%swap3A_149, %swap3A_150] {strides = array<i32>} : memref<64x128xf32, #tpu.memory_space<vmem>>, vector<16xf32>,
        tpu.vector_store %arg26[%swap3A_149, %swap3A_150], %mul3A_148 {strides = array<i32>} : memref<64x128xf32, #tpu.memory_space<vmem>>, vector<16xf32>,
        %get3A_152 = arith.index_cast %scan3A_117 : i32 to index
        %get3A_153 = arith.constant 64 : index
        %get3A_154 = tpu.vector_load %arg26[%get3A_152, %get3A_153] {strides = array<i32>} : memref<64x128xf32, #tpu.memory_space<vmem>>, vector<16xf32>,
        %mul3A_155 = arith.mulf %get3A_154, %gather3A_120 : vector<16xf32>
        %swap3A_156 = arith.index_cast %scan3A_117 : i32 to index
        %swap3A_157 = arith.constant 64 : index
        %swap3A_158 = tpu.vector_load %arg26[%swap3A_156, %swap3A_157] {strides = array<i32>} : memref<64x128xf32, #tpu.memory_space<vmem>>, vector<16xf32>,
        tpu.vector_store %arg26[%swap3A_156, %swap3A_157], %mul3A_155 {strides = array<i32>} : memref<64x128xf32, #tpu.memory_space<vmem>>, vector<16xf32>,
        %get3A_159 = arith.index_cast %scan3A_117 : i32 to index
        %get3A_160 = arith.constant 80 : index
        %get3A_161 = tpu.vector_load %arg26[%get3A_159, %get3A_160] {strides = array<i32>} : memref<64x128xf32, #tpu.memory_space<vmem>>, vector<16xf32>,
        %mul3A_162 = arith.mulf %get3A_161, %gather3A : vector<16xf32>
        %swap3A_163 = arith.index_cast %scan3A_117 : i32 to index
        %swap3A_164 = arith.constant 80 : index
        %swap3A_165 = tpu.vector_load %arg26[%swap3A_163, %swap3A_164] {strides = array<i32>} : memref<64x128xf32, #tpu.memory_space<vmem>>, vector<16xf32>,
        tpu.vector_store %arg26[%swap3A_163, %swap3A_164], %mul3A_162 {strides = array<i32>} : memref<64x128xf32, #tpu.memory_space<vmem>>, vector<16xf32>,
        %get3A_166 = arith.index_cast %scan3A_117 : i32 to index
        %get3A_167 = arith.constant 96 : index
        %get3A_168 = tpu.vector_load %arg26[%get3A_166, %get3A_167] {strides = array<i32>} : memref<64x128xf32, #tpu.memory_space<vmem>>, vector<16xf32>,
        %mul3A_169 = arith.mulf %get3A_168, %gather3A_120 : vector<16xf32>
        %swap3A_170 = arith.index_cast %scan3A_117 : i32 to index
        %swap3A_171 = arith.constant 96 : index
        %swap3A_172 = tpu.vector_load %arg26[%swap3A_170, %swap3A_171] {strides = array<i32>} : memref<64x128xf32, #tpu.memory_space<vmem>>, vector<16xf32>,
        tpu.vector_store %arg26[%swap3A_170, %swap3A_171], %mul3A_169 {strides = array<i32>} : memref<64x128xf32, #tpu.memory_space<vmem>>, vector<16xf32>,
        %get3A_173 = arith.index_cast %scan3A_117 : i32 to index
        %get3A_174 = arith.constant 112 : index
        %get3A_175 = tpu.vector_load %arg26[%get3A_173, %get3A_174] {strides = array<i32>} : memref<64x128xf32, #tpu.memory_space<vmem>>, vector<16xf32>,
        %mul3A_176 = arith.mulf %get3A_175, %gather3A_120 : vector<16xf32>
        %swap3A_177 = arith.index_cast %scan3A_117 : i32 to index
        %swap3A_178 = arith.constant 112 : index
        %swap3A_179 = tpu.vector_load %arg26[%swap3A_177, %swap3A_178] {strides = array<i32>} : memref<64x128xf32, #tpu.memory_space<vmem>>, vector<16xf32>,
        tpu.vector_store %arg26[%swap3A_177, %swap3A_178], %mul3A_176 {strides = array<i32>} : memref<64x128xf32, #tpu.memory_space<vmem>>, vector<16xf32>,
        %scan3A_180 = arith.constant 0 : i32
        scf.yield %scan3A_180 : i32
      }
      %scan3A_115 = arith.constant 64 : i32
      "tpu.region"() ({
        %run_scoped3A = tpu.sem_alloc : memref<!tpu.dma_semaphore, #tpu.memory_space<semaphore_mem>>
        %dma_start3A = arith.constant 0 : i32
        %dma_start3A_117 = arith.constant 0 : i32
        %dma_start3A_118 = tpu.memref_slice %arg16[%dma_start3A, %dma_start3A_117] : memref<10240x128xf32, #tpu.memory_space<vmem_shared>> -> memref<10240x128xf32, #tpu.memory_space<vmem_shared>>
        tpu.enqueue_indirect_dma source(%arg26 : memref<64x128xf32, #tpu.memory_space<vmem>>) target(%dma_start3A_118 : memref<10240x128xf32, #tpu.memory_space<vmem_shared>>) offsets(%arg18 : memref<64xi32, #tpu.memory_space<vmem>>) semaphore(%run_scoped3A : memref<!tpu.dma_semaphore, #tpu.memory_space<semaphore_mem>>) {add = true}
        %dma_wait3A = arith.constant 0 : i32
        %dma_wait3A_119 = arith.constant 0 : i32
        %dma_wait3A_120 = tpu.memref_slice %arg16[%dma_wait3A, %dma_wait3A_119] : memref<10240x128xf32, #tpu.memory_space<vmem_shared>> -> memref<10240x128xf32, #tpu.memory_space<vmem_shared>>
        tpu.wait_indirect_dma semaphore(%run_scoped3A : memref<!tpu.dma_semaphore, #tpu.memory_space<semaphore_mem>>) src(%arg26 : memref<64x128xf32, #tpu.memory_space<vmem>>) dst(%dma_wait3A_120 : memref<10240x128xf32, #tpu.memory_space<vmem_shared>>)
        tpu.yield
      }) : () -> ()
      %scan3A_116 = arith.constant 0 : i32
      scf.yield %scan3A_116 : i32
    }
    %scan3A_26 = arith.constant 162 : i32
    %barrier3A_27 = arith.constant 0 : index
    tpu.barrier barrier_id(%barrier3A_27)
    %scan3A_28 = arith.constant 0 : i32
    %scan3A_29 = arith.constant 0 : i32
    %scan3A_30 = arith.constant 10 : i32
    %scan3A_31 = arith.addi %scan3A_29, %scan3A_30 : i32
    %scan3A_32 = arith.constant 1 : i32
    %scan3A_33 = scf.for %scan3A_95 = %scan3A_29 to %scan3A_31 step %scan3A_32 iter_args(%scan3A_96 = %scan3A_28) -> (i32)  : i32 {
      %mul3A_97 = arith.constant 64 : i32
      %mul3A_98 = arith.muli %scan3A_95, %mul3A_97 : i32
      %add3A_99 = arith.addi %mul3A_2, %mul3A_98 : i32
      "tpu.region"() ({
        %run_scoped3A = tpu.sem_alloc : memref<!tpu.dma_semaphore, #tpu.memory_space<semaphore_mem>>
        %dma_start3A = arith.constant 0 : i32
        %dma_start3A_101 = tpu.memref_slice %arg8[%arg0, %add3A_99, %dma_start3A] : memref<2x10240x128xf32, #tpu.memory_space<hbm>> -> memref<1x64x128xf32, #tpu.memory_space<hbm>>
        %dma_start3A_102 = tpu.memref_squeeze %dma_start3A_101 : memref<1x64x128xf32, #tpu.memory_space<hbm>> -> memref<64x128xf32, #tpu.memory_space<hbm>>
        %dma_start3A_103 = arith.constant 0 : i32
        %dma_start3A_104 = tpu.memref_slice %arg16[%add3A_99, %dma_start3A_103] : memref<10240x128xf32, #tpu.memory_space<vmem_shared>> -> memref<64x128xf32, #tpu.memory_space<vmem_shared>>
        tpu.enqueue_dma source(%dma_start3A_104 : memref<64x128xf32, #tpu.memory_space<vmem_shared>>) target(%dma_start3A_102 : memref<64x128xf32, #tpu.memory_space<hbm>>) target_semaphore(%run_scoped3A : memref<!tpu.dma_semaphore, #tpu.memory_space<semaphore_mem>>)
        %dma_wait3A = arith.constant 0 : i32
        %dma_wait3A_105 = tpu.memref_slice %arg8[%arg0, %add3A_99, %dma_wait3A] : memref<2x10240x128xf32, #tpu.memory_space<hbm>> -> memref<1x64x128xf32, #tpu.memory_space<hbm>>
        %dma_wait3A_106 = tpu.memref_squeeze %dma_wait3A_105 : memref<1x64x128xf32, #tpu.memory_space<hbm>> -> memref<64x128xf32, #tpu.memory_space<hbm>>
        %dma_wait3A_107 = arith.constant 0 : i32
        %dma_wait3A_108 = tpu.memref_slice %arg16[%add3A_99, %dma_wait3A_107] : memref<10240x128xf32, #tpu.memory_space<vmem_shared>> -> memref<64x128xf32, #tpu.memory_space<vmem_shared>>
        tpu.wait_dma2 semaphore(%run_scoped3A : memref<!tpu.dma_semaphore, #tpu.memory_space<semaphore_mem>>) src(%dma_wait3A_108 : memref<64x128xf32, #tpu.memory_space<vmem_shared>>) dst(%dma_wait3A_106 : memref<64x128xf32, #tpu.memory_space<hbm>>)
        tpu.yield
      }) : () -> ()
      %scan3A_100 = arith.constant 0 : i32
      scf.yield %scan3A_100 : i32
    }
    %scan3A_34 = arith.constant 10 : i32
    %scan3A_35 = arith.constant 0 : i32
    %scan3A_36 = arith.constant 0 : i32
    %scan3A_37 = arith.constant 64 : i32
    %scan3A_38 = arith.addi %scan3A_36, %scan3A_37 : i32
    %scan3A_39 = arith.constant 1 : i32
    %scan3A_40 = scf.for %scan3A_95 = %scan3A_36 to %scan3A_38 step %scan3A_39 iter_args(%scan3A_96 = %scan3A_35) -> (i32)  : i32 {
      %swap3A = arith.index_cast %scan3A_95 : i32 to index
      %swap3A_97 = arith.constant 0 : index
      %swap3A_98 = tpu.vector_load %arg26[%swap3A, %swap3A_97] {strides = array<i32>} : memref<64x128xf32, #tpu.memory_space<vmem>>, vector<16xf32>,
      tpu.vector_store %arg26[%swap3A, %swap3A_97], %broadcast_in_dim3A_3 {strides = array<i32>} : memref<64x128xf32, #tpu.memory_space<vmem>>, vector<16xf32>,
      %swap3A_99 = arith.index_cast %scan3A_95 : i32 to index
      %swap3A_100 = arith.constant 16 : index
      %swap3A_101 = tpu.vector_load %arg26[%swap3A_99, %swap3A_100] {strides = array<i32>} : memref<64x128xf32, #tpu.memory_space<vmem>>, vector<16xf32>,
      tpu.vector_store %arg26[%swap3A_99, %swap3A_100], %broadcast_in_dim3A_3 {strides = array<i32>} : memref<64x128xf32, #tpu.memory_space<vmem>>, vector<16xf32>,
      %swap3A_102 = arith.index_cast %scan3A_95 : i32 to index
      %swap3A_103 = arith.constant 32 : index
      %swap3A_104 = tpu.vector_load %arg26[%swap3A_102, %swap3A_103] {strides = array<i32>} : memref<64x128xf32, #tpu.memory_space<vmem>>, vector<16xf32>,
      tpu.vector_store %arg26[%swap3A_102, %swap3A_103], %broadcast_in_dim3A_3 {strides = array<i32>} : memref<64x128xf32, #tpu.memory_space<vmem>>, vector<16xf32>,
      %swap3A_105 = arith.index_cast %scan3A_95 : i32 to index
      %swap3A_106 = arith.constant 48 : index
      %swap3A_107 = tpu.vector_load %arg26[%swap3A_105, %swap3A_106] {strides = array<i32>} : memref<64x128xf32, #tpu.memory_space<vmem>>, vector<16xf32>,
      tpu.vector_store %arg26[%swap3A_105, %swap3A_106], %broadcast_in_dim3A_3 {strides = array<i32>} : memref<64x128xf32, #tpu.memory_space<vmem>>, vector<16xf32>,
      %swap3A_108 = arith.index_cast %scan3A_95 : i32 to index
      %swap3A_109 = arith.constant 64 : index
      %swap3A_110 = tpu.vector_load %arg26[%swap3A_108, %swap3A_109] {strides = array<i32>} : memref<64x128xf32, #tpu.memory_space<vmem>>, vector<16xf32>,
      tpu.vector_store %arg26[%swap3A_108, %swap3A_109], %broadcast_in_dim3A_3 {strides = array<i32>} : memref<64x128xf32, #tpu.memory_space<vmem>>, vector<16xf32>,
      %swap3A_111 = arith.index_cast %scan3A_95 : i32 to index
      %swap3A_112 = arith.constant 80 : index
      %swap3A_113 = tpu.vector_load %arg26[%swap3A_111, %swap3A_112] {strides = array<i32>} : memref<64x128xf32, #tpu.memory_space<vmem>>, vector<16xf32>,
      tpu.vector_store %arg26[%swap3A_111, %swap3A_112], %broadcast_in_dim3A_3 {strides = array<i32>} : memref<64x128xf32, #tpu.memory_space<vmem>>, vector<16xf32>,
      %swap3A_114 = arith.index_cast %scan3A_95 : i32 to index
      %swap3A_115 = arith.constant 96 : index
      %swap3A_116 = tpu.vector_load %arg26[%swap3A_114, %swap3A_115] {strides = array<i32>} : memref<64x128xf32, #tpu.memory_space<vmem>>, vector<16xf32>,
      tpu.vector_store %arg26[%swap3A_114, %swap3A_115], %broadcast_in_dim3A_3 {strides = array<i32>} : memref<64x128xf32, #tpu.memory_space<vmem>>, vector<16xf32>,
      %swap3A_117 = arith.index_cast %scan3A_95 : i32 to index
      %swap3A_118 = arith.constant 112 : index
      %swap3A_119 = tpu.vector_load %arg26[%swap3A_117, %swap3A_118] {strides = array<i32>} : memref<64x128xf32, #tpu.memory_space<vmem>>, vector<16xf32>,
      tpu.vector_store %arg26[%swap3A_117, %swap3A_118], %broadcast_in_dim3A_3 {strides = array<i32>} : memref<64x128xf32, #tpu.memory_space<vmem>>, vector<16xf32>,
      %scan3A_120 = arith.constant 0 : i32
      scf.yield %scan3A_120 : i32
    }
    %scan3A_41 = arith.constant 64 : i32
    %scan3A_42 = arith.constant 0 : i32
    %scan3A_43 = arith.constant 0 : i32
    %scan3A_44 = arith.constant 10 : i32
    %scan3A_45 = arith.addi %scan3A_43, %scan3A_44 : i32
    %scan3A_46 = arith.constant 1 : i32
    %scan3A_47 = scf.for %scan3A_95 = %scan3A_43 to %scan3A_45 step %scan3A_46 iter_args(%scan3A_96 = %scan3A_42) -> (i32)  : i32 {
      %mul3A_97 = arith.constant 64 : i32
      %mul3A_98 = arith.muli %scan3A_95, %mul3A_97 : i32
      %add3A_99 = arith.addi %mul3A_2, %mul3A_98 : i32
      "tpu.region"() ({
        %run_scoped3A = tpu.sem_alloc : memref<!tpu.dma_semaphore, #tpu.memory_space<semaphore_mem>>
        %dma_start3A = arith.constant 0 : i32
        %dma_start3A_101 = tpu.memref_slice %arg16[%add3A_99, %dma_start3A] : memref<10240x128xf32, #tpu.memory_space<vmem_shared>> -> memref<64x128xf32, #tpu.memory_space<vmem_shared>>
        %dma_start3A_102 = arith.constant 0 : i32
        %dma_start3A_103 = tpu.memref_slice %arg16[%add3A_99, %dma_start3A_102] : memref<10240x128xf32, #tpu.memory_space<vmem_shared>> -> memref<64x128xf32, #tpu.memory_space<vmem_shared>>
        tpu.enqueue_dma source(%arg26 : memref<64x128xf32, #tpu.memory_space<vmem>>) target(%dma_start3A_103 : memref<64x128xf32, #tpu.memory_space<vmem_shared>>) target_semaphore(%run_scoped3A : memref<!tpu.dma_semaphore, #tpu.memory_space<semaphore_mem>>)
        %dma_wait3A = arith.constant 0 : i32
        %dma_wait3A_104 = tpu.memref_slice %arg16[%add3A_99, %dma_wait3A] : memref<10240x128xf32, #tpu.memory_space<vmem_shared>> -> memref<64x128xf32, #tpu.memory_space<vmem_shared>>
        %dma_wait3A_105 = arith.constant 0 : i32
        %dma_wait3A_106 = tpu.memref_slice %arg16[%add3A_99, %dma_wait3A_105] : memref<10240x128xf32, #tpu.memory_space<vmem_shared>> -> memref<64x128xf32, #tpu.memory_space<vmem_shared>>
        tpu.wait_dma2 semaphore(%run_scoped3A : memref<!tpu.dma_semaphore, #tpu.memory_space<semaphore_mem>>) src(%arg26 : memref<64x128xf32, #tpu.memory_space<vmem>>) dst(%dma_wait3A_106 : memref<64x128xf32, #tpu.memory_space<vmem_shared>>)
        tpu.yield
      }) : () -> ()
      %scan3A_100 = arith.constant 0 : i32
      scf.yield %scan3A_100 : i32
    }
    %scan3A_48 = arith.constant 10 : i32
    %barrier3A_49 = arith.constant 0 : index
    tpu.barrier barrier_id(%barrier3A_49)
    %scan3A_50 = arith.constant 0 : i32
    %scan3A_51 = arith.constant 0 : i32
    %scan3A_52 = arith.constant 162 : i32
    %scan3A_53 = arith.addi %scan3A_51, %scan3A_52 : i32
    %scan3A_54 = arith.constant 1 : i32
    %scan3A_55 = scf.for %scan3A_95 = %scan3A_51 to %scan3A_53 step %scan3A_54 iter_args(%scan3A_96 = %scan3A_50) -> (i32)  : i32 {
      %mul3A_97 = arith.constant 162 : i32
      %mul3A_98 = arith.muli %add3A, %mul3A_97 : i32
      %add3A_99 = arith.addi %mul3A_98, %scan3A_95 : i32
      %mul3A_100 = arith.constant 64 : i32
      %mul3A_101 = arith.muli %add3A_99, %mul3A_100 : i32
      "tpu.region"() ({
        %run_scoped3A = tpu.sem_alloc : memref<!tpu.dma_semaphore, #tpu.memory_space<semaphore_mem>>
        %dma_start3A = tpu.memref_slice %arg2[%mul3A_101] : memref<331776xi32, #tpu.memory_space<hbm>> -> memref<64xi32, #tpu.memory_space<hbm>>
        %dma_start3A_110 = tpu.memref_slice %arg2[%mul3A_101] : memref<331776xi32, #tpu.memory_space<hbm>> -> memref<64xi32, #tpu.memory_space<hbm>>
        tpu.enqueue_dma source(%dma_start3A_110 : memref<64xi32, #tpu.memory_space<hbm>>) target(%arg17 : memref<64xi32, #tpu.memory_space<vmem>>) target_semaphore(%run_scoped3A : memref<!tpu.dma_semaphore, #tpu.memory_space<semaphore_mem>>)
        %dma_wait3A = tpu.memref_slice %arg2[%mul3A_101] : memref<331776xi32, #tpu.memory_space<hbm>> -> memref<64xi32, #tpu.memory_space<hbm>>
        %dma_wait3A_111 = tpu.memref_slice %arg2[%mul3A_101] : memref<331776xi32, #tpu.memory_space<hbm>> -> memref<64xi32, #tpu.memory_space<hbm>>
        tpu.wait_dma2 semaphore(%run_scoped3A : memref<!tpu.dma_semaphore, #tpu.memory_space<semaphore_mem>>) src(%dma_wait3A_111 : memref<64xi32, #tpu.memory_space<hbm>>) dst(%arg17 : memref<64xi32, #tpu.memory_space<vmem>>)
        tpu.yield
      }) : () -> ()
      "tpu.region"() ({
        %run_scoped3A = tpu.sem_alloc : memref<!tpu.dma_semaphore, #tpu.memory_space<semaphore_mem>>
        %dma_start3A = tpu.memref_slice %arg3[%mul3A_101] : memref<331776xi32, #tpu.memory_space<hbm>> -> memref<64xi32, #tpu.memory_space<hbm>>
        %dma_start3A_110 = tpu.memref_slice %arg3[%mul3A_101] : memref<331776xi32, #tpu.memory_space<hbm>> -> memref<64xi32, #tpu.memory_space<hbm>>
        tpu.enqueue_dma source(%dma_start3A_110 : memref<64xi32, #tpu.memory_space<hbm>>) target(%arg18 : memref<64xi32, #tpu.memory_space<vmem>>) target_semaphore(%run_scoped3A : memref<!tpu.dma_semaphore, #tpu.memory_space<semaphore_mem>>)
        %dma_wait3A = tpu.memref_slice %arg3[%mul3A_101] : memref<331776xi32, #tpu.memory_space<hbm>> -> memref<64xi32, #tpu.memory_space<hbm>>
        %dma_wait3A_111 = tpu.memref_slice %arg3[%mul3A_101] : memref<331776xi32, #tpu.memory_space<hbm>> -> memref<64xi32, #tpu.memory_space<hbm>>
        tpu.wait_dma2 semaphore(%run_scoped3A : memref<!tpu.dma_semaphore, #tpu.memory_space<semaphore_mem>>) src(%dma_wait3A_111 : memref<64xi32, #tpu.memory_space<hbm>>) dst(%arg18 : memref<64xi32, #tpu.memory_space<vmem>>)
        tpu.yield
      }) : () -> ()
      "tpu.region"() ({
        %run_scoped3A = tpu.sem_alloc : memref<!tpu.dma_semaphore, #tpu.memory_space<semaphore_mem>>
        %dma_start3A = tpu.memref_slice %arg13[%mul3A_101] : memref<331776xf32, #tpu.memory_space<hbm>> -> memref<64xf32, #tpu.memory_space<hbm>>
        %dma_start3A_110 = tpu.memref_slice %arg13[%mul3A_101] : memref<331776xf32, #tpu.memory_space<hbm>> -> memref<64xf32, #tpu.memory_space<hbm>>
        tpu.enqueue_dma source(%dma_start3A_110 : memref<64xf32, #tpu.memory_space<hbm>>) target(%arg23 : memref<64xf32, #tpu.memory_space<vmem>>) target_semaphore(%run_scoped3A : memref<!tpu.dma_semaphore, #tpu.memory_space<semaphore_mem>>)
        %dma_wait3A = tpu.memref_slice %arg13[%mul3A_101] : memref<331776xf32, #tpu.memory_space<hbm>> -> memref<64xf32, #tpu.memory_space<hbm>>
        %dma_wait3A_111 = tpu.memref_slice %arg13[%mul3A_101] : memref<331776xf32, #tpu.memory_space<hbm>> -> memref<64xf32, #tpu.memory_space<hbm>>
        tpu.wait_dma2 semaphore(%run_scoped3A : memref<!tpu.dma_semaphore, #tpu.memory_space<semaphore_mem>>) src(%dma_wait3A_111 : memref<64xf32, #tpu.memory_space<hbm>>) dst(%arg23 : memref<64xf32, #tpu.memory_space<vmem>>)
        tpu.yield
      }) : () -> ()
      "tpu.region"() ({
        %run_scoped3A = tpu.sem_alloc : memref<!tpu.dma_semaphore, #tpu.memory_space<semaphore_mem>>
        %dma_start3A = tpu.memref_slice %arg14[%mul3A_101] : memref<331776xf32, #tpu.memory_space<hbm>> -> memref<64xf32, #tpu.memory_space<hbm>>
        %dma_start3A_110 = tpu.memref_slice %arg14[%mul3A_101] : memref<331776xf32, #tpu.memory_space<hbm>> -> memref<64xf32, #tpu.memory_space<hbm>>
        tpu.enqueue_dma source(%dma_start3A_110 : memref<64xf32, #tpu.memory_space<hbm>>) target(%arg24 : memref<64xf32, #tpu.memory_space<vmem>>) target_semaphore(%run_scoped3A : memref<!tpu.dma_semaphore, #tpu.memory_space<semaphore_mem>>)
        %dma_wait3A = tpu.memref_slice %arg14[%mul3A_101] : memref<331776xf32, #tpu.memory_space<hbm>> -> memref<64xf32, #tpu.memory_space<hbm>>
        %dma_wait3A_111 = tpu.memref_slice %arg14[%mul3A_101] : memref<331776xf32, #tpu.memory_space<hbm>> -> memref<64xf32, #tpu.memory_space<hbm>>
        tpu.wait_dma2 semaphore(%run_scoped3A : memref<!tpu.dma_semaphore, #tpu.memory_space<semaphore_mem>>) src(%dma_wait3A_111 : memref<64xf32, #tpu.memory_space<hbm>>) dst(%arg24 : memref<64xf32, #tpu.memory_space<vmem>>)
        tpu.yield
      }) : () -> ()
      "tpu.region"() ({
        %run_scoped3A = tpu.sem_alloc : memref<!tpu.dma_semaphore, #tpu.memory_space<semaphore_mem>>
        %dma_start3A = arith.constant 0 : i32
        %dma_start3A_110 = arith.constant 0 : i32
        %dma_start3A_111 = tpu.memref_slice %arg5[%dma_start3A, %dma_start3A_110] : memref<10240x128xf32, #tpu.memory_space<hbm>> -> memref<10240x128xf32, #tpu.memory_space<hbm>>
        tpu.enqueue_indirect_dma source(%dma_start3A_111 : memref<10240x128xf32, #tpu.memory_space<hbm>>) target(%arg26 : memref<64x128xf32, #tpu.memory_space<vmem>>) offsets(%arg17 : memref<64xi32, #tpu.memory_space<vmem>>) semaphore(%run_scoped3A : memref<!tpu.dma_semaphore, #tpu.memory_space<semaphore_mem>>)
        %dma_wait3A = arith.constant 0 : i32
        %dma_wait3A_112 = arith.constant 0 : i32
        %dma_wait3A_113 = tpu.memref_slice %arg5[%dma_wait3A, %dma_wait3A_112] : memref<10240x128xf32, #tpu.memory_space<hbm>> -> memref<10240x128xf32, #tpu.memory_space<hbm>>
        tpu.wait_indirect_dma semaphore(%run_scoped3A : memref<!tpu.dma_semaphore, #tpu.memory_space<semaphore_mem>>) src(%dma_wait3A_113 : memref<10240x128xf32, #tpu.memory_space<hbm>>) dst(%arg26 : memref<64x128xf32, #tpu.memory_space<vmem>>)
        tpu.yield
      }) : () -> ()
      %scan3A_102 = arith.constant 0 : i32
      %scan3A_103 = arith.constant 0 : i32
      %scan3A_104 = arith.constant 64 : i32
      %scan3A_105 = arith.addi %scan3A_103, %scan3A_104 : i32
      %scan3A_106 = arith.constant 1 : i32
      %scan3A_107 = scf.for %scan3A_110 = %scan3A_103 to %scan3A_105 step %scan3A_106 iter_args(%scan3A_111 = %scan3A_102) -> (i32)  : i32 {
        %broadcast_in_dim3A_112 = vector.broadcast %scan3A_110 : i32 to vector<16xi32>
        %gather3A = tpu.vector_load_idx %arg23[%broadcast_in_dim3A_112] : memref<64xf32, #tpu.memory_space<vmem>>[vector<16xi32>], vector<16xf32>,
        %gather3A_113 = tpu.vector_load_idx %arg24[%broadcast_in_dim3A_112] : memref<64xf32, #tpu.memory_space<vmem>>[vector<16xi32>], vector<16xf32>,
        %get3A = arith.index_cast %scan3A_110 : i32 to index
        %get3A_114 = arith.constant 0 : index
        %get3A_115 = tpu.vector_load %arg26[%get3A, %get3A_114] {strides = array<i32>} : memref<64x128xf32, #tpu.memory_space<vmem>>, vector<16xf32>,
        %mul3A_116 = arith.mulf %get3A_115, %gather3A : vector<16xf32>
        %swap3A = arith.index_cast %scan3A_110 : i32 to index
        %swap3A_117 = arith.constant 0 : index
        %swap3A_118 = tpu.vector_load %arg26[%swap3A, %swap3A_117] {strides = array<i32>} : memref<64x128xf32, #tpu.memory_space<vmem>>, vector<16xf32>,
        tpu.vector_store %arg26[%swap3A, %swap3A_117], %mul3A_116 {strides = array<i32>} : memref<64x128xf32, #tpu.memory_space<vmem>>, vector<16xf32>,
        %get3A_119 = arith.index_cast %scan3A_110 : i32 to index
        %get3A_120 = arith.constant 16 : index
        %get3A_121 = tpu.vector_load %arg26[%get3A_119, %get3A_120] {strides = array<i32>} : memref<64x128xf32, #tpu.memory_space<vmem>>, vector<16xf32>,
        %mul3A_122 = arith.mulf %get3A_121, %gather3A : vector<16xf32>
        %swap3A_123 = arith.index_cast %scan3A_110 : i32 to index
        %swap3A_124 = arith.constant 16 : index
        %swap3A_125 = tpu.vector_load %arg26[%swap3A_123, %swap3A_124] {strides = array<i32>} : memref<64x128xf32, #tpu.memory_space<vmem>>, vector<16xf32>,
        tpu.vector_store %arg26[%swap3A_123, %swap3A_124], %mul3A_122 {strides = array<i32>} : memref<64x128xf32, #tpu.memory_space<vmem>>, vector<16xf32>,
        %mul3A_126 = arith.mulf %gather3A, %convert_element_type3A_6 : vector<16xf32>
        %sub3A = arith.constant 1.000000e+00 : f32
        %sub3A_127 = vector.broadcast %sub3A : f32 to vector<16xf32>
        %sub3A_128 = arith.subf %sub3A_127, %convert_element_type3A_6 : vector<16xf32>
        %mul3A_129 = arith.mulf %gather3A_113, %sub3A_128 : vector<16xf32>
        %add3A_130 = arith.addf %mul3A_126, %mul3A_129 : vector<16xf32>
        %get3A_131 = arith.index_cast %scan3A_110 : i32 to index
        %get3A_132 = arith.constant 32 : index
        %get3A_133 = tpu.vector_load %arg26[%get3A_131, %get3A_132] {strides = array<i32>} : memref<64x128xf32, #tpu.memory_space<vmem>>, vector<16xf32>,
        %mul3A_134 = arith.mulf %get3A_133, %add3A_130 : vector<16xf32>
        %swap3A_135 = arith.index_cast %scan3A_110 : i32 to index
        %swap3A_136 = arith.constant 32 : index
        %swap3A_137 = tpu.vector_load %arg26[%swap3A_135, %swap3A_136] {strides = array<i32>} : memref<64x128xf32, #tpu.memory_space<vmem>>, vector<16xf32>,
        tpu.vector_store %arg26[%swap3A_135, %swap3A_136], %mul3A_134 {strides = array<i32>} : memref<64x128xf32, #tpu.memory_space<vmem>>, vector<16xf32>,
        %get3A_138 = arith.index_cast %scan3A_110 : i32 to index
        %get3A_139 = arith.constant 48 : index
        %get3A_140 = tpu.vector_load %arg26[%get3A_138, %get3A_139] {strides = array<i32>} : memref<64x128xf32, #tpu.memory_space<vmem>>, vector<16xf32>,
        %mul3A_141 = arith.mulf %get3A_140, %gather3A_113 : vector<16xf32>
        %swap3A_142 = arith.index_cast %scan3A_110 : i32 to index
        %swap3A_143 = arith.constant 48 : index
        %swap3A_144 = tpu.vector_load %arg26[%swap3A_142, %swap3A_143] {strides = array<i32>} : memref<64x128xf32, #tpu.memory_space<vmem>>, vector<16xf32>,
        tpu.vector_store %arg26[%swap3A_142, %swap3A_143], %mul3A_141 {strides = array<i32>} : memref<64x128xf32, #tpu.memory_space<vmem>>, vector<16xf32>,
        %get3A_145 = arith.index_cast %scan3A_110 : i32 to index
        %get3A_146 = arith.constant 64 : index
        %get3A_147 = tpu.vector_load %arg26[%get3A_145, %get3A_146] {strides = array<i32>} : memref<64x128xf32, #tpu.memory_space<vmem>>, vector<16xf32>,
        %mul3A_148 = arith.mulf %get3A_147, %gather3A_113 : vector<16xf32>
        %swap3A_149 = arith.index_cast %scan3A_110 : i32 to index
        %swap3A_150 = arith.constant 64 : index
        %swap3A_151 = tpu.vector_load %arg26[%swap3A_149, %swap3A_150] {strides = array<i32>} : memref<64x128xf32, #tpu.memory_space<vmem>>, vector<16xf32>,
        tpu.vector_store %arg26[%swap3A_149, %swap3A_150], %mul3A_148 {strides = array<i32>} : memref<64x128xf32, #tpu.memory_space<vmem>>, vector<16xf32>,
        %get3A_152 = arith.index_cast %scan3A_110 : i32 to index
        %get3A_153 = arith.constant 80 : index
        %get3A_154 = tpu.vector_load %arg26[%get3A_152, %get3A_153] {strides = array<i32>} : memref<64x128xf32, #tpu.memory_space<vmem>>, vector<16xf32>,
        %mul3A_155 = arith.mulf %get3A_154, %gather3A : vector<16xf32>
        %swap3A_156 = arith.index_cast %scan3A_110 : i32 to index
        %swap3A_157 = arith.constant 80 : index
        %swap3A_158 = tpu.vector_load %arg26[%swap3A_156, %swap3A_157] {strides = array<i32>} : memref<64x128xf32, #tpu.memory_space<vmem>>, vector<16xf32>,
        tpu.vector_store %arg26[%swap3A_156, %swap3A_157], %mul3A_155 {strides = array<i32>} : memref<64x128xf32, #tpu.memory_space<vmem>>, vector<16xf32>,
        %get3A_159 = arith.index_cast %scan3A_110 : i32 to index
        %get3A_160 = arith.constant 96 : index
        %get3A_161 = tpu.vector_load %arg26[%get3A_159, %get3A_160] {strides = array<i32>} : memref<64x128xf32, #tpu.memory_space<vmem>>, vector<16xf32>,
        %mul3A_162 = arith.mulf %get3A_161, %gather3A_113 : vector<16xf32>
        %swap3A_163 = arith.index_cast %scan3A_110 : i32 to index
        %swap3A_164 = arith.constant 96 : index
        %swap3A_165 = tpu.vector_load %arg26[%swap3A_163, %swap3A_164] {strides = array<i32>} : memref<64x128xf32, #tpu.memory_space<vmem>>, vector<16xf32>,
        tpu.vector_store %arg26[%swap3A_163, %swap3A_164], %mul3A_162 {strides = array<i32>} : memref<64x128xf32, #tpu.memory_space<vmem>>, vector<16xf32>,
        %get3A_166 = arith.index_cast %scan3A_110 : i32 to index
        %get3A_167 = arith.constant 112 : index
        %get3A_168 = tpu.vector_load %arg26[%get3A_166, %get3A_167] {strides = array<i32>} : memref<64x128xf32, #tpu.memory_space<vmem>>, vector<16xf32>,
        %mul3A_169 = arith.mulf %get3A_168, %gather3A_113 : vector<16xf32>
        %swap3A_170 = arith.index_cast %scan3A_110 : i32 to index
        %swap3A_171 = arith.constant 112 : index
        %swap3A_172 = tpu.vector_load %arg26[%swap3A_170, %swap3A_171] {strides = array<i32>} : memref<64x128xf32, #tpu.memory_space<vmem>>, vector<16xf32>,
        tpu.vector_store %arg26[%swap3A_170, %swap3A_171], %mul3A_169 {strides = array<i32>} : memref<64x128xf32, #tpu.memory_space<vmem>>, vector<16xf32>,
        %scan3A_173 = arith.constant 0 : i32
        scf.yield %scan3A_173 : i32
      }
      %scan3A_108 = arith.constant 64 : i32
      "tpu.region"() ({
        %run_scoped3A = tpu.sem_alloc : memref<!tpu.dma_semaphore, #tpu.memory_space<semaphore_mem>>
        %dma_start3A = arith.constant 0 : i32
        %dma_start3A_110 = arith.constant 0 : i32
        %dma_start3A_111 = tpu.memref_slice %arg16[%dma_start3A, %dma_start3A_110] : memref<10240x128xf32, #tpu.memory_space<vmem_shared>> -> memref<10240x128xf32, #tpu.memory_space<vmem_shared>>
        tpu.enqueue_indirect_dma source(%arg26 : memref<64x128xf32, #tpu.memory_space<vmem>>) target(%dma_start3A_111 : memref<10240x128xf32, #tpu.memory_space<vmem_shared>>) offsets(%arg18 : memref<64xi32, #tpu.memory_space<vmem>>) semaphore(%run_scoped3A : memref<!tpu.dma_semaphore, #tpu.memory_space<semaphore_mem>>) {add = true}
        %dma_wait3A = arith.constant 0 : i32
        %dma_wait3A_112 = arith.constant 0 : i32
        %dma_wait3A_113 = tpu.memref_slice %arg16[%dma_wait3A, %dma_wait3A_112] : memref<10240x128xf32, #tpu.memory_space<vmem_shared>> -> memref<10240x128xf32, #tpu.memory_space<vmem_shared>>
        tpu.wait_indirect_dma semaphore(%run_scoped3A : memref<!tpu.dma_semaphore, #tpu.memory_space<semaphore_mem>>) src(%arg26 : memref<64x128xf32, #tpu.memory_space<vmem>>) dst(%dma_wait3A_113 : memref<10240x128xf32, #tpu.memory_space<vmem_shared>>)
        tpu.yield
      }) : () -> ()
      %scan3A_109 = arith.constant 0 : i32
      scf.yield %scan3A_109 : i32
    }
    %scan3A_56 = arith.constant 162 : i32
    %barrier3A_57 = arith.constant 0 : index
    tpu.barrier barrier_id(%barrier3A_57)
    %scan3A_58 = arith.constant 0 : i32
    %scan3A_59 = arith.constant 0 : i32
    %scan3A_60 = arith.constant 10 : i32
    %scan3A_61 = arith.addi %scan3A_59, %scan3A_60 : i32
    %scan3A_62 = arith.constant 1 : i32
    %scan3A_63 = scf.for %scan3A_95 = %scan3A_59 to %scan3A_61 step %scan3A_62 iter_args(%scan3A_96 = %scan3A_58) -> (i32)  : i32 {
      %mul3A_97 = arith.constant 64 : i32
      %mul3A_98 = arith.muli %scan3A_95, %mul3A_97 : i32
      %add3A_99 = arith.addi %mul3A_2, %mul3A_98 : i32
      "tpu.region"() ({
        %run_scoped3A = tpu.sem_alloc : memref<!tpu.dma_semaphore, #tpu.memory_space<semaphore_mem>>
        %dma_start3A = arith.constant 0 : i32
        %dma_start3A_101 = tpu.memref_slice %arg9[%arg0, %add3A_99, %dma_start3A] : memref<2x10240x128xf32, #tpu.memory_space<hbm>> -> memref<1x64x128xf32, #tpu.memory_space<hbm>>
        %dma_start3A_102 = tpu.memref_squeeze %dma_start3A_101 : memref<1x64x128xf32, #tpu.memory_space<hbm>> -> memref<64x128xf32, #tpu.memory_space<hbm>>
        %dma_start3A_103 = arith.constant 0 : i32
        %dma_start3A_104 = tpu.memref_slice %arg16[%add3A_99, %dma_start3A_103] : memref<10240x128xf32, #tpu.memory_space<vmem_shared>> -> memref<64x128xf32, #tpu.memory_space<vmem_shared>>
        tpu.enqueue_dma source(%dma_start3A_104 : memref<64x128xf32, #tpu.memory_space<vmem_shared>>) target(%dma_start3A_102 : memref<64x128xf32, #tpu.memory_space<hbm>>) target_semaphore(%run_scoped3A : memref<!tpu.dma_semaphore, #tpu.memory_space<semaphore_mem>>)
        %dma_wait3A = arith.constant 0 : i32
        %dma_wait3A_105 = tpu.memref_slice %arg9[%arg0, %add3A_99, %dma_wait3A] : memref<2x10240x128xf32, #tpu.memory_space<hbm>> -> memref<1x64x128xf32, #tpu.memory_space<hbm>>
        %dma_wait3A_106 = tpu.memref_squeeze %dma_wait3A_105 : memref<1x64x128xf32, #tpu.memory_space<hbm>> -> memref<64x128xf32, #tpu.memory_space<hbm>>
        %dma_wait3A_107 = arith.constant 0 : i32
        %dma_wait3A_108 = tpu.memref_slice %arg16[%add3A_99, %dma_wait3A_107] : memref<10240x128xf32, #tpu.memory_space<vmem_shared>> -> memref<64x128xf32, #tpu.memory_space<vmem_shared>>
        tpu.wait_dma2 semaphore(%run_scoped3A : memref<!tpu.dma_semaphore, #tpu.memory_space<semaphore_mem>>) src(%dma_wait3A_108 : memref<64x128xf32, #tpu.memory_space<vmem_shared>>) dst(%dma_wait3A_106 : memref<64x128xf32, #tpu.memory_space<hbm>>)
        tpu.yield
      }) : () -> ()
      %scan3A_100 = arith.constant 0 : i32
      scf.yield %scan3A_100 : i32
    }
    %scan3A_64 = arith.constant 10 : i32
    %scan3A_65 = arith.constant 0 : i32
    %scan3A_66 = arith.constant 0 : i32
    %scan3A_67 = arith.constant 64 : i32
    %scan3A_68 = arith.addi %scan3A_66, %scan3A_67 : i32
    %scan3A_69 = arith.constant 1 : i32
    %scan3A_70 = scf.for %scan3A_95 = %scan3A_66 to %scan3A_68 step %scan3A_69 iter_args(%scan3A_96 = %scan3A_65) -> (i32)  : i32 {
      %swap3A = arith.index_cast %scan3A_95 : i32 to index
      %swap3A_97 = arith.constant 0 : index
      %swap3A_98 = tpu.vector_load %arg26[%swap3A, %swap3A_97] {strides = array<i32>} : memref<64x128xf32, #tpu.memory_space<vmem>>, vector<16xf32>,
      tpu.vector_store %arg26[%swap3A, %swap3A_97], %broadcast_in_dim3A_3 {strides = array<i32>} : memref<64x128xf32, #tpu.memory_space<vmem>>, vector<16xf32>,
      %swap3A_99 = arith.index_cast %scan3A_95 : i32 to index
      %swap3A_100 = arith.constant 16 : index
      %swap3A_101 = tpu.vector_load %arg26[%swap3A_99, %swap3A_100] {strides = array<i32>} : memref<64x128xf32, #tpu.memory_space<vmem>>, vector<16xf32>,
      tpu.vector_store %arg26[%swap3A_99, %swap3A_100], %broadcast_in_dim3A_3 {strides = array<i32>} : memref<64x128xf32, #tpu.memory_space<vmem>>, vector<16xf32>,
      %swap3A_102 = arith.index_cast %scan3A_95 : i32 to index
      %swap3A_103 = arith.constant 32 : index
      %swap3A_104 = tpu.vector_load %arg26[%swap3A_102, %swap3A_103] {strides = array<i32>} : memref<64x128xf32, #tpu.memory_space<vmem>>, vector<16xf32>,
      tpu.vector_store %arg26[%swap3A_102, %swap3A_103], %broadcast_in_dim3A_3 {strides = array<i32>} : memref<64x128xf32, #tpu.memory_space<vmem>>, vector<16xf32>,
      %swap3A_105 = arith.index_cast %scan3A_95 : i32 to index
      %swap3A_106 = arith.constant 48 : index
      %swap3A_107 = tpu.vector_load %arg26[%swap3A_105, %swap3A_106] {strides = array<i32>} : memref<64x128xf32, #tpu.memory_space<vmem>>, vector<16xf32>,
      tpu.vector_store %arg26[%swap3A_105, %swap3A_106], %broadcast_in_dim3A_3 {strides = array<i32>} : memref<64x128xf32, #tpu.memory_space<vmem>>, vector<16xf32>,
      %swap3A_108 = arith.index_cast %scan3A_95 : i32 to index
      %swap3A_109 = arith.constant 64 : index
      %swap3A_110 = tpu.vector_load %arg26[%swap3A_108, %swap3A_109] {strides = array<i32>} : memref<64x128xf32, #tpu.memory_space<vmem>>, vector<16xf32>,
      tpu.vector_store %arg26[%swap3A_108, %swap3A_109], %broadcast_in_dim3A_3 {strides = array<i32>} : memref<64x128xf32, #tpu.memory_space<vmem>>, vector<16xf32>,
      %swap3A_111 = arith.index_cast %scan3A_95 : i32 to index
      %swap3A_112 = arith.constant 80 : index
      %swap3A_113 = tpu.vector_load %arg26[%swap3A_111, %swap3A_112] {strides = array<i32>} : memref<64x128xf32, #tpu.memory_space<vmem>>, vector<16xf32>,
      tpu.vector_store %arg26[%swap3A_111, %swap3A_112], %broadcast_in_dim3A_3 {strides = array<i32>} : memref<64x128xf32, #tpu.memory_space<vmem>>, vector<16xf32>,
      %swap3A_114 = arith.index_cast %scan3A_95 : i32 to index
      %swap3A_115 = arith.constant 96 : index
      %swap3A_116 = tpu.vector_load %arg26[%swap3A_114, %swap3A_115] {strides = array<i32>} : memref<64x128xf32, #tpu.memory_space<vmem>>, vector<16xf32>,
      tpu.vector_store %arg26[%swap3A_114, %swap3A_115], %broadcast_in_dim3A_3 {strides = array<i32>} : memref<64x128xf32, #tpu.memory_space<vmem>>, vector<16xf32>,
      %swap3A_117 = arith.index_cast %scan3A_95 : i32 to index
      %swap3A_118 = arith.constant 112 : index
      %swap3A_119 = tpu.vector_load %arg26[%swap3A_117, %swap3A_118] {strides = array<i32>} : memref<64x128xf32, #tpu.memory_space<vmem>>, vector<16xf32>,
      tpu.vector_store %arg26[%swap3A_117, %swap3A_118], %broadcast_in_dim3A_3 {strides = array<i32>} : memref<64x128xf32, #tpu.memory_space<vmem>>, vector<16xf32>,
      %scan3A_120 = arith.constant 0 : i32
      scf.yield %scan3A_120 : i32
    }
    %scan3A_71 = arith.constant 64 : i32
    %scan3A_72 = arith.constant 0 : i32
    %scan3A_73 = arith.constant 0 : i32
    %scan3A_74 = arith.constant 10 : i32
    %scan3A_75 = arith.addi %scan3A_73, %scan3A_74 : i32
    %scan3A_76 = arith.constant 1 : i32
    %scan3A_77 = scf.for %scan3A_95 = %scan3A_73 to %scan3A_75 step %scan3A_76 iter_args(%scan3A_96 = %scan3A_72) -> (i32)  : i32 {
      %mul3A_97 = arith.constant 64 : i32
      %mul3A_98 = arith.muli %scan3A_95, %mul3A_97 : i32
      %add3A_99 = arith.addi %mul3A_2, %mul3A_98 : i32
      "tpu.region"() ({
        %run_scoped3A = tpu.sem_alloc : memref<!tpu.dma_semaphore, #tpu.memory_space<semaphore_mem>>
        %dma_start3A = arith.constant 0 : i32
        %dma_start3A_101 = tpu.memref_slice %arg16[%add3A_99, %dma_start3A] : memref<10240x128xf32, #tpu.memory_space<vmem_shared>> -> memref<64x128xf32, #tpu.memory_space<vmem_shared>>
        %dma_start3A_102 = arith.constant 0 : i32
        %dma_start3A_103 = tpu.memref_slice %arg16[%add3A_99, %dma_start3A_102] : memref<10240x128xf32, #tpu.memory_space<vmem_shared>> -> memref<64x128xf32, #tpu.memory_space<vmem_shared>>
        tpu.enqueue_dma source(%arg26 : memref<64x128xf32, #tpu.memory_space<vmem>>) target(%dma_start3A_103 : memref<64x128xf32, #tpu.memory_space<vmem_shared>>) target_semaphore(%run_scoped3A : memref<!tpu.dma_semaphore, #tpu.memory_space<semaphore_mem>>)
        %dma_wait3A = arith.constant 0 : i32
        %dma_wait3A_104 = tpu.memref_slice %arg16[%add3A_99, %dma_wait3A] : memref<10240x128xf32, #tpu.memory_space<vmem_shared>> -> memref<64x128xf32, #tpu.memory_space<vmem_shared>>
        %dma_wait3A_105 = arith.constant 0 : i32
        %dma_wait3A_106 = tpu.memref_slice %arg16[%add3A_99, %dma_wait3A_105] : memref<10240x128xf32, #tpu.memory_space<vmem_shared>> -> memref<64x128xf32, #tpu.memory_space<vmem_shared>>
        tpu.wait_dma2 semaphore(%run_scoped3A : memref<!tpu.dma_semaphore, #tpu.memory_space<semaphore_mem>>) src(%arg26 : memref<64x128xf32, #tpu.memory_space<vmem>>) dst(%dma_wait3A_106 : memref<64x128xf32, #tpu.memory_space<vmem_shared>>)
        tpu.yield
      }) : () -> ()
      %scan3A_100 = arith.constant 0 : i32
      scf.yield %scan3A_100 : i32
    }
    %scan3A_78 = arith.constant 10 : i32
    %barrier3A_79 = arith.constant 0 : index
    tpu.barrier barrier_id(%barrier3A_79)
    %scan3A_80 = arith.constant 0 : i32
    %scan3A_81 = arith.constant 0 : i32
    %scan3A_82 = arith.constant 162 : i32
    %scan3A_83 = arith.addi %scan3A_81, %scan3A_82 : i32
    %scan3A_84 = arith.constant 1 : i32
    %scan3A_85 = scf.for %scan3A_95 = %scan3A_81 to %scan3A_83 step %scan3A_84 iter_args(%scan3A_96 = %scan3A_80) -> (i32)  : i32 {
      %mul3A_97 = arith.constant 162 : i32
      %mul3A_98 = arith.muli %add3A, %mul3A_97 : i32
      %add3A_99 = arith.addi %mul3A_98, %scan3A_95 : i32
      %mul3A_100 = arith.constant 64 : i32
      %mul3A_101 = arith.muli %add3A_99, %mul3A_100 : i32
      "tpu.region"() ({
        %run_scoped3A = tpu.sem_alloc : memref<!tpu.dma_semaphore, #tpu.memory_space<semaphore_mem>>
        %dma_start3A = tpu.memref_slice %arg2[%mul3A_101] : memref<331776xi32, #tpu.memory_space<hbm>> -> memref<64xi32, #tpu.memory_space<hbm>>
        %dma_start3A_110 = tpu.memref_slice %arg2[%mul3A_101] : memref<331776xi32, #tpu.memory_space<hbm>> -> memref<64xi32, #tpu.memory_space<hbm>>
        tpu.enqueue_dma source(%dma_start3A_110 : memref<64xi32, #tpu.memory_space<hbm>>) target(%arg17 : memref<64xi32, #tpu.memory_space<vmem>>) target_semaphore(%run_scoped3A : memref<!tpu.dma_semaphore, #tpu.memory_space<semaphore_mem>>)
        %dma_wait3A = tpu.memref_slice %arg2[%mul3A_101] : memref<331776xi32, #tpu.memory_space<hbm>> -> memref<64xi32, #tpu.memory_space<hbm>>
        %dma_wait3A_111 = tpu.memref_slice %arg2[%mul3A_101] : memref<331776xi32, #tpu.memory_space<hbm>> -> memref<64xi32, #tpu.memory_space<hbm>>
        tpu.wait_dma2 semaphore(%run_scoped3A : memref<!tpu.dma_semaphore, #tpu.memory_space<semaphore_mem>>) src(%dma_wait3A_111 : memref<64xi32, #tpu.memory_space<hbm>>) dst(%arg17 : memref<64xi32, #tpu.memory_space<vmem>>)
        tpu.yield
      }) : () -> ()
      "tpu.region"() ({
        %run_scoped3A = tpu.sem_alloc : memref<!tpu.dma_semaphore, #tpu.memory_space<semaphore_mem>>
        %dma_start3A = tpu.memref_slice %arg3[%mul3A_101] : memref<331776xi32, #tpu.memory_space<hbm>> -> memref<64xi32, #tpu.memory_space<hbm>>
        %dma_start3A_110 = tpu.memref_slice %arg3[%mul3A_101] : memref<331776xi32, #tpu.memory_space<hbm>> -> memref<64xi32, #tpu.memory_space<hbm>>
        tpu.enqueue_dma source(%dma_start3A_110 : memref<64xi32, #tpu.memory_space<hbm>>) target(%arg18 : memref<64xi32, #tpu.memory_space<vmem>>) target_semaphore(%run_scoped3A : memref<!tpu.dma_semaphore, #tpu.memory_space<semaphore_mem>>)
        %dma_wait3A = tpu.memref_slice %arg3[%mul3A_101] : memref<331776xi32, #tpu.memory_space<hbm>> -> memref<64xi32, #tpu.memory_space<hbm>>
        %dma_wait3A_111 = tpu.memref_slice %arg3[%mul3A_101] : memref<331776xi32, #tpu.memory_space<hbm>> -> memref<64xi32, #tpu.memory_space<hbm>>
        tpu.wait_dma2 semaphore(%run_scoped3A : memref<!tpu.dma_semaphore, #tpu.memory_space<semaphore_mem>>) src(%dma_wait3A_111 : memref<64xi32, #tpu.memory_space<hbm>>) dst(%arg18 : memref<64xi32, #tpu.memory_space<vmem>>)
        tpu.yield
      }) : () -> ()
      "tpu.region"() ({
        %run_scoped3A = tpu.sem_alloc : memref<!tpu.dma_semaphore, #tpu.memory_space<semaphore_mem>>
        %dma_start3A = tpu.memref_slice %arg15[%mul3A_101] : memref<331776xf32, #tpu.memory_space<hbm>> -> memref<64xf32, #tpu.memory_space<hbm>>
        %dma_start3A_110 = tpu.memref_slice %arg15[%mul3A_101] : memref<331776xf32, #tpu.memory_space<hbm>> -> memref<64xf32, #tpu.memory_space<hbm>>
        tpu.enqueue_dma source(%dma_start3A_110 : memref<64xf32, #tpu.memory_space<hbm>>) target(%arg25 : memref<64xf32, #tpu.memory_space<vmem>>) target_semaphore(%run_scoped3A : memref<!tpu.dma_semaphore, #tpu.memory_space<semaphore_mem>>)
        %dma_wait3A = tpu.memref_slice %arg15[%mul3A_101] : memref<331776xf32, #tpu.memory_space<hbm>> -> memref<64xf32, #tpu.memory_space<hbm>>
        %dma_wait3A_111 = tpu.memref_slice %arg15[%mul3A_101] : memref<331776xf32, #tpu.memory_space<hbm>> -> memref<64xf32, #tpu.memory_space<hbm>>
        tpu.wait_dma2 semaphore(%run_scoped3A : memref<!tpu.dma_semaphore, #tpu.memory_space<semaphore_mem>>) src(%dma_wait3A_111 : memref<64xf32, #tpu.memory_space<hbm>>) dst(%arg25 : memref<64xf32, #tpu.memory_space<vmem>>)
        tpu.yield
      }) : () -> ()
      "tpu.region"() ({
        %run_scoped3A = tpu.sem_alloc : memref<!tpu.dma_semaphore, #tpu.memory_space<semaphore_mem>>
        %dma_start3A = arith.constant 0 : i32
        %dma_start3A_110 = arith.constant 0 : i32
        %dma_start3A_111 = tpu.memref_slice %arg6[%dma_start3A, %dma_start3A_110] : memref<10240x128xf32, #tpu.memory_space<hbm>> -> memref<10240x128xf32, #tpu.memory_space<hbm>>
        tpu.enqueue_indirect_dma source(%dma_start3A_111 : memref<10240x128xf32, #tpu.memory_space<hbm>>) target(%arg26 : memref<64x128xf32, #tpu.memory_space<vmem>>) offsets(%arg17 : memref<64xi32, #tpu.memory_space<vmem>>) semaphore(%run_scoped3A : memref<!tpu.dma_semaphore, #tpu.memory_space<semaphore_mem>>)
        %dma_wait3A = arith.constant 0 : i32
        %dma_wait3A_112 = arith.constant 0 : i32
        %dma_wait3A_113 = tpu.memref_slice %arg6[%dma_wait3A, %dma_wait3A_112] : memref<10240x128xf32, #tpu.memory_space<hbm>> -> memref<10240x128xf32, #tpu.memory_space<hbm>>
        tpu.wait_indirect_dma semaphore(%run_scoped3A : memref<!tpu.dma_semaphore, #tpu.memory_space<semaphore_mem>>) src(%dma_wait3A_113 : memref<10240x128xf32, #tpu.memory_space<hbm>>) dst(%arg26 : memref<64x128xf32, #tpu.memory_space<vmem>>)
        tpu.yield
      }) : () -> ()
      %scan3A_102 = arith.constant 0 : i32
      %scan3A_103 = arith.constant 0 : i32
      %scan3A_104 = arith.constant 64 : i32
      %scan3A_105 = arith.addi %scan3A_103, %scan3A_104 : i32
      %scan3A_106 = arith.constant 1 : i32
      %scan3A_107 = scf.for %scan3A_110 = %scan3A_103 to %scan3A_105 step %scan3A_106 iter_args(%scan3A_111 = %scan3A_102) -> (i32)  : i32 {
        %broadcast_in_dim3A_112 = vector.broadcast %scan3A_110 : i32 to vector<16xi32>
        %gather3A = tpu.vector_load_idx %arg25[%broadcast_in_dim3A_112] : memref<64xf32, #tpu.memory_space<vmem>>[vector<16xi32>], vector<16xf32>,
        %get3A = arith.index_cast %scan3A_110 : i32 to index
        %get3A_113 = arith.constant 0 : index
        %get3A_114 = tpu.vector_load %arg26[%get3A, %get3A_113] {strides = array<i32>} : memref<64x128xf32, #tpu.memory_space<vmem>>, vector<16xf32>,
        %mul3A_115 = arith.mulf %get3A_114, %gather3A : vector<16xf32>
        %swap3A = arith.index_cast %scan3A_110 : i32 to index
        %swap3A_116 = arith.constant 0 : index
        %swap3A_117 = tpu.vector_load %arg26[%swap3A, %swap3A_116] {strides = array<i32>} : memref<64x128xf32, #tpu.memory_space<vmem>>, vector<16xf32>,
        tpu.vector_store %arg26[%swap3A, %swap3A_116], %mul3A_115 {strides = array<i32>} : memref<64x128xf32, #tpu.memory_space<vmem>>, vector<16xf32>,
        %get3A_118 = arith.index_cast %scan3A_110 : i32 to index
        %get3A_119 = arith.constant 16 : index
        %get3A_120 = tpu.vector_load %arg26[%get3A_118, %get3A_119] {strides = array<i32>} : memref<64x128xf32, #tpu.memory_space<vmem>>, vector<16xf32>,
        %mul3A_121 = arith.mulf %get3A_120, %gather3A : vector<16xf32>
        %swap3A_122 = arith.index_cast %scan3A_110 : i32 to index
        %swap3A_123 = arith.constant 16 : index
        %swap3A_124 = tpu.vector_load %arg26[%swap3A_122, %swap3A_123] {strides = array<i32>} : memref<64x128xf32, #tpu.memory_space<vmem>>, vector<16xf32>,
        tpu.vector_store %arg26[%swap3A_122, %swap3A_123], %mul3A_121 {strides = array<i32>} : memref<64x128xf32, #tpu.memory_space<vmem>>, vector<16xf32>,
        %get3A_125 = arith.index_cast %scan3A_110 : i32 to index
        %get3A_126 = arith.constant 32 : index
        %get3A_127 = tpu.vector_load %arg26[%get3A_125, %get3A_126] {strides = array<i32>} : memref<64x128xf32, #tpu.memory_space<vmem>>, vector<16xf32>,
        %mul3A_128 = arith.mulf %get3A_127, %gather3A : vector<16xf32>
        %swap3A_129 = arith.index_cast %scan3A_110 : i32 to index
        %swap3A_130 = arith.constant 32 : index
        %swap3A_131 = tpu.vector_load %arg26[%swap3A_129, %swap3A_130] {strides = array<i32>} : memref<64x128xf32, #tpu.memory_space<vmem>>, vector<16xf32>,
        tpu.vector_store %arg26[%swap3A_129, %swap3A_130], %mul3A_128 {strides = array<i32>} : memref<64x128xf32, #tpu.memory_space<vmem>>, vector<16xf32>,
        %get3A_132 = arith.index_cast %scan3A_110 : i32 to index
        %get3A_133 = arith.constant 48 : index
        %get3A_134 = tpu.vector_load %arg26[%get3A_132, %get3A_133] {strides = array<i32>} : memref<64x128xf32, #tpu.memory_space<vmem>>, vector<16xf32>,
        %mul3A_135 = arith.mulf %get3A_134, %gather3A : vector<16xf32>
        %swap3A_136 = arith.index_cast %scan3A_110 : i32 to index
        %swap3A_137 = arith.constant 48 : index
        %swap3A_138 = tpu.vector_load %arg26[%swap3A_136, %swap3A_137] {strides = array<i32>} : memref<64x128xf32, #tpu.memory_space<vmem>>, vector<16xf32>,
        tpu.vector_store %arg26[%swap3A_136, %swap3A_137], %mul3A_135 {strides = array<i32>} : memref<64x128xf32, #tpu.memory_space<vmem>>, vector<16xf32>,
        %get3A_139 = arith.index_cast %scan3A_110 : i32 to index
        %get3A_140 = arith.constant 64 : index
        %get3A_141 = tpu.vector_load %arg26[%get3A_139, %get3A_140] {strides = array<i32>} : memref<64x128xf32, #tpu.memory_space<vmem>>, vector<16xf32>,
        %mul3A_142 = arith.mulf %get3A_141, %gather3A : vector<16xf32>
        %swap3A_143 = arith.index_cast %scan3A_110 : i32 to index
        %swap3A_144 = arith.constant 64 : index
        %swap3A_145 = tpu.vector_load %arg26[%swap3A_143, %swap3A_144] {strides = array<i32>} : memref<64x128xf32, #tpu.memory_space<vmem>>, vector<16xf32>,
        tpu.vector_store %arg26[%swap3A_143, %swap3A_144], %mul3A_142 {strides = array<i32>} : memref<64x128xf32, #tpu.memory_space<vmem>>, vector<16xf32>,
        %get3A_146 = arith.index_cast %scan3A_110 : i32 to index
        %get3A_147 = arith.constant 80 : index
        %get3A_148 = tpu.vector_load %arg26[%get3A_146, %get3A_147] {strides = array<i32>} : memref<64x128xf32, #tpu.memory_space<vmem>>, vector<16xf32>,
        %mul3A_149 = arith.mulf %get3A_148, %gather3A : vector<16xf32>
        %swap3A_150 = arith.index_cast %scan3A_110 : i32 to index
        %swap3A_151 = arith.constant 80 : index
        %swap3A_152 = tpu.vector_load %arg26[%swap3A_150, %swap3A_151] {strides = array<i32>} : memref<64x128xf32, #tpu.memory_space<vmem>>, vector<16xf32>,
        tpu.vector_store %arg26[%swap3A_150, %swap3A_151], %mul3A_149 {strides = array<i32>} : memref<64x128xf32, #tpu.memory_space<vmem>>, vector<16xf32>,
        %get3A_153 = arith.index_cast %scan3A_110 : i32 to index
        %get3A_154 = arith.constant 96 : index
        %get3A_155 = tpu.vector_load %arg26[%get3A_153, %get3A_154] {strides = array<i32>} : memref<64x128xf32, #tpu.memory_space<vmem>>, vector<16xf32>,
        %mul3A_156 = arith.mulf %get3A_155, %gather3A : vector<16xf32>
        %swap3A_157 = arith.index_cast %scan3A_110 : i32 to index
        %swap3A_158 = arith.constant 96 : index
        %swap3A_159 = tpu.vector_load %arg26[%swap3A_157, %swap3A_158] {strides = array<i32>} : memref<64x128xf32, #tpu.memory_space<vmem>>, vector<16xf32>,
        tpu.vector_store %arg26[%swap3A_157, %swap3A_158], %mul3A_156 {strides = array<i32>} : memref<64x128xf32, #tpu.memory_space<vmem>>, vector<16xf32>,
        %get3A_160 = arith.index_cast %scan3A_110 : i32 to index
        %get3A_161 = arith.constant 112 : index
        %get3A_162 = tpu.vector_load %arg26[%get3A_160, %get3A_161] {strides = array<i32>} : memref<64x128xf32, #tpu.memory_space<vmem>>, vector<16xf32>,
        %mul3A_163 = arith.mulf %get3A_162, %gather3A : vector<16xf32>
        %swap3A_164 = arith.index_cast %scan3A_110 : i32 to index
        %swap3A_165 = arith.constant 112 : index
        %swap3A_166 = tpu.vector_load %arg26[%swap3A_164, %swap3A_165] {strides = array<i32>} : memref<64x128xf32, #tpu.memory_space<vmem>>, vector<16xf32>,
        tpu.vector_store %arg26[%swap3A_164, %swap3A_165], %mul3A_163 {strides = array<i32>} : memref<64x128xf32, #tpu.memory_space<vmem>>, vector<16xf32>,
        %scan3A_167 = arith.constant 0 : i32
        scf.yield %scan3A_167 : i32
      }
      %scan3A_108 = arith.constant 64 : i32
      "tpu.region"() ({
        %run_scoped3A = tpu.sem_alloc : memref<!tpu.dma_semaphore, #tpu.memory_space<semaphore_mem>>
        %dma_start3A = arith.constant 0 : i32
        %dma_start3A_110 = arith.constant 0 : i32
        %dma_start3A_111 = tpu.memref_slice %arg16[%dma_start3A, %dma_start3A_110] : memref<10240x128xf32, #tpu.memory_space<vmem_shared>> -> memref<10240x128xf32, #tpu.memory_space<vmem_shared>>
        tpu.enqueue_indirect_dma source(%arg26 : memref<64x128xf32, #tpu.memory_space<vmem>>) target(%dma_start3A_111 : memref<10240x128xf32, #tpu.memory_space<vmem_shared>>) offsets(%arg18 : memref<64xi32, #tpu.memory_space<vmem>>) semaphore(%run_scoped3A : memref<!tpu.dma_semaphore, #tpu.memory_space<semaphore_mem>>) {add = true}
        %dma_wait3A = arith.constant 0 : i32
        %dma_wait3A_112 = arith.constant 0 : i32
        %dma_wait3A_113 = tpu.memref_slice %arg16[%dma_wait3A, %dma_wait3A_112] : memref<10240x128xf32, #tpu.memory_space<vmem_shared>> -> memref<10240x128xf32, #tpu.memory_space<vmem_shared>>
        tpu.wait_indirect_dma semaphore(%run_scoped3A : memref<!tpu.dma_semaphore, #tpu.memory_space<semaphore_mem>>) src(%arg26 : memref<64x128xf32, #tpu.memory_space<vmem>>) dst(%dma_wait3A_113 : memref<10240x128xf32, #tpu.memory_space<vmem_shared>>)
        tpu.yield
      }) : () -> ()
      %scan3A_109 = arith.constant 0 : i32
      scf.yield %scan3A_109 : i32
    }
    %scan3A_86 = arith.constant 162 : i32
    %barrier3A_87 = arith.constant 0 : index
    tpu.barrier barrier_id(%barrier3A_87)
    %scan3A_88 = arith.constant 0 : i32
    %scan3A_89 = arith.constant 0 : i32
    %scan3A_90 = arith.constant 10 : i32
    %scan3A_91 = arith.addi %scan3A_89, %scan3A_90 : i32
    %scan3A_92 = arith.constant 1 : i32
    %scan3A_93 = scf.for %scan3A_95 = %scan3A_89 to %scan3A_91 step %scan3A_92 iter_args(%scan3A_96 = %scan3A_88) -> (i32)  : i32 {
      %mul3A_97 = arith.constant 64 : i32
      %mul3A_98 = arith.muli %scan3A_95, %mul3A_97 : i32
      %add3A_99 = arith.addi %mul3A_2, %mul3A_98 : i32
      "tpu.region"() ({
        %run_scoped3A = tpu.sem_alloc : memref<!tpu.dma_semaphore, #tpu.memory_space<semaphore_mem>>
        %dma_start3A = arith.constant 0 : i32
        %dma_start3A_101 = tpu.memref_slice %arg10[%arg0, %add3A_99, %dma_start3A] : memref<2x10240x128xf32, #tpu.memory_space<hbm>> -> memref<1x64x128xf32, #tpu.memory_space<hbm>>
        %dma_start3A_102 = tpu.memref_squeeze %dma_start3A_101 : memref<1x64x128xf32, #tpu.memory_space<hbm>> -> memref<64x128xf32, #tpu.memory_space<hbm>>
        %dma_start3A_103 = arith.constant 0 : i32
        %dma_start3A_104 = tpu.memref_slice %arg16[%add3A_99, %dma_start3A_103] : memref<10240x128xf32, #tpu.memory_space<vmem_shared>> -> memref<64x128xf32, #tpu.memory_space<vmem_shared>>
        tpu.enqueue_dma source(%dma_start3A_104 : memref<64x128xf32, #tpu.memory_space<vmem_shared>>) target(%dma_start3A_102 : memref<64x128xf32, #tpu.memory_space<hbm>>) target_semaphore(%run_scoped3A : memref<!tpu.dma_semaphore, #tpu.memory_space<semaphore_mem>>)
        %dma_wait3A = arith.constant 0 : i32
        %dma_wait3A_105 = tpu.memref_slice %arg10[%arg0, %add3A_99, %dma_wait3A] : memref<2x10240x128xf32, #tpu.memory_space<hbm>> -> memref<1x64x128xf32, #tpu.memory_space<hbm>>
        %dma_wait3A_106 = tpu.memref_squeeze %dma_wait3A_105 : memref<1x64x128xf32, #tpu.memory_space<hbm>> -> memref<64x128xf32, #tpu.memory_space<hbm>>
        %dma_wait3A_107 = arith.constant 0 : i32
        %dma_wait3A_108 = tpu.memref_slice %arg16[%add3A_99, %dma_wait3A_107] : memref<10240x128xf32, #tpu.memory_space<vmem_shared>> -> memref<64x128xf32, #tpu.memory_space<vmem_shared>>
        tpu.wait_dma2 semaphore(%run_scoped3A : memref<!tpu.dma_semaphore, #tpu.memory_space<semaphore_mem>>) src(%dma_wait3A_108 : memref<64x128xf32, #tpu.memory_space<vmem_shared>>) dst(%dma_wait3A_106 : memref<64x128xf32, #tpu.memory_space<hbm>>)
        tpu.yield
      }) : () -> ()
      %scan3A_100 = arith.constant 0 : i32
      scf.yield %scan3A_100 : i32
    }
    %scan3A_94 = arith.constant 10 : i32
    return
  }
}

#map = affine_map<(d0, d1) -> (0)>
#map1 = affine_map<(d0, d1) -> (0, 0)>
#map2 = affine_map<(d0, d1) -> (0, 0, 0)>
module attributes {stable_mosaic.version = 14 : i64} {
  func.func @sck(%arg0: i32, %arg1: i32, %arg2: memref<331776xi32, #tpu.memory_space<hbm>>, %arg3: memref<331776xi32, #tpu.memory_space<hbm>>, %arg4: memref<10240x128xf32, #tpu.memory_space<hbm>>, %arg5: memref<10240x128xf32, #tpu.memory_space<hbm>>, %arg6: memref<10240x128xf32, #tpu.memory_space<hbm>>, %arg7: memref<10240x128xf32, #tpu.memory_space<hbm>>, %arg8: memref<2x10240x128xf32, #tpu.memory_space<hbm>>, %arg9: memref<2x10240x128xf32, #tpu.memory_space<hbm>>, %arg10: memref<2x10240x128xf32, #tpu.memory_space<hbm>>, %arg11: memref<331776xf32, #tpu.memory_space<hbm>>, %arg12: memref<331776xf32, #tpu.memory_space<hbm>>, %arg13: memref<331776xf32, #tpu.memory_space<hbm>>, %arg14: memref<331776xf32, #tpu.memory_space<hbm>>, %arg15: memref<331776xf32, #tpu.memory_space<hbm>>, %arg16: memref<10240x128xf32, #tpu.memory_space<vmem_shared>>, %arg17: memref<64xi32, #tpu.memory_space<vmem>>, %arg18: memref<64xi32, #tpu.memory_space<vmem>>, %arg19: memref<64x128xf32, #tpu.memory_space<vmem>>, %arg20: memref<64x128xf32, #tpu.memory_space<vmem>>, %arg21: memref<64xf32, #tpu.memory_space<vmem>>, %arg22: memref<64xf32, #tpu.memory_space<vmem>>, %arg23: memref<64xf32, #tpu.memory_space<vmem>>, %arg24: memref<64xf32, #tpu.memory_space<vmem>>, %arg25: memref<64xf32, #tpu.memory_space<vmem>>, %arg26: memref<64x128xf32, #tpu.memory_space<vmem>>) attributes {dimension_semantics = [#tpu.dimension_semantics<core_parallel>, #tpu.dimension_semantics<subcore_parallel>], iteration_bounds = array<i64: 2, 16>, scalar_prefetch = 0 : i64, scratch_operands = 11 : i64, tpu.core_type = #tpu.core_type<sc_vector_subcore>, window_params = [{transform_indices = #map}, {transform_indices = #map}, {transform_indices = #map1}, {transform_indices = #map1}, {transform_indices = #map1}, {transform_indices = #map1}, {transform_indices = #map2}, {transform_indices = #map2}, {transform_indices = #map2}, {transform_indices = #map}, {transform_indices = #map}, {transform_indices = #map}, {transform_indices = #map}, {transform_indices = #map}]} {
    %mul3A = arith.constant 2 : i32
    %mul3A_0 = arith.muli %arg1, %mul3A : i32
    %add3A = arith.addi %mul3A_0, %arg0 : i32
    %mul3A_1 = arith.constant 640 : i32
    %mul3A_2 = arith.muli %arg1, %mul3A_1 : i32
    %broadcast_in_dim3A = arith.constant 0.000000e+00 : f32
    %broadcast_in_dim3A_3 = vector.broadcast %broadcast_in_dim3A : f32 to vector<16xf32>
    %iota3A = tpu.iota {dimensions = array<i32: 0>} : vector<16xi32>
    %lt3A = arith.constant 8 : i32
    %lt3A_4 = vector.broadcast %lt3A : i32 to vector<16xi32>
    %lt3A_5 = arith.cmpi slt, %iota3A, %lt3A_4 : vector<16xi32>
    %convert_element_type3A = arith.extui %lt3A_5 : vector<16xi1> to vector<16xi32>
    %convert_element_type3A_6 = arith.sitofp %convert_element_type3A : vector<16xi32> to vector<16xf32>
    %scan3A = arith.constant 0 : i32
    %scan3A_7 = arith.constant 0 : i32
    %scan3A_8 = arith.constant 64 : i32
    %scan3A_9 = arith.addi %scan3A_7, %scan3A_8 : i32
    %scan3A_10 = arith.constant 1 : i32
    %scan3A_11 = scf.for %scan3A_95 = %scan3A_7 to %scan3A_9 step %scan3A_10 iter_args(%scan3A_96 = %scan3A) -> (i32)  : i32 {
      %swap3A = arith.index_cast %scan3A_95 : i32 to index
      %swap3A_97 = arith.constant 0 : index
      %swap3A_98 = tpu.vector_load %arg26[%swap3A, %swap3A_97] {strides = array<i32>} : memref<64x128xf32, #tpu.memory_space<vmem>>, vector<16xf32>,
      tpu.vector_store %arg26[%swap3A, %swap3A_97], %broadcast_in_dim3A_3 {strides = array<i32>} : memref<64x128xf32, #tpu.memory_space<vmem>>, vector<16xf32>,
      %swap3A_99 = arith.index_cast %scan3A_95 : i32 to index
      %swap3A_100 = arith.constant 16 : index
      %swap3A_101 = tpu.vector_load %arg26[%swap3A_99, %swap3A_100] {strides = array<i32>} : memref<64x128xf32, #tpu.memory_space<vmem>>, vector<16xf32>,
      tpu.vector_store %arg26[%swap3A_99, %swap3A_100], %broadcast_in_dim3A_3 {strides = array<i32>} : memref<64x128xf32, #tpu.memory_space<vmem>>, vector<16xf32>,
      %swap3A_102 = arith.index_cast %scan3A_95 : i32 to index
      %swap3A_103 = arith.constant 32 : index
      %swap3A_104 = tpu.vector_load %arg26[%swap3A_102, %swap3A_103] {strides = array<i32>} : memref<64x128xf32, #tpu.memory_space<vmem>>, vector<16xf32>,
      tpu.vector_store %arg26[%swap3A_102, %swap3A_103], %broadcast_in_dim3A_3 {strides = array<i32>} : memref<64x128xf32, #tpu.memory_space<vmem>>, vector<16xf32>,
      %swap3A_105 = arith.index_cast %scan3A_95 : i32 to index
      %swap3A_106 = arith.constant 48 : index
      %swap3A_107 = tpu.vector_load %arg26[%swap3A_105, %swap3A_106] {strides = array<i32>} : memref<64x128xf32, #tpu.memory_space<vmem>>, vector<16xf32>,
      tpu.vector_store %arg26[%swap3A_105, %swap3A_106], %broadcast_in_dim3A_3 {strides = array<i32>} : memref<64x128xf32, #tpu.memory_space<vmem>>, vector<16xf32>,
      %swap3A_108 = arith.index_cast %scan3A_95 : i32 to index
      %swap3A_109 = arith.constant 64 : index
      %swap3A_110 = tpu.vector_load %arg26[%swap3A_108, %swap3A_109] {strides = array<i32>} : memref<64x128xf32, #tpu.memory_space<vmem>>, vector<16xf32>,
      tpu.vector_store %arg26[%swap3A_108, %swap3A_109], %broadcast_in_dim3A_3 {strides = array<i32>} : memref<64x128xf32, #tpu.memory_space<vmem>>, vector<16xf32>,
      %swap3A_111 = arith.index_cast %scan3A_95 : i32 to index
      %swap3A_112 = arith.constant 80 : index
      %swap3A_113 = tpu.vector_load %arg26[%swap3A_111, %swap3A_112] {strides = array<i32>} : memref<64x128xf32, #tpu.memory_space<vmem>>, vector<16xf32>,
      tpu.vector_store %arg26[%swap3A_111, %swap3A_112], %broadcast_in_dim3A_3 {strides = array<i32>} : memref<64x128xf32, #tpu.memory_space<vmem>>, vector<16xf32>,
      %swap3A_114 = arith.index_cast %scan3A_95 : i32 to index
      %swap3A_115 = arith.constant 96 : index
      %swap3A_116 = tpu.vector_load %arg26[%swap3A_114, %swap3A_115] {strides = array<i32>} : memref<64x128xf32, #tpu.memory_space<vmem>>, vector<16xf32>,
      tpu.vector_store %arg26[%swap3A_114, %swap3A_115], %broadcast_in_dim3A_3 {strides = array<i32>} : memref<64x128xf32, #tpu.memory_space<vmem>>, vector<16xf32>,
      %swap3A_117 = arith.index_cast %scan3A_95 : i32 to index
      %swap3A_118 = arith.constant 112 : index
      %swap3A_119 = tpu.vector_load %arg26[%swap3A_117, %swap3A_118] {strides = array<i32>} : memref<64x128xf32, #tpu.memory_space<vmem>>, vector<16xf32>,
      tpu.vector_store %arg26[%swap3A_117, %swap3A_118], %broadcast_in_dim3A_3 {strides = array<i32>} : memref<64x128xf32, #tpu.memory_space<vmem>>, vector<16xf32>,
      %scan3A_120 = arith.constant 0 : i32
      scf.yield %scan3A_120 : i32
    }
    %scan3A_12 = arith.constant 64 : i32
    %scan3A_13 = arith.constant 0 : i32
    %scan3A_14 = arith.constant 0 : i32
    %scan3A_15 = arith.constant 10 : i32
    %scan3A_16 = arith.addi %scan3A_14, %scan3A_15 : i32
    %scan3A_17 = arith.constant 1 : i32
    %scan3A_18 = scf.for %scan3A_95 = %scan3A_14 to %scan3A_16 step %scan3A_17 iter_args(%scan3A_96 = %scan3A_13) -> (i32)  : i32 {
      %mul3A_97 = arith.constant 64 : i32
      %mul3A_98 = arith.muli %scan3A_95, %mul3A_97 : i32
      %add3A_99 = arith.addi %mul3A_2, %mul3A_98 : i32
      "tpu.region"() ({
        %run_scoped3A = tpu.sem_alloc : memref<!tpu.dma_semaphore, #tpu.memory_space<semaphore_mem>>
        %dma_start3A = arith.constant 0 : i32
        %dma_start3A_101 = tpu.memref_slice %arg16[%add3A_99, %dma_start3A] : memref<10240x128xf32, #tpu.memory_space<vmem_shared>> -> memref<64x128xf32, #tpu.memory_space<vmem_shared>>
        %dma_start3A_102 = arith.constant 0 : i32
        %dma_start3A_103 = tpu.memref_slice %arg16[%add3A_99, %dma_start3A_102] : memref<10240x128xf32, #tpu.memory_space<vmem_shared>> -> memref<64x128xf32, #tpu.memory_space<vmem_shared>>
        tpu.enqueue_dma source(%arg26 : memref<64x128xf32, #tpu.memory_space<vmem>>) target(%dma_start3A_103 : memref<64x128xf32, #tpu.memory_space<vmem_shared>>) target_semaphore(%run_scoped3A : memref<!tpu.dma_semaphore, #tpu.memory_space<semaphore_mem>>)
        %dma_wait3A = arith.constant 0 : i32
        %dma_wait3A_104 = tpu.memref_slice %arg16[%add3A_99, %dma_wait3A] : memref<10240x128xf32, #tpu.memory_space<vmem_shared>> -> memref<64x128xf32, #tpu.memory_space<vmem_shared>>
        %dma_wait3A_105 = arith.constant 0 : i32
        %dma_wait3A_106 = tpu.memref_slice %arg16[%add3A_99, %dma_wait3A_105] : memref<10240x128xf32, #tpu.memory_space<vmem_shared>> -> memref<64x128xf32, #tpu.memory_space<vmem_shared>>
        tpu.wait_dma2 semaphore(%run_scoped3A : memref<!tpu.dma_semaphore, #tpu.memory_space<semaphore_mem>>) src(%arg26 : memref<64x128xf32, #tpu.memory_space<vmem>>) dst(%dma_wait3A_106 : memref<64x128xf32, #tpu.memory_space<vmem_shared>>)
        tpu.yield
      }) : () -> ()
      %scan3A_100 = arith.constant 0 : i32
      scf.yield %scan3A_100 : i32
    }
    %scan3A_19 = arith.constant 10 : i32
    %barrier3A = arith.constant 0 : index
    tpu.barrier barrier_id(%barrier3A)
    %scan3A_20 = arith.constant 0 : i32
    %scan3A_21 = arith.constant 0 : i32
    %scan3A_22 = arith.constant 162 : i32
    %scan3A_23 = arith.addi %scan3A_21, %scan3A_22 : i32
    %scan3A_24 = arith.constant 1 : i32
    %scan3A_25 = scf.for %scan3A_95 = %scan3A_21 to %scan3A_23 step %scan3A_24 iter_args(%scan3A_96 = %scan3A_20) -> (i32)  : i32 {
      %mul3A_97 = arith.constant 162 : i32
      %mul3A_98 = arith.muli %add3A, %mul3A_97 : i32
      %add3A_99 = arith.addi %mul3A_98, %scan3A_95 : i32
      %mul3A_100 = arith.constant 64 : i32
      %mul3A_101 = arith.muli %add3A_99, %mul3A_100 : i32
      "tpu.region"() ({
        %run_scoped3A = tpu.sem_alloc : memref<!tpu.dma_semaphore, #tpu.memory_space<semaphore_mem>>
        %dma_start3A = tpu.memref_slice %arg2[%mul3A_101] : memref<331776xi32, #tpu.memory_space<hbm>> -> memref<64xi32, #tpu.memory_space<hbm>>
        %dma_start3A_117 = tpu.memref_slice %arg2[%mul3A_101] : memref<331776xi32, #tpu.memory_space<hbm>> -> memref<64xi32, #tpu.memory_space<hbm>>
        tpu.enqueue_dma source(%dma_start3A_117 : memref<64xi32, #tpu.memory_space<hbm>>) target(%arg17 : memref<64xi32, #tpu.memory_space<vmem>>) target_semaphore(%run_scoped3A : memref<!tpu.dma_semaphore, #tpu.memory_space<semaphore_mem>>)
        %dma_wait3A = tpu.memref_slice %arg2[%mul3A_101] : memref<331776xi32, #tpu.memory_space<hbm>> -> memref<64xi32, #tpu.memory_space<hbm>>
        %dma_wait3A_118 = tpu.memref_slice %arg2[%mul3A_101] : memref<331776xi32, #tpu.memory_space<hbm>> -> memref<64xi32, #tpu.memory_space<hbm>>
        tpu.wait_dma2 semaphore(%run_scoped3A : memref<!tpu.dma_semaphore, #tpu.memory_space<semaphore_mem>>) src(%dma_wait3A_118 : memref<64xi32, #tpu.memory_space<hbm>>) dst(%arg17 : memref<64xi32, #tpu.memory_space<vmem>>)
        tpu.yield
      }) : () -> ()
      "tpu.region"() ({
        %run_scoped3A = tpu.sem_alloc : memref<!tpu.dma_semaphore, #tpu.memory_space<semaphore_mem>>
        %dma_start3A = tpu.memref_slice %arg3[%mul3A_101] : memref<331776xi32, #tpu.memory_space<hbm>> -> memref<64xi32, #tpu.memory_space<hbm>>
        %dma_start3A_117 = tpu.memref_slice %arg3[%mul3A_101] : memref<331776xi32, #tpu.memory_space<hbm>> -> memref<64xi32, #tpu.memory_space<hbm>>
        tpu.enqueue_dma source(%dma_start3A_117 : memref<64xi32, #tpu.memory_space<hbm>>) target(%arg18 : memref<64xi32, #tpu.memory_space<vmem>>) target_semaphore(%run_scoped3A : memref<!tpu.dma_semaphore, #tpu.memory_space<semaphore_mem>>)
        %dma_wait3A = tpu.memref_slice %arg3[%mul3A_101] : memref<331776xi32, #tpu.memory_space<hbm>> -> memref<64xi32, #tpu.memory_space<hbm>>
        %dma_wait3A_118 = tpu.memref_slice %arg3[%mul3A_101] : memref<331776xi32, #tpu.memory_space<hbm>> -> memref<64xi32, #tpu.memory_space<hbm>>
        tpu.wait_dma2 semaphore(%run_scoped3A : memref<!tpu.dma_semaphore, #tpu.memory_space<semaphore_mem>>) src(%dma_wait3A_118 : memref<64xi32, #tpu.memory_space<hbm>>) dst(%arg18 : memref<64xi32, #tpu.memory_space<vmem>>)
        tpu.yield
      }) : () -> ()
      "tpu.region"() ({
        %run_scoped3A = tpu.sem_alloc : memref<!tpu.dma_semaphore, #tpu.memory_space<semaphore_mem>>
        %dma_start3A = arith.constant 0 : i32
        %dma_start3A_117 = arith.constant 0 : i32
        %dma_start3A_118 = tpu.memref_slice %arg7[%dma_start3A, %dma_start3A_117] : memref<10240x128xf32, #tpu.memory_space<hbm>> -> memref<10240x128xf32, #tpu.memory_space<hbm>>
        tpu.enqueue_indirect_dma source(%dma_start3A_118 : memref<10240x128xf32, #tpu.memory_space<hbm>>) target(%arg19 : memref<64x128xf32, #tpu.memory_space<vmem>>) offsets(%arg17 : memref<64xi32, #tpu.memory_space<vmem>>) semaphore(%run_scoped3A : memref<!tpu.dma_semaphore, #tpu.memory_space<semaphore_mem>>)
        %dma_wait3A = arith.constant 0 : i32
        %dma_wait3A_119 = arith.constant 0 : i32
        %dma_wait3A_120 = tpu.memref_slice %arg7[%dma_wait3A, %dma_wait3A_119] : memref<10240x128xf32, #tpu.memory_space<hbm>> -> memref<10240x128xf32, #tpu.memory_space<hbm>>
        tpu.wait_indirect_dma semaphore(%run_scoped3A : memref<!tpu.dma_semaphore, #tpu.memory_space<semaphore_mem>>) src(%dma_wait3A_120 : memref<10240x128xf32, #tpu.memory_space<hbm>>) dst(%arg19 : memref<64x128xf32, #tpu.memory_space<vmem>>)
        tpu.yield
      }) : () -> ()
      "tpu.region"() ({
        %run_scoped3A = tpu.sem_alloc : memref<!tpu.dma_semaphore, #tpu.memory_space<semaphore_mem>>
        %dma_start3A = arith.constant 0 : i32
        %dma_start3A_117 = arith.constant 0 : i32
        %dma_start3A_118 = tpu.memref_slice %arg7[%dma_start3A, %dma_start3A_117] : memref<10240x128xf32, #tpu.memory_space<hbm>> -> memref<10240x128xf32, #tpu.memory_space<hbm>>
        tpu.enqueue_indirect_dma source(%dma_start3A_118 : memref<10240x128xf32, #tpu.memory_space<hbm>>) target(%arg20 : memref<64x128xf32, #tpu.memory_space<vmem>>) offsets(%arg18 : memref<64xi32, #tpu.memory_space<vmem>>) semaphore(%run_scoped3A : memref<!tpu.dma_semaphore, #tpu.memory_space<semaphore_mem>>)
        %dma_wait3A = arith.constant 0 : i32
        %dma_wait3A_119 = arith.constant 0 : i32
        %dma_wait3A_120 = tpu.memref_slice %arg7[%dma_wait3A, %dma_wait3A_119] : memref<10240x128xf32, #tpu.memory_space<hbm>> -> memref<10240x128xf32, #tpu.memory_space<hbm>>
        tpu.wait_indirect_dma semaphore(%run_scoped3A : memref<!tpu.dma_semaphore, #tpu.memory_space<semaphore_mem>>) src(%dma_wait3A_120 : memref<10240x128xf32, #tpu.memory_space<hbm>>) dst(%arg20 : memref<64x128xf32, #tpu.memory_space<vmem>>)
        tpu.yield
      }) : () -> ()
      %scan3A_102 = arith.constant 0 : i32
      %scan3A_103 = arith.constant 0 : i32
      %scan3A_104 = arith.constant 4 : i32
      %scan3A_105 = arith.addi %scan3A_103, %scan3A_104 : i32
      %scan3A_106 = arith.constant 1 : i32
      %scan3A_107 = scf.for %scan3A_117 = %scan3A_103 to %scan3A_105 step %scan3A_106 iter_args(%scan3A_118 = %scan3A_102) -> (i32)  : i32 {
        %iota3A_119 = tpu.iota {dimensions = array<i32: 0>} : vector<16xi32>
        %mul3A_120 = arith.constant 16 : i32
        %mul3A_121 = arith.muli %mul3A_120, %scan3A_117 : i32
        %add3A_122 = vector.broadcast %mul3A_121 : i32 to vector<16xi32>
        %add3A_123 = arith.addi %iota3A_119, %add3A_122 : vector<16xi32>
        %broadcast_in_dim3A_124 = arith.constant 0 : i32
        %broadcast_in_dim3A_125 = vector.broadcast %broadcast_in_dim3A_124 : i32 to vector<16xi32>
        %gather3A = tpu.vector_load_idx %arg19[%add3A_123, %broadcast_in_dim3A_125] : memref<64x128xf32, #tpu.memory_space<vmem>>[vector<16xi32>, vector<16xi32>], vector<16xf32>,
        %broadcast_in_dim3A_126 = arith.constant 8 : i32
        %broadcast_in_dim3A_127 = vector.broadcast %broadcast_in_dim3A_126 : i32 to vector<16xi32>
        %gather3A_128 = tpu.vector_load_idx %arg20[%add3A_123, %broadcast_in_dim3A_127] : memref<64x128xf32, #tpu.memory_space<vmem>>[vector<16xi32>, vector<16xi32>], vector<16xf32>,
        %add3A_129 = arith.addf %gather3A, %gather3A_128 : vector<16xf32>
        %gt3A = arith.constant 0.000000e+00 : f32
        %gt3A_130 = vector.broadcast %gt3A : f32 to vector<16xf32>
        %gt3A_131 = arith.cmpf ogt, %add3A_129, %gt3A_130 : vector<16xf32>
        %mul3A_132 = arith.constant 2.000000e-01 : f32
        %mul3A_133 = vector.broadcast %mul3A_132 : f32 to vector<16xf32>
        %mul3A_134 = arith.mulf %mul3A_133, %add3A_129 : vector<16xf32>
        %select_n3A = arith.select %gt3A_131, %add3A_129, %mul3A_134 : vector<16xi1>, vector<16xf32>
        %exp3A = math.exp %select_n3A : vector<16xf32>
        %mul3A_135 = arith.constant 16 : i32
        %mul3A_136 = arith.muli %mul3A_135, %scan3A_117 : i32
        %swap3A = arith.index_cast %mul3A_136 : i32 to index
        %swap3A_137 = tpu.vector_load %arg21[%swap3A] {strides = array<i32>} : memref<64xf32, #tpu.memory_space<vmem>>, vector<16xf32>,
        tpu.vector_store %arg21[%swap3A], %exp3A {strides = array<i32>} : memref<64xf32, #tpu.memory_space<vmem>>, vector<16xf32>,
        %broadcast_in_dim3A_138 = arith.constant 1 : i32
        %broadcast_in_dim3A_139 = vector.broadcast %broadcast_in_dim3A_138 : i32 to vector<16xi32>
        %gather3A_140 = tpu.vector_load_idx %arg19[%add3A_123, %broadcast_in_dim3A_139] : memref<64x128xf32, #tpu.memory_space<vmem>>[vector<16xi32>, vector<16xi32>], vector<16xf32>,
        %broadcast_in_dim3A_141 = arith.constant 9 : i32
        %broadcast_in_dim3A_142 = vector.broadcast %broadcast_in_dim3A_141 : i32 to vector<16xi32>
        %gather3A_143 = tpu.vector_load_idx %arg20[%add3A_123, %broadcast_in_dim3A_142] : memref<64x128xf32, #tpu.memory_space<vmem>>[vector<16xi32>, vector<16xi32>], vector<16xf32>,
        %add3A_144 = arith.addf %gather3A_140, %gather3A_143 : vector<16xf32>
        %gt3A_145 = arith.constant 0.000000e+00 : f32
        %gt3A_146 = vector.broadcast %gt3A_145 : f32 to vector<16xf32>
        %gt3A_147 = arith.cmpf ogt, %add3A_144, %gt3A_146 : vector<16xf32>
        %mul3A_148 = arith.constant 2.000000e-01 : f32
        %mul3A_149 = vector.broadcast %mul3A_148 : f32 to vector<16xf32>
        %mul3A_150 = arith.mulf %mul3A_149, %add3A_144 : vector<16xf32>
        %select_n3A_151 = arith.select %gt3A_147, %add3A_144, %mul3A_150 : vector<16xi1>, vector<16xf32>
        %exp3A_152 = math.exp %select_n3A_151 : vector<16xf32>
        %mul3A_153 = arith.constant 16 : i32
        %mul3A_154 = arith.muli %mul3A_153, %scan3A_117 : i32
        %swap3A_155 = arith.index_cast %mul3A_154 : i32 to index
        %swap3A_156 = tpu.vector_load %arg22[%swap3A_155] {strides = array<i32>} : memref<64xf32, #tpu.memory_space<vmem>>, vector<16xf32>,
        tpu.vector_store %arg22[%swap3A_155], %exp3A_152 {strides = array<i32>} : memref<64xf32, #tpu.memory_space<vmem>>, vector<16xf32>,
        %broadcast_in_dim3A_157 = arith.constant 2 : i32
        %broadcast_in_dim3A_158 = vector.broadcast %broadcast_in_dim3A_157 : i32 to vector<16xi32>
        %gather3A_159 = tpu.vector_load_idx %arg19[%add3A_123, %broadcast_in_dim3A_158] : memref<64x128xf32, #tpu.memory_space<vmem>>[vector<16xi32>, vector<16xi32>], vector<16xf32>,
        %broadcast_in_dim3A_160 = arith.constant 10 : i32
        %broadcast_in_dim3A_161 = vector.broadcast %broadcast_in_dim3A_160 : i32 to vector<16xi32>
        %gather3A_162 = tpu.vector_load_idx %arg20[%add3A_123, %broadcast_in_dim3A_161] : memref<64x128xf32, #tpu.memory_space<vmem>>[vector<16xi32>, vector<16xi32>], vector<16xf32>,
        %add3A_163 = arith.addf %gather3A_159, %gather3A_162 : vector<16xf32>
        %gt3A_164 = arith.constant 0.000000e+00 : f32
        %gt3A_165 = vector.broadcast %gt3A_164 : f32 to vector<16xf32>
        %gt3A_166 = arith.cmpf ogt, %add3A_163, %gt3A_165 : vector<16xf32>
        %mul3A_167 = arith.constant 2.000000e-01 : f32
        %mul3A_168 = vector.broadcast %mul3A_167 : f32 to vector<16xf32>
        %mul3A_169 = arith.mulf %mul3A_168, %add3A_163 : vector<16xf32>
        %select_n3A_170 = arith.select %gt3A_166, %add3A_163, %mul3A_169 : vector<16xi1>, vector<16xf32>
        %exp3A_171 = math.exp %select_n3A_170 : vector<16xf32>
        %mul3A_172 = arith.constant 16 : i32
        %mul3A_173 = arith.muli %mul3A_172, %scan3A_117 : i32
        %swap3A_174 = arith.index_cast %mul3A_173 : i32 to index
        %swap3A_175 = tpu.vector_load %arg23[%swap3A_174] {strides = array<i32>} : memref<64xf32, #tpu.memory_space<vmem>>, vector<16xf32>,
        tpu.vector_store %arg23[%swap3A_174], %exp3A_171 {strides = array<i32>} : memref<64xf32, #tpu.memory_space<vmem>>, vector<16xf32>,
        %broadcast_in_dim3A_176 = arith.constant 3 : i32
        %broadcast_in_dim3A_177 = vector.broadcast %broadcast_in_dim3A_176 : i32 to vector<16xi32>
        %gather3A_178 = tpu.vector_load_idx %arg19[%add3A_123, %broadcast_in_dim3A_177] : memref<64x128xf32, #tpu.memory_space<vmem>>[vector<16xi32>, vector<16xi32>], vector<16xf32>,
        %broadcast_in_dim3A_179 = arith.constant 11 : i32
        %broadcast_in_dim3A_180 = vector.broadcast %broadcast_in_dim3A_179 : i32 to vector<16xi32>
        %gather3A_181 = tpu.vector_load_idx %arg20[%add3A_123, %broadcast_in_dim3A_180] : memref<64x128xf32, #tpu.memory_space<vmem>>[vector<16xi32>, vector<16xi32>], vector<16xf32>,
        %add3A_182 = arith.addf %gather3A_178, %gather3A_181 : vector<16xf32>
        %gt3A_183 = arith.constant 0.000000e+00 : f32
        %gt3A_184 = vector.broadcast %gt3A_183 : f32 to vector<16xf32>
        %gt3A_185 = arith.cmpf ogt, %add3A_182, %gt3A_184 : vector<16xf32>
        %mul3A_186 = arith.constant 2.000000e-01 : f32
        %mul3A_187 = vector.broadcast %mul3A_186 : f32 to vector<16xf32>
        %mul3A_188 = arith.mulf %mul3A_187, %add3A_182 : vector<16xf32>
        %select_n3A_189 = arith.select %gt3A_185, %add3A_182, %mul3A_188 : vector<16xi1>, vector<16xf32>
        %exp3A_190 = math.exp %select_n3A_189 : vector<16xf32>
        %mul3A_191 = arith.constant 16 : i32
        %mul3A_192 = arith.muli %mul3A_191, %scan3A_117 : i32
        %swap3A_193 = arith.index_cast %mul3A_192 : i32 to index
        %swap3A_194 = tpu.vector_load %arg24[%swap3A_193] {strides = array<i32>} : memref<64xf32, #tpu.memory_space<vmem>>, vector<16xf32>,
        tpu.vector_store %arg24[%swap3A_193], %exp3A_190 {strides = array<i32>} : memref<64xf32, #tpu.memory_space<vmem>>, vector<16xf32>,
        %broadcast_in_dim3A_195 = arith.constant 4 : i32
        %broadcast_in_dim3A_196 = vector.broadcast %broadcast_in_dim3A_195 : i32 to vector<16xi32>
        %gather3A_197 = tpu.vector_load_idx %arg19[%add3A_123, %broadcast_in_dim3A_196] : memref<64x128xf32, #tpu.memory_space<vmem>>[vector<16xi32>, vector<16xi32>], vector<16xf32>,
        %broadcast_in_dim3A_198 = arith.constant 12 : i32
        %broadcast_in_dim3A_199 = vector.broadcast %broadcast_in_dim3A_198 : i32 to vector<16xi32>
        %gather3A_200 = tpu.vector_load_idx %arg20[%add3A_123, %broadcast_in_dim3A_199] : memref<64x128xf32, #tpu.memory_space<vmem>>[vector<16xi32>, vector<16xi32>], vector<16xf32>,
        %add3A_201 = arith.addf %gather3A_197, %gather3A_200 : vector<16xf32>
        %gt3A_202 = arith.constant 0.000000e+00 : f32
        %gt3A_203 = vector.broadcast %gt3A_202 : f32 to vector<16xf32>
        %gt3A_204 = arith.cmpf ogt, %add3A_201, %gt3A_203 : vector<16xf32>
        %mul3A_205 = arith.constant 2.000000e-01 : f32
        %mul3A_206 = vector.broadcast %mul3A_205 : f32 to vector<16xf32>
        %mul3A_207 = arith.mulf %mul3A_206, %add3A_201 : vector<16xf32>
        %select_n3A_208 = arith.select %gt3A_204, %add3A_201, %mul3A_207 : vector<16xi1>, vector<16xf32>
        %exp3A_209 = math.exp %select_n3A_208 : vector<16xf32>
        %mul3A_210 = arith.constant 16 : i32
        %mul3A_211 = arith.muli %mul3A_210, %scan3A_117 : i32
        %swap3A_212 = arith.index_cast %mul3A_211 : i32 to index
        %swap3A_213 = tpu.vector_load %arg25[%swap3A_212] {strides = array<i32>} : memref<64xf32, #tpu.memory_space<vmem>>, vector<16xf32>,
        tpu.vector_store %arg25[%swap3A_212], %exp3A_209 {strides = array<i32>} : memref<64xf32, #tpu.memory_space<vmem>>, vector<16xf32>,
        %scan3A_214 = arith.constant 0 : i32
        scf.yield %scan3A_214 : i32
      }
      %scan3A_108 = arith.constant 4 : i32
      "tpu.region"() ({
        %run_scoped3A = tpu.sem_alloc : memref<!tpu.dma_semaphore, #tpu.memory_space<semaphore_mem>>
        %dma_start3A = tpu.memref_slice %arg11[%mul3A_101] : memref<331776xf32, #tpu.memory_space<hbm>> -> memref<64xf32, #tpu.memory_space<hbm>>
        %dma_start3A_117 = tpu.memref_slice %arg11[%mul3A_101] : memref<331776xf32, #tpu.memory_space<hbm>> -> memref<64xf32, #tpu.memory_space<hbm>>
        tpu.enqueue_dma source(%arg21 : memref<64xf32, #tpu.memory_space<vmem>>) target(%dma_start3A_117 : memref<64xf32, #tpu.memory_space<hbm>>) target_semaphore(%run_scoped3A : memref<!tpu.dma_semaphore, #tpu.memory_space<semaphore_mem>>)
        %dma_wait3A = tpu.memref_slice %arg11[%mul3A_101] : memref<331776xf32, #tpu.memory_space<hbm>> -> memref<64xf32, #tpu.memory_space<hbm>>
        %dma_wait3A_118 = tpu.memref_slice %arg11[%mul3A_101] : memref<331776xf32, #tpu.memory_space<hbm>> -> memref<64xf32, #tpu.memory_space<hbm>>
        tpu.wait_dma2 semaphore(%run_scoped3A : memref<!tpu.dma_semaphore, #tpu.memory_space<semaphore_mem>>) src(%arg21 : memref<64xf32, #tpu.memory_space<vmem>>) dst(%dma_wait3A_118 : memref<64xf32, #tpu.memory_space<hbm>>)
        tpu.yield
      }) : () -> ()
      "tpu.region"() ({
        %run_scoped3A = tpu.sem_alloc : memref<!tpu.dma_semaphore, #tpu.memory_space<semaphore_mem>>
        %dma_start3A = tpu.memref_slice %arg12[%mul3A_101] : memref<331776xf32, #tpu.memory_space<hbm>> -> memref<64xf32, #tpu.memory_space<hbm>>
        %dma_start3A_117 = tpu.memref_slice %arg12[%mul3A_101] : memref<331776xf32, #tpu.memory_space<hbm>> -> memref<64xf32, #tpu.memory_space<hbm>>
        tpu.enqueue_dma source(%arg22 : memref<64xf32, #tpu.memory_space<vmem>>) target(%dma_start3A_117 : memref<64xf32, #tpu.memory_space<hbm>>) target_semaphore(%run_scoped3A : memref<!tpu.dma_semaphore, #tpu.memory_space<semaphore_mem>>)
        %dma_wait3A = tpu.memref_slice %arg12[%mul3A_101] : memref<331776xf32, #tpu.memory_space<hbm>> -> memref<64xf32, #tpu.memory_space<hbm>>
        %dma_wait3A_118 = tpu.memref_slice %arg12[%mul3A_101] : memref<331776xf32, #tpu.memory_space<hbm>> -> memref<64xf32, #tpu.memory_space<hbm>>
        tpu.wait_dma2 semaphore(%run_scoped3A : memref<!tpu.dma_semaphore, #tpu.memory_space<semaphore_mem>>) src(%arg22 : memref<64xf32, #tpu.memory_space<vmem>>) dst(%dma_wait3A_118 : memref<64xf32, #tpu.memory_space<hbm>>)
        tpu.yield
      }) : () -> ()
      "tpu.region"() ({
        %run_scoped3A = tpu.sem_alloc : memref<!tpu.dma_semaphore, #tpu.memory_space<semaphore_mem>>
        %dma_start3A = tpu.memref_slice %arg13[%mul3A_101] : memref<331776xf32, #tpu.memory_space<hbm>> -> memref<64xf32, #tpu.memory_space<hbm>>
        %dma_start3A_117 = tpu.memref_slice %arg13[%mul3A_101] : memref<331776xf32, #tpu.memory_space<hbm>> -> memref<64xf32, #tpu.memory_space<hbm>>
        tpu.enqueue_dma source(%arg23 : memref<64xf32, #tpu.memory_space<vmem>>) target(%dma_start3A_117 : memref<64xf32, #tpu.memory_space<hbm>>) target_semaphore(%run_scoped3A : memref<!tpu.dma_semaphore, #tpu.memory_space<semaphore_mem>>)
        %dma_wait3A = tpu.memref_slice %arg13[%mul3A_101] : memref<331776xf32, #tpu.memory_space<hbm>> -> memref<64xf32, #tpu.memory_space<hbm>>
        %dma_wait3A_118 = tpu.memref_slice %arg13[%mul3A_101] : memref<331776xf32, #tpu.memory_space<hbm>> -> memref<64xf32, #tpu.memory_space<hbm>>
        tpu.wait_dma2 semaphore(%run_scoped3A : memref<!tpu.dma_semaphore, #tpu.memory_space<semaphore_mem>>) src(%arg23 : memref<64xf32, #tpu.memory_space<vmem>>) dst(%dma_wait3A_118 : memref<64xf32, #tpu.memory_space<hbm>>)
        tpu.yield
      }) : () -> ()
      "tpu.region"() ({
        %run_scoped3A = tpu.sem_alloc : memref<!tpu.dma_semaphore, #tpu.memory_space<semaphore_mem>>
        %dma_start3A = tpu.memref_slice %arg14[%mul3A_101] : memref<331776xf32, #tpu.memory_space<hbm>> -> memref<64xf32, #tpu.memory_space<hbm>>
        %dma_start3A_117 = tpu.memref_slice %arg14[%mul3A_101] : memref<331776xf32, #tpu.memory_space<hbm>> -> memref<64xf32, #tpu.memory_space<hbm>>
        tpu.enqueue_dma source(%arg24 : memref<64xf32, #tpu.memory_space<vmem>>) target(%dma_start3A_117 : memref<64xf32, #tpu.memory_space<hbm>>) target_semaphore(%run_scoped3A : memref<!tpu.dma_semaphore, #tpu.memory_space<semaphore_mem>>)
        %dma_wait3A = tpu.memref_slice %arg14[%mul3A_101] : memref<331776xf32, #tpu.memory_space<hbm>> -> memref<64xf32, #tpu.memory_space<hbm>>
        %dma_wait3A_118 = tpu.memref_slice %arg14[%mul3A_101] : memref<331776xf32, #tpu.memory_space<hbm>> -> memref<64xf32, #tpu.memory_space<hbm>>
        tpu.wait_dma2 semaphore(%run_scoped3A : memref<!tpu.dma_semaphore, #tpu.memory_space<semaphore_mem>>) src(%arg24 : memref<64xf32, #tpu.memory_space<vmem>>) dst(%dma_wait3A_118 : memref<64xf32, #tpu.memory_space<hbm>>)
        tpu.yield
      }) : () -> ()
      "tpu.region"() ({
        %run_scoped3A = tpu.sem_alloc : memref<!tpu.dma_semaphore, #tpu.memory_space<semaphore_mem>>
        %dma_start3A = tpu.memref_slice %arg15[%mul3A_101] : memref<331776xf32, #tpu.memory_space<hbm>> -> memref<64xf32, #tpu.memory_space<hbm>>
        %dma_start3A_117 = tpu.memref_slice %arg15[%mul3A_101] : memref<331776xf32, #tpu.memory_space<hbm>> -> memref<64xf32, #tpu.memory_space<hbm>>
        tpu.enqueue_dma source(%arg25 : memref<64xf32, #tpu.memory_space<vmem>>) target(%dma_start3A_117 : memref<64xf32, #tpu.memory_space<hbm>>) target_semaphore(%run_scoped3A : memref<!tpu.dma_semaphore, #tpu.memory_space<semaphore_mem>>)
        %dma_wait3A = tpu.memref_slice %arg15[%mul3A_101] : memref<331776xf32, #tpu.memory_space<hbm>> -> memref<64xf32, #tpu.memory_space<hbm>>
        %dma_wait3A_118 = tpu.memref_slice %arg15[%mul3A_101] : memref<331776xf32, #tpu.memory_space<hbm>> -> memref<64xf32, #tpu.memory_space<hbm>>
        tpu.wait_dma2 semaphore(%run_scoped3A : memref<!tpu.dma_semaphore, #tpu.memory_space<semaphore_mem>>) src(%arg25 : memref<64xf32, #tpu.memory_space<vmem>>) dst(%dma_wait3A_118 : memref<64xf32, #tpu.memory_space<hbm>>)
        tpu.yield
      }) : () -> ()
      "tpu.region"() ({
        %run_scoped3A = tpu.sem_alloc : memref<!tpu.dma_semaphore, #tpu.memory_space<semaphore_mem>>
        %dma_start3A = arith.constant 0 : i32
        %dma_start3A_117 = arith.constant 0 : i32
        %dma_start3A_118 = tpu.memref_slice %arg4[%dma_start3A, %dma_start3A_117] : memref<10240x128xf32, #tpu.memory_space<hbm>> -> memref<10240x128xf32, #tpu.memory_space<hbm>>
        tpu.enqueue_indirect_dma source(%dma_start3A_118 : memref<10240x128xf32, #tpu.memory_space<hbm>>) target(%arg26 : memref<64x128xf32, #tpu.memory_space<vmem>>) offsets(%arg17 : memref<64xi32, #tpu.memory_space<vmem>>) semaphore(%run_scoped3A : memref<!tpu.dma_semaphore, #tpu.memory_space<semaphore_mem>>)
        %dma_wait3A = arith.constant 0 : i32
        %dma_wait3A_119 = arith.constant 0 : i32
        %dma_wait3A_120 = tpu.memref_slice %arg4[%dma_wait3A, %dma_wait3A_119] : memref<10240x128xf32, #tpu.memory_space<hbm>> -> memref<10240x128xf32, #tpu.memory_space<hbm>>
        tpu.wait_indirect_dma semaphore(%run_scoped3A : memref<!tpu.dma_semaphore, #tpu.memory_space<semaphore_mem>>) src(%dma_wait3A_120 : memref<10240x128xf32, #tpu.memory_space<hbm>>) dst(%arg26 : memref<64x128xf32, #tpu.memory_space<vmem>>)
        tpu.yield
      }) : () -> ()
      %scan3A_109 = arith.constant 0 : i32
      %scan3A_110 = arith.constant 0 : i32
      %scan3A_111 = arith.constant 64 : i32
      %scan3A_112 = arith.addi %scan3A_110, %scan3A_111 : i32
      %scan3A_113 = arith.constant 1 : i32
      %scan3A_114 = scf.for %scan3A_117 = %scan3A_110 to %scan3A_112 step %scan3A_113 iter_args(%scan3A_118 = %scan3A_109) -> (i32)  : i32 {
        %broadcast_in_dim3A_119 = vector.broadcast %scan3A_117 : i32 to vector<16xi32>
        %gather3A = tpu.vector_load_idx %arg21[%broadcast_in_dim3A_119] : memref<64xf32, #tpu.memory_space<vmem>>[vector<16xi32>], vector<16xf32>,
        %gather3A_120 = tpu.vector_load_idx %arg22[%broadcast_in_dim3A_119] : memref<64xf32, #tpu.memory_space<vmem>>[vector<16xi32>], vector<16xf32>,
        %get3A = arith.index_cast %scan3A_117 : i32 to index
        %get3A_121 = arith.constant 0 : index
        %get3A_122 = tpu.vector_load %arg26[%get3A, %get3A_121] {strides = array<i32>} : memref<64x128xf32, #tpu.memory_space<vmem>>, vector<16xf32>,
        %mul3A_123 = arith.mulf %get3A_122, %gather3A : vector<16xf32>
        %swap3A = arith.index_cast %scan3A_117 : i32 to index
        %swap3A_124 = arith.constant 0 : index
        %swap3A_125 = tpu.vector_load %arg26[%swap3A, %swap3A_124] {strides = array<i32>} : memref<64x128xf32, #tpu.memory_space<vmem>>, vector<16xf32>,
        tpu.vector_store %arg26[%swap3A, %swap3A_124], %mul3A_123 {strides = array<i32>} : memref<64x128xf32, #tpu.memory_space<vmem>>, vector<16xf32>,
        %get3A_126 = arith.index_cast %scan3A_117 : i32 to index
        %get3A_127 = arith.constant 16 : index
        %get3A_128 = tpu.vector_load %arg26[%get3A_126, %get3A_127] {strides = array<i32>} : memref<64x128xf32, #tpu.memory_space<vmem>>, vector<16xf32>,
        %mul3A_129 = arith.mulf %get3A_128, %gather3A : vector<16xf32>
        %swap3A_130 = arith.index_cast %scan3A_117 : i32 to index
        %swap3A_131 = arith.constant 16 : index
        %swap3A_132 = tpu.vector_load %arg26[%swap3A_130, %swap3A_131] {strides = array<i32>} : memref<64x128xf32, #tpu.memory_space<vmem>>, vector<16xf32>,
        tpu.vector_store %arg26[%swap3A_130, %swap3A_131], %mul3A_129 {strides = array<i32>} : memref<64x128xf32, #tpu.memory_space<vmem>>, vector<16xf32>,
        %get3A_133 = arith.index_cast %scan3A_117 : i32 to index
        %get3A_134 = arith.constant 32 : index
        %get3A_135 = tpu.vector_load %arg26[%get3A_133, %get3A_134] {strides = array<i32>} : memref<64x128xf32, #tpu.memory_space<vmem>>, vector<16xf32>,
        %mul3A_136 = arith.mulf %get3A_135, %gather3A : vector<16xf32>
        %swap3A_137 = arith.index_cast %scan3A_117 : i32 to index
        %swap3A_138 = arith.constant 32 : index
        %swap3A_139 = tpu.vector_load %arg26[%swap3A_137, %swap3A_138] {strides = array<i32>} : memref<64x128xf32, #tpu.memory_space<vmem>>, vector<16xf32>,
        tpu.vector_store %arg26[%swap3A_137, %swap3A_138], %mul3A_136 {strides = array<i32>} : memref<64x128xf32, #tpu.memory_space<vmem>>, vector<16xf32>,
        %get3A_140 = arith.index_cast %scan3A_117 : i32 to index
        %get3A_141 = arith.constant 48 : index
        %get3A_142 = tpu.vector_load %arg26[%get3A_140, %get3A_141] {strides = array<i32>} : memref<64x128xf32, #tpu.memory_space<vmem>>, vector<16xf32>,
        %mul3A_143 = arith.mulf %get3A_142, %gather3A : vector<16xf32>
        %swap3A_144 = arith.index_cast %scan3A_117 : i32 to index
        %swap3A_145 = arith.constant 48 : index
        %swap3A_146 = tpu.vector_load %arg26[%swap3A_144, %swap3A_145] {strides = array<i32>} : memref<64x128xf32, #tpu.memory_space<vmem>>, vector<16xf32>,
        tpu.vector_store %arg26[%swap3A_144, %swap3A_145], %mul3A_143 {strides = array<i32>} : memref<64x128xf32, #tpu.memory_space<vmem>>, vector<16xf32>,
        %get3A_147 = arith.index_cast %scan3A_117 : i32 to index
        %get3A_148 = arith.constant 64 : index
        %get3A_149 = tpu.vector_load %arg26[%get3A_147, %get3A_148] {strides = array<i32>} : memref<64x128xf32, #tpu.memory_space<vmem>>, vector<16xf32>,
        %mul3A_150 = arith.mulf %get3A_149, %gather3A_120 : vector<16xf32>
        %swap3A_151 = arith.index_cast %scan3A_117 : i32 to index
        %swap3A_152 = arith.constant 64 : index
        %swap3A_153 = tpu.vector_load %arg26[%swap3A_151, %swap3A_152] {strides = array<i32>} : memref<64x128xf32, #tpu.memory_space<vmem>>, vector<16xf32>,
        tpu.vector_store %arg26[%swap3A_151, %swap3A_152], %mul3A_150 {strides = array<i32>} : memref<64x128xf32, #tpu.memory_space<vmem>>, vector<16xf32>,
        %get3A_154 = arith.index_cast %scan3A_117 : i32 to index
        %get3A_155 = arith.constant 80 : index
        %get3A_156 = tpu.vector_load %arg26[%get3A_154, %get3A_155] {strides = array<i32>} : memref<64x128xf32, #tpu.memory_space<vmem>>, vector<16xf32>,
        %mul3A_157 = arith.mulf %get3A_156, %gather3A_120 : vector<16xf32>
        %swap3A_158 = arith.index_cast %scan3A_117 : i32 to index
        %swap3A_159 = arith.constant 80 : index
        %swap3A_160 = tpu.vector_load %arg26[%swap3A_158, %swap3A_159] {strides = array<i32>} : memref<64x128xf32, #tpu.memory_space<vmem>>, vector<16xf32>,
        tpu.vector_store %arg26[%swap3A_158, %swap3A_159], %mul3A_157 {strides = array<i32>} : memref<64x128xf32, #tpu.memory_space<vmem>>, vector<16xf32>,
        %get3A_161 = arith.index_cast %scan3A_117 : i32 to index
        %get3A_162 = arith.constant 96 : index
        %get3A_163 = tpu.vector_load %arg26[%get3A_161, %get3A_162] {strides = array<i32>} : memref<64x128xf32, #tpu.memory_space<vmem>>, vector<16xf32>,
        %mul3A_164 = arith.mulf %get3A_163, %gather3A_120 : vector<16xf32>
        %swap3A_165 = arith.index_cast %scan3A_117 : i32 to index
        %swap3A_166 = arith.constant 96 : index
        %swap3A_167 = tpu.vector_load %arg26[%swap3A_165, %swap3A_166] {strides = array<i32>} : memref<64x128xf32, #tpu.memory_space<vmem>>, vector<16xf32>,
        tpu.vector_store %arg26[%swap3A_165, %swap3A_166], %mul3A_164 {strides = array<i32>} : memref<64x128xf32, #tpu.memory_space<vmem>>, vector<16xf32>,
        %get3A_168 = arith.index_cast %scan3A_117 : i32 to index
        %get3A_169 = arith.constant 112 : index
        %get3A_170 = tpu.vector_load %arg26[%get3A_168, %get3A_169] {strides = array<i32>} : memref<64x128xf32, #tpu.memory_space<vmem>>, vector<16xf32>,
        %mul3A_171 = arith.mulf %get3A_170, %gather3A_120 : vector<16xf32>
        %swap3A_172 = arith.index_cast %scan3A_117 : i32 to index
        %swap3A_173 = arith.constant 112 : index
        %swap3A_174 = tpu.vector_load %arg26[%swap3A_172, %swap3A_173] {strides = array<i32>} : memref<64x128xf32, #tpu.memory_space<vmem>>, vector<16xf32>,
        tpu.vector_store %arg26[%swap3A_172, %swap3A_173], %mul3A_171 {strides = array<i32>} : memref<64x128xf32, #tpu.memory_space<vmem>>, vector<16xf32>,
        %scan3A_175 = arith.constant 0 : i32
        scf.yield %scan3A_175 : i32
      }
      %scan3A_115 = arith.constant 64 : i32
      "tpu.region"() ({
        %run_scoped3A = tpu.sem_alloc : memref<!tpu.dma_semaphore, #tpu.memory_space<semaphore_mem>>
        %dma_start3A = arith.constant 0 : i32
        %dma_start3A_117 = arith.constant 0 : i32
        %dma_start3A_118 = tpu.memref_slice %arg16[%dma_start3A, %dma_start3A_117] : memref<10240x128xf32, #tpu.memory_space<vmem_shared>> -> memref<10240x128xf32, #tpu.memory_space<vmem_shared>>
        tpu.enqueue_indirect_dma source(%arg26 : memref<64x128xf32, #tpu.memory_space<vmem>>) target(%dma_start3A_118 : memref<10240x128xf32, #tpu.memory_space<vmem_shared>>) offsets(%arg18 : memref<64xi32, #tpu.memory_space<vmem>>) semaphore(%run_scoped3A : memref<!tpu.dma_semaphore, #tpu.memory_space<semaphore_mem>>) {add = true}
        %dma_wait3A = arith.constant 0 : i32
        %dma_wait3A_119 = arith.constant 0 : i32
        %dma_wait3A_120 = tpu.memref_slice %arg16[%dma_wait3A, %dma_wait3A_119] : memref<10240x128xf32, #tpu.memory_space<vmem_shared>> -> memref<10240x128xf32, #tpu.memory_space<vmem_shared>>
        tpu.wait_indirect_dma semaphore(%run_scoped3A : memref<!tpu.dma_semaphore, #tpu.memory_space<semaphore_mem>>) src(%arg26 : memref<64x128xf32, #tpu.memory_space<vmem>>) dst(%dma_wait3A_120 : memref<10240x128xf32, #tpu.memory_space<vmem_shared>>)
        tpu.yield
      }) : () -> ()
      %scan3A_116 = arith.constant 0 : i32
      scf.yield %scan3A_116 : i32
    }
    %scan3A_26 = arith.constant 162 : i32
    %barrier3A_27 = arith.constant 0 : index
    tpu.barrier barrier_id(%barrier3A_27)
    %scan3A_28 = arith.constant 0 : i32
    %scan3A_29 = arith.constant 0 : i32
    %scan3A_30 = arith.constant 10 : i32
    %scan3A_31 = arith.addi %scan3A_29, %scan3A_30 : i32
    %scan3A_32 = arith.constant 1 : i32
    %scan3A_33 = scf.for %scan3A_95 = %scan3A_29 to %scan3A_31 step %scan3A_32 iter_args(%scan3A_96 = %scan3A_28) -> (i32)  : i32 {
      %mul3A_97 = arith.constant 64 : i32
      %mul3A_98 = arith.muli %scan3A_95, %mul3A_97 : i32
      %add3A_99 = arith.addi %mul3A_2, %mul3A_98 : i32
      "tpu.region"() ({
        %run_scoped3A = tpu.sem_alloc : memref<!tpu.dma_semaphore, #tpu.memory_space<semaphore_mem>>
        %dma_start3A = arith.constant 0 : i32
        %dma_start3A_101 = tpu.memref_slice %arg8[%arg0, %add3A_99, %dma_start3A] : memref<2x10240x128xf32, #tpu.memory_space<hbm>> -> memref<1x64x128xf32, #tpu.memory_space<hbm>>
        %dma_start3A_102 = tpu.memref_squeeze %dma_start3A_101 : memref<1x64x128xf32, #tpu.memory_space<hbm>> -> memref<64x128xf32, #tpu.memory_space<hbm>>
        %dma_start3A_103 = arith.constant 0 : i32
        %dma_start3A_104 = tpu.memref_slice %arg16[%add3A_99, %dma_start3A_103] : memref<10240x128xf32, #tpu.memory_space<vmem_shared>> -> memref<64x128xf32, #tpu.memory_space<vmem_shared>>
        tpu.enqueue_dma source(%dma_start3A_104 : memref<64x128xf32, #tpu.memory_space<vmem_shared>>) target(%dma_start3A_102 : memref<64x128xf32, #tpu.memory_space<hbm>>) target_semaphore(%run_scoped3A : memref<!tpu.dma_semaphore, #tpu.memory_space<semaphore_mem>>)
        %dma_wait3A = arith.constant 0 : i32
        %dma_wait3A_105 = tpu.memref_slice %arg8[%arg0, %add3A_99, %dma_wait3A] : memref<2x10240x128xf32, #tpu.memory_space<hbm>> -> memref<1x64x128xf32, #tpu.memory_space<hbm>>
        %dma_wait3A_106 = tpu.memref_squeeze %dma_wait3A_105 : memref<1x64x128xf32, #tpu.memory_space<hbm>> -> memref<64x128xf32, #tpu.memory_space<hbm>>
        %dma_wait3A_107 = arith.constant 0 : i32
        %dma_wait3A_108 = tpu.memref_slice %arg16[%add3A_99, %dma_wait3A_107] : memref<10240x128xf32, #tpu.memory_space<vmem_shared>> -> memref<64x128xf32, #tpu.memory_space<vmem_shared>>
        tpu.wait_dma2 semaphore(%run_scoped3A : memref<!tpu.dma_semaphore, #tpu.memory_space<semaphore_mem>>) src(%dma_wait3A_108 : memref<64x128xf32, #tpu.memory_space<vmem_shared>>) dst(%dma_wait3A_106 : memref<64x128xf32, #tpu.memory_space<hbm>>)
        tpu.yield
      }) : () -> ()
      %scan3A_100 = arith.constant 0 : i32
      scf.yield %scan3A_100 : i32
    }
    %scan3A_34 = arith.constant 10 : i32
    %scan3A_35 = arith.constant 0 : i32
    %scan3A_36 = arith.constant 0 : i32
    %scan3A_37 = arith.constant 64 : i32
    %scan3A_38 = arith.addi %scan3A_36, %scan3A_37 : i32
    %scan3A_39 = arith.constant 1 : i32
    %scan3A_40 = scf.for %scan3A_95 = %scan3A_36 to %scan3A_38 step %scan3A_39 iter_args(%scan3A_96 = %scan3A_35) -> (i32)  : i32 {
      %swap3A = arith.index_cast %scan3A_95 : i32 to index
      %swap3A_97 = arith.constant 0 : index
      %swap3A_98 = tpu.vector_load %arg26[%swap3A, %swap3A_97] {strides = array<i32>} : memref<64x128xf32, #tpu.memory_space<vmem>>, vector<16xf32>,
      tpu.vector_store %arg26[%swap3A, %swap3A_97], %broadcast_in_dim3A_3 {strides = array<i32>} : memref<64x128xf32, #tpu.memory_space<vmem>>, vector<16xf32>,
      %swap3A_99 = arith.index_cast %scan3A_95 : i32 to index
      %swap3A_100 = arith.constant 16 : index
      %swap3A_101 = tpu.vector_load %arg26[%swap3A_99, %swap3A_100] {strides = array<i32>} : memref<64x128xf32, #tpu.memory_space<vmem>>, vector<16xf32>,
      tpu.vector_store %arg26[%swap3A_99, %swap3A_100], %broadcast_in_dim3A_3 {strides = array<i32>} : memref<64x128xf32, #tpu.memory_space<vmem>>, vector<16xf32>,
      %swap3A_102 = arith.index_cast %scan3A_95 : i32 to index
      %swap3A_103 = arith.constant 32 : index
      %swap3A_104 = tpu.vector_load %arg26[%swap3A_102, %swap3A_103] {strides = array<i32>} : memref<64x128xf32, #tpu.memory_space<vmem>>, vector<16xf32>,
      tpu.vector_store %arg26[%swap3A_102, %swap3A_103], %broadcast_in_dim3A_3 {strides = array<i32>} : memref<64x128xf32, #tpu.memory_space<vmem>>, vector<16xf32>,
      %swap3A_105 = arith.index_cast %scan3A_95 : i32 to index
      %swap3A_106 = arith.constant 48 : index
      %swap3A_107 = tpu.vector_load %arg26[%swap3A_105, %swap3A_106] {strides = array<i32>} : memref<64x128xf32, #tpu.memory_space<vmem>>, vector<16xf32>,
      tpu.vector_store %arg26[%swap3A_105, %swap3A_106], %broadcast_in_dim3A_3 {strides = array<i32>} : memref<64x128xf32, #tpu.memory_space<vmem>>, vector<16xf32>,
      %swap3A_108 = arith.index_cast %scan3A_95 : i32 to index
      %swap3A_109 = arith.constant 64 : index
      %swap3A_110 = tpu.vector_load %arg26[%swap3A_108, %swap3A_109] {strides = array<i32>} : memref<64x128xf32, #tpu.memory_space<vmem>>, vector<16xf32>,
      tpu.vector_store %arg26[%swap3A_108, %swap3A_109], %broadcast_in_dim3A_3 {strides = array<i32>} : memref<64x128xf32, #tpu.memory_space<vmem>>, vector<16xf32>,
      %swap3A_111 = arith.index_cast %scan3A_95 : i32 to index
      %swap3A_112 = arith.constant 80 : index
      %swap3A_113 = tpu.vector_load %arg26[%swap3A_111, %swap3A_112] {strides = array<i32>} : memref<64x128xf32, #tpu.memory_space<vmem>>, vector<16xf32>,
      tpu.vector_store %arg26[%swap3A_111, %swap3A_112], %broadcast_in_dim3A_3 {strides = array<i32>} : memref<64x128xf32, #tpu.memory_space<vmem>>, vector<16xf32>,
      %swap3A_114 = arith.index_cast %scan3A_95 : i32 to index
      %swap3A_115 = arith.constant 96 : index
      %swap3A_116 = tpu.vector_load %arg26[%swap3A_114, %swap3A_115] {strides = array<i32>} : memref<64x128xf32, #tpu.memory_space<vmem>>, vector<16xf32>,
      tpu.vector_store %arg26[%swap3A_114, %swap3A_115], %broadcast_in_dim3A_3 {strides = array<i32>} : memref<64x128xf32, #tpu.memory_space<vmem>>, vector<16xf32>,
      %swap3A_117 = arith.index_cast %scan3A_95 : i32 to index
      %swap3A_118 = arith.constant 112 : index
      %swap3A_119 = tpu.vector_load %arg26[%swap3A_117, %swap3A_118] {strides = array<i32>} : memref<64x128xf32, #tpu.memory_space<vmem>>, vector<16xf32>,
      tpu.vector_store %arg26[%swap3A_117, %swap3A_118], %broadcast_in_dim3A_3 {strides = array<i32>} : memref<64x128xf32, #tpu.memory_space<vmem>>, vector<16xf32>,
      %scan3A_120 = arith.constant 0 : i32
      scf.yield %scan3A_120 : i32
    }
    %scan3A_41 = arith.constant 64 : i32
    %scan3A_42 = arith.constant 0 : i32
    %scan3A_43 = arith.constant 0 : i32
    %scan3A_44 = arith.constant 10 : i32
    %scan3A_45 = arith.addi %scan3A_43, %scan3A_44 : i32
    %scan3A_46 = arith.constant 1 : i32
    %scan3A_47 = scf.for %scan3A_95 = %scan3A_43 to %scan3A_45 step %scan3A_46 iter_args(%scan3A_96 = %scan3A_42) -> (i32)  : i32 {
      %mul3A_97 = arith.constant 64 : i32
      %mul3A_98 = arith.muli %scan3A_95, %mul3A_97 : i32
      %add3A_99 = arith.addi %mul3A_2, %mul3A_98 : i32
      "tpu.region"() ({
        %run_scoped3A = tpu.sem_alloc : memref<!tpu.dma_semaphore, #tpu.memory_space<semaphore_mem>>
        %dma_start3A = arith.constant 0 : i32
        %dma_start3A_101 = tpu.memref_slice %arg16[%add3A_99, %dma_start3A] : memref<10240x128xf32, #tpu.memory_space<vmem_shared>> -> memref<64x128xf32, #tpu.memory_space<vmem_shared>>
        %dma_start3A_102 = arith.constant 0 : i32
        %dma_start3A_103 = tpu.memref_slice %arg16[%add3A_99, %dma_start3A_102] : memref<10240x128xf32, #tpu.memory_space<vmem_shared>> -> memref<64x128xf32, #tpu.memory_space<vmem_shared>>
        tpu.enqueue_dma source(%arg26 : memref<64x128xf32, #tpu.memory_space<vmem>>) target(%dma_start3A_103 : memref<64x128xf32, #tpu.memory_space<vmem_shared>>) target_semaphore(%run_scoped3A : memref<!tpu.dma_semaphore, #tpu.memory_space<semaphore_mem>>)
        %dma_wait3A = arith.constant 0 : i32
        %dma_wait3A_104 = tpu.memref_slice %arg16[%add3A_99, %dma_wait3A] : memref<10240x128xf32, #tpu.memory_space<vmem_shared>> -> memref<64x128xf32, #tpu.memory_space<vmem_shared>>
        %dma_wait3A_105 = arith.constant 0 : i32
        %dma_wait3A_106 = tpu.memref_slice %arg16[%add3A_99, %dma_wait3A_105] : memref<10240x128xf32, #tpu.memory_space<vmem_shared>> -> memref<64x128xf32, #tpu.memory_space<vmem_shared>>
        tpu.wait_dma2 semaphore(%run_scoped3A : memref<!tpu.dma_semaphore, #tpu.memory_space<semaphore_mem>>) src(%arg26 : memref<64x128xf32, #tpu.memory_space<vmem>>) dst(%dma_wait3A_106 : memref<64x128xf32, #tpu.memory_space<vmem_shared>>)
        tpu.yield
      }) : () -> ()
      %scan3A_100 = arith.constant 0 : i32
      scf.yield %scan3A_100 : i32
    }
    %scan3A_48 = arith.constant 10 : i32
    %barrier3A_49 = arith.constant 0 : index
    tpu.barrier barrier_id(%barrier3A_49)
    %scan3A_50 = arith.constant 0 : i32
    %scan3A_51 = arith.constant 0 : i32
    %scan3A_52 = arith.constant 162 : i32
    %scan3A_53 = arith.addi %scan3A_51, %scan3A_52 : i32
    %scan3A_54 = arith.constant 1 : i32
    %scan3A_55 = scf.for %scan3A_95 = %scan3A_51 to %scan3A_53 step %scan3A_54 iter_args(%scan3A_96 = %scan3A_50) -> (i32)  : i32 {
      %mul3A_97 = arith.constant 162 : i32
      %mul3A_98 = arith.muli %add3A, %mul3A_97 : i32
      %add3A_99 = arith.addi %mul3A_98, %scan3A_95 : i32
      %mul3A_100 = arith.constant 64 : i32
      %mul3A_101 = arith.muli %add3A_99, %mul3A_100 : i32
      "tpu.region"() ({
        %run_scoped3A = tpu.sem_alloc : memref<!tpu.dma_semaphore, #tpu.memory_space<semaphore_mem>>
        %dma_start3A = tpu.memref_slice %arg2[%mul3A_101] : memref<331776xi32, #tpu.memory_space<hbm>> -> memref<64xi32, #tpu.memory_space<hbm>>
        %dma_start3A_110 = tpu.memref_slice %arg2[%mul3A_101] : memref<331776xi32, #tpu.memory_space<hbm>> -> memref<64xi32, #tpu.memory_space<hbm>>
        tpu.enqueue_dma source(%dma_start3A_110 : memref<64xi32, #tpu.memory_space<hbm>>) target(%arg17 : memref<64xi32, #tpu.memory_space<vmem>>) target_semaphore(%run_scoped3A : memref<!tpu.dma_semaphore, #tpu.memory_space<semaphore_mem>>)
        %dma_wait3A = tpu.memref_slice %arg2[%mul3A_101] : memref<331776xi32, #tpu.memory_space<hbm>> -> memref<64xi32, #tpu.memory_space<hbm>>
        %dma_wait3A_111 = tpu.memref_slice %arg2[%mul3A_101] : memref<331776xi32, #tpu.memory_space<hbm>> -> memref<64xi32, #tpu.memory_space<hbm>>
        tpu.wait_dma2 semaphore(%run_scoped3A : memref<!tpu.dma_semaphore, #tpu.memory_space<semaphore_mem>>) src(%dma_wait3A_111 : memref<64xi32, #tpu.memory_space<hbm>>) dst(%arg17 : memref<64xi32, #tpu.memory_space<vmem>>)
        tpu.yield
      }) : () -> ()
      "tpu.region"() ({
        %run_scoped3A = tpu.sem_alloc : memref<!tpu.dma_semaphore, #tpu.memory_space<semaphore_mem>>
        %dma_start3A = tpu.memref_slice %arg3[%mul3A_101] : memref<331776xi32, #tpu.memory_space<hbm>> -> memref<64xi32, #tpu.memory_space<hbm>>
        %dma_start3A_110 = tpu.memref_slice %arg3[%mul3A_101] : memref<331776xi32, #tpu.memory_space<hbm>> -> memref<64xi32, #tpu.memory_space<hbm>>
        tpu.enqueue_dma source(%dma_start3A_110 : memref<64xi32, #tpu.memory_space<hbm>>) target(%arg18 : memref<64xi32, #tpu.memory_space<vmem>>) target_semaphore(%run_scoped3A : memref<!tpu.dma_semaphore, #tpu.memory_space<semaphore_mem>>)
        %dma_wait3A = tpu.memref_slice %arg3[%mul3A_101] : memref<331776xi32, #tpu.memory_space<hbm>> -> memref<64xi32, #tpu.memory_space<hbm>>
        %dma_wait3A_111 = tpu.memref_slice %arg3[%mul3A_101] : memref<331776xi32, #tpu.memory_space<hbm>> -> memref<64xi32, #tpu.memory_space<hbm>>
        tpu.wait_dma2 semaphore(%run_scoped3A : memref<!tpu.dma_semaphore, #tpu.memory_space<semaphore_mem>>) src(%dma_wait3A_111 : memref<64xi32, #tpu.memory_space<hbm>>) dst(%arg18 : memref<64xi32, #tpu.memory_space<vmem>>)
        tpu.yield
      }) : () -> ()
      "tpu.region"() ({
        %run_scoped3A = tpu.sem_alloc : memref<!tpu.dma_semaphore, #tpu.memory_space<semaphore_mem>>
        %dma_start3A = tpu.memref_slice %arg13[%mul3A_101] : memref<331776xf32, #tpu.memory_space<hbm>> -> memref<64xf32, #tpu.memory_space<hbm>>
        %dma_start3A_110 = tpu.memref_slice %arg13[%mul3A_101] : memref<331776xf32, #tpu.memory_space<hbm>> -> memref<64xf32, #tpu.memory_space<hbm>>
        tpu.enqueue_dma source(%dma_start3A_110 : memref<64xf32, #tpu.memory_space<hbm>>) target(%arg23 : memref<64xf32, #tpu.memory_space<vmem>>) target_semaphore(%run_scoped3A : memref<!tpu.dma_semaphore, #tpu.memory_space<semaphore_mem>>)
        %dma_wait3A = tpu.memref_slice %arg13[%mul3A_101] : memref<331776xf32, #tpu.memory_space<hbm>> -> memref<64xf32, #tpu.memory_space<hbm>>
        %dma_wait3A_111 = tpu.memref_slice %arg13[%mul3A_101] : memref<331776xf32, #tpu.memory_space<hbm>> -> memref<64xf32, #tpu.memory_space<hbm>>
        tpu.wait_dma2 semaphore(%run_scoped3A : memref<!tpu.dma_semaphore, #tpu.memory_space<semaphore_mem>>) src(%dma_wait3A_111 : memref<64xf32, #tpu.memory_space<hbm>>) dst(%arg23 : memref<64xf32, #tpu.memory_space<vmem>>)
        tpu.yield
      }) : () -> ()
      "tpu.region"() ({
        %run_scoped3A = tpu.sem_alloc : memref<!tpu.dma_semaphore, #tpu.memory_space<semaphore_mem>>
        %dma_start3A = tpu.memref_slice %arg14[%mul3A_101] : memref<331776xf32, #tpu.memory_space<hbm>> -> memref<64xf32, #tpu.memory_space<hbm>>
        %dma_start3A_110 = tpu.memref_slice %arg14[%mul3A_101] : memref<331776xf32, #tpu.memory_space<hbm>> -> memref<64xf32, #tpu.memory_space<hbm>>
        tpu.enqueue_dma source(%dma_start3A_110 : memref<64xf32, #tpu.memory_space<hbm>>) target(%arg24 : memref<64xf32, #tpu.memory_space<vmem>>) target_semaphore(%run_scoped3A : memref<!tpu.dma_semaphore, #tpu.memory_space<semaphore_mem>>)
        %dma_wait3A = tpu.memref_slice %arg14[%mul3A_101] : memref<331776xf32, #tpu.memory_space<hbm>> -> memref<64xf32, #tpu.memory_space<hbm>>
        %dma_wait3A_111 = tpu.memref_slice %arg14[%mul3A_101] : memref<331776xf32, #tpu.memory_space<hbm>> -> memref<64xf32, #tpu.memory_space<hbm>>
        tpu.wait_dma2 semaphore(%run_scoped3A : memref<!tpu.dma_semaphore, #tpu.memory_space<semaphore_mem>>) src(%dma_wait3A_111 : memref<64xf32, #tpu.memory_space<hbm>>) dst(%arg24 : memref<64xf32, #tpu.memory_space<vmem>>)
        tpu.yield
      }) : () -> ()
      "tpu.region"() ({
        %run_scoped3A = tpu.sem_alloc : memref<!tpu.dma_semaphore, #tpu.memory_space<semaphore_mem>>
        %dma_start3A = arith.constant 0 : i32
        %dma_start3A_110 = arith.constant 0 : i32
        %dma_start3A_111 = tpu.memref_slice %arg5[%dma_start3A, %dma_start3A_110] : memref<10240x128xf32, #tpu.memory_space<hbm>> -> memref<10240x128xf32, #tpu.memory_space<hbm>>
        tpu.enqueue_indirect_dma source(%dma_start3A_111 : memref<10240x128xf32, #tpu.memory_space<hbm>>) target(%arg26 : memref<64x128xf32, #tpu.memory_space<vmem>>) offsets(%arg17 : memref<64xi32, #tpu.memory_space<vmem>>) semaphore(%run_scoped3A : memref<!tpu.dma_semaphore, #tpu.memory_space<semaphore_mem>>)
        %dma_wait3A = arith.constant 0 : i32
        %dma_wait3A_112 = arith.constant 0 : i32
        %dma_wait3A_113 = tpu.memref_slice %arg5[%dma_wait3A, %dma_wait3A_112] : memref<10240x128xf32, #tpu.memory_space<hbm>> -> memref<10240x128xf32, #tpu.memory_space<hbm>>
        tpu.wait_indirect_dma semaphore(%run_scoped3A : memref<!tpu.dma_semaphore, #tpu.memory_space<semaphore_mem>>) src(%dma_wait3A_113 : memref<10240x128xf32, #tpu.memory_space<hbm>>) dst(%arg26 : memref<64x128xf32, #tpu.memory_space<vmem>>)
        tpu.yield
      }) : () -> ()
      %scan3A_102 = arith.constant 0 : i32
      %scan3A_103 = arith.constant 0 : i32
      %scan3A_104 = arith.constant 64 : i32
      %scan3A_105 = arith.addi %scan3A_103, %scan3A_104 : i32
      %scan3A_106 = arith.constant 1 : i32
      %scan3A_107 = scf.for %scan3A_110 = %scan3A_103 to %scan3A_105 step %scan3A_106 iter_args(%scan3A_111 = %scan3A_102) -> (i32)  : i32 {
        %broadcast_in_dim3A_112 = vector.broadcast %scan3A_110 : i32 to vector<16xi32>
        %gather3A = tpu.vector_load_idx %arg23[%broadcast_in_dim3A_112] : memref<64xf32, #tpu.memory_space<vmem>>[vector<16xi32>], vector<16xf32>,
        %gather3A_113 = tpu.vector_load_idx %arg24[%broadcast_in_dim3A_112] : memref<64xf32, #tpu.memory_space<vmem>>[vector<16xi32>], vector<16xf32>,
        %get3A = arith.index_cast %scan3A_110 : i32 to index
        %get3A_114 = arith.constant 0 : index
        %get3A_115 = tpu.vector_load %arg26[%get3A, %get3A_114] {strides = array<i32>} : memref<64x128xf32, #tpu.memory_space<vmem>>, vector<16xf32>,
        %mul3A_116 = arith.mulf %get3A_115, %gather3A : vector<16xf32>
        %swap3A = arith.index_cast %scan3A_110 : i32 to index
        %swap3A_117 = arith.constant 0 : index
        %swap3A_118 = tpu.vector_load %arg26[%swap3A, %swap3A_117] {strides = array<i32>} : memref<64x128xf32, #tpu.memory_space<vmem>>, vector<16xf32>,
        tpu.vector_store %arg26[%swap3A, %swap3A_117], %mul3A_116 {strides = array<i32>} : memref<64x128xf32, #tpu.memory_space<vmem>>, vector<16xf32>,
        %get3A_119 = arith.index_cast %scan3A_110 : i32 to index
        %get3A_120 = arith.constant 16 : index
        %get3A_121 = tpu.vector_load %arg26[%get3A_119, %get3A_120] {strides = array<i32>} : memref<64x128xf32, #tpu.memory_space<vmem>>, vector<16xf32>,
        %mul3A_122 = arith.mulf %get3A_121, %gather3A : vector<16xf32>
        %swap3A_123 = arith.index_cast %scan3A_110 : i32 to index
        %swap3A_124 = arith.constant 16 : index
        %swap3A_125 = tpu.vector_load %arg26[%swap3A_123, %swap3A_124] {strides = array<i32>} : memref<64x128xf32, #tpu.memory_space<vmem>>, vector<16xf32>,
        tpu.vector_store %arg26[%swap3A_123, %swap3A_124], %mul3A_122 {strides = array<i32>} : memref<64x128xf32, #tpu.memory_space<vmem>>, vector<16xf32>,
        %get3A_126 = arith.index_cast %scan3A_110 : i32 to index
        %get3A_127 = arith.constant 32 : index
        %get3A_128 = tpu.vector_load %arg26[%get3A_126, %get3A_127] {strides = array<i32>} : memref<64x128xf32, #tpu.memory_space<vmem>>, vector<16xf32>,
        %mul3A_129 = arith.mulf %get3A_128, %gather3A : vector<16xf32>
        %swap3A_130 = arith.index_cast %scan3A_110 : i32 to index
        %swap3A_131 = arith.constant 32 : index
        %swap3A_132 = tpu.vector_load %arg26[%swap3A_130, %swap3A_131] {strides = array<i32>} : memref<64x128xf32, #tpu.memory_space<vmem>>, vector<16xf32>,
        tpu.vector_store %arg26[%swap3A_130, %swap3A_131], %mul3A_129 {strides = array<i32>} : memref<64x128xf32, #tpu.memory_space<vmem>>, vector<16xf32>,
        %get3A_133 = arith.index_cast %scan3A_110 : i32 to index
        %get3A_134 = arith.constant 48 : index
        %get3A_135 = tpu.vector_load %arg26[%get3A_133, %get3A_134] {strides = array<i32>} : memref<64x128xf32, #tpu.memory_space<vmem>>, vector<16xf32>,
        %mul3A_136 = arith.mulf %get3A_135, %gather3A : vector<16xf32>
        %swap3A_137 = arith.index_cast %scan3A_110 : i32 to index
        %swap3A_138 = arith.constant 48 : index
        %swap3A_139 = tpu.vector_load %arg26[%swap3A_137, %swap3A_138] {strides = array<i32>} : memref<64x128xf32, #tpu.memory_space<vmem>>, vector<16xf32>,
        tpu.vector_store %arg26[%swap3A_137, %swap3A_138], %mul3A_136 {strides = array<i32>} : memref<64x128xf32, #tpu.memory_space<vmem>>, vector<16xf32>,
        %get3A_140 = arith.index_cast %scan3A_110 : i32 to index
        %get3A_141 = arith.constant 64 : index
        %get3A_142 = tpu.vector_load %arg26[%get3A_140, %get3A_141] {strides = array<i32>} : memref<64x128xf32, #tpu.memory_space<vmem>>, vector<16xf32>,
        %mul3A_143 = arith.mulf %get3A_142, %gather3A_113 : vector<16xf32>
        %swap3A_144 = arith.index_cast %scan3A_110 : i32 to index
        %swap3A_145 = arith.constant 64 : index
        %swap3A_146 = tpu.vector_load %arg26[%swap3A_144, %swap3A_145] {strides = array<i32>} : memref<64x128xf32, #tpu.memory_space<vmem>>, vector<16xf32>,
        tpu.vector_store %arg26[%swap3A_144, %swap3A_145], %mul3A_143 {strides = array<i32>} : memref<64x128xf32, #tpu.memory_space<vmem>>, vector<16xf32>,
        %get3A_147 = arith.index_cast %scan3A_110 : i32 to index
        %get3A_148 = arith.constant 80 : index
        %get3A_149 = tpu.vector_load %arg26[%get3A_147, %get3A_148] {strides = array<i32>} : memref<64x128xf32, #tpu.memory_space<vmem>>, vector<16xf32>,
        %mul3A_150 = arith.mulf %get3A_149, %gather3A_113 : vector<16xf32>
        %swap3A_151 = arith.index_cast %scan3A_110 : i32 to index
        %swap3A_152 = arith.constant 80 : index
        %swap3A_153 = tpu.vector_load %arg26[%swap3A_151, %swap3A_152] {strides = array<i32>} : memref<64x128xf32, #tpu.memory_space<vmem>>, vector<16xf32>,
        tpu.vector_store %arg26[%swap3A_151, %swap3A_152], %mul3A_150 {strides = array<i32>} : memref<64x128xf32, #tpu.memory_space<vmem>>, vector<16xf32>,
        %get3A_154 = arith.index_cast %scan3A_110 : i32 to index
        %get3A_155 = arith.constant 96 : index
        %get3A_156 = tpu.vector_load %arg26[%get3A_154, %get3A_155] {strides = array<i32>} : memref<64x128xf32, #tpu.memory_space<vmem>>, vector<16xf32>,
        %mul3A_157 = arith.mulf %get3A_156, %gather3A_113 : vector<16xf32>
        %swap3A_158 = arith.index_cast %scan3A_110 : i32 to index
        %swap3A_159 = arith.constant 96 : index
        %swap3A_160 = tpu.vector_load %arg26[%swap3A_158, %swap3A_159] {strides = array<i32>} : memref<64x128xf32, #tpu.memory_space<vmem>>, vector<16xf32>,
        tpu.vector_store %arg26[%swap3A_158, %swap3A_159], %mul3A_157 {strides = array<i32>} : memref<64x128xf32, #tpu.memory_space<vmem>>, vector<16xf32>,
        %get3A_161 = arith.index_cast %scan3A_110 : i32 to index
        %get3A_162 = arith.constant 112 : index
        %get3A_163 = tpu.vector_load %arg26[%get3A_161, %get3A_162] {strides = array<i32>} : memref<64x128xf32, #tpu.memory_space<vmem>>, vector<16xf32>,
        %mul3A_164 = arith.mulf %get3A_163, %gather3A_113 : vector<16xf32>
        %swap3A_165 = arith.index_cast %scan3A_110 : i32 to index
        %swap3A_166 = arith.constant 112 : index
        %swap3A_167 = tpu.vector_load %arg26[%swap3A_165, %swap3A_166] {strides = array<i32>} : memref<64x128xf32, #tpu.memory_space<vmem>>, vector<16xf32>,
        tpu.vector_store %arg26[%swap3A_165, %swap3A_166], %mul3A_164 {strides = array<i32>} : memref<64x128xf32, #tpu.memory_space<vmem>>, vector<16xf32>,
        %scan3A_168 = arith.constant 0 : i32
        scf.yield %scan3A_168 : i32
      }
      %scan3A_108 = arith.constant 64 : i32
      "tpu.region"() ({
        %run_scoped3A = tpu.sem_alloc : memref<!tpu.dma_semaphore, #tpu.memory_space<semaphore_mem>>
        %dma_start3A = arith.constant 0 : i32
        %dma_start3A_110 = arith.constant 0 : i32
        %dma_start3A_111 = tpu.memref_slice %arg16[%dma_start3A, %dma_start3A_110] : memref<10240x128xf32, #tpu.memory_space<vmem_shared>> -> memref<10240x128xf32, #tpu.memory_space<vmem_shared>>
        tpu.enqueue_indirect_dma source(%arg26 : memref<64x128xf32, #tpu.memory_space<vmem>>) target(%dma_start3A_111 : memref<10240x128xf32, #tpu.memory_space<vmem_shared>>) offsets(%arg18 : memref<64xi32, #tpu.memory_space<vmem>>) semaphore(%run_scoped3A : memref<!tpu.dma_semaphore, #tpu.memory_space<semaphore_mem>>) {add = true}
        %dma_wait3A = arith.constant 0 : i32
        %dma_wait3A_112 = arith.constant 0 : i32
        %dma_wait3A_113 = tpu.memref_slice %arg16[%dma_wait3A, %dma_wait3A_112] : memref<10240x128xf32, #tpu.memory_space<vmem_shared>> -> memref<10240x128xf32, #tpu.memory_space<vmem_shared>>
        tpu.wait_indirect_dma semaphore(%run_scoped3A : memref<!tpu.dma_semaphore, #tpu.memory_space<semaphore_mem>>) src(%arg26 : memref<64x128xf32, #tpu.memory_space<vmem>>) dst(%dma_wait3A_113 : memref<10240x128xf32, #tpu.memory_space<vmem_shared>>)
        tpu.yield
      }) : () -> ()
      %scan3A_109 = arith.constant 0 : i32
      scf.yield %scan3A_109 : i32
    }
    %scan3A_56 = arith.constant 162 : i32
    %barrier3A_57 = arith.constant 0 : index
    tpu.barrier barrier_id(%barrier3A_57)
    %scan3A_58 = arith.constant 0 : i32
    %scan3A_59 = arith.constant 0 : i32
    %scan3A_60 = arith.constant 10 : i32
    %scan3A_61 = arith.addi %scan3A_59, %scan3A_60 : i32
    %scan3A_62 = arith.constant 1 : i32
    %scan3A_63 = scf.for %scan3A_95 = %scan3A_59 to %scan3A_61 step %scan3A_62 iter_args(%scan3A_96 = %scan3A_58) -> (i32)  : i32 {
      %mul3A_97 = arith.constant 64 : i32
      %mul3A_98 = arith.muli %scan3A_95, %mul3A_97 : i32
      %add3A_99 = arith.addi %mul3A_2, %mul3A_98 : i32
      "tpu.region"() ({
        %run_scoped3A = tpu.sem_alloc : memref<!tpu.dma_semaphore, #tpu.memory_space<semaphore_mem>>
        %dma_start3A = arith.constant 0 : i32
        %dma_start3A_101 = tpu.memref_slice %arg9[%arg0, %add3A_99, %dma_start3A] : memref<2x10240x128xf32, #tpu.memory_space<hbm>> -> memref<1x64x128xf32, #tpu.memory_space<hbm>>
        %dma_start3A_102 = tpu.memref_squeeze %dma_start3A_101 : memref<1x64x128xf32, #tpu.memory_space<hbm>> -> memref<64x128xf32, #tpu.memory_space<hbm>>
        %dma_start3A_103 = arith.constant 0 : i32
        %dma_start3A_104 = tpu.memref_slice %arg16[%add3A_99, %dma_start3A_103] : memref<10240x128xf32, #tpu.memory_space<vmem_shared>> -> memref<64x128xf32, #tpu.memory_space<vmem_shared>>
        tpu.enqueue_dma source(%dma_start3A_104 : memref<64x128xf32, #tpu.memory_space<vmem_shared>>) target(%dma_start3A_102 : memref<64x128xf32, #tpu.memory_space<hbm>>) target_semaphore(%run_scoped3A : memref<!tpu.dma_semaphore, #tpu.memory_space<semaphore_mem>>)
        %dma_wait3A = arith.constant 0 : i32
        %dma_wait3A_105 = tpu.memref_slice %arg9[%arg0, %add3A_99, %dma_wait3A] : memref<2x10240x128xf32, #tpu.memory_space<hbm>> -> memref<1x64x128xf32, #tpu.memory_space<hbm>>
        %dma_wait3A_106 = tpu.memref_squeeze %dma_wait3A_105 : memref<1x64x128xf32, #tpu.memory_space<hbm>> -> memref<64x128xf32, #tpu.memory_space<hbm>>
        %dma_wait3A_107 = arith.constant 0 : i32
        %dma_wait3A_108 = tpu.memref_slice %arg16[%add3A_99, %dma_wait3A_107] : memref<10240x128xf32, #tpu.memory_space<vmem_shared>> -> memref<64x128xf32, #tpu.memory_space<vmem_shared>>
        tpu.wait_dma2 semaphore(%run_scoped3A : memref<!tpu.dma_semaphore, #tpu.memory_space<semaphore_mem>>) src(%dma_wait3A_108 : memref<64x128xf32, #tpu.memory_space<vmem_shared>>) dst(%dma_wait3A_106 : memref<64x128xf32, #tpu.memory_space<hbm>>)
        tpu.yield
      }) : () -> ()
      %scan3A_100 = arith.constant 0 : i32
      scf.yield %scan3A_100 : i32
    }
    %scan3A_64 = arith.constant 10 : i32
    %scan3A_65 = arith.constant 0 : i32
    %scan3A_66 = arith.constant 0 : i32
    %scan3A_67 = arith.constant 64 : i32
    %scan3A_68 = arith.addi %scan3A_66, %scan3A_67 : i32
    %scan3A_69 = arith.constant 1 : i32
    %scan3A_70 = scf.for %scan3A_95 = %scan3A_66 to %scan3A_68 step %scan3A_69 iter_args(%scan3A_96 = %scan3A_65) -> (i32)  : i32 {
      %swap3A = arith.index_cast %scan3A_95 : i32 to index
      %swap3A_97 = arith.constant 0 : index
      %swap3A_98 = tpu.vector_load %arg26[%swap3A, %swap3A_97] {strides = array<i32>} : memref<64x128xf32, #tpu.memory_space<vmem>>, vector<16xf32>,
      tpu.vector_store %arg26[%swap3A, %swap3A_97], %broadcast_in_dim3A_3 {strides = array<i32>} : memref<64x128xf32, #tpu.memory_space<vmem>>, vector<16xf32>,
      %swap3A_99 = arith.index_cast %scan3A_95 : i32 to index
      %swap3A_100 = arith.constant 16 : index
      %swap3A_101 = tpu.vector_load %arg26[%swap3A_99, %swap3A_100] {strides = array<i32>} : memref<64x128xf32, #tpu.memory_space<vmem>>, vector<16xf32>,
      tpu.vector_store %arg26[%swap3A_99, %swap3A_100], %broadcast_in_dim3A_3 {strides = array<i32>} : memref<64x128xf32, #tpu.memory_space<vmem>>, vector<16xf32>,
      %swap3A_102 = arith.index_cast %scan3A_95 : i32 to index
      %swap3A_103 = arith.constant 32 : index
      %swap3A_104 = tpu.vector_load %arg26[%swap3A_102, %swap3A_103] {strides = array<i32>} : memref<64x128xf32, #tpu.memory_space<vmem>>, vector<16xf32>,
      tpu.vector_store %arg26[%swap3A_102, %swap3A_103], %broadcast_in_dim3A_3 {strides = array<i32>} : memref<64x128xf32, #tpu.memory_space<vmem>>, vector<16xf32>,
      %swap3A_105 = arith.index_cast %scan3A_95 : i32 to index
      %swap3A_106 = arith.constant 48 : index
      %swap3A_107 = tpu.vector_load %arg26[%swap3A_105, %swap3A_106] {strides = array<i32>} : memref<64x128xf32, #tpu.memory_space<vmem>>, vector<16xf32>,
      tpu.vector_store %arg26[%swap3A_105, %swap3A_106], %broadcast_in_dim3A_3 {strides = array<i32>} : memref<64x128xf32, #tpu.memory_space<vmem>>, vector<16xf32>,
      %swap3A_108 = arith.index_cast %scan3A_95 : i32 to index
      %swap3A_109 = arith.constant 64 : index
      %swap3A_110 = tpu.vector_load %arg26[%swap3A_108, %swap3A_109] {strides = array<i32>} : memref<64x128xf32, #tpu.memory_space<vmem>>, vector<16xf32>,
      tpu.vector_store %arg26[%swap3A_108, %swap3A_109], %broadcast_in_dim3A_3 {strides = array<i32>} : memref<64x128xf32, #tpu.memory_space<vmem>>, vector<16xf32>,
      %swap3A_111 = arith.index_cast %scan3A_95 : i32 to index
      %swap3A_112 = arith.constant 80 : index
      %swap3A_113 = tpu.vector_load %arg26[%swap3A_111, %swap3A_112] {strides = array<i32>} : memref<64x128xf32, #tpu.memory_space<vmem>>, vector<16xf32>,
      tpu.vector_store %arg26[%swap3A_111, %swap3A_112], %broadcast_in_dim3A_3 {strides = array<i32>} : memref<64x128xf32, #tpu.memory_space<vmem>>, vector<16xf32>,
      %swap3A_114 = arith.index_cast %scan3A_95 : i32 to index
      %swap3A_115 = arith.constant 96 : index
      %swap3A_116 = tpu.vector_load %arg26[%swap3A_114, %swap3A_115] {strides = array<i32>} : memref<64x128xf32, #tpu.memory_space<vmem>>, vector<16xf32>,
      tpu.vector_store %arg26[%swap3A_114, %swap3A_115], %broadcast_in_dim3A_3 {strides = array<i32>} : memref<64x128xf32, #tpu.memory_space<vmem>>, vector<16xf32>,
      %swap3A_117 = arith.index_cast %scan3A_95 : i32 to index
      %swap3A_118 = arith.constant 112 : index
      %swap3A_119 = tpu.vector_load %arg26[%swap3A_117, %swap3A_118] {strides = array<i32>} : memref<64x128xf32, #tpu.memory_space<vmem>>, vector<16xf32>,
      tpu.vector_store %arg26[%swap3A_117, %swap3A_118], %broadcast_in_dim3A_3 {strides = array<i32>} : memref<64x128xf32, #tpu.memory_space<vmem>>, vector<16xf32>,
      %scan3A_120 = arith.constant 0 : i32
      scf.yield %scan3A_120 : i32
    }
    %scan3A_71 = arith.constant 64 : i32
    %scan3A_72 = arith.constant 0 : i32
    %scan3A_73 = arith.constant 0 : i32
    %scan3A_74 = arith.constant 10 : i32
    %scan3A_75 = arith.addi %scan3A_73, %scan3A_74 : i32
    %scan3A_76 = arith.constant 1 : i32
    %scan3A_77 = scf.for %scan3A_95 = %scan3A_73 to %scan3A_75 step %scan3A_76 iter_args(%scan3A_96 = %scan3A_72) -> (i32)  : i32 {
      %mul3A_97 = arith.constant 64 : i32
      %mul3A_98 = arith.muli %scan3A_95, %mul3A_97 : i32
      %add3A_99 = arith.addi %mul3A_2, %mul3A_98 : i32
      "tpu.region"() ({
        %run_scoped3A = tpu.sem_alloc : memref<!tpu.dma_semaphore, #tpu.memory_space<semaphore_mem>>
        %dma_start3A = arith.constant 0 : i32
        %dma_start3A_101 = tpu.memref_slice %arg16[%add3A_99, %dma_start3A] : memref<10240x128xf32, #tpu.memory_space<vmem_shared>> -> memref<64x128xf32, #tpu.memory_space<vmem_shared>>
        %dma_start3A_102 = arith.constant 0 : i32
        %dma_start3A_103 = tpu.memref_slice %arg16[%add3A_99, %dma_start3A_102] : memref<10240x128xf32, #tpu.memory_space<vmem_shared>> -> memref<64x128xf32, #tpu.memory_space<vmem_shared>>
        tpu.enqueue_dma source(%arg26 : memref<64x128xf32, #tpu.memory_space<vmem>>) target(%dma_start3A_103 : memref<64x128xf32, #tpu.memory_space<vmem_shared>>) target_semaphore(%run_scoped3A : memref<!tpu.dma_semaphore, #tpu.memory_space<semaphore_mem>>)
        %dma_wait3A = arith.constant 0 : i32
        %dma_wait3A_104 = tpu.memref_slice %arg16[%add3A_99, %dma_wait3A] : memref<10240x128xf32, #tpu.memory_space<vmem_shared>> -> memref<64x128xf32, #tpu.memory_space<vmem_shared>>
        %dma_wait3A_105 = arith.constant 0 : i32
        %dma_wait3A_106 = tpu.memref_slice %arg16[%add3A_99, %dma_wait3A_105] : memref<10240x128xf32, #tpu.memory_space<vmem_shared>> -> memref<64x128xf32, #tpu.memory_space<vmem_shared>>
        tpu.wait_dma2 semaphore(%run_scoped3A : memref<!tpu.dma_semaphore, #tpu.memory_space<semaphore_mem>>) src(%arg26 : memref<64x128xf32, #tpu.memory_space<vmem>>) dst(%dma_wait3A_106 : memref<64x128xf32, #tpu.memory_space<vmem_shared>>)
        tpu.yield
      }) : () -> ()
      %scan3A_100 = arith.constant 0 : i32
      scf.yield %scan3A_100 : i32
    }
    %scan3A_78 = arith.constant 10 : i32
    %barrier3A_79 = arith.constant 0 : index
    tpu.barrier barrier_id(%barrier3A_79)
    %scan3A_80 = arith.constant 0 : i32
    %scan3A_81 = arith.constant 0 : i32
    %scan3A_82 = arith.constant 162 : i32
    %scan3A_83 = arith.addi %scan3A_81, %scan3A_82 : i32
    %scan3A_84 = arith.constant 1 : i32
    %scan3A_85 = scf.for %scan3A_95 = %scan3A_81 to %scan3A_83 step %scan3A_84 iter_args(%scan3A_96 = %scan3A_80) -> (i32)  : i32 {
      %mul3A_97 = arith.constant 162 : i32
      %mul3A_98 = arith.muli %add3A, %mul3A_97 : i32
      %add3A_99 = arith.addi %mul3A_98, %scan3A_95 : i32
      %mul3A_100 = arith.constant 64 : i32
      %mul3A_101 = arith.muli %add3A_99, %mul3A_100 : i32
      "tpu.region"() ({
        %run_scoped3A = tpu.sem_alloc : memref<!tpu.dma_semaphore, #tpu.memory_space<semaphore_mem>>
        %dma_start3A = tpu.memref_slice %arg2[%mul3A_101] : memref<331776xi32, #tpu.memory_space<hbm>> -> memref<64xi32, #tpu.memory_space<hbm>>
        %dma_start3A_110 = tpu.memref_slice %arg2[%mul3A_101] : memref<331776xi32, #tpu.memory_space<hbm>> -> memref<64xi32, #tpu.memory_space<hbm>>
        tpu.enqueue_dma source(%dma_start3A_110 : memref<64xi32, #tpu.memory_space<hbm>>) target(%arg17 : memref<64xi32, #tpu.memory_space<vmem>>) target_semaphore(%run_scoped3A : memref<!tpu.dma_semaphore, #tpu.memory_space<semaphore_mem>>)
        %dma_wait3A = tpu.memref_slice %arg2[%mul3A_101] : memref<331776xi32, #tpu.memory_space<hbm>> -> memref<64xi32, #tpu.memory_space<hbm>>
        %dma_wait3A_111 = tpu.memref_slice %arg2[%mul3A_101] : memref<331776xi32, #tpu.memory_space<hbm>> -> memref<64xi32, #tpu.memory_space<hbm>>
        tpu.wait_dma2 semaphore(%run_scoped3A : memref<!tpu.dma_semaphore, #tpu.memory_space<semaphore_mem>>) src(%dma_wait3A_111 : memref<64xi32, #tpu.memory_space<hbm>>) dst(%arg17 : memref<64xi32, #tpu.memory_space<vmem>>)
        tpu.yield
      }) : () -> ()
      "tpu.region"() ({
        %run_scoped3A = tpu.sem_alloc : memref<!tpu.dma_semaphore, #tpu.memory_space<semaphore_mem>>
        %dma_start3A = tpu.memref_slice %arg3[%mul3A_101] : memref<331776xi32, #tpu.memory_space<hbm>> -> memref<64xi32, #tpu.memory_space<hbm>>
        %dma_start3A_110 = tpu.memref_slice %arg3[%mul3A_101] : memref<331776xi32, #tpu.memory_space<hbm>> -> memref<64xi32, #tpu.memory_space<hbm>>
        tpu.enqueue_dma source(%dma_start3A_110 : memref<64xi32, #tpu.memory_space<hbm>>) target(%arg18 : memref<64xi32, #tpu.memory_space<vmem>>) target_semaphore(%run_scoped3A : memref<!tpu.dma_semaphore, #tpu.memory_space<semaphore_mem>>)
        %dma_wait3A = tpu.memref_slice %arg3[%mul3A_101] : memref<331776xi32, #tpu.memory_space<hbm>> -> memref<64xi32, #tpu.memory_space<hbm>>
        %dma_wait3A_111 = tpu.memref_slice %arg3[%mul3A_101] : memref<331776xi32, #tpu.memory_space<hbm>> -> memref<64xi32, #tpu.memory_space<hbm>>
        tpu.wait_dma2 semaphore(%run_scoped3A : memref<!tpu.dma_semaphore, #tpu.memory_space<semaphore_mem>>) src(%dma_wait3A_111 : memref<64xi32, #tpu.memory_space<hbm>>) dst(%arg18 : memref<64xi32, #tpu.memory_space<vmem>>)
        tpu.yield
      }) : () -> ()
      "tpu.region"() ({
        %run_scoped3A = tpu.sem_alloc : memref<!tpu.dma_semaphore, #tpu.memory_space<semaphore_mem>>
        %dma_start3A = tpu.memref_slice %arg11[%mul3A_101] : memref<331776xf32, #tpu.memory_space<hbm>> -> memref<64xf32, #tpu.memory_space<hbm>>
        %dma_start3A_110 = tpu.memref_slice %arg11[%mul3A_101] : memref<331776xf32, #tpu.memory_space<hbm>> -> memref<64xf32, #tpu.memory_space<hbm>>
        tpu.enqueue_dma source(%dma_start3A_110 : memref<64xf32, #tpu.memory_space<hbm>>) target(%arg21 : memref<64xf32, #tpu.memory_space<vmem>>) target_semaphore(%run_scoped3A : memref<!tpu.dma_semaphore, #tpu.memory_space<semaphore_mem>>)
        %dma_wait3A = tpu.memref_slice %arg11[%mul3A_101] : memref<331776xf32, #tpu.memory_space<hbm>> -> memref<64xf32, #tpu.memory_space<hbm>>
        %dma_wait3A_111 = tpu.memref_slice %arg11[%mul3A_101] : memref<331776xf32, #tpu.memory_space<hbm>> -> memref<64xf32, #tpu.memory_space<hbm>>
        tpu.wait_dma2 semaphore(%run_scoped3A : memref<!tpu.dma_semaphore, #tpu.memory_space<semaphore_mem>>) src(%dma_wait3A_111 : memref<64xf32, #tpu.memory_space<hbm>>) dst(%arg21 : memref<64xf32, #tpu.memory_space<vmem>>)
        tpu.yield
      }) : () -> ()
      "tpu.region"() ({
        %run_scoped3A = tpu.sem_alloc : memref<!tpu.dma_semaphore, #tpu.memory_space<semaphore_mem>>
        %dma_start3A = tpu.memref_slice %arg12[%mul3A_101] : memref<331776xf32, #tpu.memory_space<hbm>> -> memref<64xf32, #tpu.memory_space<hbm>>
        %dma_start3A_110 = tpu.memref_slice %arg12[%mul3A_101] : memref<331776xf32, #tpu.memory_space<hbm>> -> memref<64xf32, #tpu.memory_space<hbm>>
        tpu.enqueue_dma source(%dma_start3A_110 : memref<64xf32, #tpu.memory_space<hbm>>) target(%arg22 : memref<64xf32, #tpu.memory_space<vmem>>) target_semaphore(%run_scoped3A : memref<!tpu.dma_semaphore, #tpu.memory_space<semaphore_mem>>)
        %dma_wait3A = tpu.memref_slice %arg12[%mul3A_101] : memref<331776xf32, #tpu.memory_space<hbm>> -> memref<64xf32, #tpu.memory_space<hbm>>
        %dma_wait3A_111 = tpu.memref_slice %arg12[%mul3A_101] : memref<331776xf32, #tpu.memory_space<hbm>> -> memref<64xf32, #tpu.memory_space<hbm>>
        tpu.wait_dma2 semaphore(%run_scoped3A : memref<!tpu.dma_semaphore, #tpu.memory_space<semaphore_mem>>) src(%dma_wait3A_111 : memref<64xf32, #tpu.memory_space<hbm>>) dst(%arg22 : memref<64xf32, #tpu.memory_space<vmem>>)
        tpu.yield
      }) : () -> ()
      "tpu.region"() ({
        %run_scoped3A = tpu.sem_alloc : memref<!tpu.dma_semaphore, #tpu.memory_space<semaphore_mem>>
        %dma_start3A = tpu.memref_slice %arg13[%mul3A_101] : memref<331776xf32, #tpu.memory_space<hbm>> -> memref<64xf32, #tpu.memory_space<hbm>>
        %dma_start3A_110 = tpu.memref_slice %arg13[%mul3A_101] : memref<331776xf32, #tpu.memory_space<hbm>> -> memref<64xf32, #tpu.memory_space<hbm>>
        tpu.enqueue_dma source(%dma_start3A_110 : memref<64xf32, #tpu.memory_space<hbm>>) target(%arg23 : memref<64xf32, #tpu.memory_space<vmem>>) target_semaphore(%run_scoped3A : memref<!tpu.dma_semaphore, #tpu.memory_space<semaphore_mem>>)
        %dma_wait3A = tpu.memref_slice %arg13[%mul3A_101] : memref<331776xf32, #tpu.memory_space<hbm>> -> memref<64xf32, #tpu.memory_space<hbm>>
        %dma_wait3A_111 = tpu.memref_slice %arg13[%mul3A_101] : memref<331776xf32, #tpu.memory_space<hbm>> -> memref<64xf32, #tpu.memory_space<hbm>>
        tpu.wait_dma2 semaphore(%run_scoped3A : memref<!tpu.dma_semaphore, #tpu.memory_space<semaphore_mem>>) src(%dma_wait3A_111 : memref<64xf32, #tpu.memory_space<hbm>>) dst(%arg23 : memref<64xf32, #tpu.memory_space<vmem>>)
        tpu.yield
      }) : () -> ()
      "tpu.region"() ({
        %run_scoped3A = tpu.sem_alloc : memref<!tpu.dma_semaphore, #tpu.memory_space<semaphore_mem>>
        %dma_start3A = tpu.memref_slice %arg14[%mul3A_101] : memref<331776xf32, #tpu.memory_space<hbm>> -> memref<64xf32, #tpu.memory_space<hbm>>
        %dma_start3A_110 = tpu.memref_slice %arg14[%mul3A_101] : memref<331776xf32, #tpu.memory_space<hbm>> -> memref<64xf32, #tpu.memory_space<hbm>>
        tpu.enqueue_dma source(%dma_start3A_110 : memref<64xf32, #tpu.memory_space<hbm>>) target(%arg24 : memref<64xf32, #tpu.memory_space<vmem>>) target_semaphore(%run_scoped3A : memref<!tpu.dma_semaphore, #tpu.memory_space<semaphore_mem>>)
        %dma_wait3A = tpu.memref_slice %arg14[%mul3A_101] : memref<331776xf32, #tpu.memory_space<hbm>> -> memref<64xf32, #tpu.memory_space<hbm>>
        %dma_wait3A_111 = tpu.memref_slice %arg14[%mul3A_101] : memref<331776xf32, #tpu.memory_space<hbm>> -> memref<64xf32, #tpu.memory_space<hbm>>
        tpu.wait_dma2 semaphore(%run_scoped3A : memref<!tpu.dma_semaphore, #tpu.memory_space<semaphore_mem>>) src(%dma_wait3A_111 : memref<64xf32, #tpu.memory_space<hbm>>) dst(%arg24 : memref<64xf32, #tpu.memory_space<vmem>>)
        tpu.yield
      }) : () -> ()
      "tpu.region"() ({
        %run_scoped3A = tpu.sem_alloc : memref<!tpu.dma_semaphore, #tpu.memory_space<semaphore_mem>>
        %dma_start3A = tpu.memref_slice %arg15[%mul3A_101] : memref<331776xf32, #tpu.memory_space<hbm>> -> memref<64xf32, #tpu.memory_space<hbm>>
        %dma_start3A_110 = tpu.memref_slice %arg15[%mul3A_101] : memref<331776xf32, #tpu.memory_space<hbm>> -> memref<64xf32, #tpu.memory_space<hbm>>
        tpu.enqueue_dma source(%dma_start3A_110 : memref<64xf32, #tpu.memory_space<hbm>>) target(%arg25 : memref<64xf32, #tpu.memory_space<vmem>>) target_semaphore(%run_scoped3A : memref<!tpu.dma_semaphore, #tpu.memory_space<semaphore_mem>>)
        %dma_wait3A = tpu.memref_slice %arg15[%mul3A_101] : memref<331776xf32, #tpu.memory_space<hbm>> -> memref<64xf32, #tpu.memory_space<hbm>>
        %dma_wait3A_111 = tpu.memref_slice %arg15[%mul3A_101] : memref<331776xf32, #tpu.memory_space<hbm>> -> memref<64xf32, #tpu.memory_space<hbm>>
        tpu.wait_dma2 semaphore(%run_scoped3A : memref<!tpu.dma_semaphore, #tpu.memory_space<semaphore_mem>>) src(%dma_wait3A_111 : memref<64xf32, #tpu.memory_space<hbm>>) dst(%arg25 : memref<64xf32, #tpu.memory_space<vmem>>)
        tpu.yield
      }) : () -> ()
      "tpu.region"() ({
        %run_scoped3A = tpu.sem_alloc : memref<!tpu.dma_semaphore, #tpu.memory_space<semaphore_mem>>
        %dma_start3A = arith.constant 0 : i32
        %dma_start3A_110 = arith.constant 0 : i32
        %dma_start3A_111 = tpu.memref_slice %arg6[%dma_start3A, %dma_start3A_110] : memref<10240x128xf32, #tpu.memory_space<hbm>> -> memref<10240x128xf32, #tpu.memory_space<hbm>>
        tpu.enqueue_indirect_dma source(%dma_start3A_111 : memref<10240x128xf32, #tpu.memory_space<hbm>>) target(%arg26 : memref<64x128xf32, #tpu.memory_space<vmem>>) offsets(%arg17 : memref<64xi32, #tpu.memory_space<vmem>>) semaphore(%run_scoped3A : memref<!tpu.dma_semaphore, #tpu.memory_space<semaphore_mem>>)
        %dma_wait3A = arith.constant 0 : i32
        %dma_wait3A_112 = arith.constant 0 : i32
        %dma_wait3A_113 = tpu.memref_slice %arg6[%dma_wait3A, %dma_wait3A_112] : memref<10240x128xf32, #tpu.memory_space<hbm>> -> memref<10240x128xf32, #tpu.memory_space<hbm>>
        tpu.wait_indirect_dma semaphore(%run_scoped3A : memref<!tpu.dma_semaphore, #tpu.memory_space<semaphore_mem>>) src(%dma_wait3A_113 : memref<10240x128xf32, #tpu.memory_space<hbm>>) dst(%arg26 : memref<64x128xf32, #tpu.memory_space<vmem>>)
        tpu.yield
      }) : () -> ()
      %scan3A_102 = arith.constant 0 : i32
      %scan3A_103 = arith.constant 0 : i32
      %scan3A_104 = arith.constant 64 : i32
      %scan3A_105 = arith.addi %scan3A_103, %scan3A_104 : i32
      %scan3A_106 = arith.constant 1 : i32
      %scan3A_107 = scf.for %scan3A_110 = %scan3A_103 to %scan3A_105 step %scan3A_106 iter_args(%scan3A_111 = %scan3A_102) -> (i32)  : i32 {
        %broadcast_in_dim3A_112 = vector.broadcast %scan3A_110 : i32 to vector<16xi32>
        %gather3A = tpu.vector_load_idx %arg21[%broadcast_in_dim3A_112] : memref<64xf32, #tpu.memory_space<vmem>>[vector<16xi32>], vector<16xf32>,
        %gather3A_113 = tpu.vector_load_idx %arg22[%broadcast_in_dim3A_112] : memref<64xf32, #tpu.memory_space<vmem>>[vector<16xi32>], vector<16xf32>,
        %gather3A_114 = tpu.vector_load_idx %arg23[%broadcast_in_dim3A_112] : memref<64xf32, #tpu.memory_space<vmem>>[vector<16xi32>], vector<16xf32>,
        %gather3A_115 = tpu.vector_load_idx %arg24[%broadcast_in_dim3A_112] : memref<64xf32, #tpu.memory_space<vmem>>[vector<16xi32>], vector<16xf32>,
        %gather3A_116 = tpu.vector_load_idx %arg25[%broadcast_in_dim3A_112] : memref<64xf32, #tpu.memory_space<vmem>>[vector<16xi32>], vector<16xf32>,
        %get3A = arith.index_cast %scan3A_110 : i32 to index
        %get3A_117 = arith.constant 0 : index
        %get3A_118 = tpu.vector_load %arg26[%get3A, %get3A_117] {strides = array<i32>} : memref<64x128xf32, #tpu.memory_space<vmem>>, vector<16xf32>,
        %mul3A_119 = arith.mulf %get3A_118, %gather3A_116 : vector<16xf32>
        %swap3A = arith.index_cast %scan3A_110 : i32 to index
        %swap3A_120 = arith.constant 0 : index
        %swap3A_121 = tpu.vector_load %arg26[%swap3A, %swap3A_120] {strides = array<i32>} : memref<64x128xf32, #tpu.memory_space<vmem>>, vector<16xf32>,
        tpu.vector_store %arg26[%swap3A, %swap3A_120], %mul3A_119 {strides = array<i32>} : memref<64x128xf32, #tpu.memory_space<vmem>>, vector<16xf32>,
        %get3A_122 = arith.index_cast %scan3A_110 : i32 to index
        %get3A_123 = arith.constant 16 : index
        %get3A_124 = tpu.vector_load %arg26[%get3A_122, %get3A_123] {strides = array<i32>} : memref<64x128xf32, #tpu.memory_space<vmem>>, vector<16xf32>,
        %mul3A_125 = arith.mulf %get3A_124, %gather3A_116 : vector<16xf32>
        %swap3A_126 = arith.index_cast %scan3A_110 : i32 to index
        %swap3A_127 = arith.constant 16 : index
        %swap3A_128 = tpu.vector_load %arg26[%swap3A_126, %swap3A_127] {strides = array<i32>} : memref<64x128xf32, #tpu.memory_space<vmem>>, vector<16xf32>,
        tpu.vector_store %arg26[%swap3A_126, %swap3A_127], %mul3A_125 {strides = array<i32>} : memref<64x128xf32, #tpu.memory_space<vmem>>, vector<16xf32>,
        %get3A_129 = arith.index_cast %scan3A_110 : i32 to index
        %get3A_130 = arith.constant 32 : index
        %get3A_131 = tpu.vector_load %arg26[%get3A_129, %get3A_130] {strides = array<i32>} : memref<64x128xf32, #tpu.memory_space<vmem>>, vector<16xf32>,
        %mul3A_132 = arith.mulf %get3A_131, %gather3A_116 : vector<16xf32>
        %swap3A_133 = arith.index_cast %scan3A_110 : i32 to index
        %swap3A_134 = arith.constant 32 : index
        %swap3A_135 = tpu.vector_load %arg26[%swap3A_133, %swap3A_134] {strides = array<i32>} : memref<64x128xf32, #tpu.memory_space<vmem>>, vector<16xf32>,
        tpu.vector_store %arg26[%swap3A_133, %swap3A_134], %mul3A_132 {strides = array<i32>} : memref<64x128xf32, #tpu.memory_space<vmem>>, vector<16xf32>,
        %get3A_136 = arith.index_cast %scan3A_110 : i32 to index
        %get3A_137 = arith.constant 48 : index
        %get3A_138 = tpu.vector_load %arg26[%get3A_136, %get3A_137] {strides = array<i32>} : memref<64x128xf32, #tpu.memory_space<vmem>>, vector<16xf32>,
        %mul3A_139 = arith.mulf %get3A_138, %gather3A_116 : vector<16xf32>
        %swap3A_140 = arith.index_cast %scan3A_110 : i32 to index
        %swap3A_141 = arith.constant 48 : index
        %swap3A_142 = tpu.vector_load %arg26[%swap3A_140, %swap3A_141] {strides = array<i32>} : memref<64x128xf32, #tpu.memory_space<vmem>>, vector<16xf32>,
        tpu.vector_store %arg26[%swap3A_140, %swap3A_141], %mul3A_139 {strides = array<i32>} : memref<64x128xf32, #tpu.memory_space<vmem>>, vector<16xf32>,
        %get3A_143 = arith.index_cast %scan3A_110 : i32 to index
        %get3A_144 = arith.constant 64 : index
        %get3A_145 = tpu.vector_load %arg26[%get3A_143, %get3A_144] {strides = array<i32>} : memref<64x128xf32, #tpu.memory_space<vmem>>, vector<16xf32>,
        %mul3A_146 = arith.mulf %get3A_145, %gather3A : vector<16xf32>
        %swap3A_147 = arith.index_cast %scan3A_110 : i32 to index
        %swap3A_148 = arith.constant 64 : index
        %swap3A_149 = tpu.vector_load %arg26[%swap3A_147, %swap3A_148] {strides = array<i32>} : memref<64x128xf32, #tpu.memory_space<vmem>>, vector<16xf32>,
        tpu.vector_store %arg26[%swap3A_147, %swap3A_148], %mul3A_146 {strides = array<i32>} : memref<64x128xf32, #tpu.memory_space<vmem>>, vector<16xf32>,
        %get3A_150 = arith.index_cast %scan3A_110 : i32 to index
        %get3A_151 = arith.constant 80 : index
        %get3A_152 = tpu.vector_load %arg26[%get3A_150, %get3A_151] {strides = array<i32>} : memref<64x128xf32, #tpu.memory_space<vmem>>, vector<16xf32>,
        %mul3A_153 = arith.mulf %get3A_152, %gather3A_113 : vector<16xf32>
        %swap3A_154 = arith.index_cast %scan3A_110 : i32 to index
        %swap3A_155 = arith.constant 80 : index
        %swap3A_156 = tpu.vector_load %arg26[%swap3A_154, %swap3A_155] {strides = array<i32>} : memref<64x128xf32, #tpu.memory_space<vmem>>, vector<16xf32>,
        tpu.vector_store %arg26[%swap3A_154, %swap3A_155], %mul3A_153 {strides = array<i32>} : memref<64x128xf32, #tpu.memory_space<vmem>>, vector<16xf32>,
        %get3A_157 = arith.index_cast %scan3A_110 : i32 to index
        %get3A_158 = arith.constant 96 : index
        %get3A_159 = tpu.vector_load %arg26[%get3A_157, %get3A_158] {strides = array<i32>} : memref<64x128xf32, #tpu.memory_space<vmem>>, vector<16xf32>,
        %mul3A_160 = arith.mulf %get3A_159, %gather3A_114 : vector<16xf32>
        %swap3A_161 = arith.index_cast %scan3A_110 : i32 to index
        %swap3A_162 = arith.constant 96 : index
        %swap3A_163 = tpu.vector_load %arg26[%swap3A_161, %swap3A_162] {strides = array<i32>} : memref<64x128xf32, #tpu.memory_space<vmem>>, vector<16xf32>,
        tpu.vector_store %arg26[%swap3A_161, %swap3A_162], %mul3A_160 {strides = array<i32>} : memref<64x128xf32, #tpu.memory_space<vmem>>, vector<16xf32>,
        %mul3A_164 = arith.mulf %gather3A_115, %convert_element_type3A_6 : vector<16xf32>
        %sub3A = arith.constant 1.000000e+00 : f32
        %sub3A_165 = vector.broadcast %sub3A : f32 to vector<16xf32>
        %sub3A_166 = arith.subf %sub3A_165, %convert_element_type3A_6 : vector<16xf32>
        %mul3A_167 = arith.mulf %gather3A_116, %sub3A_166 : vector<16xf32>
        %add3A_168 = arith.addf %mul3A_164, %mul3A_167 : vector<16xf32>
        %get3A_169 = arith.index_cast %scan3A_110 : i32 to index
        %get3A_170 = arith.constant 112 : index
        %get3A_171 = tpu.vector_load %arg26[%get3A_169, %get3A_170] {strides = array<i32>} : memref<64x128xf32, #tpu.memory_space<vmem>>, vector<16xf32>,
        %mul3A_172 = arith.mulf %get3A_171, %add3A_168 : vector<16xf32>
        %swap3A_173 = arith.index_cast %scan3A_110 : i32 to index
        %swap3A_174 = arith.constant 112 : index
        %swap3A_175 = tpu.vector_load %arg26[%swap3A_173, %swap3A_174] {strides = array<i32>} : memref<64x128xf32, #tpu.memory_space<vmem>>, vector<16xf32>,
        tpu.vector_store %arg26[%swap3A_173, %swap3A_174], %mul3A_172 {strides = array<i32>} : memref<64x128xf32, #tpu.memory_space<vmem>>, vector<16xf32>,
        %scan3A_176 = arith.constant 0 : i32
        scf.yield %scan3A_176 : i32
      }
      %scan3A_108 = arith.constant 64 : i32
      "tpu.region"() ({
        %run_scoped3A = tpu.sem_alloc : memref<!tpu.dma_semaphore, #tpu.memory_space<semaphore_mem>>
        %dma_start3A = arith.constant 0 : i32
        %dma_start3A_110 = arith.constant 0 : i32
        %dma_start3A_111 = tpu.memref_slice %arg16[%dma_start3A, %dma_start3A_110] : memref<10240x128xf32, #tpu.memory_space<vmem_shared>> -> memref<10240x128xf32, #tpu.memory_space<vmem_shared>>
        tpu.enqueue_indirect_dma source(%arg26 : memref<64x128xf32, #tpu.memory_space<vmem>>) target(%dma_start3A_111 : memref<10240x128xf32, #tpu.memory_space<vmem_shared>>) offsets(%arg18 : memref<64xi32, #tpu.memory_space<vmem>>) semaphore(%run_scoped3A : memref<!tpu.dma_semaphore, #tpu.memory_space<semaphore_mem>>) {add = true}
        %dma_wait3A = arith.constant 0 : i32
        %dma_wait3A_112 = arith.constant 0 : i32
        %dma_wait3A_113 = tpu.memref_slice %arg16[%dma_wait3A, %dma_wait3A_112] : memref<10240x128xf32, #tpu.memory_space<vmem_shared>> -> memref<10240x128xf32, #tpu.memory_space<vmem_shared>>
        tpu.wait_indirect_dma semaphore(%run_scoped3A : memref<!tpu.dma_semaphore, #tpu.memory_space<semaphore_mem>>) src(%arg26 : memref<64x128xf32, #tpu.memory_space<vmem>>) dst(%dma_wait3A_113 : memref<10240x128xf32, #tpu.memory_space<vmem_shared>>)
        tpu.yield
      }) : () -> ()
      %scan3A_109 = arith.constant 0 : i32
      scf.yield %scan3A_109 : i32
    }
    %scan3A_86 = arith.constant 162 : i32
    %barrier3A_87 = arith.constant 0 : index
    tpu.barrier barrier_id(%barrier3A_87)
    %scan3A_88 = arith.constant 0 : i32
    %scan3A_89 = arith.constant 0 : i32
    %scan3A_90 = arith.constant 10 : i32
    %scan3A_91 = arith.addi %scan3A_89, %scan3A_90 : i32
    %scan3A_92 = arith.constant 1 : i32
    %scan3A_93 = scf.for %scan3A_95 = %scan3A_89 to %scan3A_91 step %scan3A_92 iter_args(%scan3A_96 = %scan3A_88) -> (i32)  : i32 {
      %mul3A_97 = arith.constant 64 : i32
      %mul3A_98 = arith.muli %scan3A_95, %mul3A_97 : i32
      %add3A_99 = arith.addi %mul3A_2, %mul3A_98 : i32
      "tpu.region"() ({
        %run_scoped3A = tpu.sem_alloc : memref<!tpu.dma_semaphore, #tpu.memory_space<semaphore_mem>>
        %dma_start3A = arith.constant 0 : i32
        %dma_start3A_101 = tpu.memref_slice %arg10[%arg0, %add3A_99, %dma_start3A] : memref<2x10240x128xf32, #tpu.memory_space<hbm>> -> memref<1x64x128xf32, #tpu.memory_space<hbm>>
        %dma_start3A_102 = tpu.memref_squeeze %dma_start3A_101 : memref<1x64x128xf32, #tpu.memory_space<hbm>> -> memref<64x128xf32, #tpu.memory_space<hbm>>
        %dma_start3A_103 = arith.constant 0 : i32
        %dma_start3A_104 = tpu.memref_slice %arg16[%add3A_99, %dma_start3A_103] : memref<10240x128xf32, #tpu.memory_space<vmem_shared>> -> memref<64x128xf32, #tpu.memory_space<vmem_shared>>
        tpu.enqueue_dma source(%dma_start3A_104 : memref<64x128xf32, #tpu.memory_space<vmem_shared>>) target(%dma_start3A_102 : memref<64x128xf32, #tpu.memory_space<hbm>>) target_semaphore(%run_scoped3A : memref<!tpu.dma_semaphore, #tpu.memory_space<semaphore_mem>>)
        %dma_wait3A = arith.constant 0 : i32
        %dma_wait3A_105 = tpu.memref_slice %arg10[%arg0, %add3A_99, %dma_wait3A] : memref<2x10240x128xf32, #tpu.memory_space<hbm>> -> memref<1x64x128xf32, #tpu.memory_space<hbm>>
        %dma_wait3A_106 = tpu.memref_squeeze %dma_wait3A_105 : memref<1x64x128xf32, #tpu.memory_space<hbm>> -> memref<64x128xf32, #tpu.memory_space<hbm>>
        %dma_wait3A_107 = arith.constant 0 : i32
        %dma_wait3A_108 = tpu.memref_slice %arg16[%add3A_99, %dma_wait3A_107] : memref<10240x128xf32, #tpu.memory_space<vmem_shared>> -> memref<64x128xf32, #tpu.memory_space<vmem_shared>>
        tpu.wait_dma2 semaphore(%run_scoped3A : memref<!tpu.dma_semaphore, #tpu.memory_space<semaphore_mem>>) src(%dma_wait3A_108 : memref<64x128xf32, #tpu.memory_space<vmem_shared>>) dst(%dma_wait3A_106 : memref<64x128xf32, #tpu.memory_space<hbm>>)
        tpu.yield
      }) : () -> ()
      %scan3A_100 = arith.constant 0 : i32
      scf.yield %scan3A_100 : i32
    }
    %scan3A_94 = arith.constant 10 : i32
    return
  }
}

module attributes {stable_mosaic.version = 14 : i64} {
  func.func @_t1_body(%arg0: i32, %arg1: memref<1024x128xf32, #tpu.memory_space<vmem>>, %arg2: memref<128x64xf32, #tpu.memory_space<vmem>>, %arg3: memref<1x64xf32, #tpu.memory_space<vmem>>, %arg4: memref<64x320xf32, #tpu.memory_space<vmem>>, %arg5: memref<320x16xf32, #tpu.memory_space<vmem>>, %arg6: memref<1x128xf32, #tpu.memory_space<vmem>>, %arg7: memref<1024x128xf32, #tpu.memory_space<vmem>>, %arg8: memref<1024x128xf32, #tpu.memory_space<vmem>>, %arg9: memref<1024x128xf32, #tpu.memory_space<vmem>>, %arg10: memref<1024x128xf32, #tpu.memory_space<vmem>>) attributes {dimension_semantics = [#tpu.dimension_semantics<arbitrary>], iteration_bounds = array<i64: 10>, scalar_prefetch = 0 : i64, scratch_operands = 0 : i64, tpu.core_type = #tpu.core_type<tc>, window_params = [{transform_indices = @transform_0, window_bounds = array<i64: 1024, 128>}, {pipeline_mode = #tpu.pipeline_mode<synchronous>, transform_indices = @transform_1, window_bounds = array<i64: 128, 64>}, {pipeline_mode = #tpu.pipeline_mode<synchronous>, transform_indices = @transform_2, window_bounds = array<i64: 1, 64>}, {pipeline_mode = #tpu.pipeline_mode<synchronous>, transform_indices = @transform_3, window_bounds = array<i64: 64, 320>}, {pipeline_mode = #tpu.pipeline_mode<synchronous>, transform_indices = @transform_4, window_bounds = array<i64: 320, 16>}, {pipeline_mode = #tpu.pipeline_mode<synchronous>, transform_indices = @transform_5, window_bounds = array<i64: 1, 128>}, {transform_indices = @transform_6, window_bounds = array<i64: 1024, 128>}, {transform_indices = @transform_7, window_bounds = array<i64: 1024, 128>}, {transform_indices = @transform_8, window_bounds = array<i64: 1024, 128>}, {transform_indices = @transform_9, window_bounds = array<i64: 1024, 128>}]} {
    %get3A = arith.constant 0 : index
    %get3A_0 = arith.constant 0 : index
    %get3A_1 = vector.load %arg1[%get3A, %get3A_0] : memref<1024x128xf32, #tpu.memory_space<vmem>>, vector<1024x128xf32>
    %get3A_2 = arith.constant 0 : index
    %get3A_3 = arith.constant 0 : index
    %get3A_4 = vector.load %arg2[%get3A_2, %get3A_3] : memref<128x64xf32, #tpu.memory_space<vmem>>, vector<128x64xf32>
    %dot_general3A = arith.constant dense<0.000000e+00> : vector<1024x64xf32>
    %dot_general3A_5 = tpu.matmul %get3A_1, %get3A_4, %dot_general3A {dimension_numbers = #tpu.dot_dimension_numbers<[1], [0], [0], [1], [0, 0, 1, 1], [], []>, transpose_lhs_hint = false} : vector<1024x128xf32>, vector<128x64xf32>, vector<1024x64xf32> -> vector<1024x64xf32>
    %get3A_6 = arith.constant 0 : index
    %get3A_7 = arith.constant 0 : index
    %get3A_8 = vector.load %arg3[%get3A_6, %get3A_7] : memref<1x64xf32, #tpu.memory_space<vmem>>, vector<1x64xf32>
    %add3A = vector.broadcast %get3A_8 : vector<1x64xf32> to vector<1024x64xf32>
    %add3A_9 = arith.addf %dot_general3A_5, %add3A : vector<1024x64xf32>
    %get3A_10 = arith.constant 0 : index
    %get3A_11 = arith.constant 0 : index
    %get3A_12 = vector.load %arg4[%get3A_10, %get3A_11] : memref<64x320xf32, #tpu.memory_space<vmem>>, vector<64x320xf32>
    %dot_general3A_13 = arith.constant dense<0.000000e+00> : vector<1024x320xf32>
    %dot_general3A_14 = tpu.matmul %add3A_9, %get3A_12, %dot_general3A_13 {dimension_numbers = #tpu.dot_dimension_numbers<[1], [0], [0], [1], [0, 0, 1, 1], [], []>, transpose_lhs_hint = false} : vector<1024x64xf32>, vector<64x320xf32>, vector<1024x320xf32> -> vector<1024x320xf32>
    %slice3A = vector.extract_strided_slice %dot_general3A_14 {offsets = [0, 0], sizes = [1024, 128], strides = [1, 1]} : vector<1024x320xf32> to vector<1024x128xf32>
    %swap3A = arith.constant 0 : index
    %swap3A_15 = arith.constant 0 : index
    %swap3A_16 = vector.load %arg7[%swap3A, %swap3A_15] : memref<1024x128xf32, #tpu.memory_space<vmem>>, vector<1024x128xf32>
    tpu.vector_store %arg7[%swap3A, %swap3A_15], %slice3A {strides = array<i32>} : memref<1024x128xf32, #tpu.memory_space<vmem>>, vector<1024x128xf32>,
    %slice3A_17 = vector.extract_strided_slice %dot_general3A_14 {offsets = [0, 128], sizes = [1024, 128], strides = [1, 1]} : vector<1024x320xf32> to vector<1024x128xf32>
    %swap3A_18 = arith.constant 0 : index
    %swap3A_19 = arith.constant 0 : index
    %swap3A_20 = vector.load %arg8[%swap3A_18, %swap3A_19] : memref<1024x128xf32, #tpu.memory_space<vmem>>, vector<1024x128xf32>
    tpu.vector_store %arg8[%swap3A_18, %swap3A_19], %slice3A_17 {strides = array<i32>} : memref<1024x128xf32, #tpu.memory_space<vmem>>, vector<1024x128xf32>,
    %slice3A_21 = vector.extract_strided_slice %dot_general3A_14 {offsets = [0, 256], sizes = [1024, 64], strides = [1, 1]} : vector<1024x320xf32> to vector<1024x64xf32>
    %broadcast_in_dim3A = arith.constant 0.000000e+00 : f32
    %broadcast_in_dim3A_22 = vector.broadcast %broadcast_in_dim3A : f32 to vector<1024x64xf32>
    %concatenate3A = tpu.concatenate %slice3A_21, %broadcast_in_dim3A_22 in 1 : vector<1024x64xf32>, vector<1024x64xf32> -> vector<1024x128xf32>
    %get3A_23 = arith.constant 0 : index
    %get3A_24 = arith.constant 0 : index
    %get3A_25 = vector.load %arg6[%get3A_23, %get3A_24] : memref<1x128xf32, #tpu.memory_space<vmem>>, vector<1x128xf32>
    %add3A_26 = vector.broadcast %get3A_25 : vector<1x128xf32> to vector<1024x128xf32>
    %add3A_27 = arith.addf %concatenate3A, %add3A_26 : vector<1024x128xf32>
    %swap3A_28 = arith.constant 0 : index
    %swap3A_29 = arith.constant 0 : index
    %swap3A_30 = vector.load %arg9[%swap3A_28, %swap3A_29] : memref<1024x128xf32, #tpu.memory_space<vmem>>, vector<1024x128xf32>
    tpu.vector_store %arg9[%swap3A_28, %swap3A_29], %add3A_27 {strides = array<i32>} : memref<1024x128xf32, #tpu.memory_space<vmem>>, vector<1024x128xf32>,
    %get3A_31 = arith.constant 0 : index
    %get3A_32 = arith.constant 0 : index
    %get3A_33 = vector.load %arg5[%get3A_31, %get3A_32] : memref<320x16xf32, #tpu.memory_space<vmem>>, vector<320x16xf32>
    %dot_general3A_34 = arith.constant dense<0.000000e+00> : vector<1024x16xf32>
    %dot_general3A_35 = tpu.matmul %dot_general3A_14, %get3A_33, %dot_general3A_34 {dimension_numbers = #tpu.dot_dimension_numbers<[1], [0], [0], [1], [0, 0, 1, 1], [], []>, transpose_lhs_hint = false} : vector<1024x320xf32>, vector<320x16xf32>, vector<1024x16xf32> -> vector<1024x16xf32>
    %broadcast_in_dim3A_36 = arith.constant 0.000000e+00 : f32
    %broadcast_in_dim3A_37 = vector.broadcast %broadcast_in_dim3A_36 : f32 to vector<1024x112xf32>
    %concatenate3A_38 = tpu.concatenate %dot_general3A_35, %broadcast_in_dim3A_37 in 1 : vector<1024x16xf32>, vector<1024x112xf32> -> vector<1024x128xf32>
    %swap3A_39 = arith.constant 0 : index
    %swap3A_40 = arith.constant 0 : index
    %swap3A_41 = vector.load %arg10[%swap3A_39, %swap3A_40] : memref<1024x128xf32, #tpu.memory_space<vmem>>, vector<1024x128xf32>
    tpu.vector_store %arg10[%swap3A_39, %swap3A_40], %concatenate3A_38 {strides = array<i32>} : memref<1024x128xf32, #tpu.memory_space<vmem>>, vector<1024x128xf32>,
    return
  }
  func.func @transform_0(%arg0: i32) -> (i32, i32) {
    %c0_i32 = arith.constant 0 : i32
    %c0_i32_0 = arith.constant 0 : i32
    return %arg0, %c0_i32 : i32, i32
  }
  func.func @transform_1(%arg0: i32) -> (i32, i32) {
    %c0_i32 = arith.constant 0 : i32
    %c0_i32_0 = arith.constant 0 : i32
    %c0_i32_1 = arith.constant 0 : i32
    return %c0_i32, %c0_i32_0 : i32, i32
  }
  func.func @transform_2(%arg0: i32) -> (i32, i32) {
    %c0_i32 = arith.constant 0 : i32
    %c0_i32_0 = arith.constant 0 : i32
    %c0_i32_1 = arith.constant 0 : i32
    return %c0_i32, %c0_i32_0 : i32, i32
  }
  func.func @transform_3(%arg0: i32) -> (i32, i32) {
    %c0_i32 = arith.constant 0 : i32
    %c0_i32_0 = arith.constant 0 : i32
    %c0_i32_1 = arith.constant 0 : i32
    return %c0_i32, %c0_i32_0 : i32, i32
  }
  func.func @transform_4(%arg0: i32) -> (i32, i32) {
    %c0_i32 = arith.constant 0 : i32
    %c0_i32_0 = arith.constant 0 : i32
    %c0_i32_1 = arith.constant 0 : i32
    return %c0_i32, %c0_i32_0 : i32, i32
  }
  func.func @transform_5(%arg0: i32) -> (i32, i32) {
    %c0_i32 = arith.constant 0 : i32
    %c0_i32_0 = arith.constant 0 : i32
    %c0_i32_1 = arith.constant 0 : i32
    return %c0_i32, %c0_i32_0 : i32, i32
  }
  func.func @transform_6(%arg0: i32) -> (i32, i32) {
    %c0_i32 = arith.constant 0 : i32
    %c0_i32_0 = arith.constant 0 : i32
    return %arg0, %c0_i32 : i32, i32
  }
  func.func @transform_7(%arg0: i32) -> (i32, i32) {
    %c0_i32 = arith.constant 0 : i32
    %c0_i32_0 = arith.constant 0 : i32
    return %arg0, %c0_i32 : i32, i32
  }
  func.func @transform_8(%arg0: i32) -> (i32, i32) {
    %c0_i32 = arith.constant 0 : i32
    %c0_i32_0 = arith.constant 0 : i32
    return %arg0, %c0_i32 : i32, i32
  }
  func.func @transform_9(%arg0: i32) -> (i32, i32) {
    %c0_i32 = arith.constant 0 : i32
    %c0_i32_0 = arith.constant 0 : i32
    return %arg0, %c0_i32 : i32, i32
  }
}

module attributes {stable_mosaic.version = 14 : i64} {
  func.func @_t3_body(%arg0: i32, %arg1: memref<2x1024x128xf32, #tpu.memory_space<vmem>>, %arg2: memref<2x1024x128xf32, #tpu.memory_space<vmem>>, %arg3: memref<2x1024x128xf32, #tpu.memory_space<vmem>>, %arg4: memref<1x320xf32, #tpu.memory_space<vmem>>, %arg5: memref<320x384xf32, #tpu.memory_space<vmem>>, %arg6: memref<384x16xf32, #tpu.memory_space<vmem>>, %arg7: memref<1x384xf32, #tpu.memory_space<vmem>>, %arg8: memref<1024x128xf32, #tpu.memory_space<vmem>>, %arg9: memref<1024x128xf32, #tpu.memory_space<vmem>>, %arg10: memref<1024x128xf32, #tpu.memory_space<vmem>>, %arg11: memref<1024x128xf32, #tpu.memory_space<vmem>>) attributes {dimension_semantics = [#tpu.dimension_semantics<arbitrary>], iteration_bounds = array<i64: 10>, scalar_prefetch = 0 : i64, scratch_operands = 0 : i64, tpu.core_type = #tpu.core_type<tc>, window_params = [{transform_indices = @transform_0, window_bounds = array<i64: 2, 1024, 128>}, {transform_indices = @transform_1, window_bounds = array<i64: 2, 1024, 128>}, {transform_indices = @transform_2, window_bounds = array<i64: 2, 1024, 128>}, {pipeline_mode = #tpu.pipeline_mode<synchronous>, transform_indices = @transform_3, window_bounds = array<i64: 1, 320>}, {pipeline_mode = #tpu.pipeline_mode<synchronous>, transform_indices = @transform_4, window_bounds = array<i64: 320, 384>}, {pipeline_mode = #tpu.pipeline_mode<synchronous>, transform_indices = @transform_5, window_bounds = array<i64: 384, 16>}, {pipeline_mode = #tpu.pipeline_mode<synchronous>, transform_indices = @transform_6, window_bounds = array<i64: 1, 384>}, {transform_indices = @transform_7, window_bounds = array<i64: 1024, 128>}, {transform_indices = @transform_8, window_bounds = array<i64: 1024, 128>}, {transform_indices = @transform_9, window_bounds = array<i64: 1024, 128>}, {transform_indices = @transform_10, window_bounds = array<i64: 1024, 128>}]} {
    %get3A = arith.constant 0 : index
    %get3A_0 = arith.constant 0 : index
    %get3A_1 = arith.constant 0 : index
    %get3A_2 = vector.load %arg1[%get3A, %get3A_0, %get3A_1] : memref<2x1024x128xf32, #tpu.memory_space<vmem>>, vector<1x1024x128xf32>
    %get3A_3 = vector.shape_cast %get3A_2 : vector<1x1024x128xf32> to vector<1024x128xf32>
    %get3A_4 = arith.constant 1 : index
    %get3A_5 = arith.constant 0 : index
    %get3A_6 = arith.constant 0 : index
    %get3A_7 = vector.load %arg1[%get3A_4, %get3A_5, %get3A_6] : memref<2x1024x128xf32, #tpu.memory_space<vmem>>, vector<1x1024x128xf32>
    %get3A_8 = vector.shape_cast %get3A_7 : vector<1x1024x128xf32> to vector<1024x128xf32>
    %add3A = arith.addf %get3A_3, %get3A_8 : vector<1024x128xf32>
    %get3A_9 = arith.constant 0 : index
    %get3A_10 = arith.constant 0 : index
    %get3A_11 = arith.constant 0 : index
    %get3A_12 = vector.load %arg2[%get3A_9, %get3A_10, %get3A_11] : memref<2x1024x128xf32, #tpu.memory_space<vmem>>, vector<1x1024x128xf32>
    %get3A_13 = vector.shape_cast %get3A_12 : vector<1x1024x128xf32> to vector<1024x128xf32>
    %get3A_14 = arith.constant 1 : index
    %get3A_15 = arith.constant 0 : index
    %get3A_16 = arith.constant 0 : index
    %get3A_17 = vector.load %arg2[%get3A_14, %get3A_15, %get3A_16] : memref<2x1024x128xf32, #tpu.memory_space<vmem>>, vector<1x1024x128xf32>
    %get3A_18 = vector.shape_cast %get3A_17 : vector<1x1024x128xf32> to vector<1024x128xf32>
    %add3A_19 = arith.addf %get3A_13, %get3A_18 : vector<1024x128xf32>
    %get3A_20 = arith.constant 0 : index
    %get3A_21 = arith.constant 0 : index
    %get3A_22 = arith.constant 0 : index
    %get3A_23 = vector.load %arg3[%get3A_20, %get3A_21, %get3A_22] : memref<2x1024x128xf32, #tpu.memory_space<vmem>>, vector<1x1024x128xf32>
    %get3A_24 = vector.shape_cast %get3A_23 : vector<1x1024x128xf32> to vector<1024x128xf32>
    %get3A_25 = arith.constant 1 : index
    %get3A_26 = arith.constant 0 : index
    %get3A_27 = arith.constant 0 : index
    %get3A_28 = vector.load %arg3[%get3A_25, %get3A_26, %get3A_27] : memref<2x1024x128xf32, #tpu.memory_space<vmem>>, vector<1x1024x128xf32>
    %get3A_29 = vector.shape_cast %get3A_28 : vector<1x1024x128xf32> to vector<1024x128xf32>
    %add3A_30 = arith.addf %get3A_24, %get3A_29 : vector<1024x128xf32>
    %slice3A = vector.extract_strided_slice %add3A_30 {offsets = [0, 0], sizes = [1024, 64], strides = [1, 1]} : vector<1024x128xf32> to vector<1024x64xf32>
    %concatenate3A = tpu.concatenate %add3A, %add3A_19, %slice3A in 1 : vector<1024x128xf32>, vector<1024x128xf32>, vector<1024x64xf32> -> vector<1024x320xf32>
    %slice3A_31 = vector.extract_strided_slice %add3A_30 {offsets = [0, 64], sizes = [1024, 1], strides = [1, 1]} : vector<1024x128xf32> to vector<1024x1xf32>
    %broadcast_in_dim3A = vector.shape_cast %slice3A_31 : vector<1024x1xf32> to vector<1024x1xf32>
    %broadcast_in_dim3A_32 = vector.broadcast %broadcast_in_dim3A : vector<1024x1xf32> to vector<1024x64xf32>
    %slice3A_33 = vector.extract_strided_slice %add3A_30 {offsets = [0, 80], sizes = [1024, 1], strides = [1, 1]} : vector<1024x128xf32> to vector<1024x1xf32>
    %broadcast_in_dim3A_34 = vector.shape_cast %slice3A_33 : vector<1024x1xf32> to vector<1024x1xf32>
    %broadcast_in_dim3A_35 = vector.broadcast %broadcast_in_dim3A_34 : vector<1024x1xf32> to vector<1024x64xf32>
    %slice3A_36 = vector.extract_strided_slice %add3A_30 {offsets = [0, 96], sizes = [1024, 1], strides = [1, 1]} : vector<1024x128xf32> to vector<1024x1xf32>
    %broadcast_in_dim3A_37 = vector.shape_cast %slice3A_36 : vector<1024x1xf32> to vector<1024x1xf32>
    %broadcast_in_dim3A_38 = vector.broadcast %broadcast_in_dim3A_37 : vector<1024x1xf32> to vector<1024x64xf32>
    %slice3A_39 = vector.extract_strided_slice %add3A_30 {offsets = [0, 112], sizes = [1024, 1], strides = [1, 1]} : vector<1024x128xf32> to vector<1024x1xf32>
    %broadcast_in_dim3A_40 = vector.shape_cast %slice3A_39 : vector<1024x1xf32> to vector<1024x1xf32>
    %broadcast_in_dim3A_41 = vector.broadcast %broadcast_in_dim3A_40 : vector<1024x1xf32> to vector<1024x64xf32>
    %slice3A_42 = vector.extract_strided_slice %add3A_30 {offsets = [0, 120], sizes = [1024, 1], strides = [1, 1]} : vector<1024x128xf32> to vector<1024x1xf32>
    %broadcast_in_dim3A_43 = vector.shape_cast %slice3A_42 : vector<1024x1xf32> to vector<1024x1xf32>
    %broadcast_in_dim3A_44 = vector.broadcast %broadcast_in_dim3A_43 : vector<1024x1xf32> to vector<1024x64xf32>
    %concatenate3A_45 = tpu.concatenate %broadcast_in_dim3A_32, %broadcast_in_dim3A_35, %broadcast_in_dim3A_38, %broadcast_in_dim3A_41, %broadcast_in_dim3A_44 in 1 : vector<1024x64xf32>, vector<1024x64xf32>, vector<1024x64xf32>, vector<1024x64xf32>, vector<1024x64xf32> -> vector<1024x320xf32>
    %add3A_46 = arith.constant 1.000000e-16 : f32
    %add3A_47 = vector.broadcast %add3A_46 : f32 to vector<1024x320xf32>
    %add3A_48 = arith.addf %concatenate3A_45, %add3A_47 : vector<1024x320xf32>
    %div3A = arith.divf %concatenate3A, %add3A_48 : vector<1024x320xf32>
    %get3A_49 = arith.constant 0 : index
    %get3A_50 = arith.constant 0 : index
    %get3A_51 = vector.load %arg4[%get3A_49, %get3A_50] : memref<1x320xf32, #tpu.memory_space<vmem>>, vector<1x320xf32>
    %add3A_52 = vector.broadcast %get3A_51 : vector<1x320xf32> to vector<1024x320xf32>
    %add3A_53 = arith.addf %div3A, %add3A_52 : vector<1024x320xf32>
    %gt3A = arith.constant 0.000000e+00 : f32
    %gt3A_54 = vector.broadcast %gt3A : f32 to vector<1024x320xf32>
    %gt3A_55 = arith.cmpf ogt, %add3A_53, %gt3A_54 : vector<1024x320xf32>
    %min3A = arith.constant 0.000000e+00 : f32
    %min3A_56 = vector.broadcast %min3A : f32 to vector<1024x320xf32>
    %min3A_57 = arith.minimumf %add3A_53, %min3A_56 : vector<1024x320xf32>
    %exp3A = math.exp %min3A_57 : vector<1024x320xf32>
    %sub3A = arith.constant 1.000000e+00 : f32
    %sub3A_58 = vector.broadcast %sub3A : f32 to vector<1024x320xf32>
    %sub3A_59 = arith.subf %exp3A, %sub3A_58 : vector<1024x320xf32>
    %select_n3A = arith.select %gt3A_55, %add3A_53, %sub3A_59 : vector<1024x320xi1>, vector<1024x320xf32>
    %get3A_60 = arith.constant 0 : index
    %get3A_61 = arith.constant 0 : index
    %get3A_62 = vector.load %arg5[%get3A_60, %get3A_61] : memref<320x384xf32, #tpu.memory_space<vmem>>, vector<320x384xf32>
    %dot_general3A = arith.constant dense<0.000000e+00> : vector<1024x384xf32>
    %dot_general3A_63 = tpu.matmul %select_n3A, %get3A_62, %dot_general3A {dimension_numbers = #tpu.dot_dimension_numbers<[1], [0], [0], [1], [0, 0, 1, 1], [], []>, transpose_lhs_hint = false} : vector<1024x320xf32>, vector<320x384xf32>, vector<1024x384xf32> -> vector<1024x384xf32>
    %get3A_64 = arith.constant 0 : index
    %get3A_65 = arith.constant 0 : index
    %get3A_66 = vector.load %arg7[%get3A_64, %get3A_65] : memref<1x384xf32, #tpu.memory_space<vmem>>, vector<1x384xf32>
    %add3A_67 = vector.broadcast %get3A_66 : vector<1x384xf32> to vector<1024x384xf32>
    %add3A_68 = arith.addf %dot_general3A_63, %add3A_67 : vector<1024x384xf32>
    %slice3A_69 = vector.extract_strided_slice %add3A_68 {offsets = [0, 0], sizes = [1024, 128], strides = [1, 1]} : vector<1024x384xf32> to vector<1024x128xf32>
    %swap3A = arith.constant 0 : index
    %swap3A_70 = arith.constant 0 : index
    %swap3A_71 = vector.load %arg8[%swap3A, %swap3A_70] : memref<1024x128xf32, #tpu.memory_space<vmem>>, vector<1024x128xf32>
    tpu.vector_store %arg8[%swap3A, %swap3A_70], %slice3A_69 {strides = array<i32>} : memref<1024x128xf32, #tpu.memory_space<vmem>>, vector<1024x128xf32>,
    %slice3A_72 = vector.extract_strided_slice %add3A_68 {offsets = [0, 128], sizes = [1024, 128], strides = [1, 1]} : vector<1024x384xf32> to vector<1024x128xf32>
    %swap3A_73 = arith.constant 0 : index
    %swap3A_74 = arith.constant 0 : index
    %swap3A_75 = vector.load %arg9[%swap3A_73, %swap3A_74] : memref<1024x128xf32, #tpu.memory_space<vmem>>, vector<1024x128xf32>
    tpu.vector_store %arg9[%swap3A_73, %swap3A_74], %slice3A_72 {strides = array<i32>} : memref<1024x128xf32, #tpu.memory_space<vmem>>, vector<1024x128xf32>,
    %slice3A_76 = vector.extract_strided_slice %add3A_68 {offsets = [0, 256], sizes = [1024, 128], strides = [1, 1]} : vector<1024x384xf32> to vector<1024x128xf32>
    %swap3A_77 = arith.constant 0 : index
    %swap3A_78 = arith.constant 0 : index
    %swap3A_79 = vector.load %arg10[%swap3A_77, %swap3A_78] : memref<1024x128xf32, #tpu.memory_space<vmem>>, vector<1024x128xf32>
    tpu.vector_store %arg10[%swap3A_77, %swap3A_78], %slice3A_76 {strides = array<i32>} : memref<1024x128xf32, #tpu.memory_space<vmem>>, vector<1024x128xf32>,
    %get3A_80 = arith.constant 0 : index
    %get3A_81 = arith.constant 0 : index
    %get3A_82 = vector.load %arg6[%get3A_80, %get3A_81] : memref<384x16xf32, #tpu.memory_space<vmem>>, vector<384x16xf32>
    %dot_general3A_83 = arith.constant dense<0.000000e+00> : vector<1024x16xf32>
    %dot_general3A_84 = tpu.matmul %add3A_68, %get3A_82, %dot_general3A_83 {dimension_numbers = #tpu.dot_dimension_numbers<[1], [0], [0], [1], [0, 0, 1, 1], [], []>, transpose_lhs_hint = false} : vector<1024x384xf32>, vector<384x16xf32>, vector<1024x16xf32> -> vector<1024x16xf32>
    %broadcast_in_dim3A_85 = arith.constant 0.000000e+00 : f32
    %broadcast_in_dim3A_86 = vector.broadcast %broadcast_in_dim3A_85 : f32 to vector<1024x112xf32>
    %concatenate3A_87 = tpu.concatenate %dot_general3A_84, %broadcast_in_dim3A_86 in 1 : vector<1024x16xf32>, vector<1024x112xf32> -> vector<1024x128xf32>
    %swap3A_88 = arith.constant 0 : index
    %swap3A_89 = arith.constant 0 : index
    %swap3A_90 = vector.load %arg11[%swap3A_88, %swap3A_89] : memref<1024x128xf32, #tpu.memory_space<vmem>>, vector<1024x128xf32>
    tpu.vector_store %arg11[%swap3A_88, %swap3A_89], %concatenate3A_87 {strides = array<i32>} : memref<1024x128xf32, #tpu.memory_space<vmem>>, vector<1024x128xf32>,
    return
  }
  func.func @transform_0(%arg0: i32) -> (i32, i32, i32) {
    %c0_i32 = arith.constant 0 : i32
    %c0_i32_0 = arith.constant 0 : i32
    %c0_i32_1 = arith.constant 0 : i32
    return %c0_i32, %arg0, %c0_i32_0 : i32, i32, i32
  }
  func.func @transform_1(%arg0: i32) -> (i32, i32, i32) {
    %c0_i32 = arith.constant 0 : i32
    %c0_i32_0 = arith.constant 0 : i32
    %c0_i32_1 = arith.constant 0 : i32
    return %c0_i32, %arg0, %c0_i32_0 : i32, i32, i32
  }
  func.func @transform_2(%arg0: i32) -> (i32, i32, i32) {
    %c0_i32 = arith.constant 0 : i32
    %c0_i32_0 = arith.constant 0 : i32
    %c0_i32_1 = arith.constant 0 : i32
    return %c0_i32, %arg0, %c0_i32_0 : i32, i32, i32
  }
  func.func @transform_3(%arg0: i32) -> (i32, i32) {
    %c0_i32 = arith.constant 0 : i32
    %c0_i32_0 = arith.constant 0 : i32
    %c0_i32_1 = arith.constant 0 : i32
    return %c0_i32, %c0_i32_0 : i32, i32
  }
  func.func @transform_4(%arg0: i32) -> (i32, i32) {
    %c0_i32 = arith.constant 0 : i32
    %c0_i32_0 = arith.constant 0 : i32
    %c0_i32_1 = arith.constant 0 : i32
    return %c0_i32, %c0_i32_0 : i32, i32
  }
  func.func @transform_5(%arg0: i32) -> (i32, i32) {
    %c0_i32 = arith.constant 0 : i32
    %c0_i32_0 = arith.constant 0 : i32
    %c0_i32_1 = arith.constant 0 : i32
    return %c0_i32, %c0_i32_0 : i32, i32
  }
  func.func @transform_6(%arg0: i32) -> (i32, i32) {
    %c0_i32 = arith.constant 0 : i32
    %c0_i32_0 = arith.constant 0 : i32
    %c0_i32_1 = arith.constant 0 : i32
    return %c0_i32, %c0_i32_0 : i32, i32
  }
  func.func @transform_7(%arg0: i32) -> (i32, i32) {
    %c0_i32 = arith.constant 0 : i32
    %c0_i32_0 = arith.constant 0 : i32
    return %arg0, %c0_i32 : i32, i32
  }
  func.func @transform_8(%arg0: i32) -> (i32, i32) {
    %c0_i32 = arith.constant 0 : i32
    %c0_i32_0 = arith.constant 0 : i32
    return %arg0, %c0_i32 : i32, i32
  }
  func.func @transform_9(%arg0: i32) -> (i32, i32) {
    %c0_i32 = arith.constant 0 : i32
    %c0_i32_0 = arith.constant 0 : i32
    return %arg0, %c0_i32 : i32, i32
  }
  func.func @transform_10(%arg0: i32) -> (i32, i32) {
    %c0_i32 = arith.constant 0 : i32
    %c0_i32_0 = arith.constant 0 : i32
    return %arg0, %c0_i32 : i32, i32
  }
}

module attributes {stable_mosaic.version = 14 : i64} {
  func.func @_t5_body(%arg0: i32, %arg1: memref<2x1024x128xf32, #tpu.memory_space<vmem>>, %arg2: memref<2x1024x128xf32, #tpu.memory_space<vmem>>, %arg3: memref<2x1024x128xf32, #tpu.memory_space<vmem>>, %arg4: memref<1x40xf32, #tpu.memory_space<vmem>>, %arg5: memref<1024x40xf32, #tpu.memory_space<vmem>>) attributes {dimension_semantics = [#tpu.dimension_semantics<arbitrary>], iteration_bounds = array<i64: 10>, scalar_prefetch = 0 : i64, scratch_operands = 0 : i64, tpu.core_type = #tpu.core_type<tc>, window_params = [{transform_indices = @transform_0, window_bounds = array<i64: 2, 1024, 128>}, {transform_indices = @transform_1, window_bounds = array<i64: 2, 1024, 128>}, {transform_indices = @transform_2, window_bounds = array<i64: 2, 1024, 128>}, {pipeline_mode = #tpu.pipeline_mode<synchronous>, transform_indices = @transform_3, window_bounds = array<i64: 1, 40>}, {transform_indices = @transform_4, window_bounds = array<i64: 1024, 40>}]} {
    %get3A = arith.constant 0 : index
    %get3A_0 = arith.constant 0 : index
    %get3A_1 = arith.constant 0 : index
    %get3A_2 = vector.load %arg1[%get3A, %get3A_0, %get3A_1] : memref<2x1024x128xf32, #tpu.memory_space<vmem>>, vector<1x1024x128xf32>
    %get3A_3 = vector.shape_cast %get3A_2 : vector<1x1024x128xf32> to vector<1024x128xf32>
    %get3A_4 = arith.constant 1 : index
    %get3A_5 = arith.constant 0 : index
    %get3A_6 = arith.constant 0 : index
    %get3A_7 = vector.load %arg1[%get3A_4, %get3A_5, %get3A_6] : memref<2x1024x128xf32, #tpu.memory_space<vmem>>, vector<1x1024x128xf32>
    %get3A_8 = vector.shape_cast %get3A_7 : vector<1x1024x128xf32> to vector<1024x128xf32>
    %add3A = arith.addf %get3A_3, %get3A_8 : vector<1024x128xf32>
    %get3A_9 = arith.constant 0 : index
    %get3A_10 = arith.constant 0 : index
    %get3A_11 = arith.constant 0 : index
    %get3A_12 = vector.load %arg2[%get3A_9, %get3A_10, %get3A_11] : memref<2x1024x128xf32, #tpu.memory_space<vmem>>, vector<1x1024x128xf32>
    %get3A_13 = vector.shape_cast %get3A_12 : vector<1x1024x128xf32> to vector<1024x128xf32>
    %get3A_14 = arith.constant 1 : index
    %get3A_15 = arith.constant 0 : index
    %get3A_16 = arith.constant 0 : index
    %get3A_17 = vector.load %arg2[%get3A_14, %get3A_15, %get3A_16] : memref<2x1024x128xf32, #tpu.memory_space<vmem>>, vector<1x1024x128xf32>
    %get3A_18 = vector.shape_cast %get3A_17 : vector<1x1024x128xf32> to vector<1024x128xf32>
    %add3A_19 = arith.addf %get3A_13, %get3A_18 : vector<1024x128xf32>
    %get3A_20 = arith.constant 0 : index
    %get3A_21 = arith.constant 0 : index
    %get3A_22 = arith.constant 0 : index
    %get3A_23 = vector.load %arg3[%get3A_20, %get3A_21, %get3A_22] : memref<2x1024x128xf32, #tpu.memory_space<vmem>>, vector<1x1024x128xf32>
    %get3A_24 = vector.shape_cast %get3A_23 : vector<1x1024x128xf32> to vector<1024x128xf32>
    %get3A_25 = arith.constant 1 : index
    %get3A_26 = arith.constant 0 : index
    %get3A_27 = arith.constant 0 : index
    %get3A_28 = vector.load %arg3[%get3A_25, %get3A_26, %get3A_27] : memref<2x1024x128xf32, #tpu.memory_space<vmem>>, vector<1x1024x128xf32>
    %get3A_29 = vector.shape_cast %get3A_28 : vector<1x1024x128xf32> to vector<1024x128xf32>
    %add3A_30 = arith.addf %get3A_24, %get3A_29 : vector<1024x128xf32>
    %broadcast_in_dim3A = arith.constant 0.000000e+00 : f32
    %broadcast_in_dim3A_31 = vector.broadcast %broadcast_in_dim3A : f32 to vector<1024x40xf32>
    %slice3A = vector.extract_strided_slice %add3A {offsets = [0, 80], sizes = [1024, 1], strides = [1, 1]} : vector<1024x128xf32> to vector<1024x1xf32>
    %broadcast_in_dim3A_32 = vector.shape_cast %slice3A : vector<1024x1xf32> to vector<1024x1xf32>
    %broadcast_in_dim3A_33 = vector.broadcast %broadcast_in_dim3A_32 : vector<1024x1xf32> to vector<1024x40xf32>
    %slice3A_34 = vector.extract_strided_slice %add3A {offsets = [0, 0], sizes = [1024, 40], strides = [1, 1]} : vector<1024x128xf32> to vector<1024x40xf32>
    %add3A_35 = arith.constant 1.000000e-16 : f32
    %add3A_36 = vector.broadcast %add3A_35 : f32 to vector<1024x40xf32>
    %add3A_37 = arith.addf %broadcast_in_dim3A_33, %add3A_36 : vector<1024x40xf32>
    %div3A = arith.divf %slice3A_34, %add3A_37 : vector<1024x40xf32>
    %add3A_38 = arith.addf %broadcast_in_dim3A_31, %div3A : vector<1024x40xf32>
    %slice3A_39 = vector.extract_strided_slice %add3A {offsets = [0, 96], sizes = [1024, 1], strides = [1, 1]} : vector<1024x128xf32> to vector<1024x1xf32>
    %broadcast_in_dim3A_40 = vector.shape_cast %slice3A_39 : vector<1024x1xf32> to vector<1024x1xf32>
    %broadcast_in_dim3A_41 = vector.broadcast %broadcast_in_dim3A_40 : vector<1024x1xf32> to vector<1024x40xf32>
    %slice3A_42 = vector.extract_strided_slice %add3A {offsets = [0, 40], sizes = [1024, 40], strides = [1, 1]} : vector<1024x128xf32> to vector<1024x40xf32>
    %add3A_43 = arith.constant 1.000000e-16 : f32
    %add3A_44 = vector.broadcast %add3A_43 : f32 to vector<1024x40xf32>
    %add3A_45 = arith.addf %broadcast_in_dim3A_41, %add3A_44 : vector<1024x40xf32>
    %div3A_46 = arith.divf %slice3A_42, %add3A_45 : vector<1024x40xf32>
    %add3A_47 = arith.addf %add3A_38, %div3A_46 : vector<1024x40xf32>
    %slice3A_48 = vector.extract_strided_slice %add3A_19 {offsets = [0, 80], sizes = [1024, 1], strides = [1, 1]} : vector<1024x128xf32> to vector<1024x1xf32>
    %broadcast_in_dim3A_49 = vector.shape_cast %slice3A_48 : vector<1024x1xf32> to vector<1024x1xf32>
    %broadcast_in_dim3A_50 = vector.broadcast %broadcast_in_dim3A_49 : vector<1024x1xf32> to vector<1024x40xf32>
    %slice3A_51 = vector.extract_strided_slice %add3A_19 {offsets = [0, 0], sizes = [1024, 40], strides = [1, 1]} : vector<1024x128xf32> to vector<1024x40xf32>
    %add3A_52 = arith.constant 1.000000e-16 : f32
    %add3A_53 = vector.broadcast %add3A_52 : f32 to vector<1024x40xf32>
    %add3A_54 = arith.addf %broadcast_in_dim3A_50, %add3A_53 : vector<1024x40xf32>
    %div3A_55 = arith.divf %slice3A_51, %add3A_54 : vector<1024x40xf32>
    %add3A_56 = arith.addf %add3A_47, %div3A_55 : vector<1024x40xf32>
    %slice3A_57 = vector.extract_strided_slice %add3A_19 {offsets = [0, 96], sizes = [1024, 1], strides = [1, 1]} : vector<1024x128xf32> to vector<1024x1xf32>
    %broadcast_in_dim3A_58 = vector.shape_cast %slice3A_57 : vector<1024x1xf32> to vector<1024x1xf32>
    %broadcast_in_dim3A_59 = vector.broadcast %broadcast_in_dim3A_58 : vector<1024x1xf32> to vector<1024x40xf32>
    %slice3A_60 = vector.extract_strided_slice %add3A_19 {offsets = [0, 40], sizes = [1024, 40], strides = [1, 1]} : vector<1024x128xf32> to vector<1024x40xf32>
    %add3A_61 = arith.constant 1.000000e-16 : f32
    %add3A_62 = vector.broadcast %add3A_61 : f32 to vector<1024x40xf32>
    %add3A_63 = arith.addf %broadcast_in_dim3A_59, %add3A_62 : vector<1024x40xf32>
    %div3A_64 = arith.divf %slice3A_60, %add3A_63 : vector<1024x40xf32>
    %add3A_65 = arith.addf %add3A_56, %div3A_64 : vector<1024x40xf32>
    %slice3A_66 = vector.extract_strided_slice %add3A_30 {offsets = [0, 80], sizes = [1024, 1], strides = [1, 1]} : vector<1024x128xf32> to vector<1024x1xf32>
    %broadcast_in_dim3A_67 = vector.shape_cast %slice3A_66 : vector<1024x1xf32> to vector<1024x1xf32>
    %broadcast_in_dim3A_68 = vector.broadcast %broadcast_in_dim3A_67 : vector<1024x1xf32> to vector<1024x40xf32>
    %slice3A_69 = vector.extract_strided_slice %add3A_30 {offsets = [0, 0], sizes = [1024, 40], strides = [1, 1]} : vector<1024x128xf32> to vector<1024x40xf32>
    %add3A_70 = arith.constant 1.000000e-16 : f32
    %add3A_71 = vector.broadcast %add3A_70 : f32 to vector<1024x40xf32>
    %add3A_72 = arith.addf %broadcast_in_dim3A_68, %add3A_71 : vector<1024x40xf32>
    %div3A_73 = arith.divf %slice3A_69, %add3A_72 : vector<1024x40xf32>
    %add3A_74 = arith.addf %add3A_65, %div3A_73 : vector<1024x40xf32>
    %mul3A = arith.constant 2.000000e-01 : f32
    %mul3A_75 = vector.broadcast %mul3A : f32 to vector<1024x40xf32>
    %mul3A_76 = arith.mulf %add3A_74, %mul3A_75 : vector<1024x40xf32>
    %get3A_77 = arith.constant 0 : index
    %get3A_78 = arith.constant 0 : index
    %get3A_79 = vector.load %arg4[%get3A_77, %get3A_78] : memref<1x40xf32, #tpu.memory_space<vmem>>, vector<1x40xf32>
    %add3A_80 = vector.broadcast %get3A_79 : vector<1x40xf32> to vector<1024x40xf32>
    %add3A_81 = arith.addf %mul3A_76, %add3A_80 : vector<1024x40xf32>
    %reduce_max3A = arith.constant dense<0xFF800000> : vector<1024xf32>
    %reduce_max3A_82 = vector.multi_reduction <maximumf>, %add3A_81, %reduce_max3A [1] : vector<1024x40xf32> to vector<1024xf32>
    %broadcast_in_dim3A_83 = vector.shape_cast %reduce_max3A_82 : vector<1024xf32> to vector<1024x1xf32>
    %sub3A = vector.broadcast %broadcast_in_dim3A_83 : vector<1024x1xf32> to vector<1024x40xf32>
    %sub3A_84 = arith.subf %add3A_81, %sub3A : vector<1024x40xf32>
    %exp3A = math.exp %sub3A_84 : vector<1024x40xf32>
    %reduce_sum3A = arith.constant dense<0.000000e+00> : vector<1024xf32>
    %reduce_sum3A_85 = vector.multi_reduction <add>, %exp3A, %reduce_sum3A [1] : vector<1024x40xf32> to vector<1024xf32>
    %broadcast_in_dim3A_86 = vector.shape_cast %reduce_sum3A_85 : vector<1024xf32> to vector<1024x1xf32>
    %sub3A_87 = vector.broadcast %broadcast_in_dim3A_83 : vector<1024x1xf32> to vector<1024x40xf32>
    %sub3A_88 = arith.subf %add3A_81, %sub3A_87 : vector<1024x40xf32>
    %log3A = math.log %broadcast_in_dim3A_86 : vector<1024x1xf32>
    %sub3A_89 = vector.broadcast %log3A : vector<1024x1xf32> to vector<1024x40xf32>
    %sub3A_90 = arith.subf %sub3A_88, %sub3A_89 : vector<1024x40xf32>
    %swap3A = arith.constant 0 : index
    %swap3A_91 = arith.constant 0 : index
    %swap3A_92 = vector.load %arg5[%swap3A, %swap3A_91] : memref<1024x40xf32, #tpu.memory_space<vmem>>, vector<1024x40xf32>
    tpu.vector_store %arg5[%swap3A, %swap3A_91], %sub3A_90 {strides = array<i32>} : memref<1024x40xf32, #tpu.memory_space<vmem>>, vector<1024x40xf32>,
    return
  }
  func.func @transform_0(%arg0: i32) -> (i32, i32, i32) {
    %c0_i32 = arith.constant 0 : i32
    %c0_i32_0 = arith.constant 0 : i32
    %c0_i32_1 = arith.constant 0 : i32
    return %c0_i32, %arg0, %c0_i32_0 : i32, i32, i32
  }
  func.func @transform_1(%arg0: i32) -> (i32, i32, i32) {
    %c0_i32 = arith.constant 0 : i32
    %c0_i32_0 = arith.constant 0 : i32
    %c0_i32_1 = arith.constant 0 : i32
    return %c0_i32, %arg0, %c0_i32_0 : i32, i32, i32
  }
  func.func @transform_2(%arg0: i32) -> (i32, i32, i32) {
    %c0_i32 = arith.constant 0 : i32
    %c0_i32_0 = arith.constant 0 : i32
    %c0_i32_1 = arith.constant 0 : i32
    return %c0_i32, %arg0, %c0_i32_0 : i32, i32, i32
  }
  func.func @transform_3(%arg0: i32) -> (i32, i32) {
    %c0_i32 = arith.constant 0 : i32
    %c0_i32_0 = arith.constant 0 : i32
    %c0_i32_1 = arith.constant 0 : i32
    return %c0_i32, %c0_i32_0 : i32, i32
  }
  func.func @transform_4(%arg0: i32) -> (i32, i32) {
    %c0_i32 = arith.constant 0 : i32
    %c0_i32_0 = arith.constant 0 : i32
    return %arg0, %c0_i32 : i32, i32
  }
}

</mosaic_0001>

<sc_bundles>
// kernel: kernel.10.cloned.1.call-start
scs
__scs_entry_jumppad:
0x0: {  	(pc) =	sbr.rel $0x88, $3  }
0x1: {  	(tag) =	ssettag $0x0;
	lr =	simm.s32 $0x1  }
0x2: {  	[smem:$0x3F95] =	sst lr;
	_ =	strace $0xD0000000  }
0x3: {  	_ = 	snop  }
0x4: {  	_ = 	snop  }
0x5: {  	_ = 	snop  }
0x6: {  	_ = 	snop  }
0x7: {  	_ = 	snop  }
__scs_overlays_trampoline_lowered:
0x8: {  	[smem:$0x3FA4] =	sst s0  }
0x9: {  	[smem:$0x3FA5] =	sst s1  }
0xa: {  	[smem:$0x3FA6] =	sst s2  }
0xb: {  	[smem:$0x3FA7] =	sst s3  }
0xc: {  	[smem:$0x3FA8] =	sst s4  }
0xd: {  	[smem:$0x3FA9] =	sst s5  }
0xe: {  	[smem:$0x3FAA] =	sst s6  }
0xf: {  	[smem:$0x3FAB] =	sst s7  }
0x10: {  	[smem:$0x3FAC] =	sst s8  }
0x11: {  	[smem:$0x3FAD] =	sst s9;
	s0 =	simm.s32 @!p0 $0x0  }
0x12: {  	s1 =	sld [smem:$0x3F93];
	s0 =	simm.s32 @p0 $0x1  }
0x13: {  	[smem:$0x3FAE] =	sst s0;
	s0 =	simm.s32 @!p1 $0x0  }
0x14: {  	s2 =	sld [smem:$0x3F92];
	s0 =	simm.s32 @p1 $0x1  }
0x15: {  	[smem:$0x3FAF] =	sst s0;
	s0 =	simm.s32 @!p2 $0x0  }
0x16: {  	s3 =	sld [smem:$0x3FDB];
	s0 =	simm.s32 @p2 $0x1  }
0x17: {  	s4 =	simm.s32 $0x1BF5;
	[smem:$0x3FB1] =	sst s0  }
0x18: {  	s0 =	sld [smem:$0x3F94];
	_ =	swait.ge [sflag:s4], $0x0  }
0x19: {  	s7 =	sld [smem:$0x3F95]  }
0x1a: {  	s8 =	sadd.s32 $0xFFFFE003, lr  }
0x1b: {  	s9 =	sadd.s32 $0xFFFFFEF7, lr;
	s5 =	simm.s32 $0xFFFFFFFF;
	p2 =	slt.u32 s8, $0xFFFFF086  }
0x1c: {  	p1 =	slt.u32 s9, $0xF7A;
	s5 =	simm.s32 @!p2 $0x0  }
0x1d: {  	s5 =	simm.s32 @p1 $0x1;
	p0 =	seq.s32 s7, s2  }
0x1e: {  	s7 =	smul.u32 @!p0 $0xF7A, s2;
	p2 =	seq.s32 @!p0 s5, $0x0  }
0x1f: {  	s9 =	smul.u32 $0xF7A, s1;
	s8 =	simm.s32 @!p0 $0x1BF5;
	p2 =	por !p2, p0  }
0x20: {  	[sflag:s8] =	ssyncset.s32 @!p0 $0xFFFFF086;
	s6 =	sadd.s32 @!p0 s3, s7;
	s7 =	simm.s32 @!p0 $0x108  }
0x21: {  	s3 =	sadd.s32 s3, s9;
	s6 =	sadd.s32 @!p0 $0x88, s6;
	s7 =	simm.s32 @p2 $0x1082  }
0x22: {  	[simem:s7], [sflag:s8] =	dma.local @!p0 [hbm:s6], $0xF7A  }
0x23: {  	s9 =	sor.u32 $0xD0000000, s2;
	s6 =	simm.s32 $0x108;
	_ =	swait.ge @!p0 [sflag:s8], $0x0  }
0x24: {  	s3 =	sadd.s32 $0x88, s3;
	s6 =	simm.s32 @!p1 $0x1082;
	[sflag:s4] =	ssyncset.s32 $0xFFFFF086  }
0x25: {  	[simem:s6], [sflag:s4] =	dma.local [hbm:s3], $0xF7A  }
0x26: {  	[smem:$0x3F95] =	sst s1;
	(tag) =	ssettag s2;
	_ =	strace s9  }
0x27: {  	s1 =	sld [smem:$0x3FA5]  }
0x28: {  	s2 =	sld [smem:$0x3FA6]  }
0x29: {  	s4 =	sld [smem:$0x3FA8]  }
0x2a: {  	p0 =	seq.s32 s5, $0x0;
	s5 =	sld [smem:$0x3FA9]  }
0x2b: {  	s6 =	sld [smem:$0x3FAA]  }
0x2c: {  	s7 =	sld [smem:$0x3FAB]  }
0x2d: {  	s3 =	simm.s32 $0x108;
	s8 =	sld [smem:$0x3FAC]  }
0x2e: {  	s3 =	simm.s32 @!p0 $0x1082;
	s9 =	sld [smem:$0x3FAD]  }
0x2f: {  	lr =	sadd.s32 s0, s3;
	s0 =	sld [smem:$0x3FA4]  }
0x30: {  	s3 =	sld [smem:$0x3FA7]  }
0x31: {  	[smem:$0x3FB0] =	sst s10  }
0x32: {  	s10 =	sld [smem:$0x3FAE];
	_ =	sdelay $0x3  }
0x33: {  	p0 =	seq.s32 s10, $0x1;
	s10 =	sld [smem:$0x3FB0];
	_ =	sdelay $0x3  }
0x34: {  	[smem:$0x3FB0] =	sst s10  }
0x35: {  	s10 =	sld [smem:$0x3FAF];
	_ =	sdelay $0x3  }
0x36: {  	p1 =	seq.s32 s10, $0x1;
	s10 =	sld [smem:$0x3FB0];
	_ =	sdelay $0x3  }
0x37: {  	[smem:$0x3FB0] =	sst s10  }
0x38: {  	s10 =	sld [smem:$0x3FB1]  }
0x39: {  	_ = 	snop;
	(pc) =	sbr.ind lr, $3  }
0x3a: {  	_ = 	snop  }
0x3b: {  	_ = 	snop  }
0x3c: {  	p2 =	seq.s32 s10, $0x1;
	s10 =	sld [smem:$0x3FB0]  }
0x3d: {  	_ =	shalt  }
0x3e: {  	_ =	shalt  }
0x3f: {  	_ =	shalt  }
0x40: {  	_ =	shalt  }
0x41: {  	_ =	shalt  }
0x42: {  	_ =	shalt  }
0x43: {  	_ =	shalt  }
0x44: {  	_ =	shalt  }
0x45: {  	_ =	shalt  }
0x46: {  	_ =	shalt  }
0x47: {  	_ =	shalt  }
0x48: {  	_ =	shalt  }
0x49: {  	_ =	shalt  }
0x4a: {  	_ =	shalt  }
0x4b: {  	_ =	shalt  }
0x4c: {  	_ =	shalt  }
0x4d: {  	_ =	shalt  }
0x4e: {  	_ =	shalt  }
0x4f: {  	_ =	shalt  }
0x50: {  	_ =	shalt  }
0x51: {  	_ =	shalt  }
0x52: {  	_ =	shalt  }
0x53: {  	_ =	shalt  }
0x54: {  	_ =	shalt  }
0x55: {  	_ =	shalt  }
0x56: {  	_ =	shalt  }
0x57: {  	_ =	shalt  }
0x58: {  	_ =	shalt  }
0x59: {  	_ =	shalt  }
0x5a: {  	_ =	shalt  }
0x5b: {  	_ =	shalt  }
0x5c: {  	_ =	shalt  }
0x5d: {  	_ =	shalt  }
0x5e: {  	_ =	shalt  }
0x5f: {  	_ =	shalt  }
0x60: {  	_ =	shalt  }
0x61: {  	_ =	shalt  }
0x62: {  	_ =	shalt  }
0x63: {  	_ =	shalt  }
0x64: {  	_ =	shalt  }
0x65: {  	_ =	shalt  }
0x66: {  	_ =	shalt  }
0x67: {  	_ =	shalt  }
0x68: {  	_ =	shalt  }
0x69: {  	_ =	shalt  }
0x6a: {  	_ =	shalt  }
0x6b: {  	_ =	shalt  }
0x6c: {  	_ =	shalt  }
0x6d: {  	_ =	shalt  }
0x6e: {  	_ =	shalt  }
0x6f: {  	_ =	shalt  }
0x70: {  	_ =	shalt  }
0x71: {  	_ =	shalt  }
0x72: {  	_ =	shalt  }
0x73: {  	_ =	shalt  }
0x74: {  	_ =	shalt  }
0x75: {  	_ =	shalt  }
0x76: {  	_ =	shalt  }
0x77: {  	_ =	shalt  }
0x78: {  	_ =	shalt  }
0x79: {  	_ =	shalt  }
0x7a: {  	_ =	shalt  }
0x7b: {  	_ =	shalt  }
0x7c: {  	_ =	shalt  }
0x7d: {  	_ =	shalt  }
0x7e: {  	_ =	shalt  }
0x7f: {  	_ =	shalt  }
0x80: {  	_ =	shalt  }
0x81: {  	_ =	shalt  }
0x82: {  	_ =	shalt  }
0x83: {  	_ =	shalt  }
0x84: {  	_ =	shalt  }
0x85: {  	_ =	shalt  }
0x86: {  	_ =	shalt  }
0x87: {  	_ =	shalt  }
.Lfunc_end0:
.L_simem_size_0:
called_computation.1_lowered:
.L_overlay_start_0:
0x88: {  	s2 =	sld [smem:$0x3FD9]  }
0x89: {  	s3 =	sld [smem:$0x3FFE];
	_ =	sdelay $0x1  }
0x8a: {  	s1 =	srdreg.scid  }
0x8b: {  	s0 =	sand.u32 $0x1, s1  }
0x8c: {  	s17 =	sshll.u32 s0, $0xA;
	s2 =	sadd.s32 s3, s2  }
0x8d: {  	s2 =	sadd.s32 s2, s17  }
0x8e: {  	[smem:$0x3FBC] =	sst s2  }
0x8f: {  	_ = 	snop  }
0x90: {  	s2 =	sld [smem:$0x3FD0];
	(tm) =	ssettm $0x1  }
0x91: {  	s18 =	sld [smem:$0x3FFB];
	_ =	sdelay $0x3  }
0x92: {  	_ =	strace s18  }
0x93: {  	s3 =	sld [smem:$0x3FFC];
	_ =	sdelay $0x3  }
0x94: {  	_ =	strace s3  }
0x95: {  	s3 =	sld [smem:$0x3FFD];
	_ =	sdelay $0x3  }
0x96: {  	_ =	strace s3  }
0x97: {  	_ =	strace $0x8FFFFFFF  }
0x98: {  	s19 =	sld [smem:$0x3FDB];
	_ =	sdelay $0x1  }
0x99: {  	s4 =	simm.s32 $_scs_section_size  }
0x9a: {  	s5 =	simm.s32 $_size__tile_overlayer_lowered;
	s6 =	simm.s32 $_tile_overlayer_lowered  }
0x9b: {  	s22 =	simm.s32 $0x1BFF;
	s21 =	sshll.u32 s6, $0x1;
	s3 =	sadd.s32 s4, s19  }
0x9c: {  	s7 =	simm.s32 $0x0;
	s20 =	sshll.u32 s5, $0x1;
	s5 =	sadd.s32 s21, s3  }
0x9d: {  	[timem:s7], [sflag:s22] =	dma.local [hbm:s5], s20  }
0x9e: {  	_ =	swait.ge [sflag:s22], s20  }
0x9f: {  	s4 =	ssub.s32 $0x0, s20;
	[sflag:s22] =	ssyncset.done $0x0  }
0xa0: {  	[sflag:s22] =	ssyncadd.s32 s4;
	_ =	sdelay $0x1  }
0xa1: {  	s23 =	simm.s32 $0x1B8B  }
0xa2: {  	_ =	swait.ge [sflag:s23], $0x1  }
0xa3: {  	[sflag:s23] =	ssyncset.done $0x0  }
0xa4: {  	s25 =	simm.s32 $0x1B8E;
	s24 =	sld [smem:$0x3FFE];
	[sflag:s23] =	ssyncadd.s32 $0xFFFFFFFF  }
0xa5: {  	s26 =	simm.s32 $execute0_lowered;
	[smem:$0x3FD2] =	sst s25  }
0xa6: {  	s5 =	sshll.u32 s26, $0x1;
	_ =	strace $0x80000049;
	[dreg:$0x1] =	wrdreg $0xFFFFFFFF  }
0xa7: {  	s28 =	simm.s32 $_size_execute0_lowered;
	s3 =	sadd.s32 s3, s5;
	[dreg:$0x0] =	wrdreg $0x0  }
0xa8: {  	s5 =	sshll.u32 s28, $0x1;
	[dreg:$0x2] =	wrdreg s3  }
0xa9: {  	[dreg:$0x3] =	wrdreg s5  }
0xaa: {  	[dreg:$0x4] =	wrdreg $0xC0  }
0xab: {  	_ =	task [dreg:s7], $0x5FFFF  }
0xac: {  	[dreg:$0x1] =	wrdreg $0xFFFFFFFF  }
0xad: {  	[dreg:$0x0] =	wrdreg $0x60  }
0xae: {  	[dreg:$0x2] =	wrdreg s2  }
0xaf: {  	[dreg:$0x3] =	wrdreg s24  }
0xb0: {  	[dreg:$0x4] =	wrdreg $0x0  }
0xb1: {  	[dreg:$0x5] =	wrdreg $0x9  }
0xb2: {  	_ =	task.clear_ibuf [dreg:s7], $0x6FFFF;
	_ =	strace $0x90000049  }
0xb3: {  	s29 =	simm.s32 $0x9;
	_ =	strace $0x8000004B  }
0xb4: {  	_ =	swait.ge [sflag:s29], $0x1  }
0xb5: {  	[sflag:s29] =	ssyncadd.s32 $0xFFFFFFFF  }
0xb6: {  	_ =	strace $0x9000004B  }
0xb7: {  	_ =	sfence  }
0xb8: {  	s30 =	sld [smem:$0x0];
	_ =	sdelay $0x2  }
0xb9: {  	s31 =	sshll.u32 s1, $0xD;
	s1 =	sshrl.u32 s1, $0x2  }
0xba: {  	s3 =	sand.u32 $0x4000, s31;
	s1 =	sadd.s32 s1, s30  }
0xbb: {  	s0 =	sor.u32 s3, s0;
	s1 =	sshll.u32 s1, $0x11  }
0xbc: {  	s0 =	sor.u32 s1, s0  }
0xbd: {  	s0 =	sadd.s32 $0x8F2B, s0  }
0xbe: {  	[sflag:s0] =	ssyncadd.remote.s32 $0x1  }
0xbf: {  	_ =	sfence.sel $0xFFFF  }
0xc0: {  	[dreg:$0x0] =	wrdreg $0xFFFFFFFF;
	(pc) =	sbr.abs _section_cstart, $3  }
0xc1: {  	[dreg:$0x1] =	wrdreg $0xFFFFFFFF  }
0xc2: {  	_ =	task.clear_ibuf [dreg:s7], $0x2FFFF;
	_ =	strace $0x9FFFFFFF  }
0xc3: {  	(tm) =	ssettm $0x7FFFFFFF  }
tec
execute0_lowered:
.L_overlay_start_1:
0x0: {  	(tag) =	ssettag $0x1  }
0x1: {  	s0 =	srdreg.scid;
	s26 =	rddreg [dreg:$0x1];
	s31 =	simm.s32 $0x0  }
0x2: {  	s24 =	stileid.u32;
	s0 =	sand.u32 $0x1, s0;
	[smem:$0x7FF] =	sst s31  }
0x3: {  	s7 =	smul.u32 $0x14000, s24;
	s8 =	sadd.s32 $0xDDA00, s26;
	s1 =	ssub.s32 $0x2, s0  }
0x4: {  	s22 =	sshll.u32 s24, $0x1;
	s6 =	smul.u32 $0x140000, s0;
	s2 =	sshrl.u32 s1, $0x1  }
0x5: {  	s4 =	sadd.s32 $0x4000, s7;
	s5 =	sadd.s32 $0x6000, s7;
	s13 =	sadd.s32 $0x8000, s7  }
0x6: {  	s15 =	sadd.s32 $0xA000, s7;
	s16 =	sadd.s32 $0xC000, s7;
	s19 =	sadd.s32 $0xE000, s7  }
0x7: {  	s21 =	sadd.s32 $0x10000, s7;
	s1 =	ssub.s32 s1, s2;
	s3 =	sadd.s32 s6, s7  }
0x8: {  	s2 =	sor.u32 s0, s22;
	s11 =	sadd.s32 s6, s4;
	s12 =	sadd.s32 s6, s5  }
0x9: {  	s14 =	sadd.s32 s6, s13;
	s17 =	sadd.s32 s6, s15;
	s18 =	sadd.s32 s6, s16  }
0xa: {  	s20 =	sadd.s32 s6, s19;
	s0 =	sshrl.u32 s3, $0x3;
	s3 =	sor.u32 $0x2000, s7  }
0xb: {  	s22 =	sadd.s32 $0x12000, s7;
	s23 =	sadd.s32 s6, s21;
	s10 =	sadd.s32 s6, s3  }
0xc: {  	s11 =	sshrl.u32 s11, $0x3;
	s25 =	sadd.s32 s8, s0;
	s10 =	sshrl.u32 s10, $0x3  }
0xd: {  	s12 =	sshrl.u32 s12, $0x3;
	[dreg:$0x5] =	wrdreg s25;
	s25 =	sadd.s32 s8, s10  }
0xe: {  	s14 =	sshrl.u32 s14, $0x3;
	[dreg:$0x6] =	wrdreg s25;
	s25 =	sadd.s32 s8, s11  }
0xf: {  	s17 =	sshrl.u32 s17, $0x3;
	[dreg:$0x7] =	wrdreg s25;
	s25 =	sadd.s32 s8, s12  }
0x10: {  	s18 =	sshrl.u32 s18, $0x3;
	[dreg:$0x8] =	wrdreg s25;
	s25 =	sadd.s32 s8, s14  }
0x11: {  	s7 =	sshrl.u32 s20, $0x3;
	[dreg:$0x9] =	wrdreg s25;
	s25 =	sadd.s32 s8, s17  }
0x12: {  	s20 =	sshrl.u32 s23, $0x3;
	[dreg:$0xa] =	wrdreg s25;
	s25 =	sadd.s32 s8, s18  }
0x13: {  	s6 =	sadd.s32 s6, s22;
	[dreg:$0xb] =	wrdreg s25;
	s25 =	sadd.s32 s8, s7  }
0x14: {  	s6 =	sshrl.u32 s6, $0x3;
	[dreg:$0xc] =	wrdreg s25;
	s25 =	sadd.s32 s8, s20  }
0x15: {  	s23 =	sadd.s32 $0x17DA00, s26;
	s8 =	sadd.s32 s8, s6;
	[dreg:$0xd] =	wrdreg s25  }
0x16: {  	s9 =	sadd.s32 $0x12DA00, s26;
	[dreg:$0xe] =	wrdreg s8;
	s25 =	sadd.s32 s23, s0  }
0x17: {  	s0 =	sadd.s32 s9, s0;
	[dreg:$0xf] =	wrdreg s25  }
0x18: {  	s8 =	sadd.s32 s9, s11;
	[dreg:$0x10] =	wrdreg s0  }
0x19: {  	[dreg:$0x12] =	wrdreg s8  }
0x1a: {  	s25 =	sadd.s32 s9, s10;
	s0 =	rddreg [dreg:$0x2]  }
0x1b: {  	s8 =	sadd.s32 s9, s14;
	[dreg:$0x11] =	wrdreg s25  }
0x1c: {  	s25 =	sadd.s32 s9, s12;
	[dreg:$0x14] =	wrdreg s8  }
0x1d: {  	s8 =	sadd.s32 s9, s18;
	[dreg:$0x13] =	wrdreg s25  }
0x1e: {  	s25 =	sadd.s32 s9, s17;
	[dreg:$0x16] =	wrdreg s8  }
0x1f: {  	s8 =	sadd.s32 s9, s20;
	[dreg:$0x15] =	wrdreg s25  }
0x20: {  	s25 =	sadd.s32 s9, s7;
	[dreg:$0x18] =	wrdreg s8  }
0x21: {  	s9 =	sadd.s32 s9, s6;
	[dreg:$0x17] =	wrdreg s25  }
0x22: {  	s8 =	sadd.s32 s23, s11;
	[dreg:$0x19] =	wrdreg s9  }
0x23: {  	s11 =	sadd.s32 s23, s17;
	[dreg:$0x1b] =	wrdreg s8  }
0x24: {  	s7 =	sadd.s32 s23, s7;
	[dreg:$0x1e] =	wrdreg s11  }
0x25: {  	s17 =	sadd.s32 s23, s20;
	[smem:$0x7E3] =	sst s7  }
0x26: {  	s6 =	sadd.s32 s23, s6;
	[smem:$0x7E4] =	sst s17  }
0x27: {  	s25 =	sadd.s32 s23, s10;
	[smem:$0x7E5] =	sst s6  }
0x28: {  	s9 =	sadd.s32 s23, s12;
	[dreg:$0x1a] =	wrdreg s25  }
0x29: {  	s10 =	sadd.s32 s23, s14;
	[dreg:$0x1c] =	wrdreg s9  }
0x2a: {  	s12 =	sadd.s32 s23, s18;
	[dreg:$0x1d] =	wrdreg s10  }
0x2b: {  	s1 =	smax.u32 s1, $0x1;
	[dreg:$0x1f] =	wrdreg s12  }
0x2c: {  	s20 =	sadd.s32 s3, s0;
	_ =	strace $0x8000004A;
	[smem:$0x7E6] =	sst s1  }
0x2d: {  	s23 =	sadd.s32 s4, s0;
	[smem:$0x7E7] =	sst s20  }
0x2e: {  	s14 =	smul.u32 $0x50000, s24;
	s24 =	sadd.s32 s5, s0;
	[smem:$0x7E8] =	sst s23  }
0x2f: {  	s25 =	sadd.s32 s13, s0;
	[smem:$0x7E9] =	sst s24  }
0x30: {  	s7 =	smul.u32 $0xA2, s2;
	s2 =	sadd.s32 s15, s0;
	[smem:$0x7EA] =	sst s25  }
0x31: {  	s3 =	sadd.s32 s16, s0;
	[smem:$0x7EB] =	sst s2  }
0x32: {  	s4 =	sadd.s32 s19, s0;
	[smem:$0x7EC] =	sst s3  }
0x33: {  	s5 =	sadd.s32 s21, s0;
	[smem:$0x7ED] =	sst s4  }
0x34: {  	s8 =	sadd.s32 s22, s0;
	[smem:$0x7EE] =	sst s5  }
0x35: {  	s9 =	sadd.s32 $0x33000, s26;
	[smem:$0x7EF] =	sst s8  }
0x36: {  	s28 =	simm.s32 $0x18100;
	s10 =	sadd.s32 $0x5B000, s26;
	[smem:$0x7F0] =	sst s9  }
0x37: {  	s29 =	simm.s32 $0x18180;
	s11 =	sadd.s32 $0xAB000, s26;
	[smem:$0x7F1] =	sst s10  }
0x38: {  	s12 =	sadd.s32 $0xB5200, s26;
	s18 =	sshrl.u32 s14, $0x2;
	[smem:$0x7F2] =	sst s11  }
0x39: {  	s30 =	simm.s32 $0x18200;
	[smem:$0x7F3] =	sst s12;
	s6 =	sadd.s32 s18, s0  }
0x3a: {  	s21 =	sadd.s32 $0x83000, s26;
	s13 =	sadd.s32 $0x2000, s6;
	[smem:$0x7FC] =	sst s6  }
0x3b: {  	s24 =	sadd.s32 $0xBF400, s26;
	s14 =	sadd.s32 $0x4000, s6;
	[smem:$0x7F4] =	sst s13  }
0x3c: {  	s25 =	sadd.s32 $0xC9600, s26;
	s15 =	sadd.s32 $0x6000, s6;
	[smem:$0x7F5] =	sst s14  }
0x3d: {  	s11 =	simm.s32 $0x18380;
	s16 =	sadd.s32 $0x8000, s6;
	[smem:$0x7F6] =	sst s15  }
0x3e: {  	s12 =	simm.s32 $0x1;
	s17 =	sadd.s32 $0xA000, s6;
	[smem:$0x7F7] =	sst s16  }
0x3f: {  	s3 =	simm.s32 $0x18280;
	s19 =	sadd.s32 $0xC000, s6;
	[smem:$0x7F8] =	sst s17  }
0x40: {  	s4 =	simm.s32 $0x18300;
	s20 =	sadd.s32 $0xE000, s6;
	[smem:$0x7F9] =	sst s19  }
0x41: {  	s18 =	sadd.s32 $0x28E00, s26;
	s22 =	sadd.s32 $0x10000, s6;
	[smem:$0x7FA] =	sst s20  }
0x42: {  	v0 =	vimm.f32 $0.0e+00;
	s26 =	sadd.s32 $0xD3800, s26;
	s23 =	sadd.s32 $0x12000, s6;
	[smem:$0x7FB] =	sst s22  }
0x43: {  	v1 =	vlaneseq.u32;
	vm0 =	vcmask $0x1F00;
	v3 =	vimm.f32 $1.000000000e+00;
	[smem:$0x7FD] =	sst s23;
	s13 =	simm.s32 $0x14000;
	s14 =	simm.s32 $0x14080  }
0x44: {  	v1 =	vmul.u32 $0x80, v1;
	v2 =	vsel vm0, $0x3F800000, v0;
	v3 =	vsel vm0, $0x0, v3;
	s15 =	simm.s32 $0x40;
	s16 =	simm.s32 $0x14100;
	s17 =	simm.s32 $0x16100  }
.LBB2_1:
0x45: {  	[dreg:$0x4] =	wrdreg s31;
	s1 =	simm.s32 $0x0;
	s2 =	simm.s32 $0x200  }
.LBB2_2:
0x46: {  	p0 =	sne.s32 s2, $0x7E00;
	[tilespmem:s1+$0x183F0] =	vst v0  }
0x47: {  	[tilespmem:s1+$0x18380] =	vst v0  }
0x48: {  	[tilespmem:s1+$0x18390] =	vst v0  }
.Ltmp0:
0x49: {  	[tilespmem:s1+$0x183A0] =	vst v0;
	(pc) =	sbr.rel @p0 .LBB2_2-.Ltmp0, $4  }
0x4a: {  	[tilespmem:s1+$0x183B0] =	vst v0  }
0x4b: {  	[tilespmem:s1+$0x183C0] =	vst v0  }
0x4c: {  	[tilespmem:s1+$0x183D0] =	vst v0  }
0x4d: {  	[tilespmem:s1+$0x183E0] =	vst v0;
	s1 =	sshra.s32 s2, $0x2;
	s2 =	sadd.s32 $0x200, s2  }
0x4e: {  	[tilespmem:s1+$0x183F0] =	vst v0  }
0x4f: {  	[tilespmem:s1+$0x18380] =	vst v0  }
0x50: {  	[tilespmem:s1+$0x18390] =	vst v0  }
0x51: {  	[tilespmem:s1+$0x183A0] =	vst v0  }
0x52: {  	[tilespmem:s1+$0x183B0] =	vst v0  }
0x53: {  	[tilespmem:s1+$0x183C0] =	vst v0;
	s5 =	sld [smem:$0x7FC]  }
0x54: {  	[tilespmem:s1+$0x183D0] =	vst v0  }
0x55: {  	[tilespmem:s1+$0x183E0] =	vst v0  }
0x56: {  	[spmem:s5] =	stream.linear.scatter [tilespmem:s11], [sflag:$0x1], $0x2000, $0x38;
	[tilespmem:$0x1A380] =	vst v63  }
0x57: {  	_ =	swait.ge [sflag:s12], $0x2000  }
0x58: {  	s6 =	sld [smem:$0x7F4]  }
0x59: {  	[sflag:s12] =	ssyncset.done $0x0  }
0x5a: {  	[sflag:s12] =	ssyncadd.s32 $0xFFFFE000  }
0x5b: {  	[spmem:s6] =	stream.linear.scatter [tilespmem:s11], [sflag:$0x1], $0x2000, $0x38;
	[tilespmem:$0x1A380] =	vst v63  }
0x5c: {  	_ =	swait.ge [sflag:s12], $0x2000  }
0x5d: {  	s8 =	sld [smem:$0x7F5]  }
0x5e: {  	[sflag:s12] =	ssyncset.done $0x0  }
0x5f: {  	[sflag:s12] =	ssyncadd.s32 $0xFFFFE000  }
0x60: {  	[spmem:s8] =	stream.linear.scatter [tilespmem:s11], [sflag:$0x1], $0x2000, $0x38;
	[tilespmem:$0x1A380] =	vst v63  }
0x61: {  	_ =	swait.ge [sflag:s12], $0x2000  }
0x62: {  	s9 =	sld [smem:$0x7F6]  }
0x63: {  	[sflag:s12] =	ssyncset.done $0x0  }
0x64: {  	[sflag:s12] =	ssyncadd.s32 $0xFFFFE000  }
0x65: {  	[spmem:s9] =	stream.linear.scatter [tilespmem:s11], [sflag:$0x1], $0x2000, $0x38;
	[tilespmem:$0x1A380] =	vst v63  }
0x66: {  	_ =	swait.ge [sflag:s12], $0x2000  }
0x67: {  	s10 =	sld [smem:$0x7F7]  }
0x68: {  	[sflag:s12] =	ssyncset.done $0x0  }
0x69: {  	[sflag:s12] =	ssyncadd.s32 $0xFFFFE000  }
0x6a: {  	[spmem:s10] =	stream.linear.scatter [tilespmem:s11], [sflag:$0x1], $0x2000, $0x38;
	[tilespmem:$0x1A380] =	vst v63  }
0x6b: {  	_ =	swait.ge [sflag:s12], $0x2000  }
0x6c: {  	s19 =	sld [smem:$0x7F8]  }
0x6d: {  	[sflag:s12] =	ssyncset.done $0x0  }
0x6e: {  	[sflag:s12] =	ssyncadd.s32 $0xFFFFE000  }
0x6f: {  	[spmem:s19] =	stream.linear.scatter [tilespmem:s11], [sflag:$0x1], $0x2000, $0x38;
	[tilespmem:$0x1A380] =	vst v63  }
0x70: {  	_ =	swait.ge [sflag:s12], $0x2000  }
0x71: {  	s20 =	sld [smem:$0x7F9]  }
0x72: {  	[sflag:s12] =	ssyncset.done $0x0  }
0x73: {  	[sflag:s12] =	ssyncadd.s32 $0xFFFFE000  }
0x74: {  	[spmem:s20] =	stream.linear.scatter [tilespmem:s11], [sflag:$0x1], $0x2000, $0x38;
	[tilespmem:$0x1A380] =	vst v63  }
0x75: {  	_ =	swait.ge [sflag:s12], $0x2000  }
0x76: {  	s22 =	sld [smem:$0x7FA]  }
0x77: {  	[sflag:s12] =	ssyncset.done $0x0  }
0x78: {  	[sflag:s12] =	ssyncadd.s32 $0xFFFFE000  }
0x79: {  	[spmem:s22] =	stream.linear.scatter [tilespmem:s11], [sflag:$0x1], $0x2000, $0x38;
	[tilespmem:$0x1A380] =	vst v63  }
0x7a: {  	_ =	swait.ge [sflag:s12], $0x2000  }
0x7b: {  	s23 =	sld [smem:$0x7FB]  }
0x7c: {  	[sflag:s12] =	ssyncset.done $0x0  }
0x7d: {  	[sflag:s12] =	ssyncadd.s32 $0xFFFFE000  }
0x7e: {  	[spmem:s23] =	stream.linear.scatter [tilespmem:s11], [sflag:$0x1], $0x2000, $0x38;
	[tilespmem:$0x1A380] =	vst v63  }
0x7f: {  	_ =	swait.ge [sflag:s12], $0x2000  }
0x80: {  	s31 =	sld [smem:$0x7FD]  }
0x81: {  	[sflag:s12] =	ssyncset.done $0x0  }
0x82: {  	[sflag:s12] =	ssyncadd.s32 $0xFFFFE000  }
0x83: {  	[spmem:s31] =	stream.linear.scatter [tilespmem:s11], [sflag:$0x1], $0x2000, $0x38;
	[tilespmem:$0x1A380] =	vst v63  }
0x84: {  	_ =	swait.ge [sflag:s12], $0x2000  }
0x85: {  	[sflag:s12] =	ssyncset.done $0x0  }
0x86: {  	[sflag:s12] =	ssyncadd.s32 $0xFFFFE000  }
0x87: {  	s2 =	simm.s32 $0x0;
	s5 =	simm.s32 $0x0;
	[bflag:$0x0] =	sbarrier.arrive $0xFFFF  }
.LBB2_4:
0x88: {  	s1 =	sadd.s32 s7, s2  }
0x89: {  	s19 =	rddreg [dreg:$0x0];
	s6 =	sshll.u32 s1, $0x3  }
0x8a: {  	s1 =	sadd.s32 s19, s6  }
0x8b: {  	[tilespmem:s13], [sflag:$0x1] =	stream.linear.gather [hbm4b:s1+s5], $0x40, $0x38;
	[tilespmem:$0x1A380] =	vst v63  }
0x8c: {  	_ =	swait.ge [sflag:s12], $0x40  }
0x8d: {  	[sflag:s12] =	ssyncset.done $0x0  }
0x8e: {  	s20 =	sadd.s32 s18, s6;
	[sflag:s12] =	ssyncadd.s32 $0xFFFFFFC0  }
0x8f: {  	[tilespmem:s14], [sflag:$0x1] =	stream.linear.gather [hbm4b:s20+s5], $0x40, $0x38;
	[tilespmem:$0x1A380] =	vst v63  }
0x90: {  	_ =	swait.ge [sflag:s12], $0x40  }
0x91: {  	[sflag:s12] =	ssyncset.done $0x0  }
0x92: {  	[sflag:s12] =	ssyncadd.s32 $0xFFFFFFC0  }
0x93: {  	[tilespmem:s16], [sflag:$0x1] =	stream.indirect.gather [hbm4b:s21+s15], $0x80, s13, s15, $0xb8;
	[tilespmem:$0x1A380] =	vst v63  }
0x94: {  	v4 =	vmov s5;
	_ =	swait.ge [sflag:s12], $0x2000  }
0x95: {  	v4 =	vshll.u32 v4, $0x7;
	[sflag:s12] =	ssyncset.done $0x0  }
0x96: {  	v4 =	vor.u32 v1, v4;
	[sflag:s12] =	ssyncadd.s32 $0xFFFFE000  }
0x97: {  	v5 =	vor.u32 $0x8, v4;
	[tilespmem:s17], [sflag:$0x1] =	stream.indirect.gather [hbm4b:s21+s15], $0x80, s14, s15, $0xb8;
	[tilespmem:$0x1A380] =	vst v63  }
0x98: {  	_ =	swait.ge [sflag:s12], $0x2000  }
0x99: {  	[sflag:s12] =	ssyncset.done $0x0  }
0x9a: {  	[sflag:s12] =	ssyncadd.s32 $0xFFFFE000  }
0x9b: {  	v6 =	vld.idx.msk [tilespmem:v4+s16+$0x0], $0xffff  }
0x9c: {  	v5 =	vld.idx.msk [tilespmem:v5+s17+$0x0], $0xffff;
	_ =	sdelay $0x4  }
0x9d: {  	v5 =	vadd.f32 v5, v6;
	_ =	sdelay $0x1  }
0x9e: {  	v6 =	vmul.f32 $2.000000030e-01, v5  }
0x9f: {  	vm0 =	vgt.f32 v5, $0.0e+00  }
0xa0: {  	v5 =	vsel vm0, v5, v6  }
0xa1: {  	v5 =	vmul.f32 $1.442695020e+00, v5;
	_ =	sdelay $0x1  }
0xa2: {  	(erf) = vpow2.f32 v5;
	_ =	sdelay $0x5  }
0xa3: {  	v5 =	vor.u32 $0x1, v4  }
0xa4: {  	v6 =	vor.u32 $0x9, v4;
	_ =	sdelay $0x1  }
0xa5: {  	s8 =	simm.s32 $0x18100;
	v7 =	vpop (erf)  }
0xa6: {  	[tilespmem:s8+$0x0] =	vst v7  }
0xa7: {  	v5 =	vld.idx.msk [tilespmem:v5+s16+$0x0], $0xffff  }
0xa8: {  	v6 =	vld.idx.msk [tilespmem:v6+s17+$0x0], $0xffff;
	_ =	sdelay $0x4  }
0xa9: {  	v5 =	vadd.f32 v6, v5;
	_ =	sdelay $0x1  }
0xaa: {  	v6 =	vmul.f32 $2.000000030e-01, v5  }
0xab: {  	vm12 =	vgt.f32 v5, $0.0e+00  }
0xac: {  	v5 =	vsel vm12, v5, v6  }
0xad: {  	v5 =	vmul.f32 $1.442695020e+00, v5;
	_ =	sdelay $0x1  }
0xae: {  	(erf) = vpow2.f32 v5;
	_ =	sdelay $0x5  }
0xaf: {  	v5 =	vor.u32 $0x2, v4  }
0xb0: {  	v6 =	vor.u32 $0xA, v4;
	_ =	sdelay $0x1  }
0xb1: {  	s9 =	simm.s32 $0x18180;
	v7 =	vpop (erf)  }
0xb2: {  	[tilespmem:s9+$0x0] =	vst v7  }
0xb3: {  	v5 =	vld.idx.msk [tilespmem:v5+s16+$0x0], $0xffff  }
0xb4: {  	v6 =	vld.idx.msk [tilespmem:v6+s17+$0x0], $0xffff;
	_ =	sdelay $0x4  }
0xb5: {  	v5 =	vadd.f32 v6, v5;
	_ =	sdelay $0x1  }
0xb6: {  	v6 =	vmul.f32 $2.000000030e-01, v5  }
0xb7: {  	vm13 =	vgt.f32 v5, $0.0e+00  }
0xb8: {  	v5 =	vsel vm13, v5, v6  }
0xb9: {  	v5 =	vmul.f32 $1.442695020e+00, v5;
	_ =	sdelay $0x1  }
0xba: {  	(erf) = vpow2.f32 v5;
	_ =	sdelay $0x5  }
0xbb: {  	v5 =	vor.u32 $0x3, v4  }
0xbc: {  	v6 =	vor.u32 $0xB, v4;
	_ =	sdelay $0x1  }
0xbd: {  	s22 =	simm.s32 $0x18200;
	v7 =	vpop (erf)  }
0xbe: {  	[tilespmem:s22+$0x0] =	vst v7  }
0xbf: {  	v5 =	vld.idx.msk [tilespmem:v5+s16+$0x0], $0xffff  }
0xc0: {  	v6 =	vld.idx.msk [tilespmem:v6+s17+$0x0], $0xffff;
	_ =	sdelay $0x4  }
0xc1: {  	v5 =	vadd.f32 v6, v5;
	_ =	sdelay $0x1  }
0xc2: {  	v6 =	vmul.f32 $2.000000030e-01, v5  }
0xc3: {  	vm14 =	vgt.f32 v5, $0.0e+00  }
0xc4: {  	v5 =	vsel vm14, v5, v6  }
0xc5: {  	v5 =	vmul.f32 $1.442695020e+00, v5;
	_ =	sdelay $0x1  }
0xc6: {  	(erf) = vpow2.f32 v5;
	_ =	sdelay $0x5  }
0xc7: {  	v5 =	vor.u32 $0x4, v4  }
0xc8: {  	v4 =	vor.u32 $0xC, v4;
	_ =	sdelay $0x1  }
0xc9: {  	s23 =	simm.s32 $0x18280;
	v6 =	vpop (erf)  }
0xca: {  	[tilespmem:s23+$0x0] =	vst v6  }
0xcb: {  	v5 =	vld.idx.msk [tilespmem:v5+s16+$0x0], $0xffff  }
0xcc: {  	v4 =	vld.idx.msk [tilespmem:v4+s17+$0x0], $0xffff;
	_ =	sdelay $0x4  }
0xcd: {  	v4 =	vadd.f32 v4, v5;
	_ =	sdelay $0x1  }
0xce: {  	v5 =	vmul.f32 $2.000000030e-01, v4  }
0xcf: {  	vm15 =	vgt.f32 v4, $0.0e+00  }
0xd0: {  	v4 =	vsel vm15, v4, v5  }
0xd1: {  	v4 =	vmul.f32 $1.442695020e+00, v4;
	_ =	sdelay $0x1  }
0xd2: {  	(erf) = vpow2.f32 v4;
	_ =	sdelay $0x1  }
0xd3: {  	s31 =	simm.s32 $0x10  }
0xd4: {  	s10 =	simm.s32 $0x18310;
	s19 =	simm.s32 $0x18210;
	v5 =	vmov s31  }
0xd5: {  	s1 =	simm.s32 $0x18290;
	s20 =	simm.s32 $0x18300;
	s22 =	simm.s32 $0x20;
	v4 =	vshll.u32 v5, $0x7  }
.LBB2_5:
0xd6: {  	s8 =	sadd.s32 $0x10, s8  }
0xd7: {  	v4 =	vor.u32 v1, v4;
	s9 =	sadd.s32 $0x10, s9;
	s23 =	smov.u32 s22;
	s31 =	sadd.s32 $0x10, s22  }
0xd8: {  	p0 =	sne.s32 s22, $0x30;
	v5 =	vor.u32 $0x8, v4;
	_ =	sdelay $0x1  }
0xd9: {  	v6 =	vpop (erf)  }
0xda: {  	[tilespmem:s20+$0x0] =	vst v6;
	s20 =	smov.u32 s10  }
0xdb: {  	v6 =	vld.idx.msk [tilespmem:v4+s16+$0x0], $0xffff  }
0xdc: {  	v5 =	vld.idx.msk [tilespmem:v5+s17+$0x0], $0xffff;
	_ =	sdelay $0x5  }
0xdd: {  	v5 =	vadd.f32 v5, v6;
	_ =	sdelay $0x1  }
0xde: {  	v6 =	vmul.f32 $2.000000030e-01, v5  }
0xdf: {  	vm0 =	vgt.f32 v5, $0.0e+00  }
0xe0: {  	v5 =	vsel vm0, v5, v6  }
0xe1: {  	v5 =	vmul.f32 $1.442695020e+00, v5;
	_ =	sdelay $0x1  }
0xe2: {  	(erf) = vpow2.f32 v5;
	_ =	sdelay $0x5  }
0xe3: {  	v6 =	vor.u32 $0x9, v4;
	v5 =	vor.u32 $0x1, v4;
	_ =	sdelay $0x2  }
0xe4: {  	v7 =	vpop (erf)  }
0xe5: {  	[tilespmem:s8+$0x0] =	vst v7  }
0xe6: {  	v5 =	vld.idx.msk [tilespmem:v5+s16+$0x0], $0xffff  }
0xe7: {  	v6 =	vld.idx.msk [tilespmem:v6+s17+$0x0], $0xffff;
	_ =	sdelay $0x5  }
0xe8: {  	v5 =	vadd.f32 v6, v5;
	_ =	sdelay $0x1  }
0xe9: {  	vm0 =	vgt.f32 v5, $0.0e+00;
	v6 =	vmul.f32 $2.000000030e-01, v5;
	_ =	sdelay $0x1  }
0xea: {  	v5 =	vsel vm0, v5, v6  }
0xeb: {  	v5 =	vmul.f32 $1.442695020e+00, v5;
	_ =	sdelay $0x1  }
0xec: {  	(erf) = vpow2.f32 v5;
	_ =	sdelay $0x5  }
0xed: {  	v6 =	vor.u32 $0xA, v4;
	v5 =	vor.u32 $0x2, v4;
	_ =	sdelay $0x2  }
0xee: {  	v7 =	vpop (erf)  }
0xef: {  	[tilespmem:s9+$0x0] =	vst v7  }
0xf0: {  	v5 =	vld.idx.msk [tilespmem:v5+s16+$0x0], $0xffff  }
0xf1: {  	v6 =	vld.idx.msk [tilespmem:v6+s17+$0x0], $0xffff;
	_ =	sdelay $0x5  }
0xf2: {  	v5 =	vadd.f32 v6, v5;
	_ =	sdelay $0x1  }
0xf3: {  	vm0 =	vgt.f32 v5, $0.0e+00;
	v6 =	vmul.f32 $2.000000030e-01, v5;
	_ =	sdelay $0x1  }
0xf4: {  	v5 =	vsel vm0, v5, v6  }
0xf5: {  	v5 =	vmul.f32 $1.442695020e+00, v5;
	_ =	sdelay $0x1  }
0xf6: {  	(erf) = vpow2.f32 v5;
	_ =	sdelay $0x5  }
0xf7: {  	v6 =	vor.u32 $0xB, v4;
	v5 =	vor.u32 $0x3, v4;
	_ =	sdelay $0x2  }
0xf8: {  	v7 =	vpop (erf)  }
0xf9: {  	[tilespmem:s19+$0x0] =	vst v7  }
0xfa: {  	v5 =	vld.idx.msk [tilespmem:v5+s16+$0x0], $0xffff  }
0xfb: {  	v6 =	vld.idx.msk [tilespmem:v6+s17+$0x0], $0xffff;
	_ =	sdelay $0x5  }
0xfc: {  	v5 =	vadd.f32 v6, v5;
	_ =	sdelay $0x1  }
0xfd: {  	vm0 =	vgt.f32 v5, $0.0e+00;
	v6 =	vmul.f32 $2.000000030e-01, v5;
	_ =	sdelay $0x1  }
0xfe: {  	v5 =	vsel vm0, v5, v6  }
0xff: {  	v5 =	vmul.f32 $1.442695020e+00, v5;
	_ =	sdelay $0x1  }
0x100: {  	(erf) = vpow2.f32 v5;
	_ =	sdelay $0x5  }
0x101: {  	v5 =	vor.u32 $0x4, v4;
	v4 =	vor.u32 $0xC, v4;
	_ =	sdelay $0x2  }
0x102: {  	v6 =	vpop (erf)  }
0x103: {  	[tilespmem:s1+$0x0] =	vst v6  }
0x104: {  	v5 =	vld.idx.msk [tilespmem:v5+s16+$0x0], $0xffff  }
0x105: {  	v4 =	vld.idx.msk [tilespmem:v4+s17+$0x0], $0xffff;
	_ =	sdelay $0x5  }
0x106: {  	v4 =	vadd.f32 v4, v5;
	_ =	sdelay $0x1  }
0x107: {  	vm0 =	vgt.f32 v4, $0.0e+00;
	v5 =	vmul.f32 $2.000000030e-01, v4;
	_ =	sdelay $0x1  }
0x108: {  	v4 =	vsel vm0, v4, v5  }
0x109: {  	v4 =	vmul.f32 $1.442695020e+00, v4;
	_ =	sdelay $0x1  }
0x10a: {  	(erf) = vpow2.f32 v4  }
.Ltmp1:
0x10b: {  	(pc) =	sbr.rel @p0 .LBB2_5-.Ltmp1, $3  }
0x10c: {  	_ =	sdelay $0x1  }
0x10d: {  	s22 =	smov.u32 s31;
	v4 =	vmov s23  }
0x10e: {  	s10 =	sadd.s32 $0x10, s10;
	s19 =	sadd.s32 $0x10, s19;
	s1 =	sadd.s32 $0x10, s1;
	v4 =	vshll.u32 v4, $0x7  }
0x10f: {  	v4 =	vor.u32 v1, v4  }
0x110: {  	v5 =	vor.u32 $0x8, v4;
	_ =	sdelay $0x1  }
0x111: {  	v6 =	vpop (erf)  }
0x112: {  	[tilespmem:s20+$0x0] =	vst v6  }
0x113: {  	v6 =	vld.idx.msk [tilespmem:v4+s16+$0x0], $0xffff  }
0x114: {  	v5 =	vld.idx.msk [tilespmem:v5+s17+$0x0], $0xffff;
	_ =	sdelay $0x4  }
0x115: {  	v5 =	vadd.f32 v5, v6;
	_ =	sdelay $0x1  }
0x116: {  	v6 =	vmul.f32 $2.000000030e-01, v5  }
0x117: {  	vm0 =	vgt.f32 v5, $0.0e+00  }
0x118: {  	v5 =	vsel vm0, v5, v6  }
0x119: {  	v5 =	vmul.f32 $1.442695020e+00, v5;
	_ =	sdelay $0x1  }
0x11a: {  	(erf) = vpow2.f32 v5;
	_ =	sdelay $0x5  }
0x11b: {  	v5 =	vor.u32 $0x1, v4  }
0x11c: {  	v6 =	vor.u32 $0x9, v4;
	_ =	sdelay $0x1  }
0x11d: {  	s8 =	sadd.s32 $0x10, s8;
	v7 =	vpop (erf)  }
0x11e: {  	[tilespmem:s8+$0x0] =	vst v7  }
0x11f: {  	v5 =	vld.idx.msk [tilespmem:v5+s16+$0x0], $0xffff  }
0x120: {  	v6 =	vld.idx.msk [tilespmem:v6+s17+$0x0], $0xffff;
	_ =	sdelay $0x4  }
0x121: {  	v5 =	vadd.f32 v6, v5;
	_ =	sdelay $0x1  }
0x122: {  	v6 =	vmul.f32 $2.000000030e-01, v5  }
0x123: {  	vm12 =	vgt.f32 v5, $0.0e+00  }
0x124: {  	v5 =	vsel vm12, v5, v6  }
0x125: {  	v5 =	vmul.f32 $1.442695020e+00, v5;
	_ =	sdelay $0x1  }
0x126: {  	(erf) = vpow2.f32 v5;
	_ =	sdelay $0x5  }
0x127: {  	v5 =	vor.u32 $0x2, v4  }
0x128: {  	v6 =	vor.u32 $0xA, v4;
	_ =	sdelay $0x1  }
0x129: {  	s31 =	sadd.s32 $0x10, s9;
	v7 =	vpop (erf)  }
0x12a: {  	[tilespmem:s31+$0x0] =	vst v7  }
0x12b: {  	v5 =	vld.idx.msk [tilespmem:v5+s16+$0x0], $0xffff  }
0x12c: {  	v6 =	vld.idx.msk [tilespmem:v6+s17+$0x0], $0xffff;
	_ =	sdelay $0x4  }
0x12d: {  	v5 =	vadd.f32 v6, v5;
	_ =	sdelay $0x1  }
0x12e: {  	v6 =	vmul.f32 $2.000000030e-01, v5  }
0x12f: {  	vm13 =	vgt.f32 v5, $0.0e+00  }
0x130: {  	v5 =	vsel vm13, v5, v6  }
0x131: {  	v5 =	vmul.f32 $1.442695020e+00, v5;
	_ =	sdelay $0x1  }
0x132: {  	(erf) = vpow2.f32 v5;
	_ =	sdelay $0x5  }
0x133: {  	v5 =	vor.u32 $0x3, v4  }
0x134: {  	v6 =	vor.u32 $0xB, v4;
	_ =	sdelay $0x1  }
0x135: {  	v7 =	vpop (erf)  }
0x136: {  	[tilespmem:s19+$0x0] =	vst v7  }
0x137: {  	v5 =	vld.idx.msk [tilespmem:v5+s16+$0x0], $0xffff  }
0x138: {  	v6 =	vld.idx.msk [tilespmem:v6+s17+$0x0], $0xffff;
	_ =	sdelay $0x4  }
0x139: {  	v5 =	vadd.f32 v6, v5;
	_ =	sdelay $0x1  }
0x13a: {  	v6 =	vmul.f32 $2.000000030e-01, v5  }
0x13b: {  	vm14 =	vgt.f32 v5, $0.0e+00  }
0x13c: {  	v5 =	vsel vm14, v5, v6  }
0x13d: {  	v5 =	vmul.f32 $1.442695020e+00, v5;
	_ =	sdelay $0x1  }
0x13e: {  	(erf) = vpow2.f32 v5;
	_ =	sdelay $0x5  }
0x13f: {  	v5 =	vor.u32 $0x4, v4  }
0x140: {  	v4 =	vor.u32 $0xC, v4;
	_ =	sdelay $0x1  }
0x141: {  	v6 =	vpop (erf)  }
0x142: {  	[tilespmem:s1+$0x0] =	vst v6  }
0x143: {  	v5 =	vld.idx.msk [tilespmem:v5+s16+$0x0], $0xffff  }
0x144: {  	v4 =	vld.idx.msk [tilespmem:v4+s17+$0x0], $0xffff;
	_ =	sdelay $0x4  }
0x145: {  	v4 =	vadd.f32 v4, v5;
	_ =	sdelay $0x1  }
0x146: {  	v5 =	vmul.f32 $2.000000030e-01, v4  }
0x147: {  	vm15 =	vgt.f32 v4, $0.0e+00  }
0x148: {  	v4 =	vsel vm15, v4, v5  }
0x149: {  	v4 =	vmul.f32 $1.442695020e+00, v4;
	_ =	sdelay $0x1  }
0x14a: {  	(erf) = vpow2.f32 v4;
	_ =	sdelay $0x6  }
0x14b: {  	s8 =	sld [smem:$0x7F2];
	_ =	sdelay $0x1  }
0x14c: {  	v4 =	vpop (erf)  }
0x14d: {  	s9 =	simm.s32 $0x0;
	s1 =	sadd.s32 s8, s6;
	[tilespmem:s10+$0x0] =	vst v4  }
0x14e: {  	[hbm4b:s1+s9] =	stream.linear.scatter [tilespmem:s28], [sflag:$0x1], $0x40, $0x38;
	[tilespmem:$0x1A380] =	vst v63  }
0x14f: {  	_ =	swait.ge [sflag:s12], $0x40  }
0x150: {  	s10 =	sld [smem:$0x7F3];
	_ =	sdelay $0x1  }
0x151: {  	[sflag:s12] =	ssyncset.done $0x0  }
0x152: {  	[sflag:s12] =	ssyncadd.s32 $0xFFFFFFC0;
	s1 =	sadd.s32 s10, s6  }
0x153: {  	[hbm4b:s1+s9] =	stream.linear.scatter [tilespmem:s29], [sflag:$0x1], $0x40, $0x38;
	[tilespmem:$0x1A380] =	vst v63  }
0x154: {  	_ =	swait.ge [sflag:s12], $0x40  }
0x155: {  	[sflag:s12] =	ssyncset.done $0x0  }
0x156: {  	s19 =	sadd.s32 s24, s6;
	[sflag:s12] =	ssyncadd.s32 $0xFFFFFFC0  }
0x157: {  	[hbm4b:s19+s9] =	stream.linear.scatter [tilespmem:s30], [sflag:$0x1], $0x40, $0x38;
	[tilespmem:$0x1A380] =	vst v63  }
0x158: {  	_ =	swait.ge [sflag:s12], $0x40  }
0x159: {  	[sflag:s12] =	ssyncset.done $0x0  }
0x15a: {  	s20 =	sadd.s32 s25, s6;
	[sflag:s12] =	ssyncadd.s32 $0xFFFFFFC0  }
0x15b: {  	[hbm4b:s20+s9] =	stream.linear.scatter [tilespmem:s3], [sflag:$0x1], $0x40, $0x38;
	[tilespmem:$0x1A380] =	vst v63  }
0x15c: {  	_ =	swait.ge [sflag:s12], $0x40  }
0x15d: {  	[sflag:s12] =	ssyncset.done $0x0  }
0x15e: {  	s22 =	sadd.s32 s26, s6;
	[sflag:s12] =	ssyncadd.s32 $0xFFFFFFC0  }
0x15f: {  	[hbm4b:s22+s9] =	stream.linear.scatter [tilespmem:s4], [sflag:$0x1], $0x40, $0x38;
	[tilespmem:$0x1A380] =	vst v63  }
0x160: {  	_ =	swait.ge [sflag:s12], $0x40  }
0x161: {  	[sflag:s12] =	ssyncset.done $0x0  }
0x162: {  	[sflag:s12] =	ssyncadd.s32 $0xFFFFFFC0  }
0x163: {  	s23 =	rddreg [dreg:$0x1]  }
0x164: {  	[tilespmem:s11], [sflag:$0x1] =	stream.indirect.gather [hbm4b:s23+s15], $0x80, s13, s15, $0xb8;
	[tilespmem:$0x1A380] =	vst v63  }
0x165: {  	_ =	swait.ge [sflag:s12], $0x2000  }
0x166: {  	v4 =	vmov s9;
	[sflag:s12] =	ssyncset.done $0x0  }
0x167: {  	s1 =	simm.s32 $0x183C0;
	[sflag:s12] =	ssyncadd.s32 $0xFFFFE000  }
0x168: {  	v5 =	vld [tilespmem:s1+$0xFFFFFFF0]  }
0x169: {  	v6 =	vld [tilespmem:s1+$0xFFFFFFD0]  }
0x16a: {  	v7 =	vld [tilespmem:s1+$0xFFFFFFC0]  }
0x16b: {  	v8 =	vld.idx.msk [tilespmem:v4+s28+$0x0], $0xffff  }
0x16c: {  	v4 =	vld.idx.msk [tilespmem:v4+s29+$0x0], $0xffff  }
0x16d: {  	v9 =	vld [tilespmem:s1+$0x20]  }
0x16e: {  	v10 =	vld [tilespmem:s1+$0x0]  }
0x16f: {  	v11 =	vld [tilespmem:s1+$0x10]  }
0x170: {  	v12 =	vld [tilespmem:s1+$0x30]  }
0x171: {  	v13 =	vld [tilespmem:s1+$0xFFFFFFE0];
	v6 =	vmul.f32 v6, v8;
	v7 =	vmul.f32 v7, v8  }
0x172: {  	v14 =	vmul.f32 v2, v8;
	v15 =	vmul.f32 v3, v4  }
0x173: {  	v5 =	vmul.f32 v5, v4;
	[tilespmem:s1+$0xFFFFFFD0] =	vst v6  }
0x174: {  	v6 =	vmul.f32 v10, v4;
	[tilespmem:s1+$0xFFFFFFC0] =	vst v7;
	v7 =	vadd.f32 v15, v14  }
0x175: {  	s31 =	simm.s32 $0x1;
	v8 =	vmul.f32 v11, v8;
	[tilespmem:s1+$0xFFFFFFF0] =	vst v5;
	v5 =	vmul.f32 v9, v4  }
0x176: {  	[tilespmem:s1+$0x0] =	vst v6;
	v6 =	vmul.f32 v12, v4;
	v4 =	vmov s31;
	v7 =	vmul.f32 v13, v7  }
0x177: {  	s8 =	simm.s32 $0x2;
	s6 =	simm.s32 $0x18440;
	[tilespmem:s1+$0x10] =	vst v8  }
.LBB2_7:
0x178: {  	p0 =	sne.s32 s8, $0x3F;
	v8 =	vld [tilespmem:s6+$0xFFFFFFF0];
	[tilespmem:s1+$0xFFFFFFE0] =	vst v7  }
0x179: {  	v7 =	vld [tilespmem:s6+$0xFFFFFFD0];
	[tilespmem:s1+$0x20] =	vst v5  }
0x17a: {  	v5 =	vld [tilespmem:s6+$0xFFFFFFC0];
	[tilespmem:s1+$0x30] =	vst v6;
	s1 =	smov.u32 s6  }
0x17b: {  	v6 =	vld.idx.msk [tilespmem:v4+s28+$0x0], $0xffff  }
0x17c: {  	v4 =	vld.idx.msk [tilespmem:v4+s29+$0x0], $0xffff  }
0x17d: {  	v9 =	vld [tilespmem:s6+$0x20]  }
0x17e: {  	v10 =	vld [tilespmem:s6+$0x0]  }
0x17f: {  	v11 =	vld [tilespmem:s6+$0x10]  }
0x180: {  	v12 =	vld [tilespmem:s6+$0x30]  }
0x181: {  	v5 =	vmul.f32 v5, v6;
	v7 =	vmul.f32 v7, v6;
	v13 =	vld [tilespmem:s6+$0xFFFFFFE0]  }
0x182: {  	v14 =	vmul.f32 v2, v6;
	v15 =	vmul.f32 v3, v4  }
.Ltmp2:
0x183: {  	[tilespmem:s6+$0xFFFFFFD0] =	vst v7;
	v7 =	vmul.f32 v8, v4;
	v8 =	vmul.f32 v10, v4;
	(pc) =	sbr.rel @p0 .LBB2_7-.Ltmp2, $4  }
0x184: {  	v10 =	vadd.f32 v15, v14;
	[tilespmem:s6+$0xFFFFFFC0] =	vst v5;
	v11 =	vmul.f32 v11, v6;
	v5 =	vmul.f32 v9, v4  }
0x185: {  	[tilespmem:s6+$0xFFFFFFF0] =	vst v7;
	v6 =	vmul.f32 v12, v4  }
0x186: {  	v4 =	vmov s8;
	v7 =	vmul.f32 v13, v10;
	[tilespmem:s6+$0x0] =	vst v8  }
0x187: {  	s8 =	sadd.s32 $0x1, s8;
	s6 =	sadd.s32 $0x80, s6;
	[tilespmem:s1+$0x10] =	vst v11  }
0x188: {  	_ = 	snop  }
0x189: {  	v8 =	vld [tilespmem:s6+$0xFFFFFFF0];
	[tilespmem:s1+$0xFFFFFFE0] =	vst v7  }
0x18a: {  	[tilespmem:s1+$0x20] =	vst v5  }
0x18b: {  	[tilespmem:s1+$0x30] =	vst v6;
	v7 =	vld [tilespmem:s6+$0xFFFFFFD0]  }
0x18c: {  	v6 =	vld.idx.msk [tilespmem:v4+s28+$0x0], $0xffff  }
0x18d: {  	v5 =	vld [tilespmem:s6+$0xFFFFFFC0]  }
0x18e: {  	v4 =	vld.idx.msk [tilespmem:v4+s29+$0x0], $0xffff  }
0x18f: {  	v9 =	vld [tilespmem:s6+$0x0]  }
0x190: {  	v10 =	vld [tilespmem:s6+$0x10]  }
0x191: {  	v12 =	vld [tilespmem:s6+$0x20];
	v7 =	vmul.f32 v7, v6  }
0x192: {  	v15 =	vld [tilespmem:s6+$0x30];
	v5 =	vmul.f32 v5, v6  }
0x193: {  	v11 =	vld [tilespmem:s6+$0xFFFFFFE0];
	v13 =	vmul.f32 v2, v6;
	v61 =	vmul.f32 v8, v4;
	[tilespmem:s6+$0xFFFFFFD0] =	vst v7  }
0x194: {  	v14 =	vmul.f32 v3, v4;
	v62 =	vmul.f32 v9, v4;
	[tilespmem:s6+$0xFFFFFFC0] =	vst v5  }
0x195: {  	v6 =	vmul.f32 v10, v6;
	[tilespmem:s6+$0xFFFFFFF0] =	vst v61  }
0x196: {  	v63 =	vmul.f32 v12, v4;
	v5 =	vadd.f32 v14, v13;
	[tilespmem:s6+$0x0] =	vst v62  }
0x197: {  	v4 =	vmul.f32 v15, v4;
	[tilespmem:s6+$0x10] =	vst v6  }
0x198: {  	s2 =	sadd.s32 $0x1, s2;
	[tilespmem:s6+$0x20] =	vst v63;
	v5 =	vmul.f32 v11, v5  }
0x199: {  	p0 =	sne.s32 s2, $0xA2;
	[tilespmem:s6+$0x30] =	vst v4  }
.Ltmp3:
0x19a: {  	[tilespmem:s6+$0xFFFFFFE0] =	vst v5;
	(pc) =	sbr.rel @p0 .LBB2_4-.Ltmp3, $4  }
0x19b: {  	[spmem:s0] =	stream.indirect.scatter.add.f32 [tilespmem:s11], [sflag:$0x1], $0x80, s14, s15, $0xb8;
	[tilespmem:$0x1A380] =	vst v63  }
0x19c: {  	_ =	swait.ge [sflag:s12], $0x2000  }
0x19d: {  	[sflag:s12] =	ssyncset.done $0x0  }
0x19e: {  	[sflag:s12] =	ssyncadd.s32 $0xFFFFE000  }
0x19f: {  	[bflag:$0x0] =	sbarrier.arrive $0xFFFF  }
0x1a0: {  	s2 =	sld [smem:$0x7FC];
	_ =	sdelay $0x1  }
0x1a1: {  	s1 =	stileid.u32  }
0x1a2: {  	s1 =	sshll.u32 s1, $0x6;
	s6 =	rddreg [dreg:$0x5];
	s2 =	sshrl.u32 s2, $0x3  }
0x1a3: {  	s5 =	sor.u32 $0x1C01, s1;
	[smem:$0x7DE] =	sst s2  }
0x1a4: {  	[hbm:s6], [sflag:s5] =	dma.local [spmem:s2], $0x400  }
0x1a5: {  	_ =	swait.ge [sflag:s12], $0x400  }
0x1a6: {  	s8 =	sld [smem:$0x7E7];
	_ =	sdelay $0x2  }
0x1a7: {  	[sflag:s12] =	ssyncset.done $0x0;
	s10 =	rddreg [dreg:$0x6];
	s9 =	sshrl.u32 s8, $0x3  }
0x1a8: {  	[sflag:s12] =	ssyncadd.s32 $0xFFFFFC00;
	[smem:$0x7DF] =	sst s9  }
0x1a9: {  	[hbm:s10], [sflag:s5] =	dma.local [spmem:s9], $0x400  }
0x1aa: {  	_ =	swait.ge [sflag:s12], $0x400  }
0x1ab: {  	s19 =	sld [smem:$0x7E8];
	_ =	sdelay $0x2  }
0x1ac: {  	[sflag:s12] =	ssyncset.done $0x0;
	s22 =	rddreg [dreg:$0x7];
	s20 =	sshrl.u32 s19, $0x3  }
0x1ad: {  	[sflag:s12] =	ssyncadd.s32 $0xFFFFFC00;
	[smem:$0x7E0] =	sst s20  }
0x1ae: {  	[hbm:s22], [sflag:s5] =	dma.local [spmem:s20], $0x400  }
0x1af: {  	_ =	swait.ge [sflag:s12], $0x400  }
0x1b0: {  	s23 =	sld [smem:$0x7E9];
	_ =	sdelay $0x2  }
0x1b1: {  	[sflag:s12] =	ssyncset.done $0x0;
	s6 =	rddreg [dreg:$0x8];
	s1 =	sshrl.u32 s23, $0x3  }
0x1b2: {  	[sflag:s12] =	ssyncadd.s32 $0xFFFFFC00;
	[smem:$0x7E1] =	sst s1  }
0x1b3: {  	[hbm:s6], [sflag:s5] =	dma.local [spmem:s1], $0x400  }
0x1b4: {  	_ =	swait.ge [sflag:s12], $0x400  }
0x1b5: {  	s8 =	sld [smem:$0x7EA];
	_ =	sdelay $0x2  }
0x1b6: {  	[sflag:s12] =	ssyncset.done $0x0;
	s10 =	rddreg [dreg:$0x9];
	s9 =	sshrl.u32 s8, $0x3  }
0x1b7: {  	[sflag:s12] =	ssyncadd.s32 $0xFFFFFC00;
	[smem:$0x7E2] =	sst s9  }
0x1b8: {  	[hbm:s10], [sflag:s5] =	dma.local [spmem:s9], $0x400  }
0x1b9: {  	_ =	swait.ge [sflag:s12], $0x400  }
0x1ba: {  	s19 =	sld [smem:$0x7EB];
	_ =	sdelay $0x1  }
0x1bb: {  	[sflag:s12] =	ssyncset.done $0x0  }
0x1bc: {  	s20 =	rddreg [dreg:$0xa];
	[sflag:s12] =	ssyncadd.s32 $0xFFFFFC00;
	s8 =	sshrl.u32 s19, $0x3  }
0x1bd: {  	[hbm:s20], [sflag:s5] =	dma.local [spmem:s8], $0x400  }
0x1be: {  	_ =	swait.ge [sflag:s12], $0x400  }
0x1bf: {  	s22 =	sld [smem:$0x7EC];
	_ =	sdelay $0x1  }
0x1c0: {  	[sflag:s12] =	ssyncset.done $0x0  }
0x1c1: {  	s23 =	rddreg [dreg:$0xb];
	[sflag:s12] =	ssyncadd.s32 $0xFFFFFC00;
	s9 =	sshrl.u32 s22, $0x3  }
0x1c2: {  	[hbm:s23], [sflag:s5] =	dma.local [spmem:s9], $0x400  }
0x1c3: {  	_ =	swait.ge [sflag:s12], $0x400  }
0x1c4: {  	s2 =	sld [smem:$0x7ED];
	_ =	sdelay $0x1  }
0x1c5: {  	[sflag:s12] =	ssyncset.done $0x0  }
0x1c6: {  	s6 =	rddreg [dreg:$0xc];
	[sflag:s12] =	ssyncadd.s32 $0xFFFFFC00;
	s10 =	sshrl.u32 s2, $0x3  }
0x1c7: {  	[hbm:s6], [sflag:s5] =	dma.local [spmem:s10], $0x400  }
0x1c8: {  	_ =	swait.ge [sflag:s12], $0x400  }
0x1c9: {  	s19 =	sld [smem:$0x7EE];
	_ =	sdelay $0x1  }
0x1ca: {  	[sflag:s12] =	ssyncset.done $0x0  }
0x1cb: {  	s20 =	rddreg [dreg:$0xd];
	[sflag:s12] =	ssyncadd.s32 $0xFFFFFC00;
	s6 =	sshrl.u32 s19, $0x3  }
0x1cc: {  	[hbm:s20], [sflag:s5] =	dma.local [spmem:s6], $0x400  }
0x1cd: {  	_ =	swait.ge [sflag:s12], $0x400  }
0x1ce: {  	s22 =	sld [smem:$0x7EF];
	_ =	sdelay $0x1  }
0x1cf: {  	[sflag:s12] =	ssyncset.done $0x0  }
0x1d0: {  	s23 =	rddreg [dreg:$0xe];
	[sflag:s12] =	ssyncadd.s32 $0xFFFFFC00;
	s2 =	sshrl.u32 s22, $0x3  }
0x1d1: {  	[hbm:s23], [sflag:s5] =	dma.local [spmem:s2], $0x400  }
0x1d2: {  	_ =	swait.ge [sflag:s12], $0x400  }
0x1d3: {  	s1 =	simm.s32 $0x0;
	[sflag:s12] =	ssyncset.done $0x0  }
0x1d4: {  	s19 =	simm.s32 $0x200;
	s31 =	sld [smem:$0x7F0];
	[sflag:s12] =	ssyncadd.s32 $0xFFFFFC00  }
.LBB2_10:
0x1d5: {  	p0 =	seq.s32 s19, $0x7E00;
	[tilespmem:s1+$0x183F0] =	vst v0  }
0x1d6: {  	[tilespmem:s1+$0x18380] =	vst v0  }
0x1d7: {  	[tilespmem:s1+$0x18390] =	vst v0  }
.Ltmp4:
0x1d8: {  	[tilespmem:s1+$0x183A0] =	vst v0;
	(pc) =	sbr.rel @!p0 .LBB2_10-.Ltmp4, $4  }
0x1d9: {  	[tilespmem:s1+$0x183B0] =	vst v0  }
0x1da: {  	[tilespmem:s1+$0x183C0] =	vst v0  }
0x1db: {  	[tilespmem:s1+$0x183D0] =	vst v0  }
0x1dc: {  	[tilespmem:s1+$0x183E0] =	vst v0;
	s1 =	sshra.s32 s19, $0x2;
	s19 =	sadd.s32 $0x200, s19  }
0x1dd: {  	[tilespmem:s1+$0x183F0] =	vst v0  }
0x1de: {  	[tilespmem:s1+$0x18380] =	vst v0  }
0x1df: {  	[tilespmem:s1+$0x18390] =	vst v0  }
0x1e0: {  	[tilespmem:s1+$0x183A0] =	vst v0  }
0x1e1: {  	[tilespmem:s1+$0x183B0] =	vst v0  }
0x1e2: {  	[tilespmem:s1+$0x183C0] =	vst v0;
	s22 =	sld [smem:$0x7FC]  }
0x1e3: {  	[tilespmem:s1+$0x183D0] =	vst v0  }
0x1e4: {  	[tilespmem:s1+$0x183E0] =	vst v0  }
0x1e5: {  	[spmem:s22] =	stream.linear.scatter [tilespmem:s11], [sflag:$0x1], $0x2000, $0x38;
	[tilespmem:$0x1A380] =	vst v63  }
0x1e6: {  	_ =	swait.ge [sflag:s12], $0x2000  }
0x1e7: {  	s23 =	sld [smem:$0x7F4]  }
0x1e8: {  	[sflag:s12] =	ssyncset.done $0x0  }
0x1e9: {  	[sflag:s12] =	ssyncadd.s32 $0xFFFFE000  }
0x1ea: {  	[spmem:s23] =	stream.linear.scatter [tilespmem:s11], [sflag:$0x1], $0x2000, $0x38;
	[tilespmem:$0x1A380] =	vst v63  }
0x1eb: {  	_ =	swait.ge [sflag:s12], $0x2000  }
0x1ec: {  	s19 =	sld [smem:$0x7F5]  }
0x1ed: {  	[sflag:s12] =	ssyncset.done $0x0  }
0x1ee: {  	[sflag:s12] =	ssyncadd.s32 $0xFFFFE000  }
0x1ef: {  	[spmem:s19] =	stream.linear.scatter [tilespmem:s11], [sflag:$0x1], $0x2000, $0x38;
	[tilespmem:$0x1A380] =	vst v63  }
0x1f0: {  	_ =	swait.ge [sflag:s12], $0x2000  }
0x1f1: {  	s20 =	sld [smem:$0x7F6]  }
0x1f2: {  	[sflag:s12] =	ssyncset.done $0x0  }
0x1f3: {  	[sflag:s12] =	ssyncadd.s32 $0xFFFFE000  }
0x1f4: {  	[spmem:s20] =	stream.linear.scatter [tilespmem:s11], [sflag:$0x1], $0x2000, $0x38;
	[tilespmem:$0x1A380] =	vst v63  }
0x1f5: {  	_ =	swait.ge [sflag:s12], $0x2000  }
0x1f6: {  	s22 =	sld [smem:$0x7F7]  }
0x1f7: {  	[sflag:s12] =	ssyncset.done $0x0  }
0x1f8: {  	[sflag:s12] =	ssyncadd.s32 $0xFFFFE000  }
0x1f9: {  	[spmem:s22] =	stream.linear.scatter [tilespmem:s11], [sflag:$0x1], $0x2000, $0x38;
	[tilespmem:$0x1A380] =	vst v63  }
0x1fa: {  	_ =	swait.ge [sflag:s12], $0x2000  }
0x1fb: {  	s23 =	sld [smem:$0x7F8]  }
0x1fc: {  	[sflag:s12] =	ssyncset.done $0x0  }
0x1fd: {  	[sflag:s12] =	ssyncadd.s32 $0xFFFFE000  }
0x1fe: {  	[spmem:s23] =	stream.linear.scatter [tilespmem:s11], [sflag:$0x1], $0x2000, $0x38;
	[tilespmem:$0x1A380] =	vst v63  }
0x1ff: {  	_ =	swait.ge [sflag:s12], $0x2000  }
0x200: {  	s19 =	sld [smem:$0x7F9]  }
0x201: {  	[sflag:s12] =	ssyncset.done $0x0  }
0x202: {  	[sflag:s12] =	ssyncadd.s32 $0xFFFFE000  }
0x203: {  	[spmem:s19] =	stream.linear.scatter [tilespmem:s11], [sflag:$0x1], $0x2000, $0x38;
	[tilespmem:$0x1A380] =	vst v63  }
0x204: {  	_ =	swait.ge [sflag:s12], $0x2000  }
0x205: {  	s20 =	sld [smem:$0x7FA]  }
0x206: {  	[sflag:s12] =	ssyncset.done $0x0  }
0x207: {  	[sflag:s12] =	ssyncadd.s32 $0xFFFFE000  }
0x208: {  	[spmem:s20] =	stream.linear.scatter [tilespmem:s11], [sflag:$0x1], $0x2000, $0x38;
	[tilespmem:$0x1A380] =	vst v63  }
0x209: {  	_ =	swait.ge [sflag:s12], $0x2000  }
0x20a: {  	s22 =	sld [smem:$0x7FB]  }
0x20b: {  	[sflag:s12] =	ssyncset.done $0x0  }
0x20c: {  	[sflag:s12] =	ssyncadd.s32 $0xFFFFE000  }
0x20d: {  	[spmem:s22] =	stream.linear.scatter [tilespmem:s11], [sflag:$0x1], $0x2000, $0x38;
	[tilespmem:$0x1A380] =	vst v63  }
0x20e: {  	_ =	swait.ge [sflag:s12], $0x2000  }
0x20f: {  	s23 =	sld [smem:$0x7FD]  }
0x210: {  	[sflag:s12] =	ssyncset.done $0x0  }
0x211: {  	[sflag:s12] =	ssyncadd.s32 $0xFFFFE000  }
0x212: {  	[spmem:s23] =	stream.linear.scatter [tilespmem:s11], [sflag:$0x1], $0x2000, $0x38;
	[tilespmem:$0x1A380] =	vst v63  }
0x213: {  	_ =	swait.ge [sflag:s12], $0x2000  }
0x214: {  	[sflag:s12] =	ssyncset.done $0x0  }
0x215: {  	[sflag:s12] =	ssyncadd.s32 $0xFFFFE000  }
0x216: {  	s1 =	simm.s32 $0x0;
	s19 =	simm.s32 $0x0;
	[bflag:$0x0] =	sbarrier.arrive $0xFFFF  }
.LBB2_12:
0x217: {  	s20 =	sadd.s32 s7, s19  }
0x218: {  	s22 =	rddreg [dreg:$0x0];
	s20 =	sshll.u32 s20, $0x3  }
0x219: {  	s22 =	sadd.s32 s22, s20  }
0x21a: {  	[tilespmem:s13], [sflag:$0x1] =	stream.linear.gather [hbm4b:s22+s1], $0x40, $0x38;
	[tilespmem:$0x1A380] =	vst v63  }
0x21b: {  	_ =	swait.ge [sflag:s12], $0x40  }
0x21c: {  	[sflag:s12] =	ssyncset.done $0x0  }
0x21d: {  	s23 =	sadd.s32 s18, s20;
	[sflag:s12] =	ssyncadd.s32 $0xFFFFFFC0  }
0x21e: {  	[tilespmem:s14], [sflag:$0x1] =	stream.linear.gather [hbm4b:s23+s1], $0x40, $0x38;
	[tilespmem:$0x1A380] =	vst v63  }
0x21f: {  	_ =	swait.ge [sflag:s12], $0x40  }
0x220: {  	[sflag:s12] =	ssyncset.done $0x0  }
0x221: {  	s23 =	sadd.s32 s24, s20;
	[sflag:s12] =	ssyncadd.s32 $0xFFFFFFC0  }
0x222: {  	[tilespmem:s30], [sflag:$0x1] =	stream.linear.gather [hbm4b:s23+s1], $0x40, $0x38;
	[tilespmem:$0x1A380] =	vst v63  }
0x223: {  	_ =	swait.ge [sflag:s12], $0x40  }
0x224: {  	[sflag:s12] =	ssyncset.done $0x0  }
0x225: {  	s20 =	sadd.s32 s25, s20;
	[sflag:s12] =	ssyncadd.s32 $0xFFFFFFC0  }
0x226: {  	[tilespmem:s3], [sflag:$0x1] =	stream.linear.gather [hbm4b:s20+s1], $0x40, $0x38;
	[tilespmem:$0x1A380] =	vst v63  }
0x227: {  	_ =	swait.ge [sflag:s12], $0x40  }
0x228: {  	[sflag:s12] =	ssyncset.done $0x0  }
0x229: {  	[sflag:s12] =	ssyncadd.s32 $0xFFFFFFC0  }
0x22a: {  	[tilespmem:s11], [sflag:$0x1] =	stream.indirect.gather [hbm4b:s31+s15], $0x80, s13, s15, $0xb8;
	[tilespmem:$0x1A380] =	vst v63  }
0x22b: {  	_ =	swait.ge [sflag:s12], $0x2000  }
0x22c: {  	v4 =	vmov s1;
	[sflag:s12] =	ssyncset.done $0x0  }
0x22d: {  	s20 =	simm.s32 $0x183C0;
	[sflag:s12] =	ssyncadd.s32 $0xFFFFE000  }
0x22e: {  	v5 =	vld [tilespmem:s20+$0xFFFFFFF0]  }
0x22f: {  	v6 =	vld [tilespmem:s20+$0xFFFFFFD0]  }
0x230: {  	v7 =	vld [tilespmem:s20+$0xFFFFFFC0]  }
0x231: {  	v8 =	vld.idx.msk [tilespmem:v4+s30+$0x0], $0xffff  }
0x232: {  	v4 =	vld.idx.msk [tilespmem:v4+s3+$0x0], $0xffff  }
0x233: {  	v9 =	vld [tilespmem:s20+$0x20]  }
0x234: {  	v10 =	vld [tilespmem:s20+$0x0]  }
0x235: {  	v11 =	vld [tilespmem:s20+$0x10]  }
0x236: {  	v12 =	vld [tilespmem:s20+$0x30]  }
0x237: {  	v13 =	vld [tilespmem:s20+$0xFFFFFFE0];
	v6 =	vmul.f32 v6, v8;
	v7 =	vmul.f32 v7, v8  }
0x238: {  	v14 =	vmul.f32 v2, v8;
	v15 =	vmul.f32 v3, v4  }
0x239: {  	v5 =	vmul.f32 v5, v4;
	[tilespmem:s20+$0xFFFFFFD0] =	vst v6  }
0x23a: {  	v6 =	vmul.f32 v10, v4;
	[tilespmem:s20+$0xFFFFFFC0] =	vst v7;
	v7 =	vadd.f32 v15, v14  }
0x23b: {  	s23 =	simm.s32 $0x1;
	v8 =	vmul.f32 v11, v8;
	[tilespmem:s20+$0xFFFFFFF0] =	vst v5;
	v5 =	vmul.f32 v9, v4  }
0x23c: {  	[tilespmem:s20+$0x0] =	vst v6;
	v6 =	vmul.f32 v12, v4;
	v4 =	vmov s23;
	v7 =	vmul.f32 v13, v7  }
0x23d: {  	s22 =	simm.s32 $0x18440;
	[tilespmem:s20+$0x10] =	vst v8;
	s23 =	simm.s32 $0x2  }
.LBB2_13:
0x23e: {  	p0 =	sne.s32 s23, $0x3F;
	v8 =	vld [tilespmem:s22+$0xFFFFFFF0];
	[tilespmem:s20+$0xFFFFFFE0] =	vst v7  }
0x23f: {  	v7 =	vld [tilespmem:s22+$0xFFFFFFD0];
	[tilespmem:s20+$0x20] =	vst v5  }
0x240: {  	v5 =	vld [tilespmem:s22+$0xFFFFFFC0];
	[tilespmem:s20+$0x30] =	vst v6;
	s20 =	smov.u32 s22  }
0x241: {  	v6 =	vld.idx.msk [tilespmem:v4+s30+$0x0], $0xffff  }
0x242: {  	v4 =	vld.idx.msk [tilespmem:v4+s3+$0x0], $0xffff  }
0x243: {  	v9 =	vld [tilespmem:s22+$0x20]  }
0x244: {  	v10 =	vld [tilespmem:s22+$0x0]  }
0x245: {  	v11 =	vld [tilespmem:s22+$0x10]  }
0x246: {  	v12 =	vld [tilespmem:s22+$0x30]  }
0x247: {  	v5 =	vmul.f32 v5, v6;
	v7 =	vmul.f32 v7, v6;
	v13 =	vld [tilespmem:s22+$0xFFFFFFE0]  }
0x248: {  	v14 =	vmul.f32 v2, v6;
	v15 =	vmul.f32 v3, v4  }
.Ltmp5:
0x249: {  	[tilespmem:s22+$0xFFFFFFD0] =	vst v7;
	v7 =	vmul.f32 v8, v4;
	v8 =	vmul.f32 v10, v4;
	(pc) =	sbr.rel @p0 .LBB2_13-.Ltmp5, $4  }
0x24a: {  	v10 =	vadd.f32 v15, v14;
	[tilespmem:s22+$0xFFFFFFC0] =	vst v5;
	v11 =	vmul.f32 v11, v6;
	v5 =	vmul.f32 v9, v4  }
0x24b: {  	[tilespmem:s22+$0xFFFFFFF0] =	vst v7;
	v6 =	vmul.f32 v12, v4  }
0x24c: {  	v4 =	vmov s23;
	v7 =	vmul.f32 v13, v10;
	[tilespmem:s22+$0x0] =	vst v8  }
0x24d: {  	s23 =	sadd.s32 $0x1, s23;
	s22 =	sadd.s32 $0x80, s22;
	[tilespmem:s20+$0x10] =	vst v11  }
0x24e: {  	_ = 	snop  }
0x24f: {  	v8 =	vld [tilespmem:s22+$0xFFFFFFF0];
	[tilespmem:s20+$0xFFFFFFE0] =	vst v7  }
0x250: {  	[tilespmem:s20+$0x20] =	vst v5  }
0x251: {  	[tilespmem:s20+$0x30] =	vst v6;
	v7 =	vld [tilespmem:s22+$0xFFFFFFD0]  }
0x252: {  	v6 =	vld.idx.msk [tilespmem:v4+s30+$0x0], $0xffff  }
0x253: {  	v5 =	vld [tilespmem:s22+$0xFFFFFFC0]  }
0x254: {  	v4 =	vld.idx.msk [tilespmem:v4+s3+$0x0], $0xffff  }
0x255: {  	v9 =	vld [tilespmem:s22+$0x0]  }
0x256: {  	v10 =	vld [tilespmem:s22+$0x10]  }
0x257: {  	v12 =	vld [tilespmem:s22+$0x20];
	v7 =	vmul.f32 v7, v6  }
0x258: {  	v15 =	vld [tilespmem:s22+$0x30];
	v5 =	vmul.f32 v5, v6  }
0x259: {  	v11 =	vld [tilespmem:s22+$0xFFFFFFE0];
	v13 =	vmul.f32 v2, v6;
	v61 =	vmul.f32 v8, v4;
	[tilespmem:s22+$0xFFFFFFD0] =	vst v7  }
0x25a: {  	v14 =	vmul.f32 v3, v4;
	v62 =	vmul.f32 v9, v4;
	[tilespmem:s22+$0xFFFFFFC0] =	vst v5  }
0x25b: {  	v6 =	vmul.f32 v10, v6;
	[tilespmem:s22+$0xFFFFFFF0] =	vst v61  }
0x25c: {  	v63 =	vmul.f32 v12, v4;
	v5 =	vadd.f32 v14, v13;
	[tilespmem:s22+$0x0] =	vst v62  }
0x25d: {  	v4 =	vmul.f32 v15, v4;
	[tilespmem:s22+$0x10] =	vst v6  }
0x25e: {  	s19 =	sadd.s32 $0x1, s19;
	[tilespmem:s22+$0x20] =	vst v63;
	v5 =	vmul.f32 v11, v5  }
0x25f: {  	p0 =	sne.s32 s19, $0xA2;
	[tilespmem:s22+$0x30] =	vst v4  }
.Ltmp6:
0x260: {  	[tilespmem:s22+$0xFFFFFFE0] =	vst v5;
	(pc) =	sbr.rel @p0 .LBB2_12-.Ltmp6, $4  }
0x261: {  	[spmem:s0] =	stream.indirect.scatter.add.f32 [tilespmem:s11], [sflag:$0x1], $0x80, s14, s15, $0xb8;
	[tilespmem:$0x1A380] =	vst v63  }
0x262: {  	_ =	swait.ge [sflag:s12], $0x2000  }
0x263: {  	[sflag:s12] =	ssyncset.done $0x0  }
0x264: {  	[sflag:s12] =	ssyncadd.s32 $0xFFFFE000  }
0x265: {  	[bflag:$0x0] =	sbarrier.arrive $0xFFFF  }
0x266: {  	s19 =	sld [smem:$0x7DE];
	_ =	sdelay $0x1  }
0x267: {  	s1 =	rddreg [dreg:$0x10]  }
0x268: {  	[hbm:s1], [sflag:s5] =	dma.local [spmem:s19], $0x400  }
0x269: {  	_ =	swait.ge [sflag:s12], $0x400  }
0x26a: {  	s22 =	sld [smem:$0x7DF]  }
0x26b: {  	[sflag:s12] =	ssyncset.done $0x0  }
0x26c: {  	s20 =	rddreg [dreg:$0x11];
	[sflag:s12] =	ssyncadd.s32 $0xFFFFFC00  }
0x26d: {  	[hbm:s20], [sflag:s5] =	dma.local [spmem:s22], $0x400  }
0x26e: {  	_ =	swait.ge [sflag:s12], $0x400  }
0x26f: {  	s31 =	sld [smem:$0x7E0]  }
0x270: {  	[sflag:s12] =	ssyncset.done $0x0  }
0x271: {  	s23 =	rddreg [dreg:$0x12];
	[sflag:s12] =	ssyncadd.s32 $0xFFFFFC00  }
0x272: {  	[hbm:s23], [sflag:s5] =	dma.local [spmem:s31], $0x400  }
0x273: {  	_ =	swait.ge [sflag:s12], $0x400  }
0x274: {  	s22 =	sld [smem:$0x7E1]  }
0x275: {  	[sflag:s12] =	ssyncset.done $0x0  }
0x276: {  	s20 =	rddreg [dreg:$0x13];
	[sflag:s12] =	ssyncadd.s32 $0xFFFFFC00  }
0x277: {  	[hbm:s20], [sflag:s5] =	dma.local [spmem:s22], $0x400  }
0x278: {  	_ =	swait.ge [sflag:s12], $0x400  }
0x279: {  	s31 =	sld [smem:$0x7E2]  }
0x27a: {  	[sflag:s12] =	ssyncset.done $0x0  }
0x27b: {  	s23 =	rddreg [dreg:$0x14];
	[sflag:s12] =	ssyncadd.s32 $0xFFFFFC00  }
0x27c: {  	[hbm:s23], [sflag:s5] =	dma.local [spmem:s31], $0x400  }
0x27d: {  	_ =	swait.ge [sflag:s12], $0x400  }
0x27e: {  	[sflag:s12] =	ssyncset.done $0x0  }
0x27f: {  	s19 =	rddreg [dreg:$0x15];
	[sflag:s12] =	ssyncadd.s32 $0xFFFFFC00  }
0x280: {  	[hbm:s19], [sflag:s5] =	dma.local [spmem:s8], $0x400  }
0x281: {  	_ =	swait.ge [sflag:s12], $0x400  }
0x282: {  	[sflag:s12] =	ssyncset.done $0x0  }
0x283: {  	s20 =	rddreg [dreg:$0x16];
	[sflag:s12] =	ssyncadd.s32 $0xFFFFFC00  }
0x284: {  	[hbm:s20], [sflag:s5] =	dma.local [spmem:s9], $0x400  }
0x285: {  	_ =	swait.ge [sflag:s12], $0x400  }
0x286: {  	[sflag:s12] =	ssyncset.done $0x0  }
0x287: {  	s22 =	rddreg [dreg:$0x17];
	[sflag:s12] =	ssyncadd.s32 $0xFFFFFC00  }
0x288: {  	[hbm:s22], [sflag:s5] =	dma.local [spmem:s10], $0x400  }
0x289: {  	_ =	swait.ge [sflag:s12], $0x400  }
0x28a: {  	[sflag:s12] =	ssyncset.done $0x0  }
0x28b: {  	s23 =	rddreg [dreg:$0x18];
	[sflag:s12] =	ssyncadd.s32 $0xFFFFFC00  }
0x28c: {  	[hbm:s23], [sflag:s5] =	dma.local [spmem:s6], $0x400  }
0x28d: {  	_ =	swait.ge [sflag:s12], $0x400  }
0x28e: {  	[sflag:s12] =	ssyncset.done $0x0  }
0x28f: {  	s31 =	rddreg [dreg:$0x19];
	[sflag:s12] =	ssyncadd.s32 $0xFFFFFC00  }
0x290: {  	[hbm:s31], [sflag:s5] =	dma.local [spmem:s2], $0x400  }
0x291: {  	_ =	swait.ge [sflag:s12], $0x400  }
0x292: {  	[sflag:s12] =	ssyncset.done $0x0  }
0x293: {  	s1 =	simm.s32 $0x0;
	s19 =	simm.s32 $0x200;
	[sflag:s12] =	ssyncadd.s32 $0xFFFFFC00  }
.LBB2_16:
0x294: {  	p0 =	seq.s32 s19, $0x7E00;
	[tilespmem:s1+$0x183F0] =	vst v0  }
0x295: {  	[tilespmem:s1+$0x18380] =	vst v0  }
0x296: {  	[tilespmem:s1+$0x18390] =	vst v0  }
.Ltmp7:
0x297: {  	[tilespmem:s1+$0x183A0] =	vst v0;
	(pc) =	sbr.rel @!p0 .LBB2_16-.Ltmp7, $4  }
0x298: {  	[tilespmem:s1+$0x183B0] =	vst v0  }
0x299: {  	[tilespmem:s1+$0x183C0] =	vst v0  }
0x29a: {  	[tilespmem:s1+$0x183D0] =	vst v0  }
0x29b: {  	[tilespmem:s1+$0x183E0] =	vst v0;
	s1 =	sshra.s32 s19, $0x2;
	s19 =	sadd.s32 $0x200, s19  }
0x29c: {  	[tilespmem:s1+$0x183F0] =	vst v0  }
0x29d: {  	[tilespmem:s1+$0x18380] =	vst v0  }
0x29e: {  	[tilespmem:s1+$0x18390] =	vst v0  }
0x29f: {  	[tilespmem:s1+$0x183A0] =	vst v0  }
0x2a0: {  	[tilespmem:s1+$0x183B0] =	vst v0  }
0x2a1: {  	[tilespmem:s1+$0x183C0] =	vst v0;
	s19 =	sld [smem:$0x7FC]  }
0x2a2: {  	[tilespmem:s1+$0x183D0] =	vst v0  }
0x2a3: {  	[tilespmem:s1+$0x183E0] =	vst v0  }
0x2a4: {  	[spmem:s19] =	stream.linear.scatter [tilespmem:s11], [sflag:$0x1], $0x2000, $0x38;
	[tilespmem:$0x1A380] =	vst v63  }
0x2a5: {  	_ =	swait.ge [sflag:s12], $0x2000  }
0x2a6: {  	s20 =	sld [smem:$0x7F4]  }
0x2a7: {  	[sflag:s12] =	ssyncset.done $0x0  }
0x2a8: {  	[sflag:s12] =	ssyncadd.s32 $0xFFFFE000  }
0x2a9: {  	[spmem:s20] =	stream.linear.scatter [tilespmem:s11], [sflag:$0x1], $0x2000, $0x38;
	[tilespmem:$0x1A380] =	vst v63  }
0x2aa: {  	_ =	swait.ge [sflag:s12], $0x2000  }
0x2ab: {  	s22 =	sld [smem:$0x7F5]  }
0x2ac: {  	[sflag:s12] =	ssyncset.done $0x0  }
0x2ad: {  	[sflag:s12] =	ssyncadd.s32 $0xFFFFE000  }
0x2ae: {  	[spmem:s22] =	stream.linear.scatter [tilespmem:s11], [sflag:$0x1], $0x2000, $0x38;
	[tilespmem:$0x1A380] =	vst v63  }
0x2af: {  	_ =	swait.ge [sflag:s12], $0x2000  }
0x2b0: {  	s23 =	sld [smem:$0x7F6]  }
0x2b1: {  	[sflag:s12] =	ssyncset.done $0x0  }
0x2b2: {  	[sflag:s12] =	ssyncadd.s32 $0xFFFFE000  }
0x2b3: {  	[spmem:s23] =	stream.linear.scatter [tilespmem:s11], [sflag:$0x1], $0x2000, $0x38;
	[tilespmem:$0x1A380] =	vst v63  }
0x2b4: {  	_ =	swait.ge [sflag:s12], $0x2000  }
0x2b5: {  	s31 =	sld [smem:$0x7F7]  }
0x2b6: {  	[sflag:s12] =	ssyncset.done $0x0  }
0x2b7: {  	[sflag:s12] =	ssyncadd.s32 $0xFFFFE000  }
0x2b8: {  	[spmem:s31] =	stream.linear.scatter [tilespmem:s11], [sflag:$0x1], $0x2000, $0x38;
	[tilespmem:$0x1A380] =	vst v63  }
0x2b9: {  	_ =	swait.ge [sflag:s12], $0x2000  }
0x2ba: {  	s19 =	sld [smem:$0x7F8]  }
0x2bb: {  	[sflag:s12] =	ssyncset.done $0x0  }
0x2bc: {  	[sflag:s12] =	ssyncadd.s32 $0xFFFFE000  }
0x2bd: {  	[spmem:s19] =	stream.linear.scatter [tilespmem:s11], [sflag:$0x1], $0x2000, $0x38;
	[tilespmem:$0x1A380] =	vst v63  }
0x2be: {  	_ =	swait.ge [sflag:s12], $0x2000  }
0x2bf: {  	s20 =	sld [smem:$0x7F9]  }
0x2c0: {  	[sflag:s12] =	ssyncset.done $0x0  }
0x2c1: {  	[sflag:s12] =	ssyncadd.s32 $0xFFFFE000  }
0x2c2: {  	[spmem:s20] =	stream.linear.scatter [tilespmem:s11], [sflag:$0x1], $0x2000, $0x38;
	[tilespmem:$0x1A380] =	vst v63  }
0x2c3: {  	_ =	swait.ge [sflag:s12], $0x2000  }
0x2c4: {  	s22 =	sld [smem:$0x7FA]  }
0x2c5: {  	[sflag:s12] =	ssyncset.done $0x0  }
0x2c6: {  	[sflag:s12] =	ssyncadd.s32 $0xFFFFE000  }
0x2c7: {  	[spmem:s22] =	stream.linear.scatter [tilespmem:s11], [sflag:$0x1], $0x2000, $0x38;
	[tilespmem:$0x1A380] =	vst v63  }
0x2c8: {  	_ =	swait.ge [sflag:s12], $0x2000  }
0x2c9: {  	s23 =	sld [smem:$0x7FB]  }
0x2ca: {  	[sflag:s12] =	ssyncset.done $0x0  }
0x2cb: {  	[sflag:s12] =	ssyncadd.s32 $0xFFFFE000  }
0x2cc: {  	[spmem:s23] =	stream.linear.scatter [tilespmem:s11], [sflag:$0x1], $0x2000, $0x38;
	[tilespmem:$0x1A380] =	vst v63  }
0x2cd: {  	_ =	swait.ge [sflag:s12], $0x2000  }
0x2ce: {  	s31 =	sld [smem:$0x7FD]  }
0x2cf: {  	[sflag:s12] =	ssyncset.done $0x0  }
0x2d0: {  	[sflag:s12] =	ssyncadd.s32 $0xFFFFE000  }
0x2d1: {  	[spmem:s31] =	stream.linear.scatter [tilespmem:s11], [sflag:$0x1], $0x2000, $0x38;
	[tilespmem:$0x1A380] =	vst v63  }
0x2d2: {  	_ =	swait.ge [sflag:s12], $0x2000  }
0x2d3: {  	[sflag:s12] =	ssyncset.done $0x0  }
0x2d4: {  	[sflag:s12] =	ssyncadd.s32 $0xFFFFE000  }
0x2d5: {  	s1 =	simm.s32 $0x0;
	s19 =	simm.s32 $0x0;
	[bflag:$0x0] =	sbarrier.arrive $0xFFFF  }
.LBB2_18:
0x2d6: {  	s20 =	sadd.s32 s7, s19  }
0x2d7: {  	s22 =	rddreg [dreg:$0x0];
	s20 =	sshll.u32 s20, $0x3  }
0x2d8: {  	s22 =	sadd.s32 s22, s20  }
0x2d9: {  	[tilespmem:s13], [sflag:$0x1] =	stream.linear.gather [hbm4b:s22+s1], $0x40, $0x38;
	[tilespmem:$0x1A380] =	vst v63  }
0x2da: {  	_ =	swait.ge [sflag:s12], $0x40  }
0x2db: {  	[sflag:s12] =	ssyncset.done $0x0  }
0x2dc: {  	s23 =	sadd.s32 s18, s20;
	[sflag:s12] =	ssyncadd.s32 $0xFFFFFFC0  }
0x2dd: {  	[tilespmem:s14], [sflag:$0x1] =	stream.linear.gather [hbm4b:s23+s1], $0x40, $0x38;
	[tilespmem:$0x1A380] =	vst v63  }
0x2de: {  	_ =	swait.ge [sflag:s12], $0x40  }
0x2df: {  	[sflag:s12] =	ssyncset.done $0x0  }
0x2e0: {  	s20 =	sadd.s32 s26, s20;
	[sflag:s12] =	ssyncadd.s32 $0xFFFFFFC0  }
0x2e1: {  	[tilespmem:s4], [sflag:$0x1] =	stream.linear.gather [hbm4b:s20+s1], $0x40, $0x38;
	[tilespmem:$0x1A380] =	vst v63  }
0x2e2: {  	_ =	swait.ge [sflag:s12], $0x40  }
0x2e3: {  	s31 =	sld [smem:$0x7F1]  }
0x2e4: {  	[sflag:s12] =	ssyncset.done $0x0  }
0x2e5: {  	[sflag:s12] =	ssyncadd.s32 $0xFFFFFFC0  }
0x2e6: {  	[tilespmem:s11], [sflag:$0x1] =	stream.indirect.gather [hbm4b:s31+s15], $0x80, s13, s15, $0xb8;
	[tilespmem:$0x1A380] =	vst v63  }
0x2e7: {  	_ =	swait.ge [sflag:s12], $0x2000  }
0x2e8: {  	v4 =	vmov s1;
	[sflag:s12] =	ssyncset.done $0x0  }
0x2e9: {  	s20 =	simm.s32 $0x183C0;
	[sflag:s12] =	ssyncadd.s32 $0xFFFFE000  }
0x2ea: {  	v8 =	vld [tilespmem:s20+$0x30]  }
0x2eb: {  	v11 =	vld [tilespmem:s20+$0x10]  }
0x2ec: {  	v9 =	vld [tilespmem:s20+$0xFFFFFFC0]  }
0x2ed: {  	v5 =	vld.idx.msk [tilespmem:v4+s4+$0x0], $0xffff  }
0x2ee: {  	v13 =	vld [tilespmem:s20+$0xFFFFFFE0]  }
0x2ef: {  	v4 =	vld [tilespmem:s20+$0xFFFFFFF0]  }
0x2f0: {  	v6 =	vld [tilespmem:s20+$0x20]  }
0x2f1: {  	v7 =	vld [tilespmem:s20+$0xFFFFFFD0]  }
0x2f2: {  	v12 =	vmul.f32 v8, v5;
	v8 =	vld [tilespmem:s20+$0x0]  }
0x2f3: {  	v10 =	vmul.f32 v9, v5  }
0x2f4: {  	s22 =	simm.s32 $0x1;
	s23 =	simm.s32 $0x183C0;
	v9 =	vmul.f32 v13, v5;
	v11 =	vmul.f32 v11, v5  }
.LBB2_19:
0x2f5: {  	p0 =	sne.s32 s22, $0x3F  }
0x2f6: {  	v7 =	vmul.f32 v7, v5;
	v6 =	vmul.f32 v6, v5;
	[tilespmem:s20+$0x30] =	vst v12;
	s23 =	sadd.s32 $0x80, s23;
	s31 =	smov.u32 s22;
	s22 =	sadd.s32 $0x1, s22  }
0x2f7: {  	[tilespmem:s20+$0xFFFFFFC0] =	vst v10;
	v10 =	vmul.f32 v4, v5;
	v5 =	vmul.f32 v8, v5  }
0x2f8: {  	[tilespmem:s20+$0x10] =	vst v11  }
0x2f9: {  	v8 =	vmov s31;
	[tilespmem:s20+$0xFFFFFFE0] =	vst v9  }
0x2fa: {  	v4 =	vld [tilespmem:s23+$0xFFFFFFF0];
	[tilespmem:s20+$0xFFFFFFF0] =	vst v10  }
0x2fb: {  	v9 =	vld [tilespmem:s23+$0x30];
	[tilespmem:s20+$0x0] =	vst v5  }
0x2fc: {  	v11 =	vld [tilespmem:s23+$0x10];
	[tilespmem:s20+$0x20] =	vst v6  }
0x2fd: {  	v10 =	vld [tilespmem:s23+$0xFFFFFFC0];
	[tilespmem:s20+$0xFFFFFFD0] =	vst v7;
	s20 =	smov.u32 s23  }
0x2fe: {  	v5 =	vld.idx.msk [tilespmem:v8+s4+$0x0], $0xffff  }
0x2ff: {  	v13 =	vld [tilespmem:s23+$0xFFFFFFE0]  }
0x300: {  	v6 =	vld [tilespmem:s23+$0x20]  }
.Ltmp8:
0x301: {  	v7 =	vld [tilespmem:s23+$0xFFFFFFD0];
	(pc) =	sbr.rel @p0 .LBB2_19-.Ltmp8, $3  }
0x302: {  	v8 =	vld [tilespmem:s23+$0x0];
	_ =	sdelay $0x1  }
0x303: {  	v10 =	vmul.f32 v10, v5;
	v12 =	vmul.f32 v9, v5  }
0x304: {  	v11 =	vmul.f32 v11, v5;
	v9 =	vmul.f32 v13, v5  }
0x305: {  	[tilespmem:s20+$0x30] =	vst v12  }
0x306: {  	[tilespmem:s20+$0xFFFFFFC0] =	vst v10  }
0x307: {  	v4 =	vmul.f32 v4, v5;
	[tilespmem:s20+$0x10] =	vst v11  }
0x308: {  	v6 =	vmul.f32 v6, v5;
	[tilespmem:s20+$0xFFFFFFE0] =	vst v9  }
0x309: {  	v8 =	vmul.f32 v8, v5;
	[tilespmem:s20+$0xFFFFFFF0] =	vst v4  }
0x30a: {  	s19 =	sadd.s32 $0x1, s19;
	v4 =	vmul.f32 v7, v5;
	[tilespmem:s20+$0x20] =	vst v6  }
0x30b: {  	p0 =	sne.s32 s19, $0xA2;
	[tilespmem:s20+$0x0] =	vst v8  }
.Ltmp9:
0x30c: {  	[tilespmem:s20+$0xFFFFFFD0] =	vst v4;
	(pc) =	sbr.rel @p0 .LBB2_18-.Ltmp9, $4  }
0x30d: {  	[spmem:s0] =	stream.indirect.scatter.add.f32 [tilespmem:s11], [sflag:$0x1], $0x80, s14, s15, $0xb8;
	[tilespmem:$0x1A380] =	vst v63  }
0x30e: {  	_ =	swait.ge [sflag:s12], $0x2000  }
0x30f: {  	[sflag:s12] =	ssyncset.done $0x0  }
0x310: {  	[sflag:s12] =	ssyncadd.s32 $0xFFFFE000  }
0x311: {  	[bflag:$0x0] =	sbarrier.arrive $0xFFFF  }
0x312: {  	s19 =	sld [smem:$0x7DE];
	_ =	sdelay $0x1  }
0x313: {  	s1 =	rddreg [dreg:$0xf]  }
0x314: {  	[hbm:s1], [sflag:s5] =	dma.local [spmem:s19], $0x400  }
0x315: {  	_ =	swait.ge [sflag:s12], $0x400  }
0x316: {  	s23 =	sld [smem:$0x7DF]  }
0x317: {  	[sflag:s12] =	ssyncset.done $0x0  }
0x318: {  	s22 =	rddreg [dreg:$0x1a];
	[sflag:s12] =	ssyncadd.s32 $0xFFFFFC00  }
0x319: {  	[hbm:s22], [sflag:s5] =	dma.local [spmem:s23], $0x400  }
0x31a: {  	_ =	swait.ge [sflag:s12], $0x400  }
0x31b: {  	s20 =	sld [smem:$0x7E0]  }
0x31c: {  	[sflag:s12] =	ssyncset.done $0x0  }
0x31d: {  	s19 =	rddreg [dreg:$0x1b];
	[sflag:s12] =	ssyncadd.s32 $0xFFFFFC00  }
0x31e: {  	[hbm:s19], [sflag:s5] =	dma.local [spmem:s20], $0x400  }
0x31f: {  	_ =	swait.ge [sflag:s12], $0x400  }
0x320: {  	s23 =	sld [smem:$0x7E1]  }
0x321: {  	[sflag:s12] =	ssyncset.done $0x0  }
0x322: {  	s22 =	rddreg [dreg:$0x1c];
	[sflag:s12] =	ssyncadd.s32 $0xFFFFFC00  }
0x323: {  	[hbm:s22], [sflag:s5] =	dma.local [spmem:s23], $0x400  }
0x324: {  	_ =	swait.ge [sflag:s12], $0x400  }
0x325: {  	s22 =	sld [smem:$0x7E2]  }
0x326: {  	[sflag:s12] =	ssyncset.done $0x0  }
0x327: {  	s20 =	rddreg [dreg:$0x1d];
	[sflag:s12] =	ssyncadd.s32 $0xFFFFFC00  }
0x328: {  	[hbm:s20], [sflag:s5] =	dma.local [spmem:s22], $0x400  }
0x329: {  	_ =	swait.ge [sflag:s12], $0x400  }
0x32a: {  	[sflag:s12] =	ssyncset.done $0x0  }
0x32b: {  	s23 =	rddreg [dreg:$0x1e];
	[sflag:s12] =	ssyncadd.s32 $0xFFFFFC00  }
0x32c: {  	[hbm:s23], [sflag:s5] =	dma.local [spmem:s8], $0x400  }
0x32d: {  	_ =	swait.ge [sflag:s12], $0x400  }
0x32e: {  	[sflag:s12] =	ssyncset.done $0x0  }
0x32f: {  	s8 =	rddreg [dreg:$0x1f];
	[sflag:s12] =	ssyncadd.s32 $0xFFFFFC00  }
0x330: {  	[hbm:s8], [sflag:s5] =	dma.local [spmem:s9], $0x400  }
0x331: {  	_ =	swait.ge [sflag:s12], $0x400  }
0x332: {  	s19 =	sld [smem:$0x7E3]  }
0x333: {  	[sflag:s12] =	ssyncset.done $0x0  }
0x334: {  	[sflag:s12] =	ssyncadd.s32 $0xFFFFFC00  }
0x335: {  	[hbm:s19], [sflag:s5] =	dma.local [spmem:s10], $0x400  }
0x336: {  	_ =	swait.ge [sflag:s12], $0x400  }
0x337: {  	s20 =	sld [smem:$0x7E4]  }
0x338: {  	[sflag:s12] =	ssyncset.done $0x0  }
0x339: {  	[sflag:s12] =	ssyncadd.s32 $0xFFFFFC00  }
0x33a: {  	[hbm:s20], [sflag:s5] =	dma.local [spmem:s6], $0x400  }
0x33b: {  	_ =	swait.ge [sflag:s12], $0x400  }
0x33c: {  	s22 =	sld [smem:$0x7E5]  }
0x33d: {  	[sflag:s12] =	ssyncset.done $0x0  }
0x33e: {  	[sflag:s12] =	ssyncadd.s32 $0xFFFFFC00  }
0x33f: {  	[hbm:s22], [sflag:s5] =	dma.local [spmem:s2], $0x400  }
0x340: {  	_ =	swait.ge [sflag:s12], $0x400  }
0x341: {  	s23 =	sld [smem:$0x7E6]  }
0x342: {  	s31 =	rddreg [dreg:$0x4]  }
0x343: {  	s31 =	sadd.s32 $0x1, s31  }
0x344: {  	p0 =	sne.s32 s31, s23  }
.Ltmp10:
0x345: {  	_ = 	snop;
	(pc) =	sbr.rel @p0 .LBB2_1-.Ltmp10, $3  }
0x346: {  	_ =	sdelay $0x1  }
0x347: {  	[sflag:s12] =	ssyncset.done $0x0  }
0x348: {  	[sflag:s12] =	ssyncadd.s32 $0xFFFFFC00  }
0x349: {  	_ =	sfence.sel $0x180000  }
0x34a: {  	[bflag:$0x0] =	sbarrier.arrive $0xFFFF  }
0x34b: {  	_ =	strace $0x9000004A  }
0x34c: {  	s0 =	stileid.u32;
	[bflag:$0x2] =	sbarrier.arrive $0xFFFF  }
0x34d: {  	p0 =	sne.s32 s0, $0x0;
	s0 =	rddreg [dreg:$0x3]  }
0x34e: {  	s0 =	sadd.s32 @!p0 $0x100000, s0  }
0x34f: {  	[sflag:s0] =	ssyncadd.tile.s32 @!p0 $0x1;
	_ =	shalt  }
.Lfunc_end2:
_tile_overlayer_lowered:
.L_overlay_start_2:
0x350: {  	(tag) =	ssettag $0x2  }
0x351: {  	s0 =	rddreg [dreg:$0x0];
	s2 =	stileid.u32  }
0x352: {  	s1 =	rddreg [dreg:$0x1];
	p0 =	sne.s32 s2, $0x0  }
0x353: {  	s3 =	rddreg [dreg:$0x2];
	[bflag:$0x3] =	sbarrier.arrive $0xFFFF;
	s2 =	simm.s32 @!p0 $0x1C01  }
0x354: {  	[timem:s3], [sflag:s2] =	dma.local @!p0 [hbm:s0], s1  }
0x355: {  	s0 =	simm.s32 @!p0 $0x1  }
0x356: {  	_ =	swait.ge @!p0 [sflag:s0], s1  }
0x357: {  	s1 =	ssub.s32 @!p0 $0x0, s1;
	[sflag:s0] =	ssyncset.done @!p0 $0x0  }
0x358: {  	[sflag:s0] =	ssyncadd.s32 @!p0 s1  }
0x359: {  	[bflag:$0x3] =	sbarrier.arrive $0xFFFF  }
0x35a: {  	_ =	shalt  }

// kernel: kernel.7.cloned.1.call-start
scs
__scs_entry_jumppad:
0x0: {  	(pc) =	sbr.rel $0x88, $3  }
0x1: {  	(tag) =	ssettag $0x0;
	lr =	simm.s32 $0x1  }
0x2: {  	[smem:$0x3F95] =	sst lr;
	_ =	strace $0xD0000000  }
0x3: {  	_ = 	snop  }
0x4: {  	_ = 	snop  }
0x5: {  	_ = 	snop  }
0x6: {  	_ = 	snop  }
0x7: {  	_ = 	snop  }
__scs_overlays_trampoline_lowered:
0x8: {  	[smem:$0x3FA4] =	sst s0  }
0x9: {  	[smem:$0x3FA5] =	sst s1  }
0xa: {  	[smem:$0x3FA6] =	sst s2  }
0xb: {  	[smem:$0x3FA7] =	sst s3  }
0xc: {  	[smem:$0x3FA8] =	sst s4  }
0xd: {  	[smem:$0x3FA9] =	sst s5  }
0xe: {  	[smem:$0x3FAA] =	sst s6  }
0xf: {  	[smem:$0x3FAB] =	sst s7  }
0x10: {  	[smem:$0x3FAC] =	sst s8  }
0x11: {  	[smem:$0x3FAD] =	sst s9;
	s0 =	simm.s32 @!p0 $0x0  }
0x12: {  	s1 =	sld [smem:$0x3F93];
	s0 =	simm.s32 @p0 $0x1  }
0x13: {  	[smem:$0x3FAE] =	sst s0;
	s0 =	simm.s32 @!p1 $0x0  }
0x14: {  	s2 =	sld [smem:$0x3F92];
	s0 =	simm.s32 @p1 $0x1  }
0x15: {  	[smem:$0x3FAF] =	sst s0;
	s0 =	simm.s32 @!p2 $0x0  }
0x16: {  	s3 =	sld [smem:$0x3FDB];
	s0 =	simm.s32 @p2 $0x1  }
0x17: {  	s4 =	simm.s32 $0x1BF5;
	[smem:$0x3FB1] =	sst s0  }
0x18: {  	s0 =	sld [smem:$0x3F94];
	_ =	swait.ge [sflag:s4], $0x0  }
0x19: {  	s7 =	sld [smem:$0x3F95]  }
0x1a: {  	s8 =	sadd.s32 $0xFFFFE003, lr  }
0x1b: {  	s9 =	sadd.s32 $0xFFFFFEF7, lr;
	s5 =	simm.s32 $0xFFFFFFFF;
	p2 =	slt.u32 s8, $0xFFFFF086  }
0x1c: {  	p1 =	slt.u32 s9, $0xF7A;
	s5 =	simm.s32 @!p2 $0x0  }
0x1d: {  	s5 =	simm.s32 @p1 $0x1;
	p0 =	seq.s32 s7, s2  }
0x1e: {  	s7 =	smul.u32 @!p0 $0xF7A, s2;
	p2 =	seq.s32 @!p0 s5, $0x0  }
0x1f: {  	s9 =	smul.u32 $0xF7A, s1;
	s8 =	simm.s32 @!p0 $0x1BF5;
	p2 =	por !p2, p0  }
0x20: {  	[sflag:s8] =	ssyncset.s32 @!p0 $0xFFFFF086;
	s6 =	sadd.s32 @!p0 s3, s7;
	s7 =	simm.s32 @!p0 $0x108  }
0x21: {  	s3 =	sadd.s32 s3, s9;
	s6 =	sadd.s32 @!p0 $0x88, s6;
	s7 =	simm.s32 @p2 $0x1082  }
0x22: {  	[simem:s7], [sflag:s8] =	dma.local @!p0 [hbm:s6], $0xF7A  }
0x23: {  	s9 =	sor.u32 $0xD0000000, s2;
	s6 =	simm.s32 $0x108;
	_ =	swait.ge @!p0 [sflag:s8], $0x0  }
0x24: {  	s3 =	sadd.s32 $0x88, s3;
	s6 =	simm.s32 @!p1 $0x1082;
	[sflag:s4] =	ssyncset.s32 $0xFFFFF086  }
0x25: {  	[simem:s6], [sflag:s4] =	dma.local [hbm:s3], $0xF7A  }
0x26: {  	[smem:$0x3F95] =	sst s1;
	(tag) =	ssettag s2;
	_ =	strace s9  }
0x27: {  	s1 =	sld [smem:$0x3FA5]  }
0x28: {  	s2 =	sld [smem:$0x3FA6]  }
0x29: {  	s4 =	sld [smem:$0x3FA8]  }
0x2a: {  	p0 =	seq.s32 s5, $0x0;
	s5 =	sld [smem:$0x3FA9]  }
0x2b: {  	s6 =	sld [smem:$0x3FAA]  }
0x2c: {  	s7 =	sld [smem:$0x3FAB]  }
0x2d: {  	s3 =	simm.s32 $0x108;
	s8 =	sld [smem:$0x3FAC]  }
0x2e: {  	s3 =	simm.s32 @!p0 $0x1082;
	s9 =	sld [smem:$0x3FAD]  }
0x2f: {  	lr =	sadd.s32 s0, s3;
	s0 =	sld [smem:$0x3FA4]  }
0x30: {  	s3 =	sld [smem:$0x3FA7]  }
0x31: {  	[smem:$0x3FB0] =	sst s10  }
0x32: {  	s10 =	sld [smem:$0x3FAE];
	_ =	sdelay $0x3  }
0x33: {  	p0 =	seq.s32 s10, $0x1;
	s10 =	sld [smem:$0x3FB0];
	_ =	sdelay $0x3  }
0x34: {  	[smem:$0x3FB0] =	sst s10  }
0x35: {  	s10 =	sld [smem:$0x3FAF];
	_ =	sdelay $0x3  }
0x36: {  	p1 =	seq.s32 s10, $0x1;
	s10 =	sld [smem:$0x3FB0];
	_ =	sdelay $0x3  }
0x37: {  	[smem:$0x3FB0] =	sst s10  }
0x38: {  	s10 =	sld [smem:$0x3FB1]  }
0x39: {  	_ = 	snop;
	(pc) =	sbr.ind lr, $3  }
0x3a: {  	_ = 	snop  }
0x3b: {  	_ = 	snop  }
0x3c: {  	p2 =	seq.s32 s10, $0x1;
	s10 =	sld [smem:$0x3FB0]  }
0x3d: {  	_ =	shalt  }
0x3e: {  	_ =	shalt  }
0x3f: {  	_ =	shalt  }
0x40: {  	_ =	shalt  }
0x41: {  	_ =	shalt  }
0x42: {  	_ =	shalt  }
0x43: {  	_ =	shalt  }
0x44: {  	_ =	shalt  }
0x45: {  	_ =	shalt  }
0x46: {  	_ =	shalt  }
0x47: {  	_ =	shalt  }
0x48: {  	_ =	shalt  }
0x49: {  	_ =	shalt  }
0x4a: {  	_ =	shalt  }
0x4b: {  	_ =	shalt  }
0x4c: {  	_ =	shalt  }
0x4d: {  	_ =	shalt  }
0x4e: {  	_ =	shalt  }
0x4f: {  	_ =	shalt  }
0x50: {  	_ =	shalt  }
0x51: {  	_ =	shalt  }
0x52: {  	_ =	shalt  }
0x53: {  	_ =	shalt  }
0x54: {  	_ =	shalt  }
0x55: {  	_ =	shalt  }
0x56: {  	_ =	shalt  }
0x57: {  	_ =	shalt  }
0x58: {  	_ =	shalt  }
0x59: {  	_ =	shalt  }
0x5a: {  	_ =	shalt  }
0x5b: {  	_ =	shalt  }
0x5c: {  	_ =	shalt  }
0x5d: {  	_ =	shalt  }
0x5e: {  	_ =	shalt  }
0x5f: {  	_ =	shalt  }
0x60: {  	_ =	shalt  }
0x61: {  	_ =	shalt  }
0x62: {  	_ =	shalt  }
0x63: {  	_ =	shalt  }
0x64: {  	_ =	shalt  }
0x65: {  	_ =	shalt  }
0x66: {  	_ =	shalt  }
0x67: {  	_ =	shalt  }
0x68: {  	_ =	shalt  }
0x69: {  	_ =	shalt  }
0x6a: {  	_ =	shalt  }
0x6b: {  	_ =	shalt  }
0x6c: {  	_ =	shalt  }
0x6d: {  	_ =	shalt  }
0x6e: {  	_ =	shalt  }
0x6f: {  	_ =	shalt  }
0x70: {  	_ =	shalt  }
0x71: {  	_ =	shalt  }
0x72: {  	_ =	shalt  }
0x73: {  	_ =	shalt  }
0x74: {  	_ =	shalt  }
0x75: {  	_ =	shalt  }
0x76: {  	_ =	shalt  }
0x77: {  	_ =	shalt  }
0x78: {  	_ =	shalt  }
0x79: {  	_ =	shalt  }
0x7a: {  	_ =	shalt  }
0x7b: {  	_ =	shalt  }
0x7c: {  	_ =	shalt  }
0x7d: {  	_ =	shalt  }
0x7e: {  	_ =	shalt  }
0x7f: {  	_ =	shalt  }
0x80: {  	_ =	shalt  }
0x81: {  	_ =	shalt  }
0x82: {  	_ =	shalt  }
0x83: {  	_ =	shalt  }
0x84: {  	_ =	shalt  }
0x85: {  	_ =	shalt  }
0x86: {  	_ =	shalt  }
0x87: {  	_ =	shalt  }
.Lfunc_end0:
.L_simem_size_0:
called_computation_lowered:
.L_overlay_start_0:
0x88: {  	s2 =	sld [smem:$0x3FD9]  }
0x89: {  	s3 =	sld [smem:$0x3FFE];
	_ =	sdelay $0x1  }
0x8a: {  	s1 =	srdreg.scid  }
0x8b: {  	s0 =	sand.u32 $0x1, s1  }
0x8c: {  	s17 =	sshll.u32 s0, $0xA;
	s2 =	sadd.s32 s3, s2  }
0x8d: {  	s2 =	sadd.s32 s2, s17  }
0x8e: {  	[smem:$0x3FBC] =	sst s2  }
0x8f: {  	_ = 	snop  }
0x90: {  	s2 =	sld [smem:$0x3FD0];
	(tm) =	ssettm $0x1  }
0x91: {  	s18 =	sld [smem:$0x3FFB];
	_ =	sdelay $0x3  }
0x92: {  	_ =	strace s18  }
0x93: {  	s3 =	sld [smem:$0x3FFC];
	_ =	sdelay $0x3  }
0x94: {  	_ =	strace s3  }
0x95: {  	s3 =	sld [smem:$0x3FFD];
	_ =	sdelay $0x3  }
0x96: {  	_ =	strace s3  }
0x97: {  	_ =	strace $0x8FFFFFFF  }
0x98: {  	s19 =	sld [smem:$0x3FDB];
	_ =	sdelay $0x1  }
0x99: {  	s4 =	simm.s32 $_scs_section_size  }
0x9a: {  	s5 =	simm.s32 $_size__tile_overlayer_lowered;
	s6 =	simm.s32 $_tile_overlayer_lowered  }
0x9b: {  	s22 =	simm.s32 $0x1BFF;
	s21 =	sshll.u32 s6, $0x1;
	s3 =	sadd.s32 s4, s19  }
0x9c: {  	s7 =	simm.s32 $0x0;
	s20 =	sshll.u32 s5, $0x1;
	s5 =	sadd.s32 s21, s3  }
0x9d: {  	[timem:s7], [sflag:s22] =	dma.local [hbm:s5], s20  }
0x9e: {  	_ =	swait.ge [sflag:s22], s20  }
0x9f: {  	s4 =	ssub.s32 $0x0, s20;
	[sflag:s22] =	ssyncset.done $0x0  }
0xa0: {  	[sflag:s22] =	ssyncadd.s32 s4;
	_ =	sdelay $0x1  }
0xa1: {  	s23 =	simm.s32 $0x1B8B  }
0xa2: {  	_ =	swait.ge [sflag:s23], $0x1  }
0xa3: {  	[sflag:s23] =	ssyncset.done $0x0  }
0xa4: {  	s25 =	simm.s32 $0x1B8E;
	s24 =	sld [smem:$0x3FFE];
	[sflag:s23] =	ssyncadd.s32 $0xFFFFFFFF  }
0xa5: {  	s26 =	simm.s32 $execute0_lowered;
	[smem:$0x3FD2] =	sst s25  }
0xa6: {  	s5 =	sshll.u32 s26, $0x1;
	_ =	strace $0x80000046;
	[dreg:$0x1] =	wrdreg $0xFFFFFFFF  }
0xa7: {  	s28 =	simm.s32 $_size_execute0_lowered;
	s3 =	sadd.s32 s3, s5;
	[dreg:$0x0] =	wrdreg $0x0  }
0xa8: {  	s5 =	sshll.u32 s28, $0x1;
	[dreg:$0x2] =	wrdreg s3  }
0xa9: {  	[dreg:$0x3] =	wrdreg s5  }
0xaa: {  	[dreg:$0x4] =	wrdreg $0xC0  }
0xab: {  	_ =	task [dreg:s7], $0x5FFFF  }
0xac: {  	[dreg:$0x1] =	wrdreg $0xFFFFFFFF  }
0xad: {  	[dreg:$0x0] =	wrdreg $0x60  }
0xae: {  	[dreg:$0x2] =	wrdreg s2  }
0xaf: {  	[dreg:$0x3] =	wrdreg s24  }
0xb0: {  	[dreg:$0x4] =	wrdreg $0x0  }
0xb1: {  	[dreg:$0x5] =	wrdreg $0x9  }
0xb2: {  	_ =	task.clear_ibuf [dreg:s7], $0x6FFFF;
	_ =	strace $0x90000046  }
0xb3: {  	s29 =	simm.s32 $0x9;
	_ =	strace $0x80000048  }
0xb4: {  	_ =	swait.ge [sflag:s29], $0x1  }
0xb5: {  	[sflag:s29] =	ssyncadd.s32 $0xFFFFFFFF  }
0xb6: {  	_ =	strace $0x90000048  }
0xb7: {  	_ =	sfence  }
0xb8: {  	s30 =	sld [smem:$0x0];
	_ =	sdelay $0x2  }
0xb9: {  	s31 =	sshll.u32 s1, $0xD;
	s1 =	sshrl.u32 s1, $0x2  }
0xba: {  	s3 =	sand.u32 $0x4000, s31;
	s1 =	sadd.s32 s1, s30  }
0xbb: {  	s0 =	sor.u32 s3, s0;
	s1 =	sshll.u32 s1, $0x11  }
0xbc: {  	s0 =	sor.u32 s1, s0  }
0xbd: {  	s0 =	sadd.s32 $0x8F2B, s0  }
0xbe: {  	[sflag:s0] =	ssyncadd.remote.s32 $0x1  }
0xbf: {  	_ =	sfence.sel $0xFFFF  }
0xc0: {  	[dreg:$0x0] =	wrdreg $0xFFFFFFFF;
	(pc) =	sbr.abs _section_cstart, $3  }
0xc1: {  	[dreg:$0x1] =	wrdreg $0xFFFFFFFF  }
0xc2: {  	_ =	task.clear_ibuf [dreg:s7], $0x2FFFF;
	_ =	strace $0x9FFFFFFF  }
0xc3: {  	(tm) =	ssettm $0x7FFFFFFF  }
tec
execute0_lowered:
.L_overlay_start_1:
0x0: {  	(tag) =	ssettag $0x1  }
0x1: {  	s0 =	srdreg.scid;
	s24 =	stileid.u32;
	s28 =	simm.s32 $0x0  }
0x2: {  	s2 =	sand.u32 $0x1, s0;
	s0 =	rddreg [dreg:$0x1];
	s8 =	smul.u32 $0x14000, s24  }
0x3: {  	[smem:$0x7FF] =	sst s28;
	s5 =	sshll.u32 s24, $0x1;
	s4 =	smul.u32 $0x140000, s2  }
0x4: {  	s9 =	sadd.s32 $0xDDA00, s0;
	s1 =	ssub.s32 $0x2, s2;
	s2 =	sor.u32 s2, s5  }
0x5: {  	s3 =	sshrl.u32 s1, $0x1;
	s5 =	sadd.s32 $0x4000, s8;
	s14 =	sadd.s32 $0xA000, s8  }
0x6: {  	s16 =	sadd.s32 $0xC000, s8;
	s18 =	sadd.s32 $0x10000, s8;
	s19 =	sadd.s32 $0x12000, s8  }
0x7: {  	s6 =	sadd.s32 s4, s8;
	s1 =	ssub.s32 s1, s3;
	s3 =	sor.u32 $0x2000, s8  }
0x8: {  	s11 =	sadd.s32 s4, s5;
	s17 =	sadd.s32 s4, s14;
	s23 =	sadd.s32 s4, s16  }
0x9: {  	s10 =	sshrl.u32 s6, $0x3;
	s7 =	sadd.s32 s4, s3;
	s6 =	sadd.s32 $0x6000, s8  }
0xa: {  	s11 =	sshrl.u32 s11, $0x3;
	s20 =	sshrl.u32 s17, $0x3;
	s17 =	sadd.s32 $0xE000, s8  }
0xb: {  	s21 =	sadd.s32 s9, s10;
	s12 =	sshrl.u32 s7, $0x3;
	s22 =	sadd.s32 s4, s6  }
0xc: {  	s7 =	sadd.s32 $0x8000, s8;
	s26 =	sadd.s32 s9, s11;
	[dreg:$0x5] =	wrdreg s21  }
0xd: {  	s13 =	sshrl.u32 s22, $0x3;
	s15 =	sadd.s32 s4, s7;
	s21 =	sshrl.u32 s23, $0x3  }
0xe: {  	s22 =	sadd.s32 s4, s17;
	s25 =	sadd.s32 s9, s12;
	[dreg:$0x7] =	wrdreg s26  }
0xf: {  	s23 =	sadd.s32 s4, s18;
	s26 =	sadd.s32 s9, s20;
	[dreg:$0x6] =	wrdreg s25  }
0x10: {  	s15 =	sshrl.u32 s15, $0x3;
	s31 =	sadd.s32 s9, s13;
	[dreg:$0xa] =	wrdreg s26  }
0x11: {  	s8 =	sshrl.u32 s22, $0x3;
	[dreg:$0x8] =	wrdreg s31;
	s25 =	sadd.s32 s9, s15  }
0x12: {  	s22 =	sshrl.u32 s23, $0x3;
	s31 =	sadd.s32 s9, s21;
	[dreg:$0x9] =	wrdreg s25  }
0x13: {  	s4 =	sadd.s32 s4, s19;
	s26 =	sadd.s32 s9, s22;
	[dreg:$0xb] =	wrdreg s31  }
0x14: {  	s4 =	sshrl.u32 s4, $0x3;
	s25 =	sadd.s32 s9, s8;
	[dreg:$0xd] =	wrdreg s26  }
0x15: {  	s23 =	sadd.s32 $0x17DA00, s0;
	s9 =	sadd.s32 s9, s4;
	[dreg:$0xc] =	wrdreg s25  }
0x16: {  	[dreg:$0xe] =	wrdreg s9;
	s9 =	sadd.s32 $0x12DA00, s0;
	s25 =	sadd.s32 s23, s10  }
0x17: {  	[dreg:$0xf] =	wrdreg s25;
	s10 =	sadd.s32 s9, s10  }
0x18: {  	s31 =	sadd.s32 s9, s12;
	[dreg:$0x10] =	wrdreg s10  }
0x19: {  	s25 =	sadd.s32 s9, s11;
	[dreg:$0x11] =	wrdreg s31  }
0x1a: {  	s26 =	sadd.s32 s9, s13;
	[dreg:$0x12] =	wrdreg s25  }
0x1b: {  	[dreg:$0x13] =	wrdreg s26;
	s31 =	sadd.s32 s9, s15  }
0x1c: {  	s25 =	sadd.s32 s9, s20;
	[dreg:$0x14] =	wrdreg s31  }
0x1d: {  	s26 =	sadd.s32 s9, s21;
	[dreg:$0x15] =	wrdreg s25  }
0x1e: {  	s10 =	sadd.s32 s23, s13;
	[dreg:$0x16] =	wrdreg s26  }
0x1f: {  	s13 =	sadd.s32 s23, s21;
	[dreg:$0x1c] =	wrdreg s10  }
0x20: {  	s26 =	sadd.s32 s23, s12;
	s12 =	sadd.s32 s23, s20;
	s20 =	rddreg [dreg:$0x2]  }
0x21: {  	s31 =	sadd.s32 s9, s8;
	[dreg:$0x1f] =	wrdreg s13  }
0x22: {  	s25 =	sadd.s32 s9, s22;
	[dreg:$0x17] =	wrdreg s31  }
0x23: {  	s9 =	sadd.s32 s9, s4;
	[dreg:$0x18] =	wrdreg s25  }
0x24: {  	[dreg:$0x19] =	wrdreg s9  }
0x25: {  	[dreg:$0x1a] =	wrdreg s26  }
0x26: {  	s8 =	sadd.s32 s23, s8;
	[dreg:$0x1e] =	wrdreg s12  }
0x27: {  	s4 =	sadd.s32 s23, s4;
	[smem:$0x7E3] =	sst s8  }
0x28: {  	s31 =	sadd.s32 s23, s11;
	[smem:$0x7E5] =	sst s4  }
0x29: {  	s11 =	sadd.s32 s23, s15;
	[dreg:$0x1b] =	wrdreg s31  }
0x2a: {  	s15 =	sadd.s32 s23, s22;
	[dreg:$0x1d] =	wrdreg s11  }
0x2b: {  	s21 =	sadd.s32 $0xE00, s0;
	[smem:$0x7E4] =	sst s15  }
0x2c: {  	s22 =	sadd.s32 $0x33000, s0;
	_ =	strace $0x80000047;
	[smem:$0x7E6] =	sst s21  }
0x2d: {  	s23 =	sadd.s32 $0x5B000, s0;
	[smem:$0x7E7] =	sst s22  }
0x2e: {  	s25 =	sadd.s32 $0x83000, s0;
	[smem:$0x7E8] =	sst s23  }
0x2f: {  	s1 =	smax.u32 s1, $0x1;
	[smem:$0x7E9] =	sst s25  }
0x30: {  	s3 =	sadd.s32 s3, s20;
	[smem:$0x7EA] =	sst s1  }
0x31: {  	s5 =	sadd.s32 s5, s20;
	[smem:$0x7EB] =	sst s3  }
0x32: {  	s10 =	sadd.s32 $0xB5200, s0;
	s6 =	sadd.s32 s6, s20;
	[smem:$0x7EC] =	sst s5  }
0x33: {  	s13 =	sadd.s32 $0xD3800, s0;
	s8 =	sadd.s32 s7, s20;
	[smem:$0x7ED] =	sst s6  }
0x34: {  	s4 =	sadd.s32 $0x28E00, s0;
	s14 =	sadd.s32 s14, s20;
	[smem:$0x7EE] =	sst s8  }
0x35: {  	s26 =	smul.u32 $0x50000, s24;
	s16 =	sadd.s32 s16, s20;
	[smem:$0x7EF] =	sst s14  }
0x36: {  	s9 =	sadd.s32 $0xAB000, s0;
	s17 =	sadd.s32 s17, s20;
	[smem:$0x7F0] =	sst s16  }
0x37: {  	s12 =	sadd.s32 $0xC9600, s0;
	s18 =	sadd.s32 s18, s20;
	[smem:$0x7F1] =	sst s17  }
0x38: {  	s19 =	sadd.s32 s19, s20;
	s31 =	sshrl.u32 s26, $0x2;
	[smem:$0x7F2] =	sst s18  }
0x39: {  	s11 =	sadd.s32 $0xBF400, s0;
	[smem:$0x7F3] =	sst s19;
	s0 =	sadd.s32 s31, s20  }
0x3a: {  	s20 =	sadd.s32 $0x2000, s0;
	[smem:$0x7FC] =	sst s0  }
0x3b: {  	s21 =	sadd.s32 $0x4000, s0;
	[smem:$0x7F4] =	sst s20  }
0x3c: {  	s22 =	sadd.s32 $0x6000, s0;
	[smem:$0x7F5] =	sst s21  }
0x3d: {  	s23 =	sadd.s32 $0x8000, s0;
	[smem:$0x7F6] =	sst s22  }
0x3e: {  	s29 =	simm.s32 $0x18100;
	s24 =	sadd.s32 $0xA000, s0;
	[smem:$0x7F7] =	sst s23  }
0x3f: {  	s30 =	simm.s32 $0x18180;
	s25 =	sadd.s32 $0xC000, s0;
	[smem:$0x7F8] =	sst s24  }
0x40: {  	s15 =	smul.u32 $0xA2, s2;
	s26 =	sadd.s32 $0xE000, s0;
	[smem:$0x7F9] =	sst s25  }
0x41: {  	s2 =	simm.s32 $0x18300;
	s31 =	sadd.s32 $0x10000, s0;
	[smem:$0x7FA] =	sst s26  }
0x42: {  	s19 =	simm.s32 $0x18380;
	s0 =	sadd.s32 $0x12000, s0;
	[smem:$0x7FB] =	sst s31  }
0x43: {  	v0 =	vimm.f32 $0.0e+00;
	[smem:$0x7FD] =	sst s0;
	s20 =	simm.s32 $0x1;
	s21 =	simm.s32 $0x14000  }
0x44: {  	v1 =	vlaneseq.u32;
	vm0 =	vcmask $0x1F00;
	v3 =	vimm.f32 $1.000000000e+00;
	s22 =	simm.s32 $0x14080;
	s23 =	simm.s32 $0x40;
	s24 =	simm.s32 $0x14100  }
0x45: {  	v1 =	vmul.u32 $0x80, v1;
	v2 =	vsel vm0, $0x3F800000, v0;
	v3 =	vsel vm0, $0x0, v3;
	s25 =	simm.s32 $0x16100;
	s26 =	simm.s32 $0x18200;
	s0 =	simm.s32 $0x18280  }
.LBB2_1:
0x46: {  	[dreg:$0x4] =	wrdreg s28;
	s1 =	simm.s32 $0x0;
	s3 =	simm.s32 $0x200  }
.LBB2_2:
0x47: {  	p0 =	sne.s32 s3, $0x7E00;
	[tilespmem:s1+$0x183F0] =	vst v0  }
0x48: {  	[tilespmem:s1+$0x18380] =	vst v0  }
0x49: {  	[tilespmem:s1+$0x18390] =	vst v0  }
.Ltmp0:
0x4a: {  	[tilespmem:s1+$0x183A0] =	vst v0;
	(pc) =	sbr.rel @p0 .LBB2_2-.Ltmp0, $4  }
0x4b: {  	[tilespmem:s1+$0x183B0] =	vst v0  }
0x4c: {  	[tilespmem:s1+$0x183C0] =	vst v0  }
0x4d: {  	[tilespmem:s1+$0x183D0] =	vst v0  }
0x4e: {  	[tilespmem:s1+$0x183E0] =	vst v0;
	s1 =	sshra.s32 s3, $0x2;
	s3 =	sadd.s32 $0x200, s3  }
0x4f: {  	[tilespmem:s1+$0x183F0] =	vst v0  }
0x50: {  	[tilespmem:s1+$0x18380] =	vst v0  }
0x51: {  	[tilespmem:s1+$0x18390] =	vst v0  }
0x52: {  	[tilespmem:s1+$0x183A0] =	vst v0  }
0x53: {  	[tilespmem:s1+$0x183B0] =	vst v0  }
0x54: {  	[tilespmem:s1+$0x183C0] =	vst v0;
	s5 =	sld [smem:$0x7FC]  }
0x55: {  	[tilespmem:s1+$0x183D0] =	vst v0  }
0x56: {  	[tilespmem:s1+$0x183E0] =	vst v0  }
0x57: {  	[spmem:s5] =	stream.linear.scatter [tilespmem:s19], [sflag:$0x1], $0x2000, $0x38;
	[tilespmem:$0x1A380] =	vst v63  }
0x58: {  	_ =	swait.ge [sflag:s20], $0x2000  }
0x59: {  	s6 =	sld [smem:$0x7F4]  }
0x5a: {  	[sflag:s20] =	ssyncset.done $0x0  }
0x5b: {  	[sflag:s20] =	ssyncadd.s32 $0xFFFFE000  }
0x5c: {  	[spmem:s6] =	stream.linear.scatter [tilespmem:s19], [sflag:$0x1], $0x2000, $0x38;
	[tilespmem:$0x1A380] =	vst v63  }
0x5d: {  	_ =	swait.ge [sflag:s20], $0x2000  }
0x5e: {  	s7 =	sld [smem:$0x7F5]  }
0x5f: {  	[sflag:s20] =	ssyncset.done $0x0  }
0x60: {  	[sflag:s20] =	ssyncadd.s32 $0xFFFFE000  }
0x61: {  	[spmem:s7] =	stream.linear.scatter [tilespmem:s19], [sflag:$0x1], $0x2000, $0x38;
	[tilespmem:$0x1A380] =	vst v63  }
0x62: {  	_ =	swait.ge [sflag:s20], $0x2000  }
0x63: {  	s8 =	sld [smem:$0x7F6]  }
0x64: {  	[sflag:s20] =	ssyncset.done $0x0  }
0x65: {  	[sflag:s20] =	ssyncadd.s32 $0xFFFFE000  }
0x66: {  	[spmem:s8] =	stream.linear.scatter [tilespmem:s19], [sflag:$0x1], $0x2000, $0x38;
	[tilespmem:$0x1A380] =	vst v63  }
0x67: {  	_ =	swait.ge [sflag:s20], $0x2000  }
0x68: {  	s14 =	sld [smem:$0x7F7]  }
0x69: {  	[sflag:s20] =	ssyncset.done $0x0  }
0x6a: {  	[sflag:s20] =	ssyncadd.s32 $0xFFFFE000  }
0x6b: {  	[spmem:s14] =	stream.linear.scatter [tilespmem:s19], [sflag:$0x1], $0x2000, $0x38;
	[tilespmem:$0x1A380] =	vst v63  }
0x6c: {  	_ =	swait.ge [sflag:s20], $0x2000  }
0x6d: {  	s16 =	sld [smem:$0x7F8]  }
0x6e: {  	[sflag:s20] =	ssyncset.done $0x0  }
0x6f: {  	[sflag:s20] =	ssyncadd.s32 $0xFFFFE000  }
0x70: {  	[spmem:s16] =	stream.linear.scatter [tilespmem:s19], [sflag:$0x1], $0x2000, $0x38;
	[tilespmem:$0x1A380] =	vst v63  }
0x71: {  	_ =	swait.ge [sflag:s20], $0x2000  }
0x72: {  	s17 =	sld [smem:$0x7F9]  }
0x73: {  	[sflag:s20] =	ssyncset.done $0x0  }
0x74: {  	[sflag:s20] =	ssyncadd.s32 $0xFFFFE000  }
0x75: {  	[spmem:s17] =	stream.linear.scatter [tilespmem:s19], [sflag:$0x1], $0x2000, $0x38;
	[tilespmem:$0x1A380] =	vst v63  }
0x76: {  	_ =	swait.ge [sflag:s20], $0x2000  }
0x77: {  	s18 =	sld [smem:$0x7FA]  }
0x78: {  	[sflag:s20] =	ssyncset.done $0x0  }
0x79: {  	[sflag:s20] =	ssyncadd.s32 $0xFFFFE000  }
0x7a: {  	[spmem:s18] =	stream.linear.scatter [tilespmem:s19], [sflag:$0x1], $0x2000, $0x38;
	[tilespmem:$0x1A380] =	vst v63  }
0x7b: {  	_ =	swait.ge [sflag:s20], $0x2000  }
0x7c: {  	s28 =	sld [smem:$0x7FB]  }
0x7d: {  	[sflag:s20] =	ssyncset.done $0x0  }
0x7e: {  	[sflag:s20] =	ssyncadd.s32 $0xFFFFE000  }
0x7f: {  	[spmem:s28] =	stream.linear.scatter [tilespmem:s19], [sflag:$0x1], $0x2000, $0x38;
	[tilespmem:$0x1A380] =	vst v63  }
0x80: {  	_ =	swait.ge [sflag:s20], $0x2000  }
0x81: {  	s31 =	sld [smem:$0x7FD]  }
0x82: {  	[sflag:s20] =	ssyncset.done $0x0  }
0x83: {  	[sflag:s20] =	ssyncadd.s32 $0xFFFFE000  }
0x84: {  	[spmem:s31] =	stream.linear.scatter [tilespmem:s19], [sflag:$0x1], $0x2000, $0x38;
	[tilespmem:$0x1A380] =	vst v63  }
0x85: {  	_ =	swait.ge [sflag:s20], $0x2000  }
0x86: {  	[sflag:s20] =	ssyncset.done $0x0  }
0x87: {  	[sflag:s20] =	ssyncadd.s32 $0xFFFFE000  }
0x88: {  	s1 =	simm.s32 $0x0;
	s3 =	simm.s32 $0x0;
	[bflag:$0x0] =	sbarrier.arrive $0xFFFF  }
.LBB2_4:
0x89: {  	s5 =	sadd.s32 s15, s3  }
0x8a: {  	s31 =	rddreg [dreg:$0x0];
	s14 =	sshll.u32 s5, $0x3  }
0x8b: {  	s5 =	sadd.s32 s31, s14  }
0x8c: {  	[tilespmem:s21], [sflag:$0x1] =	stream.linear.gather [hbm4b:s5+s1], $0x40, $0x38;
	[tilespmem:$0x1A380] =	vst v63  }
0x8d: {  	_ =	swait.ge [sflag:s20], $0x40  }
0x8e: {  	[sflag:s20] =	ssyncset.done $0x0  }
0x8f: {  	s6 =	sadd.s32 s4, s14;
	[sflag:s20] =	ssyncadd.s32 $0xFFFFFFC0  }
0x90: {  	[tilespmem:s22], [sflag:$0x1] =	stream.linear.gather [hbm4b:s6+s1], $0x40, $0x38;
	[tilespmem:$0x1A380] =	vst v63  }
0x91: {  	_ =	swait.ge [sflag:s20], $0x40  }
0x92: {  	s7 =	sld [smem:$0x7E9]  }
0x93: {  	[sflag:s20] =	ssyncset.done $0x0  }
0x94: {  	[sflag:s20] =	ssyncadd.s32 $0xFFFFFFC0  }
0x95: {  	[tilespmem:s24], [sflag:$0x1] =	stream.indirect.gather [hbm4b:s7+s23], $0x80, s21, s23, $0xb8;
	[tilespmem:$0x1A380] =	vst v63  }
0x96: {  	v4 =	vmov s1;
	_ =	swait.ge [sflag:s20], $0x2000  }
0x97: {  	v4 =	vshll.u32 v4, $0x7;
	[sflag:s20] =	ssyncset.done $0x0  }
0x98: {  	v4 =	vor.u32 v1, v4;
	[sflag:s20] =	ssyncadd.s32 $0xFFFFE000  }
0x99: {  	v5 =	vor.u32 $0x8, v4;
	[tilespmem:s25], [sflag:$0x1] =	stream.indirect.gather [hbm4b:s7+s23], $0x80, s22, s23, $0xb8;
	[tilespmem:$0x1A380] =	vst v63  }
0x9a: {  	_ =	swait.ge [sflag:s20], $0x2000  }
0x9b: {  	[sflag:s20] =	ssyncset.done $0x0  }
0x9c: {  	[sflag:s20] =	ssyncadd.s32 $0xFFFFE000  }
0x9d: {  	v6 =	vld.idx.msk [tilespmem:v4+s24+$0x0], $0xffff  }
0x9e: {  	v5 =	vld.idx.msk [tilespmem:v5+s25+$0x0], $0xffff;
	_ =	sdelay $0x4  }
0x9f: {  	v5 =	vadd.f32 v5, v6;
	_ =	sdelay $0x1  }
0xa0: {  	v6 =	vmul.f32 $2.000000030e-01, v5  }
0xa1: {  	vm0 =	vgt.f32 v5, $0.0e+00  }
0xa2: {  	v5 =	vsel vm0, v5, v6  }
0xa3: {  	v5 =	vmul.f32 $1.442695020e+00, v5;
	_ =	sdelay $0x1  }
0xa4: {  	(erf) = vpow2.f32 v5;
	_ =	sdelay $0x5  }
0xa5: {  	v5 =	vor.u32 $0x1, v4  }
0xa6: {  	v6 =	vor.u32 $0x9, v4;
	_ =	sdelay $0x1  }
0xa7: {  	s16 =	simm.s32 $0x18100;
	v7 =	vpop (erf)  }
0xa8: {  	[tilespmem:s16+$0x0] =	vst v7  }
0xa9: {  	v5 =	vld.idx.msk [tilespmem:v5+s24+$0x0], $0xffff  }
0xaa: {  	v6 =	vld.idx.msk [tilespmem:v6+s25+$0x0], $0xffff;
	_ =	sdelay $0x4  }
0xab: {  	v5 =	vadd.f32 v6, v5;
	_ =	sdelay $0x1  }
0xac: {  	v6 =	vmul.f32 $2.000000030e-01, v5  }
0xad: {  	vm12 =	vgt.f32 v5, $0.0e+00  }
0xae: {  	v5 =	vsel vm12, v5, v6  }
0xaf: {  	v5 =	vmul.f32 $1.442695020e+00, v5;
	_ =	sdelay $0x1  }
0xb0: {  	(erf) = vpow2.f32 v5;
	_ =	sdelay $0x5  }
0xb1: {  	v5 =	vor.u32 $0x2, v4  }
0xb2: {  	v6 =	vor.u32 $0xA, v4;
	_ =	sdelay $0x1  }
0xb3: {  	s17 =	simm.s32 $0x18180;
	v7 =	vpop (erf)  }
0xb4: {  	[tilespmem:s17+$0x0] =	vst v7  }
0xb5: {  	v5 =	vld.idx.msk [tilespmem:v5+s24+$0x0], $0xffff  }
0xb6: {  	v6 =	vld.idx.msk [tilespmem:v6+s25+$0x0], $0xffff;
	_ =	sdelay $0x4  }
0xb7: {  	v5 =	vadd.f32 v6, v5;
	_ =	sdelay $0x1  }
0xb8: {  	v6 =	vmul.f32 $2.000000030e-01, v5  }
0xb9: {  	vm13 =	vgt.f32 v5, $0.0e+00  }
0xba: {  	v5 =	vsel vm13, v5, v6  }
0xbb: {  	v5 =	vmul.f32 $1.442695020e+00, v5;
	_ =	sdelay $0x1  }
0xbc: {  	(erf) = vpow2.f32 v5;
	_ =	sdelay $0x5  }
0xbd: {  	v5 =	vor.u32 $0x3, v4  }
0xbe: {  	v6 =	vor.u32 $0xB, v4;
	_ =	sdelay $0x1  }
0xbf: {  	s8 =	simm.s32 $0x18200;
	v7 =	vpop (erf)  }
0xc0: {  	[tilespmem:s8+$0x0] =	vst v7  }
0xc1: {  	v5 =	vld.idx.msk [tilespmem:v5+s24+$0x0], $0xffff  }
0xc2: {  	v6 =	vld.idx.msk [tilespmem:v6+s25+$0x0], $0xffff;
	_ =	sdelay $0x4  }
0xc3: {  	v5 =	vadd.f32 v6, v5;
	_ =	sdelay $0x1  }
0xc4: {  	v6 =	vmul.f32 $2.000000030e-01, v5  }
0xc5: {  	vm14 =	vgt.f32 v5, $0.0e+00  }
0xc6: {  	v5 =	vsel vm14, v5, v6  }
0xc7: {  	v5 =	vmul.f32 $1.442695020e+00, v5;
	_ =	sdelay $0x1  }
0xc8: {  	(erf) = vpow2.f32 v5;
	_ =	sdelay $0x5  }
0xc9: {  	v5 =	vor.u32 $0x4, v4  }
0xca: {  	v4 =	vor.u32 $0xC, v4;
	_ =	sdelay $0x1  }
0xcb: {  	s18 =	simm.s32 $0x18280;
	v6 =	vpop (erf)  }
0xcc: {  	[tilespmem:s18+$0x0] =	vst v6  }
0xcd: {  	v5 =	vld.idx.msk [tilespmem:v5+s24+$0x0], $0xffff  }
0xce: {  	v4 =	vld.idx.msk [tilespmem:v4+s25+$0x0], $0xffff;
	_ =	sdelay $0x4  }
0xcf: {  	v4 =	vadd.f32 v4, v5;
	_ =	sdelay $0x1  }
0xd0: {  	v5 =	vmul.f32 $2.000000030e-01, v4  }
0xd1: {  	vm15 =	vgt.f32 v4, $0.0e+00  }
0xd2: {  	v4 =	vsel vm15, v4, v5  }
0xd3: {  	v4 =	vmul.f32 $1.442695020e+00, v4;
	_ =	sdelay $0x1  }
0xd4: {  	(erf) = vpow2.f32 v4;
	_ =	sdelay $0x1  }
0xd5: {  	s31 =	simm.s32 $0x10  }
0xd6: {  	s28 =	simm.s32 $0x20;
	s5 =	simm.s32 $0x18290;
	v5 =	vmov s31  }
0xd7: {  	s6 =	simm.s32 $0x18210;
	s7 =	simm.s32 $0x18300;
	s18 =	simm.s32 $0x18310;
	v4 =	vshll.u32 v5, $0x7  }
.LBB2_5:
0xd8: {  	s16 =	sadd.s32 $0x10, s16  }
0xd9: {  	v4 =	vor.u32 v1, v4;
	s17 =	sadd.s32 $0x10, s17;
	s31 =	smov.u32 s28;
	s8 =	sadd.s32 $0x10, s28  }
0xda: {  	p0 =	sne.s32 s28, $0x30;
	v5 =	vor.u32 $0x8, v4;
	_ =	sdelay $0x1  }
0xdb: {  	v6 =	vpop (erf)  }
0xdc: {  	[tilespmem:s7+$0x0] =	vst v6;
	s7 =	smov.u32 s18  }
0xdd: {  	v6 =	vld.idx.msk [tilespmem:v4+s24+$0x0], $0xffff  }
0xde: {  	v5 =	vld.idx.msk [tilespmem:v5+s25+$0x0], $0xffff;
	_ =	sdelay $0x5  }
0xdf: {  	v5 =	vadd.f32 v5, v6;
	_ =	sdelay $0x1  }
0xe0: {  	v6 =	vmul.f32 $2.000000030e-01, v5  }
0xe1: {  	vm0 =	vgt.f32 v5, $0.0e+00  }
0xe2: {  	v5 =	vsel vm0, v5, v6  }
0xe3: {  	v5 =	vmul.f32 $1.442695020e+00, v5;
	_ =	sdelay $0x1  }
0xe4: {  	(erf) = vpow2.f32 v5;
	_ =	sdelay $0x5  }
0xe5: {  	v6 =	vor.u32 $0x9, v4;
	v5 =	vor.u32 $0x1, v4;
	_ =	sdelay $0x2  }
0xe6: {  	v7 =	vpop (erf)  }
0xe7: {  	[tilespmem:s16+$0x0] =	vst v7  }
0xe8: {  	v5 =	vld.idx.msk [tilespmem:v5+s24+$0x0], $0xffff  }
0xe9: {  	v6 =	vld.idx.msk [tilespmem:v6+s25+$0x0], $0xffff;
	_ =	sdelay $0x5  }
0xea: {  	v5 =	vadd.f32 v6, v5;
	_ =	sdelay $0x1  }
0xeb: {  	vm0 =	vgt.f32 v5, $0.0e+00;
	v6 =	vmul.f32 $2.000000030e-01, v5;
	_ =	sdelay $0x1  }
0xec: {  	v5 =	vsel vm0, v5, v6  }
0xed: {  	v5 =	vmul.f32 $1.442695020e+00, v5;
	_ =	sdelay $0x1  }
0xee: {  	(erf) = vpow2.f32 v5;
	_ =	sdelay $0x5  }
0xef: {  	v6 =	vor.u32 $0xA, v4;
	v5 =	vor.u32 $0x2, v4;
	_ =	sdelay $0x2  }
0xf0: {  	v7 =	vpop (erf)  }
0xf1: {  	[tilespmem:s17+$0x0] =	vst v7  }
0xf2: {  	v5 =	vld.idx.msk [tilespmem:v5+s24+$0x0], $0xffff  }
0xf3: {  	v6 =	vld.idx.msk [tilespmem:v6+s25+$0x0], $0xffff;
	_ =	sdelay $0x5  }
0xf4: {  	v5 =	vadd.f32 v6, v5;
	_ =	sdelay $0x1  }
0xf5: {  	vm0 =	vgt.f32 v5, $0.0e+00;
	v6 =	vmul.f32 $2.000000030e-01, v5;
	_ =	sdelay $0x1  }
0xf6: {  	v5 =	vsel vm0, v5, v6  }
0xf7: {  	v5 =	vmul.f32 $1.442695020e+00, v5;
	_ =	sdelay $0x1  }
0xf8: {  	(erf) = vpow2.f32 v5;
	_ =	sdelay $0x5  }
0xf9: {  	v6 =	vor.u32 $0xB, v4;
	v5 =	vor.u32 $0x3, v4;
	_ =	sdelay $0x2  }
0xfa: {  	v7 =	vpop (erf)  }
0xfb: {  	[tilespmem:s6+$0x0] =	vst v7  }
0xfc: {  	v5 =	vld.idx.msk [tilespmem:v5+s24+$0x0], $0xffff  }
0xfd: {  	v6 =	vld.idx.msk [tilespmem:v6+s25+$0x0], $0xffff;
	_ =	sdelay $0x5  }
0xfe: {  	v5 =	vadd.f32 v6, v5;
	_ =	sdelay $0x1  }
0xff: {  	vm0 =	vgt.f32 v5, $0.0e+00;
	v6 =	vmul.f32 $2.000000030e-01, v5;
	_ =	sdelay $0x1  }
0x100: {  	v5 =	vsel vm0, v5, v6  }
0x101: {  	v5 =	vmul.f32 $1.442695020e+00, v5;
	_ =	sdelay $0x1  }
0x102: {  	(erf) = vpow2.f32 v5;
	_ =	sdelay $0x5  }
0x103: {  	v5 =	vor.u32 $0x4, v4;
	v4 =	vor.u32 $0xC, v4;
	_ =	sdelay $0x2  }
0x104: {  	v6 =	vpop (erf)  }
0x105: {  	[tilespmem:s5+$0x0] =	vst v6  }
0x106: {  	v5 =	vld.idx.msk [tilespmem:v5+s24+$0x0], $0xffff  }
0x107: {  	v4 =	vld.idx.msk [tilespmem:v4+s25+$0x0], $0xffff;
	_ =	sdelay $0x5  }
0x108: {  	v4 =	vadd.f32 v4, v5;
	_ =	sdelay $0x1  }
0x109: {  	vm0 =	vgt.f32 v4, $0.0e+00;
	v5 =	vmul.f32 $2.000000030e-01, v4;
	_ =	sdelay $0x1  }
0x10a: {  	v4 =	vsel vm0, v4, v5  }
0x10b: {  	v4 =	vmul.f32 $1.442695020e+00, v4;
	_ =	sdelay $0x1  }
0x10c: {  	(erf) = vpow2.f32 v4  }
.Ltmp1:
0x10d: {  	(pc) =	sbr.rel @p0 .LBB2_5-.Ltmp1, $3  }
0x10e: {  	_ =	sdelay $0x1  }
0x10f: {  	s28 =	smov.u32 s8;
	v4 =	vmov s31  }
0x110: {  	s18 =	sadd.s32 $0x10, s18;
	s6 =	sadd.s32 $0x10, s6;
	s5 =	sadd.s32 $0x10, s5;
	v4 =	vshll.u32 v4, $0x7  }
0x111: {  	v4 =	vor.u32 v1, v4  }
0x112: {  	v5 =	vor.u32 $0x8, v4;
	_ =	sdelay $0x1  }
0x113: {  	v6 =	vpop (erf)  }
0x114: {  	[tilespmem:s7+$0x0] =	vst v6  }
0x115: {  	v6 =	vld.idx.msk [tilespmem:v4+s24+$0x0], $0xffff  }
0x116: {  	v5 =	vld.idx.msk [tilespmem:v5+s25+$0x0], $0xffff;
	_ =	sdelay $0x4  }
0x117: {  	v5 =	vadd.f32 v5, v6;
	_ =	sdelay $0x1  }
0x118: {  	v6 =	vmul.f32 $2.000000030e-01, v5  }
0x119: {  	vm0 =	vgt.f32 v5, $0.0e+00  }
0x11a: {  	v5 =	vsel vm0, v5, v6  }
0x11b: {  	v5 =	vmul.f32 $1.442695020e+00, v5;
	_ =	sdelay $0x1  }
0x11c: {  	(erf) = vpow2.f32 v5;
	_ =	sdelay $0x5  }
0x11d: {  	v5 =	vor.u32 $0x1, v4  }
0x11e: {  	v6 =	vor.u32 $0x9, v4;
	_ =	sdelay $0x1  }
0x11f: {  	s28 =	sadd.s32 $0x10, s16;
	v7 =	vpop (erf)  }
0x120: {  	[tilespmem:s28+$0x0] =	vst v7  }
0x121: {  	v5 =	vld.idx.msk [tilespmem:v5+s24+$0x0], $0xffff  }
0x122: {  	v6 =	vld.idx.msk [tilespmem:v6+s25+$0x0], $0xffff;
	_ =	sdelay $0x4  }
0x123: {  	v5 =	vadd.f32 v6, v5;
	_ =	sdelay $0x1  }
0x124: {  	v6 =	vmul.f32 $2.000000030e-01, v5  }
0x125: {  	vm12 =	vgt.f32 v5, $0.0e+00  }
0x126: {  	v5 =	vsel vm12, v5, v6  }
0x127: {  	v5 =	vmul.f32 $1.442695020e+00, v5;
	_ =	sdelay $0x1  }
0x128: {  	(erf) = vpow2.f32 v5;
	_ =	sdelay $0x5  }
0x129: {  	v5 =	vor.u32 $0x2, v4  }
0x12a: {  	v6 =	vor.u32 $0xA, v4;
	_ =	sdelay $0x1  }
0x12b: {  	s31 =	sadd.s32 $0x10, s17;
	v7 =	vpop (erf)  }
0x12c: {  	[tilespmem:s31+$0x0] =	vst v7  }
0x12d: {  	v5 =	vld.idx.msk [tilespmem:v5+s24+$0x0], $0xffff  }
0x12e: {  	v6 =	vld.idx.msk [tilespmem:v6+s25+$0x0], $0xffff;
	_ =	sdelay $0x4  }
0x12f: {  	v5 =	vadd.f32 v6, v5;
	_ =	sdelay $0x1  }
0x130: {  	v6 =	vmul.f32 $2.000000030e-01, v5  }
0x131: {  	vm13 =	vgt.f32 v5, $0.0e+00  }
0x132: {  	v5 =	vsel vm13, v5, v6  }
0x133: {  	v5 =	vmul.f32 $1.442695020e+00, v5;
	_ =	sdelay $0x1  }
0x134: {  	(erf) = vpow2.f32 v5;
	_ =	sdelay $0x5  }
0x135: {  	v5 =	vor.u32 $0x3, v4  }
0x136: {  	v6 =	vor.u32 $0xB, v4;
	_ =	sdelay $0x1  }
0x137: {  	v7 =	vpop (erf)  }
0x138: {  	[tilespmem:s6+$0x0] =	vst v7  }
0x139: {  	v5 =	vld.idx.msk [tilespmem:v5+s24+$0x0], $0xffff  }
0x13a: {  	v6 =	vld.idx.msk [tilespmem:v6+s25+$0x0], $0xffff;
	_ =	sdelay $0x4  }
0x13b: {  	v5 =	vadd.f32 v6, v5;
	_ =	sdelay $0x1  }
0x13c: {  	v6 =	vmul.f32 $2.000000030e-01, v5  }
0x13d: {  	vm14 =	vgt.f32 v5, $0.0e+00  }
0x13e: {  	v5 =	vsel vm14, v5, v6  }
0x13f: {  	v5 =	vmul.f32 $1.442695020e+00, v5;
	_ =	sdelay $0x1  }
0x140: {  	(erf) = vpow2.f32 v5;
	_ =	sdelay $0x5  }
0x141: {  	v5 =	vor.u32 $0x4, v4  }
0x142: {  	v4 =	vor.u32 $0xC, v4;
	_ =	sdelay $0x1  }
0x143: {  	v6 =	vpop (erf)  }
0x144: {  	[tilespmem:s5+$0x0] =	vst v6  }
0x145: {  	v5 =	vld.idx.msk [tilespmem:v5+s24+$0x0], $0xffff  }
0x146: {  	v4 =	vld.idx.msk [tilespmem:v4+s25+$0x0], $0xffff;
	_ =	sdelay $0x4  }
0x147: {  	v4 =	vadd.f32 v4, v5;
	_ =	sdelay $0x1  }
0x148: {  	v5 =	vmul.f32 $2.000000030e-01, v4  }
0x149: {  	vm15 =	vgt.f32 v4, $0.0e+00  }
0x14a: {  	v4 =	vsel vm15, v4, v5  }
0x14b: {  	v4 =	vmul.f32 $1.442695020e+00, v4;
	_ =	sdelay $0x1  }
0x14c: {  	(erf) = vpow2.f32 v4;
	_ =	sdelay $0x8  }
0x14d: {  	v4 =	vpop (erf)  }
0x14e: {  	s8 =	simm.s32 $0x0;
	s7 =	sadd.s32 s9, s14;
	[tilespmem:s18+$0x0] =	vst v4  }
0x14f: {  	[hbm4b:s7+s8] =	stream.linear.scatter [tilespmem:s29], [sflag:$0x1], $0x40, $0x38;
	[tilespmem:$0x1A380] =	vst v63  }
0x150: {  	_ =	swait.ge [sflag:s20], $0x40  }
0x151: {  	[sflag:s20] =	ssyncset.done $0x0  }
0x152: {  	s16 =	sadd.s32 s10, s14;
	[sflag:s20] =	ssyncadd.s32 $0xFFFFFFC0  }
0x153: {  	[hbm4b:s16+s8] =	stream.linear.scatter [tilespmem:s30], [sflag:$0x1], $0x40, $0x38;
	[tilespmem:$0x1A380] =	vst v63  }
0x154: {  	_ =	swait.ge [sflag:s20], $0x40  }
0x155: {  	[sflag:s20] =	ssyncset.done $0x0  }
0x156: {  	s17 =	sadd.s32 s11, s14;
	[sflag:s20] =	ssyncadd.s32 $0xFFFFFFC0  }
0x157: {  	[hbm4b:s17+s8] =	stream.linear.scatter [tilespmem:s26], [sflag:$0x1], $0x40, $0x38;
	[tilespmem:$0x1A380] =	vst v63  }
0x158: {  	_ =	swait.ge [sflag:s20], $0x40  }
0x159: {  	[sflag:s20] =	ssyncset.done $0x0  }
0x15a: {  	s18 =	sadd.s32 s12, s14;
	[sflag:s20] =	ssyncadd.s32 $0xFFFFFFC0  }
0x15b: {  	[hbm4b:s18+s8] =	stream.linear.scatter [tilespmem:s0], [sflag:$0x1], $0x40, $0x38;
	[tilespmem:$0x1A380] =	vst v63  }
0x15c: {  	_ =	swait.ge [sflag:s20], $0x40  }
0x15d: {  	[sflag:s20] =	ssyncset.done $0x0  }
0x15e: {  	s28 =	sadd.s32 s13, s14;
	[sflag:s20] =	ssyncadd.s32 $0xFFFFFFC0  }
0x15f: {  	[hbm4b:s28+s8] =	stream.linear.scatter [tilespmem:s2], [sflag:$0x1], $0x40, $0x38;
	[tilespmem:$0x1A380] =	vst v63  }
0x160: {  	_ =	swait.ge [sflag:s20], $0x40  }
0x161: {  	s31 =	sld [smem:$0x7E6]  }
0x162: {  	[sflag:s20] =	ssyncset.done $0x0  }
0x163: {  	[sflag:s20] =	ssyncadd.s32 $0xFFFFFFC0  }
0x164: {  	[tilespmem:s19], [sflag:$0x1] =	stream.indirect.gather [hbm4b:s31+s23], $0x80, s21, s23, $0xb8;
	[tilespmem:$0x1A380] =	vst v63  }
0x165: {  	_ =	swait.ge [sflag:s20], $0x2000  }
0x166: {  	v4 =	vmov s8;
	[sflag:s20] =	ssyncset.done $0x0  }
0x167: {  	s5 =	simm.s32 $0x183C0;
	[sflag:s20] =	ssyncadd.s32 $0xFFFFE000  }
0x168: {  	v11 =	vld [tilespmem:s5+$0xFFFFFFF0]  }
0x169: {  	v9 =	vld [tilespmem:s5+$0xFFFFFFC0]  }
0x16a: {  	v10 =	vld [tilespmem:s5+$0xFFFFFFD0]  }
0x16b: {  	v7 =	vld.idx.msk [tilespmem:v4+s29+$0x0], $0xffff  }
0x16c: {  	v5 =	vld.idx.msk [tilespmem:v4+s30+$0x0], $0xffff  }
0x16d: {  	v14 =	vld [tilespmem:s5+$0x0]  }
0x16e: {  	v6 =	vld [tilespmem:s5+$0xFFFFFFE0]  }
0x16f: {  	v4 =	vld [tilespmem:s5+$0x30]  }
0x170: {  	v8 =	vld [tilespmem:s5+$0x20]  }
0x171: {  	v13 =	vmul.f32 v9, v7;
	v9 =	vld [tilespmem:s5+$0x10]  }
0x172: {  	v10 =	vmul.f32 v10, v7  }
0x173: {  	s6 =	simm.s32 $0x1;
	s7 =	simm.s32 $0x183C0;
	v12 =	vmul.f32 v11, v7;
	v11 =	vmul.f32 v14, v5  }
.LBB2_7:
0x174: {  	p0 =	sne.s32 s6, $0x3F  }
0x175: {  	[tilespmem:s5+$0xFFFFFFC0] =	vst v13;
	v6 =	vmul.f32 v6, v7;
	v7 =	vmul.f32 v8, v5;
	s7 =	sadd.s32 $0x80, s7;
	s8 =	smov.u32 s6;
	s6 =	sadd.s32 $0x1, s6  }
0x176: {  	v4 =	vmul.f32 v4, v5;
	[tilespmem:s5+$0xFFFFFFF0] =	vst v12;
	v8 =	vmul.f32 v9, v5  }
0x177: {  	[tilespmem:s5+$0xFFFFFFD0] =	vst v10  }
0x178: {  	v5 =	vmov s8;
	v12 =	vld [tilespmem:s7+$0xFFFFFFF0];
	[tilespmem:s5+$0x0] =	vst v11  }
0x179: {  	v10 =	vld [tilespmem:s7+$0xFFFFFFC0];
	[tilespmem:s5+$0xFFFFFFE0] =	vst v6  }
0x17a: {  	v6 =	vld [tilespmem:s7+$0xFFFFFFE0];
	[tilespmem:s5+$0x30] =	vst v4  }
0x17b: {  	v4 =	vld [tilespmem:s7+$0x30];
	[tilespmem:s5+$0x10] =	vst v8  }
0x17c: {  	v11 =	vld [tilespmem:s7+$0xFFFFFFD0];
	[tilespmem:s5+$0x20] =	vst v7;
	s5 =	smov.u32 s7  }
0x17d: {  	v7 =	vld.idx.msk [tilespmem:v5+s29+$0x0], $0xffff  }
0x17e: {  	v5 =	vld.idx.msk [tilespmem:v5+s30+$0x0], $0xffff  }
0x17f: {  	v14 =	vld [tilespmem:s7+$0x0]  }
.Ltmp2:
0x180: {  	v8 =	vld [tilespmem:s7+$0x20];
	(pc) =	sbr.rel @p0 .LBB2_7-.Ltmp2, $3  }
0x181: {  	v9 =	vld [tilespmem:s7+$0x10];
	_ =	sdelay $0x1  }
0x182: {  	v13 =	vmul.f32 v10, v7;
	v10 =	vmul.f32 v11, v7  }
0x183: {  	v12 =	vmul.f32 v12, v7;
	v11 =	vmul.f32 v14, v5  }
0x184: {  	[tilespmem:s5+$0xFFFFFFC0] =	vst v13  }
0x185: {  	[tilespmem:s5+$0xFFFFFFD0] =	vst v10  }
0x186: {  	v6 =	vmul.f32 v6, v7;
	[tilespmem:s5+$0xFFFFFFF0] =	vst v12  }
0x187: {  	v4 =	vmul.f32 v4, v5;
	[tilespmem:s5+$0x0] =	vst v11  }
0x188: {  	v63 =	vmul.f32 v9, v5;
	[tilespmem:s5+$0xFFFFFFE0] =	vst v6  }
0x189: {  	s3 =	sadd.s32 $0x1, s3;
	v5 =	vmul.f32 v8, v5;
	[tilespmem:s5+$0x30] =	vst v4  }
0x18a: {  	p0 =	sne.s32 s3, $0xA2;
	[tilespmem:s5+$0x10] =	vst v63  }
.Ltmp3:
0x18b: {  	s31 =	rddreg [dreg:$0x2];
	[tilespmem:s5+$0x20] =	vst v5;
	(pc) =	sbr.rel @p0 .LBB2_4-.Ltmp3, $4  }
0x18c: {  	[spmem:s31] =	stream.indirect.scatter.add.f32 [tilespmem:s19], [sflag:$0x1], $0x80, s22, s23, $0xb8;
	[tilespmem:$0x1A380] =	vst v63  }
0x18d: {  	_ =	swait.ge [sflag:s20], $0x2000  }
0x18e: {  	[sflag:s20] =	ssyncset.done $0x0  }
0x18f: {  	[sflag:s20] =	ssyncadd.s32 $0xFFFFE000  }
0x190: {  	[bflag:$0x0] =	sbarrier.arrive $0xFFFF  }
0x191: {  	s7 =	sld [smem:$0x7FC];
	_ =	sdelay $0x1  }
0x192: {  	s1 =	stileid.u32  }
0x193: {  	s1 =	sshll.u32 s1, $0x6;
	s8 =	rddreg [dreg:$0x5];
	s5 =	sshrl.u32 s7, $0x3  }
0x194: {  	s3 =	sor.u32 $0x1C01, s1;
	[smem:$0x7DE] =	sst s5  }
0x195: {  	[hbm:s8], [sflag:s3] =	dma.local [spmem:s5], $0x400  }
0x196: {  	_ =	swait.ge [sflag:s20], $0x400  }
0x197: {  	s14 =	sld [smem:$0x7EB];
	_ =	sdelay $0x2  }
0x198: {  	[sflag:s20] =	ssyncset.done $0x0;
	s17 =	rddreg [dreg:$0x6];
	s16 =	sshrl.u32 s14, $0x3  }
0x199: {  	[sflag:s20] =	ssyncadd.s32 $0xFFFFFC00;
	[smem:$0x7DF] =	sst s16  }
0x19a: {  	[hbm:s17], [sflag:s3] =	dma.local [spmem:s16], $0x400  }
0x19b: {  	_ =	swait.ge [sflag:s20], $0x400  }
0x19c: {  	s18 =	sld [smem:$0x7EC];
	_ =	sdelay $0x2  }
0x19d: {  	[sflag:s20] =	ssyncset.done $0x0;
	s31 =	rddreg [dreg:$0x7];
	s28 =	sshrl.u32 s18, $0x3  }
0x19e: {  	[sflag:s20] =	ssyncadd.s32 $0xFFFFFC00;
	[smem:$0x7E0] =	sst s28  }
0x19f: {  	[hbm:s31], [sflag:s3] =	dma.local [spmem:s28], $0x400  }
0x1a0: {  	_ =	swait.ge [sflag:s20], $0x400  }
0x1a1: {  	s5 =	sld [smem:$0x7ED];
	_ =	sdelay $0x2  }
0x1a2: {  	[sflag:s20] =	ssyncset.done $0x0;
	s7 =	rddreg [dreg:$0x8];
	s6 =	sshrl.u32 s5, $0x3  }
0x1a3: {  	[sflag:s20] =	ssyncadd.s32 $0xFFFFFC00;
	[smem:$0x7E1] =	sst s6  }
0x1a4: {  	[hbm:s7], [sflag:s3] =	dma.local [spmem:s6], $0x400  }
0x1a5: {  	_ =	swait.ge [sflag:s20], $0x400  }
0x1a6: {  	s8 =	sld [smem:$0x7EE];
	_ =	sdelay $0x2  }
0x1a7: {  	[sflag:s20] =	ssyncset.done $0x0;
	s16 =	rddreg [dreg:$0x9];
	s14 =	sshrl.u32 s8, $0x3  }
0x1a8: {  	[sflag:s20] =	ssyncadd.s32 $0xFFFFFC00;
	[smem:$0x7E2] =	sst s14  }
0x1a9: {  	[hbm:s16], [sflag:s3] =	dma.local [spmem:s14], $0x400  }
0x1aa: {  	_ =	swait.ge [sflag:s20], $0x400  }
0x1ab: {  	s17 =	sld [smem:$0x7EF];
	_ =	sdelay $0x1  }
0x1ac: {  	[sflag:s20] =	ssyncset.done $0x0  }
0x1ad: {  	s18 =	rddreg [dreg:$0xa];
	[sflag:s20] =	ssyncadd.s32 $0xFFFFFC00;
	s16 =	sshrl.u32 s17, $0x3  }
0x1ae: {  	[hbm:s18], [sflag:s3] =	dma.local [spmem:s16], $0x400  }
0x1af: {  	_ =	swait.ge [sflag:s20], $0x400  }
0x1b0: {  	s28 =	sld [smem:$0x7F0];
	_ =	sdelay $0x1  }
0x1b1: {  	[sflag:s20] =	ssyncset.done $0x0  }
0x1b2: {  	s31 =	rddreg [dreg:$0xb];
	[sflag:s20] =	ssyncadd.s32 $0xFFFFFC00;
	s17 =	sshrl.u32 s28, $0x3  }
0x1b3: {  	[hbm:s31], [sflag:s3] =	dma.local [spmem:s17], $0x400  }
0x1b4: {  	_ =	swait.ge [sflag:s20], $0x400  }
0x1b5: {  	s5 =	sld [smem:$0x7F1];
	_ =	sdelay $0x1  }
0x1b6: {  	[sflag:s20] =	ssyncset.done $0x0  }
0x1b7: {  	s6 =	rddreg [dreg:$0xc];
	[sflag:s20] =	ssyncadd.s32 $0xFFFFFC00;
	s18 =	sshrl.u32 s5, $0x3  }
0x1b8: {  	[hbm:s6], [sflag:s3] =	dma.local [spmem:s18], $0x400  }
0x1b9: {  	_ =	swait.ge [sflag:s20], $0x400  }
0x1ba: {  	s7 =	sld [smem:$0x7F2];
	_ =	sdelay $0x1  }
0x1bb: {  	[sflag:s20] =	ssyncset.done $0x0  }
0x1bc: {  	s8 =	rddreg [dreg:$0xd];
	[sflag:s20] =	ssyncadd.s32 $0xFFFFFC00;
	s14 =	sshrl.u32 s7, $0x3  }
0x1bd: {  	[hbm:s8], [sflag:s3] =	dma.local [spmem:s14], $0x400  }
0x1be: {  	_ =	swait.ge [sflag:s20], $0x400  }
0x1bf: {  	s28 =	sld [smem:$0x7F3];
	_ =	sdelay $0x1  }
0x1c0: {  	[sflag:s20] =	ssyncset.done $0x0  }
0x1c1: {  	s31 =	rddreg [dreg:$0xe];
	[sflag:s20] =	ssyncadd.s32 $0xFFFFFC00;
	s1 =	sshrl.u32 s28, $0x3  }
0x1c2: {  	[hbm:s31], [sflag:s3] =	dma.local [spmem:s1], $0x400  }
0x1c3: {  	_ =	swait.ge [sflag:s20], $0x400  }
0x1c4: {  	[sflag:s20] =	ssyncset.done $0x0  }
0x1c5: {  	s5 =	simm.s32 $0x0;
	s6 =	simm.s32 $0x200;
	[sflag:s20] =	ssyncadd.s32 $0xFFFFFC00  }
.LBB2_10:
0x1c6: {  	p0 =	seq.s32 s6, $0x7E00;
	[tilespmem:s5+$0x183F0] =	vst v0  }
0x1c7: {  	[tilespmem:s5+$0x18380] =	vst v0  }
0x1c8: {  	[tilespmem:s5+$0x18390] =	vst v0  }
.Ltmp4:
0x1c9: {  	[tilespmem:s5+$0x183A0] =	vst v0;
	(pc) =	sbr.rel @!p0 .LBB2_10-.Ltmp4, $4  }
0x1ca: {  	[tilespmem:s5+$0x183B0] =	vst v0  }
0x1cb: {  	[tilespmem:s5+$0x183C0] =	vst v0  }
0x1cc: {  	[tilespmem:s5+$0x183D0] =	vst v0  }
0x1cd: {  	[tilespmem:s5+$0x183E0] =	vst v0;
	s5 =	sshra.s32 s6, $0x2;
	s6 =	sadd.s32 $0x200, s6  }
0x1ce: {  	[tilespmem:s5+$0x183F0] =	vst v0  }
0x1cf: {  	[tilespmem:s5+$0x18380] =	vst v0  }
0x1d0: {  	[tilespmem:s5+$0x18390] =	vst v0  }
0x1d1: {  	[tilespmem:s5+$0x183A0] =	vst v0  }
0x1d2: {  	[tilespmem:s5+$0x183B0] =	vst v0  }
0x1d3: {  	[tilespmem:s5+$0x183C0] =	vst v0;
	s6 =	sld [smem:$0x7FC]  }
0x1d4: {  	[tilespmem:s5+$0x183D0] =	vst v0  }
0x1d5: {  	[tilespmem:s5+$0x183E0] =	vst v0  }
0x1d6: {  	[spmem:s6] =	stream.linear.scatter [tilespmem:s19], [sflag:$0x1], $0x2000, $0x38;
	[tilespmem:$0x1A380] =	vst v63  }
0x1d7: {  	_ =	swait.ge [sflag:s20], $0x2000  }
0x1d8: {  	s7 =	sld [smem:$0x7F4]  }
0x1d9: {  	[sflag:s20] =	ssyncset.done $0x0  }
0x1da: {  	[sflag:s20] =	ssyncadd.s32 $0xFFFFE000  }
0x1db: {  	[spmem:s7] =	stream.linear.scatter [tilespmem:s19], [sflag:$0x1], $0x2000, $0x38;
	[tilespmem:$0x1A380] =	vst v63  }
0x1dc: {  	_ =	swait.ge [sflag:s20], $0x2000  }
0x1dd: {  	s8 =	sld [smem:$0x7F5]  }
0x1de: {  	[sflag:s20] =	ssyncset.done $0x0  }
0x1df: {  	[sflag:s20] =	ssyncadd.s32 $0xFFFFE000  }
0x1e0: {  	[spmem:s8] =	stream.linear.scatter [tilespmem:s19], [sflag:$0x1], $0x2000, $0x38;
	[tilespmem:$0x1A380] =	vst v63  }
0x1e1: {  	_ =	swait.ge [sflag:s20], $0x2000  }
0x1e2: {  	s28 =	sld [smem:$0x7F6]  }
0x1e3: {  	[sflag:s20] =	ssyncset.done $0x0  }
0x1e4: {  	[sflag:s20] =	ssyncadd.s32 $0xFFFFE000  }
0x1e5: {  	[spmem:s28] =	stream.linear.scatter [tilespmem:s19], [sflag:$0x1], $0x2000, $0x38;
	[tilespmem:$0x1A380] =	vst v63  }
0x1e6: {  	_ =	swait.ge [sflag:s20], $0x2000  }
0x1e7: {  	s31 =	sld [smem:$0x7F7]  }
0x1e8: {  	[sflag:s20] =	ssyncset.done $0x0  }
0x1e9: {  	[sflag:s20] =	ssyncadd.s32 $0xFFFFE000  }
0x1ea: {  	[spmem:s31] =	stream.linear.scatter [tilespmem:s19], [sflag:$0x1], $0x2000, $0x38;
	[tilespmem:$0x1A380] =	vst v63  }
0x1eb: {  	_ =	swait.ge [sflag:s20], $0x2000  }
0x1ec: {  	s6 =	sld [smem:$0x7F8]  }
0x1ed: {  	[sflag:s20] =	ssyncset.done $0x0  }
0x1ee: {  	[sflag:s20] =	ssyncadd.s32 $0xFFFFE000  }
0x1ef: {  	[spmem:s6] =	stream.linear.scatter [tilespmem:s19], [sflag:$0x1], $0x2000, $0x38;
	[tilespmem:$0x1A380] =	vst v63  }
0x1f0: {  	_ =	swait.ge [sflag:s20], $0x2000  }
0x1f1: {  	s7 =	sld [smem:$0x7F9]  }
0x1f2: {  	[sflag:s20] =	ssyncset.done $0x0  }
0x1f3: {  	[sflag:s20] =	ssyncadd.s32 $0xFFFFE000  }
0x1f4: {  	[spmem:s7] =	stream.linear.scatter [tilespmem:s19], [sflag:$0x1], $0x2000, $0x38;
	[tilespmem:$0x1A380] =	vst v63  }
0x1f5: {  	_ =	swait.ge [sflag:s20], $0x2000  }
0x1f6: {  	s8 =	sld [smem:$0x7FA]  }
0x1f7: {  	[sflag:s20] =	ssyncset.done $0x0  }
0x1f8: {  	[sflag:s20] =	ssyncadd.s32 $0xFFFFE000  }
0x1f9: {  	[spmem:s8] =	stream.linear.scatter [tilespmem:s19], [sflag:$0x1], $0x2000, $0x38;
	[tilespmem:$0x1A380] =	vst v63  }
0x1fa: {  	_ =	swait.ge [sflag:s20], $0x2000  }
0x1fb: {  	s28 =	sld [smem:$0x7FB]  }
0x1fc: {  	[sflag:s20] =	ssyncset.done $0x0  }
0x1fd: {  	[sflag:s20] =	ssyncadd.s32 $0xFFFFE000  }
0x1fe: {  	[spmem:s28] =	stream.linear.scatter [tilespmem:s19], [sflag:$0x1], $0x2000, $0x38;
	[tilespmem:$0x1A380] =	vst v63  }
0x1ff: {  	_ =	swait.ge [sflag:s20], $0x2000  }
0x200: {  	s31 =	sld [smem:$0x7FD]  }
0x201: {  	[sflag:s20] =	ssyncset.done $0x0  }
0x202: {  	[sflag:s20] =	ssyncadd.s32 $0xFFFFE000  }
0x203: {  	[spmem:s31] =	stream.linear.scatter [tilespmem:s19], [sflag:$0x1], $0x2000, $0x38;
	[tilespmem:$0x1A380] =	vst v63  }
0x204: {  	_ =	swait.ge [sflag:s20], $0x2000  }
0x205: {  	[sflag:s20] =	ssyncset.done $0x0  }
0x206: {  	[sflag:s20] =	ssyncadd.s32 $0xFFFFE000  }
0x207: {  	s5 =	simm.s32 $0x0;
	s6 =	simm.s32 $0x0;
	[bflag:$0x0] =	sbarrier.arrive $0xFFFF  }
.LBB2_12:
0x208: {  	s7 =	sadd.s32 s15, s6  }
0x209: {  	s8 =	rddreg [dreg:$0x0];
	s7 =	sshll.u32 s7, $0x3  }
0x20a: {  	s8 =	sadd.s32 s8, s7  }
0x20b: {  	[tilespmem:s21], [sflag:$0x1] =	stream.linear.gather [hbm4b:s8+s5], $0x40, $0x38;
	[tilespmem:$0x1A380] =	vst v63  }
0x20c: {  	_ =	swait.ge [sflag:s20], $0x40  }
0x20d: {  	[sflag:s20] =	ssyncset.done $0x0  }
0x20e: {  	s8 =	sadd.s32 s4, s7;
	[sflag:s20] =	ssyncadd.s32 $0xFFFFFFC0  }
0x20f: {  	[tilespmem:s22], [sflag:$0x1] =	stream.linear.gather [hbm4b:s8+s5], $0x40, $0x38;
	[tilespmem:$0x1A380] =	vst v63  }
0x210: {  	_ =	swait.ge [sflag:s20], $0x40  }
0x211: {  	[sflag:s20] =	ssyncset.done $0x0  }
0x212: {  	s8 =	sadd.s32 s11, s7;
	[sflag:s20] =	ssyncadd.s32 $0xFFFFFFC0  }
0x213: {  	[tilespmem:s26], [sflag:$0x1] =	stream.linear.gather [hbm4b:s8+s5], $0x40, $0x38;
	[tilespmem:$0x1A380] =	vst v63  }
0x214: {  	_ =	swait.ge [sflag:s20], $0x40  }
0x215: {  	[sflag:s20] =	ssyncset.done $0x0  }
0x216: {  	s7 =	sadd.s32 s12, s7;
	[sflag:s20] =	ssyncadd.s32 $0xFFFFFFC0  }
0x217: {  	[tilespmem:s0], [sflag:$0x1] =	stream.linear.gather [hbm4b:s7+s5], $0x40, $0x38;
	[tilespmem:$0x1A380] =	vst v63  }
0x218: {  	_ =	swait.ge [sflag:s20], $0x40  }
0x219: {  	s8 =	sld [smem:$0x7E7]  }
0x21a: {  	[sflag:s20] =	ssyncset.done $0x0  }
0x21b: {  	[sflag:s20] =	ssyncadd.s32 $0xFFFFFFC0  }
0x21c: {  	[tilespmem:s19], [sflag:$0x1] =	stream.indirect.gather [hbm4b:s8+s23], $0x80, s21, s23, $0xb8;
	[tilespmem:$0x1A380] =	vst v63  }
0x21d: {  	_ =	swait.ge [sflag:s20], $0x2000  }
0x21e: {  	v4 =	vmov s5;
	[sflag:s20] =	ssyncset.done $0x0  }
0x21f: {  	s7 =	simm.s32 $0x183C0;
	[sflag:s20] =	ssyncadd.s32 $0xFFFFE000  }
0x220: {  	v11 =	vld [tilespmem:s7+$0xFFFFFFF0]  }
0x221: {  	v9 =	vld [tilespmem:s7+$0xFFFFFFC0]  }
0x222: {  	v10 =	vld [tilespmem:s7+$0xFFFFFFD0]  }
0x223: {  	v7 =	vld.idx.msk [tilespmem:v4+s26+$0x0], $0xffff  }
0x224: {  	v5 =	vld.idx.msk [tilespmem:v4+s0+$0x0], $0xffff  }
0x225: {  	v14 =	vld [tilespmem:s7+$0x0]  }
0x226: {  	v6 =	vld [tilespmem:s7+$0xFFFFFFE0]  }
0x227: {  	v4 =	vld [tilespmem:s7+$0x30]  }
0x228: {  	v8 =	vld [tilespmem:s7+$0x20]  }
0x229: {  	v13 =	vmul.f32 v9, v7;
	v9 =	vld [tilespmem:s7+$0x10]  }
0x22a: {  	v10 =	vmul.f32 v10, v7  }
0x22b: {  	s28 =	simm.s32 $0x1;
	s31 =	simm.s32 $0x183C0;
	v12 =	vmul.f32 v11, v7;
	v11 =	vmul.f32 v14, v5  }
.LBB2_13:
0x22c: {  	p0 =	sne.s32 s28, $0x3F  }
0x22d: {  	[tilespmem:s7+$0xFFFFFFC0] =	vst v13;
	v6 =	vmul.f32 v6, v7;
	v7 =	vmul.f32 v8, v5;
	s31 =	sadd.s32 $0x80, s31;
	s8 =	smov.u32 s28;
	s28 =	sadd.s32 $0x1, s28  }
0x22e: {  	v4 =	vmul.f32 v4, v5;
	[tilespmem:s7+$0xFFFFFFF0] =	vst v12;
	v8 =	vmul.f32 v9, v5  }
0x22f: {  	[tilespmem:s7+$0xFFFFFFD0] =	vst v10  }
0x230: {  	v5 =	vmov s8;
	v12 =	vld [tilespmem:s31+$0xFFFFFFF0];
	[tilespmem:s7+$0x0] =	vst v11  }
0x231: {  	v10 =	vld [tilespmem:s31+$0xFFFFFFC0];
	[tilespmem:s7+$0xFFFFFFE0] =	vst v6  }
0x232: {  	v6 =	vld [tilespmem:s31+$0xFFFFFFE0];
	[tilespmem:s7+$0x30] =	vst v4  }
0x233: {  	v4 =	vld [tilespmem:s31+$0x30];
	[tilespmem:s7+$0x10] =	vst v8  }
0x234: {  	v11 =	vld [tilespmem:s31+$0xFFFFFFD0];
	[tilespmem:s7+$0x20] =	vst v7;
	s7 =	smov.u32 s31  }
0x235: {  	v7 =	vld.idx.msk [tilespmem:v5+s26+$0x0], $0xffff  }
0x236: {  	v5 =	vld.idx.msk [tilespmem:v5+s0+$0x0], $0xffff  }
0x237: {  	v14 =	vld [tilespmem:s31+$0x0]  }
.Ltmp5:
0x238: {  	v8 =	vld [tilespmem:s31+$0x20];
	(pc) =	sbr.rel @p0 .LBB2_13-.Ltmp5, $3  }
0x239: {  	v9 =	vld [tilespmem:s31+$0x10];
	_ =	sdelay $0x1  }
0x23a: {  	v13 =	vmul.f32 v10, v7;
	v10 =	vmul.f32 v11, v7  }
0x23b: {  	v12 =	vmul.f32 v12, v7;
	v11 =	vmul.f32 v14, v5  }
0x23c: {  	[tilespmem:s7+$0xFFFFFFC0] =	vst v13  }
0x23d: {  	[tilespmem:s7+$0xFFFFFFD0] =	vst v10  }
0x23e: {  	v6 =	vmul.f32 v6, v7;
	[tilespmem:s7+$0xFFFFFFF0] =	vst v12  }
0x23f: {  	v4 =	vmul.f32 v4, v5;
	[tilespmem:s7+$0x0] =	vst v11  }
0x240: {  	v63 =	vmul.f32 v9, v5;
	[tilespmem:s7+$0xFFFFFFE0] =	vst v6  }
0x241: {  	s6 =	sadd.s32 $0x1, s6;
	v5 =	vmul.f32 v8, v5;
	[tilespmem:s7+$0x30] =	vst v4  }
0x242: {  	p0 =	sne.s32 s6, $0xA2;
	[tilespmem:s7+$0x10] =	vst v63  }
.Ltmp6:
0x243: {  	s31 =	rddreg [dreg:$0x2];
	[tilespmem:s7+$0x20] =	vst v5;
	(pc) =	sbr.rel @p0 .LBB2_12-.Ltmp6, $4  }
0x244: {  	[spmem:s31] =	stream.indirect.scatter.add.f32 [tilespmem:s19], [sflag:$0x1], $0x80, s22, s23, $0xb8;
	[tilespmem:$0x1A380] =	vst v63  }
0x245: {  	_ =	swait.ge [sflag:s20], $0x2000  }
0x246: {  	[sflag:s20] =	ssyncset.done $0x0  }
0x247: {  	[sflag:s20] =	ssyncadd.s32 $0xFFFFE000  }
0x248: {  	[bflag:$0x0] =	sbarrier.arrive $0xFFFF  }
0x249: {  	s6 =	sld [smem:$0x7DE];
	_ =	sdelay $0x1  }
0x24a: {  	s5 =	rddreg [dreg:$0x10]  }
0x24b: {  	[hbm:s5], [sflag:s3] =	dma.local [spmem:s6], $0x400  }
0x24c: {  	_ =	swait.ge [sflag:s20], $0x400  }
0x24d: {  	s8 =	sld [smem:$0x7DF]  }
0x24e: {  	[sflag:s20] =	ssyncset.done $0x0  }
0x24f: {  	s7 =	rddreg [dreg:$0x11];
	[sflag:s20] =	ssyncadd.s32 $0xFFFFFC00  }
0x250: {  	[hbm:s7], [sflag:s3] =	dma.local [spmem:s8], $0x400  }
0x251: {  	_ =	swait.ge [sflag:s20], $0x400  }
0x252: {  	s31 =	sld [smem:$0x7E0]  }
0x253: {  	[sflag:s20] =	ssyncset.done $0x0  }
0x254: {  	s28 =	rddreg [dreg:$0x12];
	[sflag:s20] =	ssyncadd.s32 $0xFFFFFC00  }
0x255: {  	[hbm:s28], [sflag:s3] =	dma.local [spmem:s31], $0x400  }
0x256: {  	_ =	swait.ge [sflag:s20], $0x400  }
0x257: {  	s8 =	sld [smem:$0x7E1]  }
0x258: {  	[sflag:s20] =	ssyncset.done $0x0  }
0x259: {  	s7 =	rddreg [dreg:$0x13];
	[sflag:s20] =	ssyncadd.s32 $0xFFFFFC00  }
0x25a: {  	[hbm:s7], [sflag:s3] =	dma.local [spmem:s8], $0x400  }
0x25b: {  	_ =	swait.ge [sflag:s20], $0x400  }
0x25c: {  	s31 =	sld [smem:$0x7E2]  }
0x25d: {  	[sflag:s20] =	ssyncset.done $0x0  }
0x25e: {  	s28 =	rddreg [dreg:$0x14];
	[sflag:s20] =	ssyncadd.s32 $0xFFFFFC00  }
0x25f: {  	[hbm:s28], [sflag:s3] =	dma.local [spmem:s31], $0x400  }
0x260: {  	_ =	swait.ge [sflag:s20], $0x400  }
0x261: {  	[sflag:s20] =	ssyncset.done $0x0  }
0x262: {  	s6 =	rddreg [dreg:$0x15];
	[sflag:s20] =	ssyncadd.s32 $0xFFFFFC00  }
0x263: {  	[hbm:s6], [sflag:s3] =	dma.local [spmem:s16], $0x400  }
0x264: {  	_ =	swait.ge [sflag:s20], $0x400  }
0x265: {  	[sflag:s20] =	ssyncset.done $0x0  }
0x266: {  	s7 =	rddreg [dreg:$0x16];
	[sflag:s20] =	ssyncadd.s32 $0xFFFFFC00  }
0x267: {  	[hbm:s7], [sflag:s3] =	dma.local [spmem:s17], $0x400  }
0x268: {  	_ =	swait.ge [sflag:s20], $0x400  }
0x269: {  	[sflag:s20] =	ssyncset.done $0x0  }
0x26a: {  	s8 =	rddreg [dreg:$0x17];
	[sflag:s20] =	ssyncadd.s32 $0xFFFFFC00  }
0x26b: {  	[hbm:s8], [sflag:s3] =	dma.local [spmem:s18], $0x400  }
0x26c: {  	_ =	swait.ge [sflag:s20], $0x400  }
0x26d: {  	[sflag:s20] =	ssyncset.done $0x0  }
0x26e: {  	s28 =	rddreg [dreg:$0x18];
	[sflag:s20] =	ssyncadd.s32 $0xFFFFFC00  }
0x26f: {  	[hbm:s28], [sflag:s3] =	dma.local [spmem:s14], $0x400  }
0x270: {  	_ =	swait.ge [sflag:s20], $0x400  }
0x271: {  	[sflag:s20] =	ssyncset.done $0x0  }
0x272: {  	s31 =	rddreg [dreg:$0x19];
	[sflag:s20] =	ssyncadd.s32 $0xFFFFFC00  }
0x273: {  	[hbm:s31], [sflag:s3] =	dma.local [spmem:s1], $0x400  }
0x274: {  	_ =	swait.ge [sflag:s20], $0x400  }
0x275: {  	[sflag:s20] =	ssyncset.done $0x0  }
0x276: {  	s5 =	simm.s32 $0x0;
	s6 =	simm.s32 $0x200;
	[sflag:s20] =	ssyncadd.s32 $0xFFFFFC00  }
.LBB2_16:
0x277: {  	p0 =	seq.s32 s6, $0x7E00;
	[tilespmem:s5+$0x183F0] =	vst v0  }
0x278: {  	[tilespmem:s5+$0x18380] =	vst v0  }
0x279: {  	[tilespmem:s5+$0x18390] =	vst v0  }
.Ltmp7:
0x27a: {  	[tilespmem:s5+$0x183A0] =	vst v0;
	(pc) =	sbr.rel @!p0 .LBB2_16-.Ltmp7, $4  }
0x27b: {  	[tilespmem:s5+$0x183B0] =	vst v0  }
0x27c: {  	[tilespmem:s5+$0x183C0] =	vst v0  }
0x27d: {  	[tilespmem:s5+$0x183D0] =	vst v0  }
0x27e: {  	[tilespmem:s5+$0x183E0] =	vst v0;
	s5 =	sshra.s32 s6, $0x2;
	s6 =	sadd.s32 $0x200, s6  }
0x27f: {  	[tilespmem:s5+$0x183F0] =	vst v0  }
0x280: {  	[tilespmem:s5+$0x18380] =	vst v0  }
0x281: {  	[tilespmem:s5+$0x18390] =	vst v0  }
0x282: {  	[tilespmem:s5+$0x183A0] =	vst v0  }
0x283: {  	[tilespmem:s5+$0x183B0] =	vst v0  }
0x284: {  	[tilespmem:s5+$0x183C0] =	vst v0;
	s6 =	sld [smem:$0x7FC]  }
0x285: {  	[tilespmem:s5+$0x183D0] =	vst v0  }
0x286: {  	[tilespmem:s5+$0x183E0] =	vst v0  }
0x287: {  	[spmem:s6] =	stream.linear.scatter [tilespmem:s19], [sflag:$0x1], $0x2000, $0x38;
	[tilespmem:$0x1A380] =	vst v63  }
0x288: {  	_ =	swait.ge [sflag:s20], $0x2000  }
0x289: {  	s7 =	sld [smem:$0x7F4]  }
0x28a: {  	[sflag:s20] =	ssyncset.done $0x0  }
0x28b: {  	[sflag:s20] =	ssyncadd.s32 $0xFFFFE000  }
0x28c: {  	[spmem:s7] =	stream.linear.scatter [tilespmem:s19], [sflag:$0x1], $0x2000, $0x38;
	[tilespmem:$0x1A380] =	vst v63  }
0x28d: {  	_ =	swait.ge [sflag:s20], $0x2000  }
0x28e: {  	s8 =	sld [smem:$0x7F5]  }
0x28f: {  	[sflag:s20] =	ssyncset.done $0x0  }
0x290: {  	[sflag:s20] =	ssyncadd.s32 $0xFFFFE000  }
0x291: {  	[spmem:s8] =	stream.linear.scatter [tilespmem:s19], [sflag:$0x1], $0x2000, $0x38;
	[tilespmem:$0x1A380] =	vst v63  }
0x292: {  	_ =	swait.ge [sflag:s20], $0x2000  }
0x293: {  	s28 =	sld [smem:$0x7F6]  }
0x294: {  	[sflag:s20] =	ssyncset.done $0x0  }
0x295: {  	[sflag:s20] =	ssyncadd.s32 $0xFFFFE000  }
0x296: {  	[spmem:s28] =	stream.linear.scatter [tilespmem:s19], [sflag:$0x1], $0x2000, $0x38;
	[tilespmem:$0x1A380] =	vst v63  }
0x297: {  	_ =	swait.ge [sflag:s20], $0x2000  }
0x298: {  	s31 =	sld [smem:$0x7F7]  }
0x299: {  	[sflag:s20] =	ssyncset.done $0x0  }
0x29a: {  	[sflag:s20] =	ssyncadd.s32 $0xFFFFE000  }
0x29b: {  	[spmem:s31] =	stream.linear.scatter [tilespmem:s19], [sflag:$0x1], $0x2000, $0x38;
	[tilespmem:$0x1A380] =	vst v63  }
0x29c: {  	_ =	swait.ge [sflag:s20], $0x2000  }
0x29d: {  	s6 =	sld [smem:$0x7F8]  }
0x29e: {  	[sflag:s20] =	ssyncset.done $0x0  }
0x29f: {  	[sflag:s20] =	ssyncadd.s32 $0xFFFFE000  }
0x2a0: {  	[spmem:s6] =	stream.linear.scatter [tilespmem:s19], [sflag:$0x1], $0x2000, $0x38;
	[tilespmem:$0x1A380] =	vst v63  }
0x2a1: {  	_ =	swait.ge [sflag:s20], $0x2000  }
0x2a2: {  	s7 =	sld [smem:$0x7F9]  }
0x2a3: {  	[sflag:s20] =	ssyncset.done $0x0  }
0x2a4: {  	[sflag:s20] =	ssyncadd.s32 $0xFFFFE000  }
0x2a5: {  	[spmem:s7] =	stream.linear.scatter [tilespmem:s19], [sflag:$0x1], $0x2000, $0x38;
	[tilespmem:$0x1A380] =	vst v63  }
0x2a6: {  	_ =	swait.ge [sflag:s20], $0x2000  }
0x2a7: {  	s8 =	sld [smem:$0x7FA]  }
0x2a8: {  	[sflag:s20] =	ssyncset.done $0x0  }
0x2a9: {  	[sflag:s20] =	ssyncadd.s32 $0xFFFFE000  }
0x2aa: {  	[spmem:s8] =	stream.linear.scatter [tilespmem:s19], [sflag:$0x1], $0x2000, $0x38;
	[tilespmem:$0x1A380] =	vst v63  }
0x2ab: {  	_ =	swait.ge [sflag:s20], $0x2000  }
0x2ac: {  	s28 =	sld [smem:$0x7FB]  }
0x2ad: {  	[sflag:s20] =	ssyncset.done $0x0  }
0x2ae: {  	[sflag:s20] =	ssyncadd.s32 $0xFFFFE000  }
0x2af: {  	[spmem:s28] =	stream.linear.scatter [tilespmem:s19], [sflag:$0x1], $0x2000, $0x38;
	[tilespmem:$0x1A380] =	vst v63  }
0x2b0: {  	_ =	swait.ge [sflag:s20], $0x2000  }
0x2b1: {  	s31 =	sld [smem:$0x7FD]  }
0x2b2: {  	[sflag:s20] =	ssyncset.done $0x0  }
0x2b3: {  	[sflag:s20] =	ssyncadd.s32 $0xFFFFE000  }
0x2b4: {  	[spmem:s31] =	stream.linear.scatter [tilespmem:s19], [sflag:$0x1], $0x2000, $0x38;
	[tilespmem:$0x1A380] =	vst v63  }
0x2b5: {  	_ =	swait.ge [sflag:s20], $0x2000  }
0x2b6: {  	[sflag:s20] =	ssyncset.done $0x0  }
0x2b7: {  	[sflag:s20] =	ssyncadd.s32 $0xFFFFE000  }
0x2b8: {  	s5 =	simm.s32 $0x0;
	s6 =	simm.s32 $0x0;
	[bflag:$0x0] =	sbarrier.arrive $0xFFFF  }
.LBB2_18:
0x2b9: {  	s7 =	sadd.s32 s15, s6  }
0x2ba: {  	s8 =	rddreg [dreg:$0x0];
	s7 =	sshll.u32 s7, $0x3  }
0x2bb: {  	s8 =	sadd.s32 s8, s7  }
0x2bc: {  	[tilespmem:s21], [sflag:$0x1] =	stream.linear.gather [hbm4b:s8+s5], $0x40, $0x38;
	[tilespmem:$0x1A380] =	vst v63  }
0x2bd: {  	_ =	swait.ge [sflag:s20], $0x40  }
0x2be: {  	[sflag:s20] =	ssyncset.done $0x0  }
0x2bf: {  	s8 =	sadd.s32 s4, s7;
	[sflag:s20] =	ssyncadd.s32 $0xFFFFFFC0  }
0x2c0: {  	[tilespmem:s22], [sflag:$0x1] =	stream.linear.gather [hbm4b:s8+s5], $0x40, $0x38;
	[tilespmem:$0x1A380] =	vst v63  }
0x2c1: {  	_ =	swait.ge [sflag:s20], $0x40  }
0x2c2: {  	[sflag:s20] =	ssyncset.done $0x0  }
0x2c3: {  	s8 =	sadd.s32 s9, s7;
	[sflag:s20] =	ssyncadd.s32 $0xFFFFFFC0  }
0x2c4: {  	[tilespmem:s29], [sflag:$0x1] =	stream.linear.gather [hbm4b:s8+s5], $0x40, $0x38;
	[tilespmem:$0x1A380] =	vst v63  }
0x2c5: {  	_ =	swait.ge [sflag:s20], $0x40  }
0x2c6: {  	[sflag:s20] =	ssyncset.done $0x0  }
0x2c7: {  	s8 =	sadd.s32 s10, s7;
	[sflag:s20] =	ssyncadd.s32 $0xFFFFFFC0  }
0x2c8: {  	[tilespmem:s30], [sflag:$0x1] =	stream.linear.gather [hbm4b:s8+s5], $0x40, $0x38;
	[tilespmem:$0x1A380] =	vst v63  }
0x2c9: {  	_ =	swait.ge [sflag:s20], $0x40  }
0x2ca: {  	[sflag:s20] =	ssyncset.done $0x0  }
0x2cb: {  	s8 =	sadd.s32 s11, s7;
	[sflag:s20] =	ssyncadd.s32 $0xFFFFFFC0  }
0x2cc: {  	[tilespmem:s26], [sflag:$0x1] =	stream.linear.gather [hbm4b:s8+s5], $0x40, $0x38;
	[tilespmem:$0x1A380] =	vst v63  }
0x2cd: {  	_ =	swait.ge [sflag:s20], $0x40  }
0x2ce: {  	[sflag:s20] =	ssyncset.done $0x0  }
0x2cf: {  	s8 =	sadd.s32 s12, s7;
	[sflag:s20] =	ssyncadd.s32 $0xFFFFFFC0  }
0x2d0: {  	[tilespmem:s0], [sflag:$0x1] =	stream.linear.gather [hbm4b:s8+s5], $0x40, $0x38;
	[tilespmem:$0x1A380] =	vst v63  }
0x2d1: {  	_ =	swait.ge [sflag:s20], $0x40  }
0x2d2: {  	[sflag:s20] =	ssyncset.done $0x0  }
0x2d3: {  	s7 =	sadd.s32 s13, s7;
	[sflag:s20] =	ssyncadd.s32 $0xFFFFFFC0  }
0x2d4: {  	[tilespmem:s2], [sflag:$0x1] =	stream.linear.gather [hbm4b:s7+s5], $0x40, $0x38;
	[tilespmem:$0x1A380] =	vst v63  }
0x2d5: {  	_ =	swait.ge [sflag:s20], $0x40  }
0x2d6: {  	s8 =	sld [smem:$0x7E8]  }
0x2d7: {  	[sflag:s20] =	ssyncset.done $0x0  }
0x2d8: {  	[sflag:s20] =	ssyncadd.s32 $0xFFFFFFC0  }
0x2d9: {  	[tilespmem:s19], [sflag:$0x1] =	stream.indirect.gather [hbm4b:s8+s23], $0x80, s21, s23, $0xb8;
	[tilespmem:$0x1A380] =	vst v63  }
0x2da: {  	_ =	swait.ge [sflag:s20], $0x2000  }
0x2db: {  	[sflag:s20] =	ssyncset.done $0x0  }
0x2dc: {  	s28 =	simm.s32 $0x183C0;
	v5 =	vmov s5;
	[sflag:s20] =	ssyncadd.s32 $0xFFFFE000  }
0x2dd: {  	v6 =	vld [tilespmem:s28+$0x10]  }
0x2de: {  	v9 =	vld [tilespmem:s28+$0xFFFFFFD0]  }
0x2df: {  	v10 =	vld [tilespmem:s28+$0xFFFFFFF0]  }
0x2e0: {  	v7 =	vld [tilespmem:s28+$0x0]  }
0x2e1: {  	v4 =	vld.idx.msk [tilespmem:v5+s2+$0x0], $0xffff  }
0x2e2: {  	s8 =	simm.s32 $0x1;
	v12 =	vld [tilespmem:s28+$0xFFFFFFC0]  }
0x2e3: {  	s31 =	simm.s32 $0x2;
	s7 =	simm.s32 $0x183C0;
	v8 =	vmov s8;
	v11 =	vld.idx.msk [tilespmem:v5+s30+$0x0], $0xffff  }
.LBB2_19:
0x2e4: {  	p0 =	sne.s32 s31, $0x3F  }
0x2e5: {  	v13 =	vld.idx.msk [tilespmem:v5+s0+$0x0], $0xffff;
	s28 =	sadd.s32 $0x80, s28;
	s8 =	smov.u32 s31;
	s31 =	sadd.s32 $0x1, s31  }
0x2e6: {  	v14 =	vld.idx.msk [tilespmem:v5+s29+$0x0], $0xffff  }
0x2e7: {  	v15 =	vld.idx.msk [tilespmem:v5+s26+$0x0], $0xffff;
	v5 =	vmov v8  }
0x2e8: {  	v9 =	vmul.f32 v9, v4;
	v8 =	vmul.f32 v12, v4;
	v12 =	vld [tilespmem:s7+$0x20]  }
0x2e9: {  	v10 =	vmul.f32 v10, v4;
	v16 =	vld [tilespmem:s7+$0xFFFFFFE0]  }
0x2ea: {  	v6 =	vmul.f32 v6, v11;
	[tilespmem:s7+$0xFFFFFFD0] =	vst v9;
	v11 =	vld [tilespmem:s7+$0x30]  }
0x2eb: {  	v9 =	vmul.f32 v2, v13;
	[tilespmem:s7+$0xFFFFFFF0] =	vst v10;
	v10 =	vmul.f32 v3, v4  }
0x2ec: {  	v7 =	vmul.f32 v7, v14;
	[tilespmem:s7+$0x10] =	vst v6  }
0x2ed: {  	v6 =	vld [tilespmem:s28+$0x10];
	[tilespmem:s7+$0xFFFFFFC0] =	vst v8;
	v8 =	vmul.f32 v12, v15;
	v10 =	vadd.f32 v10, v9  }
0x2ee: {  	v9 =	vld [tilespmem:s28+$0xFFFFFFD0];
	v4 =	vmul.f32 v16, v4;
	[tilespmem:s7+$0x0] =	vst v7  }
0x2ef: {  	[tilespmem:s7+$0x20] =	vst v8;
	v8 =	vmul.f32 v11, v10  }
.Ltmp8:
0x2f0: {  	v10 =	vld [tilespmem:s28+$0xFFFFFFF0];
	[tilespmem:s7+$0xFFFFFFE0] =	vst v4;
	(pc) =	sbr.rel @p0 .LBB2_19-.Ltmp8, $4  }
0x2f1: {  	v7 =	vld [tilespmem:s28+$0x0];
	[tilespmem:s7+$0x30] =	vst v8;
	s7 =	smov.u32 s28  }
0x2f2: {  	v4 =	vld.idx.msk [tilespmem:v5+s2+$0x0], $0xffff  }
0x2f3: {  	v12 =	vld [tilespmem:s28+$0xFFFFFFC0]  }
0x2f4: {  	v8 =	vmov s8;
	v11 =	vld.idx.msk [tilespmem:v5+s30+$0x0], $0xffff  }
0x2f5: {  	_ =	sdelay $0x3  }
0x2f6: {  	v13 =	vld.idx.msk [tilespmem:v5+s0+$0x0], $0xffff  }
0x2f7: {  	v14 =	vld.idx.msk [tilespmem:v5+s29+$0x0], $0xffff  }
0x2f8: {  	v5 =	vld.idx.msk [tilespmem:v5+s26+$0x0], $0xffff  }
0x2f9: {  	v15 =	vld [tilespmem:s7+$0x20];
	v9 =	vmul.f32 v9, v4  }
0x2fa: {  	v16 =	vld [tilespmem:s7+$0xFFFFFFE0];
	v10 =	vmul.f32 v10, v4  }
0x2fb: {  	v49 =	vmul.f32 v12, v4;
	[tilespmem:s7+$0xFFFFFFD0] =	vst v9  }
0x2fc: {  	v50 =	vld [tilespmem:s7+$0x30];
	v52 =	vmul.f32 v3, v4;
	v6 =	vmul.f32 v6, v11;
	[tilespmem:s7+$0xFFFFFFF0] =	vst v10  }
0x2fd: {  	s8 =	sadd.s32 $0x80, s28;
	v51 =	vmul.f32 v2, v13;
	v7 =	vmul.f32 v7, v14;
	[tilespmem:s7+$0xFFFFFFC0] =	vst v49  }
0x2fe: {  	v5 =	vmul.f32 v15, v5;
	[tilespmem:s7+$0x10] =	vst v6;
	v53 =	vld [tilespmem:s8+$0xFFFFFFD0]  }
0x2ff: {  	v4 =	vmul.f32 v16, v4;
	v10 =	vld [tilespmem:s8+$0x10];
	[tilespmem:s7+$0x0] =	vst v7;
	v6 =	vadd.f32 v52, v51  }
0x300: {  	[tilespmem:s7+$0x20] =	vst v5  }
0x301: {  	v5 =	vld [tilespmem:s8+$0xFFFFFFF0];
	[tilespmem:s7+$0xFFFFFFE0] =	vst v4;
	v6 =	vmul.f32 v50, v6  }
0x302: {  	v4 =	vld [tilespmem:s8+$0x0]  }
0x303: {  	v54 =	vld [tilespmem:s8+$0xFFFFFFC0];
	[tilespmem:s7+$0x30] =	vst v6  }
0x304: {  	v6 =	vld.idx.msk [tilespmem:v8+s2+$0x0], $0xffff  }
0x305: {  	v55 =	vld.idx.msk [tilespmem:v8+s30+$0x0], $0xffff  }
0x306: {  	v56 =	vld.idx.msk [tilespmem:v8+s0+$0x0], $0xffff  }
0x307: {  	v57 =	vld.idx.msk [tilespmem:v8+s29+$0x0], $0xffff  }
0x308: {  	v58 =	vld.idx.msk [tilespmem:v8+s26+$0x0], $0xffff  }
0x309: {  	v59 =	vld [tilespmem:s8+$0x20];
	v12 =	vmul.f32 v53, v6  }
0x30a: {  	v60 =	vld [tilespmem:s8+$0xFFFFFFE0];
	v5 =	vmul.f32 v5, v6  }
0x30b: {  	v61 =	vld [tilespmem:s8+$0x30];
	v7 =	vmul.f32 v54, v6;
	v9 =	vmul.f32 v10, v55;
	[tilespmem:s8+$0xFFFFFFD0] =	vst v12  }
0x30c: {  	v62 =	vmul.f32 v3, v6;
	[tilespmem:s8+$0xFFFFFFF0] =	vst v5;
	v5 =	vmul.f32 v2, v56  }
0x30d: {  	v4 =	vmul.f32 v4, v57;
	[tilespmem:s8+$0x10] =	vst v9  }
0x30e: {  	v63 =	vmul.f32 v59, v58;
	[tilespmem:s8+$0xFFFFFFC0] =	vst v7;
	v5 =	vadd.f32 v62, v5  }
0x30f: {  	v6 =	vmul.f32 v60, v6;
	[tilespmem:s8+$0x0] =	vst v4  }
0x310: {  	s6 =	sadd.s32 $0x1, s6;
	[tilespmem:s8+$0x20] =	vst v63;
	v4 =	vmul.f32 v61, v5  }
0x311: {  	p0 =	sne.s32 s6, $0xA2;
	[tilespmem:s8+$0xFFFFFFE0] =	vst v6  }
.Ltmp9:
0x312: {  	s31 =	rddreg [dreg:$0x2];
	[tilespmem:s8+$0x30] =	vst v4;
	(pc) =	sbr.rel @p0 .LBB2_18-.Ltmp9, $4  }
0x313: {  	[spmem:s31] =	stream.indirect.scatter.add.f32 [tilespmem:s19], [sflag:$0x1], $0x80, s22, s23, $0xb8;
	[tilespmem:$0x1A380] =	vst v63  }
0x314: {  	_ =	swait.ge [sflag:s20], $0x2000  }
0x315: {  	[sflag:s20] =	ssyncset.done $0x0  }
0x316: {  	[sflag:s20] =	ssyncadd.s32 $0xFFFFE000  }
0x317: {  	[bflag:$0x0] =	sbarrier.arrive $0xFFFF  }
0x318: {  	s6 =	sld [smem:$0x7DE];
	_ =	sdelay $0x1  }
0x319: {  	s5 =	rddreg [dreg:$0xf]  }
0x31a: {  	[hbm:s5], [sflag:s3] =	dma.local [spmem:s6], $0x400  }
0x31b: {  	_ =	swait.ge [sflag:s20], $0x400  }
0x31c: {  	s7 =	sld [smem:$0x7DF]  }
0x31d: {  	[sflag:s20] =	ssyncset.done $0x0  }
0x31e: {  	s6 =	rddreg [dreg:$0x1a];
	[sflag:s20] =	ssyncadd.s32 $0xFFFFFC00  }
0x31f: {  	[hbm:s6], [sflag:s3] =	dma.local [spmem:s7], $0x400  }
0x320: {  	_ =	swait.ge [sflag:s20], $0x400  }
0x321: {  	s31 =	sld [smem:$0x7E0]  }
0x322: {  	[sflag:s20] =	ssyncset.done $0x0  }
0x323: {  	s8 =	rddreg [dreg:$0x1b];
	[sflag:s20] =	ssyncadd.s32 $0xFFFFFC00  }
0x324: {  	[hbm:s8], [sflag:s3] =	dma.local [spmem:s31], $0x400  }
0x325: {  	_ =	swait.ge [sflag:s20], $0x400  }
0x326: {  	s7 =	sld [smem:$0x7E1]  }
0x327: {  	[sflag:s20] =	ssyncset.done $0x0  }
0x328: {  	s6 =	rddreg [dreg:$0x1c];
	[sflag:s20] =	ssyncadd.s32 $0xFFFFFC00  }
0x329: {  	[hbm:s6], [sflag:s3] =	dma.local [spmem:s7], $0x400  }
0x32a: {  	_ =	swait.ge [sflag:s20], $0x400  }
0x32b: {  	s31 =	sld [smem:$0x7E2]  }
0x32c: {  	[sflag:s20] =	ssyncset.done $0x0  }
0x32d: {  	s8 =	rddreg [dreg:$0x1d];
	[sflag:s20] =	ssyncadd.s32 $0xFFFFFC00  }
0x32e: {  	[hbm:s8], [sflag:s3] =	dma.local [spmem:s31], $0x400  }
0x32f: {  	_ =	swait.ge [sflag:s20], $0x400  }
0x330: {  	[sflag:s20] =	ssyncset.done $0x0  }
0x331: {  	s7 =	rddreg [dreg:$0x1e];
	[sflag:s20] =	ssyncadd.s32 $0xFFFFFC00  }
0x332: {  	[hbm:s7], [sflag:s3] =	dma.local [spmem:s16], $0x400  }
0x333: {  	_ =	swait.ge [sflag:s20], $0x400  }
0x334: {  	[sflag:s20] =	ssyncset.done $0x0  }
0x335: {  	s8 =	rddreg [dreg:$0x1f];
	[sflag:s20] =	ssyncadd.s32 $0xFFFFFC00  }
0x336: {  	[hbm:s8], [sflag:s3] =	dma.local [spmem:s17], $0x400  }
0x337: {  	_ =	swait.ge [sflag:s20], $0x400  }
0x338: {  	s16 =	sld [smem:$0x7E3]  }
0x339: {  	[sflag:s20] =	ssyncset.done $0x0  }
0x33a: {  	[sflag:s20] =	ssyncadd.s32 $0xFFFFFC00  }
0x33b: {  	[hbm:s16], [sflag:s3] =	dma.local [spmem:s18], $0x400  }
0x33c: {  	_ =	swait.ge [sflag:s20], $0x400  }
0x33d: {  	s17 =	sld [smem:$0x7E4]  }
0x33e: {  	[sflag:s20] =	ssyncset.done $0x0  }
0x33f: {  	[sflag:s20] =	ssyncadd.s32 $0xFFFFFC00  }
0x340: {  	[hbm:s17], [sflag:s3] =	dma.local [spmem:s14], $0x400  }
0x341: {  	_ =	swait.ge [sflag:s20], $0x400  }
0x342: {  	s18 =	sld [smem:$0x7E5]  }
0x343: {  	[sflag:s20] =	ssyncset.done $0x0  }
0x344: {  	[sflag:s20] =	ssyncadd.s32 $0xFFFFFC00  }
0x345: {  	[hbm:s18], [sflag:s3] =	dma.local [spmem:s1], $0x400  }
0x346: {  	_ =	swait.ge [sflag:s20], $0x400  }
0x347: {  	s31 =	sld [smem:$0x7EA]  }
0x348: {  	s28 =	rddreg [dreg:$0x4]  }
0x349: {  	s28 =	sadd.s32 $0x1, s28  }
0x34a: {  	p0 =	sne.s32 s28, s31  }
.Ltmp10:
0x34b: {  	_ = 	snop;
	(pc) =	sbr.rel @p0 .LBB2_1-.Ltmp10, $3  }
0x34c: {  	_ =	sdelay $0x1  }
0x34d: {  	[sflag:s20] =	ssyncset.done $0x0  }
0x34e: {  	[sflag:s20] =	ssyncadd.s32 $0xFFFFFC00  }
0x34f: {  	_ =	sfence.sel $0x180000  }
0x350: {  	[bflag:$0x0] =	sbarrier.arrive $0xFFFF  }
0x351: {  	_ =	strace $0x90000047  }
0x352: {  	s0 =	stileid.u32;
	[bflag:$0x2] =	sbarrier.arrive $0xFFFF  }
0x353: {  	p0 =	sne.s32 s0, $0x0;
	s0 =	rddreg [dreg:$0x3]  }
0x354: {  	s0 =	sadd.s32 @!p0 $0x100000, s0  }
0x355: {  	[sflag:s0] =	ssyncadd.tile.s32 @!p0 $0x1;
	_ =	shalt  }
.Lfunc_end2:
_tile_overlayer_lowered:
.L_overlay_start_2:
0x356: {  	(tag) =	ssettag $0x2  }
0x357: {  	s0 =	rddreg [dreg:$0x0];
	s2 =	stileid.u32  }
0x358: {  	s1 =	rddreg [dreg:$0x1];
	p0 =	sne.s32 s2, $0x0  }
0x359: {  	s3 =	rddreg [dreg:$0x2];
	[bflag:$0x3] =	sbarrier.arrive $0xFFFF;
	s2 =	simm.s32 @!p0 $0x1C01  }
0x35a: {  	[timem:s3], [sflag:s2] =	dma.local @!p0 [hbm:s0], s1  }
0x35b: {  	s0 =	simm.s32 @!p0 $0x1  }
0x35c: {  	_ =	swait.ge @!p0 [sflag:s0], s1  }
0x35d: {  	s1 =	ssub.s32 @!p0 $0x0, s1;
	[sflag:s0] =	ssyncset.done @!p0 $0x0  }
0x35e: {  	[sflag:s0] =	ssyncadd.s32 @!p0 s1  }
0x35f: {  	[bflag:$0x3] =	sbarrier.arrive $0xFFFF  }
0x360: {  	_ =	shalt  }

</sc_bundles>
